<compile_context>
chip_gen: v7x
topology: tpu7x:2x2x1
jax: 0.10.2.dev20260603
libtpu: 0.0.44.dev20260713+nightly
codegen_flags: <defaults>
</compile_context>

<pallas_src>
import functools

import numpy as np

import jax
import jax.numpy as jnp
from jax import lax
from jax.experimental import pallas as pl
from jax.experimental.pallas import tpu as pltpu
from jax.experimental.pallas import tpu_sc as plsc

N_NODES = 10000
N_EDGES = 320000
D_IN = 128
D_OUT = 128
K = 4

NC = 2
NS = 16
NW = NC * NS
EW = N_EDGES // NW
G = 40
NCHUNK = EW // G
S = 10
NSUPER = NCHUNK // S
SG = S * G
ROW_SPLIT = 624
ROW_LAST = N_NODES - (NS - 1) * ROW_SPLIT

_HI = np.int32(-65536)


def _edge_mlp_body(a_ref, w1_ref, w2_ref, w3_ref, w4_ref,
                   o0_ref, o1_ref, o2_ref, o3_ref):
    a = a_ref[...]
    lin = jnp.maximum(
        jnp.dot(w1_ref[...], a, preferred_element_type=jnp.float32),
        0.0)
    gat = jnp.tanh(jnp.dot(w2_ref[...], a,
                           preferred_element_type=jnp.float32)) * \
          jnp.tanh(jnp.dot(w3_ref[...], a,
                           preferred_element_type=jnp.float32))
    tmp = jnp.concatenate([lin, gat], axis=0)
    ea_t = jnp.maximum(
        jnp.dot(w4_ref[...], tmp, preferred_element_type=jnp.float32), 0.0)
    i = pl.program_id(0)
    o0_ref[pl.ds(i * _BE, _BE)] = ea_t[0]
    o1_ref[pl.ds(i * _BE, _BE)] = ea_t[1]
    o2_ref[pl.ds(i * _BE, _BE)] = ea_t[2]
    o3_ref[pl.ds(i * _BE, _BE)] = ea_t[3]


_BE = 16000


def _edge_mlp(edge_attr_t, w1, w2, w3, w4):
    grid = N_EDGES // _BE
    out1d = jax.ShapeDtypeStruct((N_EDGES,), jnp.float32)
    return pl.pallas_call(
        _edge_mlp_body,
        grid=(grid,),
        in_specs=[
            pl.BlockSpec((16, _BE), lambda i: (0, i)),
            pl.BlockSpec((32, 16), lambda i: (0, 0)),
            pl.BlockSpec((32, 16), lambda i: (0, 0)),
            pl.BlockSpec((32, 16), lambda i: (0, 0)),
            pl.BlockSpec((4, 64), lambda i: (0, 0)),
        ],
        out_specs=[pl.BlockSpec((N_EDGES,), lambda i: (0,))] * 4,
        out_shape=[out1d, out1d, out1d, out1d],
    )(edge_attr_t, w1, w2, w3, w4)


def _ypack_body(x_ref, w_ref, o_ref):
    xb = x_ref[...]
    m0 = jnp.dot(xb, w_ref[0], preferred_element_type=jnp.float32)
    m1 = jnp.dot(xb, w_ref[1], preferred_element_type=jnp.float32)
    u0 = lax.bitcast_convert_type(m0.astype(jnp.bfloat16),
                                  jnp.uint16).astype(jnp.int32)
    u1 = lax.bitcast_convert_type(m1.astype(jnp.bfloat16),
                                  jnp.uint16).astype(jnp.int32)
    o_ref[...] = lax.bitwise_or(u0, lax.shift_left(u1, 16))


def _ypack(x, wc):
    BN = 2000
    nb = N_NODES // BN
    return pl.pallas_call(
        _ypack_body,
        grid=(2, nb),
        in_specs=[
            pl.BlockSpec((BN, D_IN), lambda h, i: (i, 0)),
            pl.BlockSpec((2, D_IN, D_OUT), lambda h, i: (h, 0, 0)),
        ],
        out_specs=pl.BlockSpec((BN, D_OUT), lambda h, i: (h * (N_NODES // 2000) + i, 0)),
        out_shape=jax.ShapeDtypeStruct((2 * N_NODES, D_OUT), jnp.int32),
    )(x, wc)


_GATHER_DNUMS = lax.GatherDimensionNumbers(
    offset_dims=(), collapsed_slice_dims=(0,), start_index_map=(0,))


def _lane_bcast(w, lane):
    idx = jnp.full((16, 1), lane, jnp.int32)
    return lax.gather(w, idx, _GATHER_DNUMS, (1,),
                      mode=lax.GatherScatterMode.PROMISE_IN_BOUNDS)


def _sc_body(y2_hbm, src_hbm, dst_hbm, ea0_hbm, ea1_hbm, ea2_hbm, ea3_hbm,
             z_hbm, out_hbm,
             srcS, dstS, eaS, idx1b, dstb, rowsb, combb, acc,
             gsem0, gsem1, ssem0, ssem1, isem):
    c = lax.axis_index("c")
    s = lax.axis_index("s")
    wid = c * NS + s
    e0 = wid * EW
    gsems = (gsem0, gsem1)
    ssems = (ssem0, ssem1)
    ea_hbms = (ea0_hbm, ea1_hbm, ea2_hbm, ea3_hbm)

    @pl.when(s < NS - 1)
    def _():
        pltpu.sync_copy(z_hbm.at[pl.ds(0, ROW_SPLIT)],
                        acc.at[pl.ds(s * ROW_SPLIT, ROW_SPLIT)])

    @pl.when(s == NS - 1)
    def _():
        pltpu.sync_copy(z_hbm,
                        acc.at[pl.ds((NS - 1) * ROW_SPLIT, ROW_LAST)])

    plsc.subcore_barrier()

    def super_copies(sp, p):
        sbase = e0 + sp * SG
        yield src_hbm.at[pl.ds(sbase, SG)], srcS.at[pl.ds(p * SG, SG)]
        yield dst_hbm.at[pl.ds(sbase, SG)], dstS.at[pl.ds(p * SG, SG)]
        for i in range(K):
            yield (ea_hbms[i].at[pl.ds(sbase, SG)],
                   eaS.at[pl.ds((p * K + i) * SG, SG)])

    def super_load(sp, p):
        for a, v in super_copies(sp, p):
            pltpu.async_copy(a, v, isem)

    def super_wait(sp, p):
        for a, v in super_copies(sp, p):
            pltpu.make_async_copy(a, v, isem).wait()

    def start_gathers(p, k, b):
        for w0 in (0, 16, 24):
            v = srcS[pl.ds(p * SG + k * G + w0, 16)]
            idx1b[b, 0, pl.ds(w0, 16)] = v
            idx1b[b, 0, pl.ds(G + w0, 16)] = v + N_NODES
        pltpu.async_copy(y2_hbm.at[idx1b.at[b, 0]], rowsb.at[b], gsems[b])

    def wait_gathers(p, k, b):
        pltpu.make_async_copy(y2_hbm.at[idx1b.at[b, 0]],
                              rowsb.at[b], gsems[b]).wait()

    def drain_scatter(b):
        pltpu.make_async_copy(combb.at[b], acc.at[dstb.at[b, 0]],
                              ssems[b]).wait()

    def compute(p, k, b):
        def quad_body(q, carry):
            j0 = 4 * q
            woff = k * G + 16 * (q // 4)
            lane0 = 4 * (q - 4 * (q // 4))
            eb = p * (K * SG) + woff
            w0 = eaS[pl.ds(eb, 16)]
            w1 = eaS[pl.ds(eb + SG, 16)]
            w2 = eaS[pl.ds(eb + 2 * SG, 16)]
            w3 = eaS[pl.ds(eb + 3 * SG, 16)]
            for jj in range(4):
                j = j0 + jj
                lane = lane0 + jj
                bc0 = _lane_bcast(w0, lane)
                bc1 = _lane_bcast(w1, lane)
                bc2 = _lane_bcast(w2, lane)
                bc3 = _lane_bcast(w3, lane)
                for bk in range(8):
                    r0 = rowsb[b, j, pl.ds(bk * 16, 16)]
                    r1 = rowsb[b, G + j, pl.ds(bk * 16, 16)]
                    u00 = lax.bitcast_convert_type(lax.shift_left(r0, 16),
                                                   jnp.float32)
                    u01 = lax.bitcast_convert_type(lax.bitwise_and(r0, _HI),
                                                   jnp.float32)
                    u10 = lax.bitcast_convert_type(lax.shift_left(r1, 16),
                                                   jnp.float32)
                    u11 = lax.bitcast_convert_type(lax.bitwise_and(r1, _HI),
                                                   jnp.float32)
                    a = bc0 * u00 + bc1 * u01 + bc2 * u10 + bc3 * u11
                    combb[b, j, pl.ds(bk * 16, 16)] = a
            return carry

        lax.fori_loop(0, G // 4, quad_body, 0)

    def build_dstb(p, k, b):
        for w0 in (0, 16, 24):
            dstb[b, 0, pl.ds(w0, 16)] = dstS[pl.ds(p * SG + k * G + w0, 16)]

    def start_scatter(b):
        pltpu.async_copy(combb.at[b], acc.at[dstb.at[b, 0]], ssems[b], add=True)

    super_load(0, 0)
    super_wait(0, 0)
    start_gathers(0, 0, 0)

    def super_body(sp, carry):
        p = lax.rem(sp, 2)
        pn = lax.rem(sp + 1, 2)

        @pl.when(sp >= 1)
        def _():
            drain_scatter(0)
            drain_scatter(1)

        @pl.when(sp + 1 < NSUPER)
        def _():
            super_load(sp + 1, pn)

        def pair_body(i2, carry2):
            k0 = 2 * i2
            wait_gathers(p, k0, 0)
            start_gathers(p, k0 + 1, 1)

            @pl.when(i2 >= 1)
            def _():
                drain_scatter(0)

            compute(p, k0, 0)
            build_dstb(p, k0, 0)
            start_scatter(0)

            wait_gathers(p, k0 + 1, 1)

            @pl.when(i2 + 1 < S // 2)
            def _():
                start_gathers(p, k0 + 2, 0)

            @pl.when(jnp.logical_and(i2 + 1 == S // 2, sp + 1 < NSUPER))
            def _():
                super_wait(sp + 1, pn)
                start_gathers(pn, 0, 0)

            @pl.when(i2 >= 1)
            def _():
                drain_scatter(1)

            compute(p, k0 + 1, 1)
            build_dstb(p, k0 + 1, 1)
            start_scatter(1)
            return carry2

        lax.fori_loop(0, S // 2, pair_body, 0)
        return carry

    lax.fori_loop(0, NSUPER, super_body, 0)
    drain_scatter(0)
    drain_scatter(1)

    plsc.subcore_barrier()

    @pl.when(s < NS - 1)
    def _():
        r0 = s * ROW_SPLIT
        pltpu.sync_copy(acc.at[pl.ds(r0, ROW_SPLIT)],
                        out_hbm.at[c, pl.ds(r0, ROW_SPLIT)])

    @pl.when(s == NS - 1)
    def _():
        r0 = (NS - 1) * ROW_SPLIT
        pltpu.sync_copy(acc.at[pl.ds(r0, ROW_LAST)],
                        out_hbm.at[c, pl.ds(r0, ROW_LAST)])


def _sc_scatter(y2, src, dst, ea0, ea1, ea2, ea3, zeros):
    mesh = plsc.VectorSubcoreMesh(core_axis_name="c", subcore_axis_name="s")
    f = functools.partial(
        pl.kernel,
        out_type=jax.ShapeDtypeStruct((NC, N_NODES, D_OUT), jnp.float32),
        mesh=mesh,
        scratch_types=[
            pltpu.VMEM((2 * SG,), jnp.int32),
            pltpu.VMEM((2 * SG,), jnp.int32),
            pltpu.VMEM((2 * K * SG,), jnp.float32),
            pltpu.VMEM((2, 1, 2 * G), jnp.int32),
            pltpu.VMEM((2, 1, G), jnp.int32),
            pltpu.VMEM((2, 2 * G, D_OUT), jnp.int32),
            pltpu.VMEM((2, G, D_OUT), jnp.float32),
            pltpu.VMEM_SHARED((N_NODES, D_OUT), jnp.float32),
            pltpu.SemaphoreType.DMA,
            pltpu.SemaphoreType.DMA,
            pltpu.SemaphoreType.DMA,
            pltpu.SemaphoreType.DMA,
            pltpu.SemaphoreType.DMA,
        ],
    )(_sc_body)
    return f(y2, src, dst, ea0, ea1, ea2, ea3, zeros)


ROWC = 312
ROWC_LAST = N_NODES - (NW - 1) * ROWC


def _sc_combine_body(p_hbm, bias_hbm, out_hbm, b0, b1, bias_v):
    c = lax.axis_index("c")
    s = lax.axis_index("s")
    wid = c * NS + s
    r0 = wid * ROWC
    pltpu.sync_copy(bias_hbm, bias_v)

    def do(sz, b0v, b1v):
        pltpu.sync_copy(p_hbm.at[0, pl.ds(r0, sz)], b0v)
        pltpu.sync_copy(p_hbm.at[1, pl.ds(r0, sz)], b1v)

        def row_body(r, carry):
            for w in range(8):
                cs = pl.ds(w * 16, 16)
                b0v[r, cs] = jnp.maximum(
                    b0v[r, cs] + b1v[r, cs] + bias_v[cs], 0.0)
            return carry

        lax.fori_loop(0, sz, row_body, 0)
        pltpu.sync_copy(b0v, out_hbm.at[pl.ds(r0, sz)])

    @pl.when(wid < NW - 1)
    def _():
        do(ROWC, b0.at[pl.ds(0, ROWC)], b1.at[pl.ds(0, ROWC)])

    @pl.when(wid == NW - 1)
    def _():
        do(ROWC_LAST, b0, b1)


def _sc_combine(partials, bias):
    mesh = plsc.VectorSubcoreMesh(core_axis_name="c", subcore_axis_name="s")
    f = functools.partial(
        pl.kernel,
        out_type=jax.ShapeDtypeStruct((N_NODES, D_OUT), jnp.float32),
        mesh=mesh,
        scratch_types=[
            pltpu.VMEM((ROWC_LAST, D_OUT), jnp.float32),
            pltpu.VMEM((ROWC_LAST, D_OUT), jnp.float32),
            pltpu.VMEM((D_OUT,), jnp.float32),
        ],
    )(_sc_combine_body)
    return f(partials, bias)


def kernel(x, edge_index, edge_attr, W1, W2, W3, W4, Wc, bias):
    src = edge_index[0].astype(jnp.int32)
    dst = edge_index[1].astype(jnp.int32)
    ea0, ea1, ea2, ea3 = _edge_mlp(edge_attr.T, W1, W2, W3, W4)
    y2 = _ypack(x, Wc)
    zeros = jnp.zeros((ROW_LAST, D_OUT), jnp.float32)
    partials = _sc_scatter(y2, src, dst, ea0, ea1, ea2, ea3, zeros)
    return _sc_combine(partials, bias)

# --- scband reference (transcript-rebuilt; emitter-appended) ---
"""Pipeline reference for scband-ml3-layer-18073222382240 (READ-ONLY COPY).

The authoritative reference and input builder live on the scoring server;
editing this copy changes nothing except your own understanding.
"""

import jax, jax.numpy as jnp
import numpy as np

N_NODES = 10000
N_EDGES = 320000
D_IN = 128
D_OUT1 = 128
NEDGE_IN = 16
NEDGE_OUT = 4


def _glorot(key, shape):
    stdv = np.sqrt(6.0 / (shape[-2] + shape[-1]))
    return jax.random.uniform(key, shape, dtype=jnp.float32, minval=-stdv, maxval=stdv)


def setup_inputs(seed: int = 0) -> dict:
    key = jax.random.key(seed)
    ks = jax.random.split(key, 10)
    x = jax.random.normal(ks[0], (N_NODES, D_IN), dtype=jnp.float32)
    edge_index = jax.random.randint(ks[1], (2, N_EDGES), 0, N_NODES, dtype=jnp.int64)
    edge_attr = jax.random.normal(ks[2], (N_EDGES, NEDGE_IN), dtype=jnp.float32)
    # edge transform linears (torch Linear weight shape [out, in], no bias)
    W1 = _glorot(ks[3], (2 * NEDGE_IN, NEDGE_IN))
    W2 = _glorot(ks[4], (2 * NEDGE_IN, NEDGE_IN))
    W3 = _glorot(ks[5], (2 * NEDGE_IN, NEDGE_IN))
    W4 = _glorot(ks[6], (NEDGE_OUT, 4 * NEDGE_IN))
    # SpectConv weight: K = nedgeoutput (selfconn=False), shape [K, in, out]
    Wc = _glorot(ks[7], (NEDGE_OUT, D_IN, D_OUT1))
    bias = jnp.zeros((D_OUT1,), dtype=jnp.float32)
    return {"x": x, "edge_index": edge_index, "edge_attr": edge_attr,
            "W1": W1, "W2": W2, "W3": W3, "W4": W4, "Wc": Wc, "bias": bias}


def reference(x, edge_index, edge_attr, W1, W2, W3, W4, Wc, bias):
    # learned edge transform
    linear_part = jax.nn.relu(edge_attr @ W1.T)
    gated_part = jnp.tanh(edge_attr @ W2.T) * jnp.tanh(edge_attr @ W3.T)
    tmp = jnp.concatenate([linear_part, gated_part], axis=1)
    ea = jax.nn.relu(tmp @ W4.T)  # [E, NEDGE_OUT]
    # SpectConv, selfconn=False, depthwise=False, aggr='add'
    src = edge_index[0]
    dst = edge_index[1]
    x_j = x[src]  # gather source node features [E, D_IN]
    out = jnp.zeros((N_NODES, D_OUT1), dtype=jnp.float32)
    for i in range(NEDGE_OUT):
        msg = ea[:, i:i + 1] * x_j
        h = jax.ops.segment_sum(msg, dst, num_segments=N_NODES)
        out = out + h @ Wc[i]
    out = out + bias
    # nout2 = 0 -> no skip connection branch
    return jax.nn.relu(out)

if __name__ == "__main__":
    import jax
    _d = setup_inputs()
    print(jax.jit(kernel)(*tuple(_d.values())))

</pallas_src>

<mosaic_0001>
#map = affine_map<(d0, d1) -> (0, 0, 0)>
#map1 = affine_map<(d0, d1) -> (0)>
#map2 = affine_map<(d0, d1) -> (0, 0)>
module attributes {stable_mosaic.version = 14 : i64} {
  func.func @_sc_combine_body(%arg0: i32, %arg1: i32, %arg2: memref<2x10000x128xf32, #tpu.memory_space<hbm>>, %arg3: memref<128xf32, #tpu.memory_space<hbm>>, %arg4: memref<10000x128xf32, #tpu.memory_space<hbm>>, %arg5: memref<328x128xf32, #tpu.memory_space<vmem>>, %arg6: memref<328x128xf32, #tpu.memory_space<vmem>>, %arg7: memref<128xf32, #tpu.memory_space<vmem>>) attributes {dimension_semantics = [#tpu.dimension_semantics<core_parallel>, #tpu.dimension_semantics<subcore_parallel>], iteration_bounds = array<i64: 2, 16>, scalar_prefetch = 0 : i64, scratch_operands = 3 : i64, tpu.core_type = #tpu.core_type<sc_vector_subcore>, window_params = [{transform_indices = #map}, {transform_indices = #map1}, {transform_indices = #map2}]} {
    %mul3A = arith.constant 16 : i32
    %mul3A_0 = arith.muli %arg0, %mul3A : i32
    %add3A = arith.addi %mul3A_0, %arg1 : i32
    %mul3A_1 = arith.constant 312 : i32
    %mul3A_2 = arith.muli %add3A, %mul3A_1 : i32
    "tpu.region"() ({
      %run_scoped3A = tpu.sem_alloc : memref<!tpu.dma_semaphore, #tpu.memory_space<semaphore_mem>>
      tpu.enqueue_dma source(%arg3 : memref<128xf32, #tpu.memory_space<hbm>>) target(%arg7 : memref<128xf32, #tpu.memory_space<vmem>>) target_semaphore(%run_scoped3A : memref<!tpu.dma_semaphore, #tpu.memory_space<semaphore_mem>>)
      tpu.wait_dma2 semaphore(%run_scoped3A : memref<!tpu.dma_semaphore, #tpu.memory_space<semaphore_mem>>) src(%arg3 : memref<128xf32, #tpu.memory_space<hbm>>) dst(%arg7 : memref<128xf32, #tpu.memory_space<vmem>>)
      tpu.yield
    }) : () -> ()
    %lt3A = arith.constant 31 : i32
    %lt3A_3 = arith.cmpi slt, %add3A, %lt3A : i32
    %convert_element_type3A = arith.extui %lt3A_3 : i1 to i32
    %cond3A = arith.constant 0 : i32
    %cond3A_4 = arith.cmpi ne, %convert_element_type3A, %cond3A : i32
    scf.if %cond3A_4 {
      %run_scoped3A = arith.constant 0 : i32
      "tpu.region"() ({
        %run_scoped3A_15 = tpu.sem_alloc : memref<!tpu.dma_semaphore, #tpu.memory_space<semaphore_mem>>
        %dma_start3A = arith.constant 0 : i32
        %dma_start3A_16 = arith.constant 0 : i32
        %dma_start3A_17 = tpu.memref_slice %arg5[%dma_start3A, %dma_start3A_16] : memref<328x128xf32, #tpu.memory_space<vmem>> -> memref<312x128xf32, #tpu.memory_space<vmem>>
        %dma_start3A_18 = arith.constant 0 : i32
        %dma_start3A_19 = tpu.memref_slice %arg2[%run_scoped3A, %mul3A_2, %dma_start3A_18] : memref<2x10000x128xf32, #tpu.memory_space<hbm>> -> memref<1x312x128xf32, #tpu.memory_space<hbm>>
        %dma_start3A_20 = tpu.memref_squeeze %dma_start3A_19 : memref<1x312x128xf32, #tpu.memory_space<hbm>> -> memref<312x128xf32, #tpu.memory_space<hbm>>
        %dma_start3A_21 = arith.constant 0 : i32
        %dma_start3A_22 = arith.constant 0 : i32
        %dma_start3A_23 = tpu.memref_slice %arg5[%dma_start3A_21, %dma_start3A_22] : memref<328x128xf32, #tpu.memory_space<vmem>> -> memref<312x128xf32, #tpu.memory_space<vmem>>
        %dma_start3A_24 = arith.constant 0 : i32
        %dma_start3A_25 = tpu.memref_slice %arg2[%run_scoped3A, %mul3A_2, %dma_start3A_24] : memref<2x10000x128xf32, #tpu.memory_space<hbm>> -> memref<1x312x128xf32, #tpu.memory_space<hbm>>
        %dma_start3A_26 = tpu.memref_squeeze %dma_start3A_25 : memref<1x312x128xf32, #tpu.memory_space<hbm>> -> memref<312x128xf32, #tpu.memory_space<hbm>>
        tpu.enqueue_dma source(%dma_start3A_26 : memref<312x128xf32, #tpu.memory_space<hbm>>) target(%dma_start3A_23 : memref<312x128xf32, #tpu.memory_space<vmem>>) target_semaphore(%run_scoped3A_15 : memref<!tpu.dma_semaphore, #tpu.memory_space<semaphore_mem>>)
        %dma_wait3A = arith.constant 0 : i32
        %dma_wait3A_27 = arith.constant 0 : i32
        %dma_wait3A_28 = tpu.memref_slice %arg5[%dma_wait3A, %dma_wait3A_27] : memref<328x128xf32, #tpu.memory_space<vmem>> -> memref<312x128xf32, #tpu.memory_space<vmem>>
        %dma_wait3A_29 = arith.constant 0 : i32
        %dma_wait3A_30 = tpu.memref_slice %arg2[%run_scoped3A, %mul3A_2, %dma_wait3A_29] : memref<2x10000x128xf32, #tpu.memory_space<hbm>> -> memref<1x312x128xf32, #tpu.memory_space<hbm>>
        %dma_wait3A_31 = tpu.memref_squeeze %dma_wait3A_30 : memref<1x312x128xf32, #tpu.memory_space<hbm>> -> memref<312x128xf32, #tpu.memory_space<hbm>>
        %dma_wait3A_32 = arith.constant 0 : i32
        %dma_wait3A_33 = arith.constant 0 : i32
        %dma_wait3A_34 = tpu.memref_slice %arg5[%dma_wait3A_32, %dma_wait3A_33] : memref<328x128xf32, #tpu.memory_space<vmem>> -> memref<312x128xf32, #tpu.memory_space<vmem>>
        %dma_wait3A_35 = arith.constant 0 : i32
        %dma_wait3A_36 = tpu.memref_slice %arg2[%run_scoped3A, %mul3A_2, %dma_wait3A_35] : memref<2x10000x128xf32, #tpu.memory_space<hbm>> -> memref<1x312x128xf32, #tpu.memory_space<hbm>>
        %dma_wait3A_37 = tpu.memref_squeeze %dma_wait3A_36 : memref<1x312x128xf32, #tpu.memory_space<hbm>> -> memref<312x128xf32, #tpu.memory_space<hbm>>
        tpu.wait_dma2 semaphore(%run_scoped3A_15 : memref<!tpu.dma_semaphore, #tpu.memory_space<semaphore_mem>>) src(%dma_wait3A_37 : memref<312x128xf32, #tpu.memory_space<hbm>>) dst(%dma_wait3A_34 : memref<312x128xf32, #tpu.memory_space<vmem>>)
        tpu.yield
      }) : () -> ()
      %run_scoped3A_9 = arith.constant 1 : i32
      "tpu.region"() ({
        %run_scoped3A_15 = tpu.sem_alloc : memref<!tpu.dma_semaphore, #tpu.memory_space<semaphore_mem>>
        %dma_start3A = arith.constant 0 : i32
        %dma_start3A_16 = arith.constant 0 : i32
        %dma_start3A_17 = tpu.memref_slice %arg6[%dma_start3A, %dma_start3A_16] : memref<328x128xf32, #tpu.memory_space<vmem>> -> memref<312x128xf32, #tpu.memory_space<vmem>>
        %dma_start3A_18 = arith.constant 0 : i32
        %dma_start3A_19 = tpu.memref_slice %arg2[%run_scoped3A_9, %mul3A_2, %dma_start3A_18] : memref<2x10000x128xf32, #tpu.memory_space<hbm>> -> memref<1x312x128xf32, #tpu.memory_space<hbm>>
        %dma_start3A_20 = tpu.memref_squeeze %dma_start3A_19 : memref<1x312x128xf32, #tpu.memory_space<hbm>> -> memref<312x128xf32, #tpu.memory_space<hbm>>
        %dma_start3A_21 = arith.constant 0 : i32
        %dma_start3A_22 = arith.constant 0 : i32
        %dma_start3A_23 = tpu.memref_slice %arg6[%dma_start3A_21, %dma_start3A_22] : memref<328x128xf32, #tpu.memory_space<vmem>> -> memref<312x128xf32, #tpu.memory_space<vmem>>
        %dma_start3A_24 = arith.constant 0 : i32
        %dma_start3A_25 = tpu.memref_slice %arg2[%run_scoped3A_9, %mul3A_2, %dma_start3A_24] : memref<2x10000x128xf32, #tpu.memory_space<hbm>> -> memref<1x312x128xf32, #tpu.memory_space<hbm>>
        %dma_start3A_26 = tpu.memref_squeeze %dma_start3A_25 : memref<1x312x128xf32, #tpu.memory_space<hbm>> -> memref<312x128xf32, #tpu.memory_space<hbm>>
        tpu.enqueue_dma source(%dma_start3A_26 : memref<312x128xf32, #tpu.memory_space<hbm>>) target(%dma_start3A_23 : memref<312x128xf32, #tpu.memory_space<vmem>>) target_semaphore(%run_scoped3A_15 : memref<!tpu.dma_semaphore, #tpu.memory_space<semaphore_mem>>)
        %dma_wait3A = arith.constant 0 : i32
        %dma_wait3A_27 = arith.constant 0 : i32
        %dma_wait3A_28 = tpu.memref_slice %arg6[%dma_wait3A, %dma_wait3A_27] : memref<328x128xf32, #tpu.memory_space<vmem>> -> memref<312x128xf32, #tpu.memory_space<vmem>>
        %dma_wait3A_29 = arith.constant 0 : i32
        %dma_wait3A_30 = tpu.memref_slice %arg2[%run_scoped3A_9, %mul3A_2, %dma_wait3A_29] : memref<2x10000x128xf32, #tpu.memory_space<hbm>> -> memref<1x312x128xf32, #tpu.memory_space<hbm>>
        %dma_wait3A_31 = tpu.memref_squeeze %dma_wait3A_30 : memref<1x312x128xf32, #tpu.memory_space<hbm>> -> memref<312x128xf32, #tpu.memory_space<hbm>>
        %dma_wait3A_32 = arith.constant 0 : i32
        %dma_wait3A_33 = arith.constant 0 : i32
        %dma_wait3A_34 = tpu.memref_slice %arg6[%dma_wait3A_32, %dma_wait3A_33] : memref<328x128xf32, #tpu.memory_space<vmem>> -> memref<312x128xf32, #tpu.memory_space<vmem>>
        %dma_wait3A_35 = arith.constant 0 : i32
        %dma_wait3A_36 = tpu.memref_slice %arg2[%run_scoped3A_9, %mul3A_2, %dma_wait3A_35] : memref<2x10000x128xf32, #tpu.memory_space<hbm>> -> memref<1x312x128xf32, #tpu.memory_space<hbm>>
        %dma_wait3A_37 = tpu.memref_squeeze %dma_wait3A_36 : memref<1x312x128xf32, #tpu.memory_space<hbm>> -> memref<312x128xf32, #tpu.memory_space<hbm>>
        tpu.wait_dma2 semaphore(%run_scoped3A_15 : memref<!tpu.dma_semaphore, #tpu.memory_space<semaphore_mem>>) src(%dma_wait3A_37 : memref<312x128xf32, #tpu.memory_space<hbm>>) dst(%dma_wait3A_34 : memref<312x128xf32, #tpu.memory_space<vmem>>)
        tpu.yield
      }) : () -> ()
      %scan3A = arith.constant 0 : i32
      %scan3A_10 = arith.constant 0 : i32
      %scan3A_11 = arith.constant 312 : i32
      %scan3A_12 = arith.addi %scan3A_10, %scan3A_11 : i32
      %scan3A_13 = arith.constant 1 : i32
      scf.for %scan3A_15 = %scan3A_10 to %scan3A_12 step %scan3A_13  : i32 {
        %get3A = arith.constant 0 : i32
        %get3A_16 = arith.constant 0 : i32
        %get3A_17 = tpu.memref_slice %arg5[%get3A, %get3A_16] : memref<328x128xf32, #tpu.memory_space<vmem>> -> memref<312x128xf32, #tpu.memory_space<vmem>>
        %get3A_18 = arith.index_cast %scan3A_15 : i32 to index
        %get3A_19 = arith.constant 0 : index
        %get3A_20 = tpu.vector_load %get3A_17[%get3A_18, %get3A_19] {strides = array<i32>} : memref<312x128xf32, #tpu.memory_space<vmem>>, vector<1x16xf32>,
        %get3A_21 = vector.shape_cast %get3A_20 : vector<1x16xf32> to vector<16xf32>
        %get3A_22 = arith.constant 0 : i32
        %get3A_23 = arith.constant 0 : i32
        %get3A_24 = tpu.memref_slice %arg6[%get3A_22, %get3A_23] : memref<328x128xf32, #tpu.memory_space<vmem>> -> memref<312x128xf32, #tpu.memory_space<vmem>>
        %get3A_25 = arith.index_cast %scan3A_15 : i32 to index
        %get3A_26 = arith.constant 0 : index
        %get3A_27 = tpu.vector_load %get3A_24[%get3A_25, %get3A_26] {strides = array<i32>} : memref<312x128xf32, #tpu.memory_space<vmem>>, vector<1x16xf32>,
        %get3A_28 = vector.shape_cast %get3A_27 : vector<1x16xf32> to vector<16xf32>
        %add3A_29 = arith.addf %get3A_21, %get3A_28 : vector<16xf32>
        %get3A_30 = arith.constant 0 : index
        %get3A_31 = tpu.vector_load %arg7[%get3A_30] {strides = array<i32>} : memref<128xf32, #tpu.memory_space<vmem>>, vector<16xf32>,
        %get3A_32 = vector.shape_cast %get3A_31 : vector<16xf32> to vector<16xf32>
        %add3A_33 = arith.addf %add3A_29, %get3A_32 : vector<16xf32>
        %max3A = arith.constant 0.000000e+00 : f32
        %max3A_34 = vector.broadcast %max3A : f32 to vector<16xf32>
        %max3A_35 = arith.maximumf %add3A_33, %max3A_34 : vector<16xf32>
        %swap3A = arith.constant 0 : i32
        %swap3A_36 = arith.constant 0 : i32
        %swap3A_37 = tpu.memref_slice %arg5[%swap3A, %swap3A_36] : memref<328x128xf32, #tpu.memory_space<vmem>> -> memref<312x128xf32, #tpu.memory_space<vmem>>
        %swap3A_38 = arith.index_cast %scan3A_15 : i32 to index
        %swap3A_39 = arith.constant 0 : index
        %swap3A_40 = tpu.vector_load %swap3A_37[%swap3A_38, %swap3A_39] {strides = array<i32>} : memref<312x128xf32, #tpu.memory_space<vmem>>, vector<1x16xf32>,
        %swap3A_41 = vector.shape_cast %swap3A_40 : vector<1x16xf32> to vector<16xf32>
        %swap3A_42 = vector.shape_cast %max3A_35 : vector<16xf32> to vector<1x16xf32>
        tpu.vector_store %swap3A_37[%swap3A_38, %swap3A_39], %swap3A_42 {strides = array<i32>} : memref<312x128xf32, #tpu.memory_space<vmem>>, vector<1x16xf32>,
        %get3A_43 = arith.constant 0 : i32
        %get3A_44 = arith.constant 0 : i32
        %get3A_45 = tpu.memref_slice %arg5[%get3A_43, %get3A_44] : memref<328x128xf32, #tpu.memory_space<vmem>> -> memref<312x128xf32, #tpu.memory_space<vmem>>
        %get3A_46 = arith.index_cast %scan3A_15 : i32 to index
        %get3A_47 = arith.constant 16 : index
        %get3A_48 = tpu.vector_load %get3A_45[%get3A_46, %get3A_47] {strides = array<i32>} : memref<312x128xf32, #tpu.memory_space<vmem>>, vector<1x16xf32>,
        %get3A_49 = vector.shape_cast %get3A_48 : vector<1x16xf32> to vector<16xf32>
        %get3A_50 = arith.constant 0 : i32
        %get3A_51 = arith.constant 0 : i32
        %get3A_52 = tpu.memref_slice %arg6[%get3A_50, %get3A_51] : memref<328x128xf32, #tpu.memory_space<vmem>> -> memref<312x128xf32, #tpu.memory_space<vmem>>
        %get3A_53 = arith.index_cast %scan3A_15 : i32 to index
        %get3A_54 = arith.constant 16 : index
        %get3A_55 = tpu.vector_load %get3A_52[%get3A_53, %get3A_54] {strides = array<i32>} : memref<312x128xf32, #tpu.memory_space<vmem>>, vector<1x16xf32>,
        %get3A_56 = vector.shape_cast %get3A_55 : vector<1x16xf32> to vector<16xf32>
        %add3A_57 = arith.addf %get3A_49, %get3A_56 : vector<16xf32>
        %get3A_58 = arith.constant 16 : index
        %get3A_59 = tpu.vector_load %arg7[%get3A_58] {strides = array<i32>} : memref<128xf32, #tpu.memory_space<vmem>>, vector<16xf32>,
        %get3A_60 = vector.shape_cast %get3A_59 : vector<16xf32> to vector<16xf32>
        %add3A_61 = arith.addf %add3A_57, %get3A_60 : vector<16xf32>
        %max3A_62 = arith.constant 0.000000e+00 : f32
        %max3A_63 = vector.broadcast %max3A_62 : f32 to vector<16xf32>
        %max3A_64 = arith.maximumf %add3A_61, %max3A_63 : vector<16xf32>
        %swap3A_65 = arith.constant 0 : i32
        %swap3A_66 = arith.constant 0 : i32
        %swap3A_67 = tpu.memref_slice %arg5[%swap3A_65, %swap3A_66] : memref<328x128xf32, #tpu.memory_space<vmem>> -> memref<312x128xf32, #tpu.memory_space<vmem>>
        %swap3A_68 = arith.index_cast %scan3A_15 : i32 to index
        %swap3A_69 = arith.constant 16 : index
        %swap3A_70 = tpu.vector_load %swap3A_67[%swap3A_68, %swap3A_69] {strides = array<i32>} : memref<312x128xf32, #tpu.memory_space<vmem>>, vector<1x16xf32>,
        %swap3A_71 = vector.shape_cast %swap3A_70 : vector<1x16xf32> to vector<16xf32>
        %swap3A_72 = vector.shape_cast %max3A_64 : vector<16xf32> to vector<1x16xf32>
        tpu.vector_store %swap3A_67[%swap3A_68, %swap3A_69], %swap3A_72 {strides = array<i32>} : memref<312x128xf32, #tpu.memory_space<vmem>>, vector<1x16xf32>,
        %get3A_73 = arith.constant 0 : i32
        %get3A_74 = arith.constant 0 : i32
        %get3A_75 = tpu.memref_slice %arg5[%get3A_73, %get3A_74] : memref<328x128xf32, #tpu.memory_space<vmem>> -> memref<312x128xf32, #tpu.memory_space<vmem>>
        %get3A_76 = arith.index_cast %scan3A_15 : i32 to index
        %get3A_77 = arith.constant 32 : index
        %get3A_78 = tpu.vector_load %get3A_75[%get3A_76, %get3A_77] {strides = array<i32>} : memref<312x128xf32, #tpu.memory_space<vmem>>, vector<1x16xf32>,
        %get3A_79 = vector.shape_cast %get3A_78 : vector<1x16xf32> to vector<16xf32>
        %get3A_80 = arith.constant 0 : i32
        %get3A_81 = arith.constant 0 : i32
        %get3A_82 = tpu.memref_slice %arg6[%get3A_80, %get3A_81] : memref<328x128xf32, #tpu.memory_space<vmem>> -> memref<312x128xf32, #tpu.memory_space<vmem>>
        %get3A_83 = arith.index_cast %scan3A_15 : i32 to index
        %get3A_84 = arith.constant 32 : index
        %get3A_85 = tpu.vector_load %get3A_82[%get3A_83, %get3A_84] {strides = array<i32>} : memref<312x128xf32, #tpu.memory_space<vmem>>, vector<1x16xf32>,
        %get3A_86 = vector.shape_cast %get3A_85 : vector<1x16xf32> to vector<16xf32>
        %add3A_87 = arith.addf %get3A_79, %get3A_86 : vector<16xf32>
        %get3A_88 = arith.constant 32 : index
        %get3A_89 = tpu.vector_load %arg7[%get3A_88] {strides = array<i32>} : memref<128xf32, #tpu.memory_space<vmem>>, vector<16xf32>,
        %get3A_90 = vector.shape_cast %get3A_89 : vector<16xf32> to vector<16xf32>
        %add3A_91 = arith.addf %add3A_87, %get3A_90 : vector<16xf32>
        %max3A_92 = arith.constant 0.000000e+00 : f32
        %max3A_93 = vector.broadcast %max3A_92 : f32 to vector<16xf32>
        %max3A_94 = arith.maximumf %add3A_91, %max3A_93 : vector<16xf32>
        %swap3A_95 = arith.constant 0 : i32
        %swap3A_96 = arith.constant 0 : i32
        %swap3A_97 = tpu.memref_slice %arg5[%swap3A_95, %swap3A_96] : memref<328x128xf32, #tpu.memory_space<vmem>> -> memref<312x128xf32, #tpu.memory_space<vmem>>
        %swap3A_98 = arith.index_cast %scan3A_15 : i32 to index
        %swap3A_99 = arith.constant 32 : index
        %swap3A_100 = tpu.vector_load %swap3A_97[%swap3A_98, %swap3A_99] {strides = array<i32>} : memref<312x128xf32, #tpu.memory_space<vmem>>, vector<1x16xf32>,
        %swap3A_101 = vector.shape_cast %swap3A_100 : vector<1x16xf32> to vector<16xf32>
        %swap3A_102 = vector.shape_cast %max3A_94 : vector<16xf32> to vector<1x16xf32>
        tpu.vector_store %swap3A_97[%swap3A_98, %swap3A_99], %swap3A_102 {strides = array<i32>} : memref<312x128xf32, #tpu.memory_space<vmem>>, vector<1x16xf32>,
        %get3A_103 = arith.constant 0 : i32
        %get3A_104 = arith.constant 0 : i32
        %get3A_105 = tpu.memref_slice %arg5[%get3A_103, %get3A_104] : memref<328x128xf32, #tpu.memory_space<vmem>> -> memref<312x128xf32, #tpu.memory_space<vmem>>
        %get3A_106 = arith.index_cast %scan3A_15 : i32 to index
        %get3A_107 = arith.constant 48 : index
        %get3A_108 = tpu.vector_load %get3A_105[%get3A_106, %get3A_107] {strides = array<i32>} : memref<312x128xf32, #tpu.memory_space<vmem>>, vector<1x16xf32>,
        %get3A_109 = vector.shape_cast %get3A_108 : vector<1x16xf32> to vector<16xf32>
        %get3A_110 = arith.constant 0 : i32
        %get3A_111 = arith.constant 0 : i32
        %get3A_112 = tpu.memref_slice %arg6[%get3A_110, %get3A_111] : memref<328x128xf32, #tpu.memory_space<vmem>> -> memref<312x128xf32, #tpu.memory_space<vmem>>
        %get3A_113 = arith.index_cast %scan3A_15 : i32 to index
        %get3A_114 = arith.constant 48 : index
        %get3A_115 = tpu.vector_load %get3A_112[%get3A_113, %get3A_114] {strides = array<i32>} : memref<312x128xf32, #tpu.memory_space<vmem>>, vector<1x16xf32>,
        %get3A_116 = vector.shape_cast %get3A_115 : vector<1x16xf32> to vector<16xf32>
        %add3A_117 = arith.addf %get3A_109, %get3A_116 : vector<16xf32>
        %get3A_118 = arith.constant 48 : index
        %get3A_119 = tpu.vector_load %arg7[%get3A_118] {strides = array<i32>} : memref<128xf32, #tpu.memory_space<vmem>>, vector<16xf32>,
        %get3A_120 = vector.shape_cast %get3A_119 : vector<16xf32> to vector<16xf32>
        %add3A_121 = arith.addf %add3A_117, %get3A_120 : vector<16xf32>
        %max3A_122 = arith.constant 0.000000e+00 : f32
        %max3A_123 = vector.broadcast %max3A_122 : f32 to vector<16xf32>
        %max3A_124 = arith.maximumf %add3A_121, %max3A_123 : vector<16xf32>
        %swap3A_125 = arith.constant 0 : i32
        %swap3A_126 = arith.constant 0 : i32
        %swap3A_127 = tpu.memref_slice %arg5[%swap3A_125, %swap3A_126] : memref<328x128xf32, #tpu.memory_space<vmem>> -> memref<312x128xf32, #tpu.memory_space<vmem>>
        %swap3A_128 = arith.index_cast %scan3A_15 : i32 to index
        %swap3A_129 = arith.constant 48 : index
        %swap3A_130 = tpu.vector_load %swap3A_127[%swap3A_128, %swap3A_129] {strides = array<i32>} : memref<312x128xf32, #tpu.memory_space<vmem>>, vector<1x16xf32>,
        %swap3A_131 = vector.shape_cast %swap3A_130 : vector<1x16xf32> to vector<16xf32>
        %swap3A_132 = vector.shape_cast %max3A_124 : vector<16xf32> to vector<1x16xf32>
        tpu.vector_store %swap3A_127[%swap3A_128, %swap3A_129], %swap3A_132 {strides = array<i32>} : memref<312x128xf32, #tpu.memory_space<vmem>>, vector<1x16xf32>,
        %get3A_133 = arith.constant 0 : i32
        %get3A_134 = arith.constant 0 : i32
        %get3A_135 = tpu.memref_slice %arg5[%get3A_133, %get3A_134] : memref<328x128xf32, #tpu.memory_space<vmem>> -> memref<312x128xf32, #tpu.memory_space<vmem>>
        %get3A_136 = arith.index_cast %scan3A_15 : i32 to index
        %get3A_137 = arith.constant 64 : index
        %get3A_138 = tpu.vector_load %get3A_135[%get3A_136, %get3A_137] {strides = array<i32>} : memref<312x128xf32, #tpu.memory_space<vmem>>, vector<1x16xf32>,
        %get3A_139 = vector.shape_cast %get3A_138 : vector<1x16xf32> to vector<16xf32>
        %get3A_140 = arith.constant 0 : i32
        %get3A_141 = arith.constant 0 : i32
        %get3A_142 = tpu.memref_slice %arg6[%get3A_140, %get3A_141] : memref<328x128xf32, #tpu.memory_space<vmem>> -> memref<312x128xf32, #tpu.memory_space<vmem>>
        %get3A_143 = arith.index_cast %scan3A_15 : i32 to index
        %get3A_144 = arith.constant 64 : index
        %get3A_145 = tpu.vector_load %get3A_142[%get3A_143, %get3A_144] {strides = array<i32>} : memref<312x128xf32, #tpu.memory_space<vmem>>, vector<1x16xf32>,
        %get3A_146 = vector.shape_cast %get3A_145 : vector<1x16xf32> to vector<16xf32>
        %add3A_147 = arith.addf %get3A_139, %get3A_146 : vector<16xf32>
        %get3A_148 = arith.constant 64 : index
        %get3A_149 = tpu.vector_load %arg7[%get3A_148] {strides = array<i32>} : memref<128xf32, #tpu.memory_space<vmem>>, vector<16xf32>,
        %get3A_150 = vector.shape_cast %get3A_149 : vector<16xf32> to vector<16xf32>
        %add3A_151 = arith.addf %add3A_147, %get3A_150 : vector<16xf32>
        %max3A_152 = arith.constant 0.000000e+00 : f32
        %max3A_153 = vector.broadcast %max3A_152 : f32 to vector<16xf32>
        %max3A_154 = arith.maximumf %add3A_151, %max3A_153 : vector<16xf32>
        %swap3A_155 = arith.constant 0 : i32
        %swap3A_156 = arith.constant 0 : i32
        %swap3A_157 = tpu.memref_slice %arg5[%swap3A_155, %swap3A_156] : memref<328x128xf32, #tpu.memory_space<vmem>> -> memref<312x128xf32, #tpu.memory_space<vmem>>
        %swap3A_158 = arith.index_cast %scan3A_15 : i32 to index
        %swap3A_159 = arith.constant 64 : index
        %swap3A_160 = tpu.vector_load %swap3A_157[%swap3A_158, %swap3A_159] {strides = array<i32>} : memref<312x128xf32, #tpu.memory_space<vmem>>, vector<1x16xf32>,
        %swap3A_161 = vector.shape_cast %swap3A_160 : vector<1x16xf32> to vector<16xf32>
        %swap3A_162 = vector.shape_cast %max3A_154 : vector<16xf32> to vector<1x16xf32>
        tpu.vector_store %swap3A_157[%swap3A_158, %swap3A_159], %swap3A_162 {strides = array<i32>} : memref<312x128xf32, #tpu.memory_space<vmem>>, vector<1x16xf32>,
        %get3A_163 = arith.constant 0 : i32
        %get3A_164 = arith.constant 0 : i32
        %get3A_165 = tpu.memref_slice %arg5[%get3A_163, %get3A_164] : memref<328x128xf32, #tpu.memory_space<vmem>> -> memref<312x128xf32, #tpu.memory_space<vmem>>
        %get3A_166 = arith.index_cast %scan3A_15 : i32 to index
        %get3A_167 = arith.constant 80 : index
        %get3A_168 = tpu.vector_load %get3A_165[%get3A_166, %get3A_167] {strides = array<i32>} : memref<312x128xf32, #tpu.memory_space<vmem>>, vector<1x16xf32>,
        %get3A_169 = vector.shape_cast %get3A_168 : vector<1x16xf32> to vector<16xf32>
        %get3A_170 = arith.constant 0 : i32
        %get3A_171 = arith.constant 0 : i32
        %get3A_172 = tpu.memref_slice %arg6[%get3A_170, %get3A_171] : memref<328x128xf32, #tpu.memory_space<vmem>> -> memref<312x128xf32, #tpu.memory_space<vmem>>
        %get3A_173 = arith.index_cast %scan3A_15 : i32 to index
        %get3A_174 = arith.constant 80 : index
        %get3A_175 = tpu.vector_load %get3A_172[%get3A_173, %get3A_174] {strides = array<i32>} : memref<312x128xf32, #tpu.memory_space<vmem>>, vector<1x16xf32>,
        %get3A_176 = vector.shape_cast %get3A_175 : vector<1x16xf32> to vector<16xf32>
        %add3A_177 = arith.addf %get3A_169, %get3A_176 : vector<16xf32>
        %get3A_178 = arith.constant 80 : index
        %get3A_179 = tpu.vector_load %arg7[%get3A_178] {strides = array<i32>} : memref<128xf32, #tpu.memory_space<vmem>>, vector<16xf32>,
        %get3A_180 = vector.shape_cast %get3A_179 : vector<16xf32> to vector<16xf32>
        %add3A_181 = arith.addf %add3A_177, %get3A_180 : vector<16xf32>
        %max3A_182 = arith.constant 0.000000e+00 : f32
        %max3A_183 = vector.broadcast %max3A_182 : f32 to vector<16xf32>
        %max3A_184 = arith.maximumf %add3A_181, %max3A_183 : vector<16xf32>
        %swap3A_185 = arith.constant 0 : i32
        %swap3A_186 = arith.constant 0 : i32
        %swap3A_187 = tpu.memref_slice %arg5[%swap3A_185, %swap3A_186] : memref<328x128xf32, #tpu.memory_space<vmem>> -> memref<312x128xf32, #tpu.memory_space<vmem>>
        %swap3A_188 = arith.index_cast %scan3A_15 : i32 to index
        %swap3A_189 = arith.constant 80 : index
        %swap3A_190 = tpu.vector_load %swap3A_187[%swap3A_188, %swap3A_189] {strides = array<i32>} : memref<312x128xf32, #tpu.memory_space<vmem>>, vector<1x16xf32>,
        %swap3A_191 = vector.shape_cast %swap3A_190 : vector<1x16xf32> to vector<16xf32>
        %swap3A_192 = vector.shape_cast %max3A_184 : vector<16xf32> to vector<1x16xf32>
        tpu.vector_store %swap3A_187[%swap3A_188, %swap3A_189], %swap3A_192 {strides = array<i32>} : memref<312x128xf32, #tpu.memory_space<vmem>>, vector<1x16xf32>,
        %get3A_193 = arith.constant 0 : i32
        %get3A_194 = arith.constant 0 : i32
        %get3A_195 = tpu.memref_slice %arg5[%get3A_193, %get3A_194] : memref<328x128xf32, #tpu.memory_space<vmem>> -> memref<312x128xf32, #tpu.memory_space<vmem>>
        %get3A_196 = arith.index_cast %scan3A_15 : i32 to index
        %get3A_197 = arith.constant 96 : index
        %get3A_198 = tpu.vector_load %get3A_195[%get3A_196, %get3A_197] {strides = array<i32>} : memref<312x128xf32, #tpu.memory_space<vmem>>, vector<1x16xf32>,
        %get3A_199 = vector.shape_cast %get3A_198 : vector<1x16xf32> to vector<16xf32>
        %get3A_200 = arith.constant 0 : i32
        %get3A_201 = arith.constant 0 : i32
        %get3A_202 = tpu.memref_slice %arg6[%get3A_200, %get3A_201] : memref<328x128xf32, #tpu.memory_space<vmem>> -> memref<312x128xf32, #tpu.memory_space<vmem>>
        %get3A_203 = arith.index_cast %scan3A_15 : i32 to index
        %get3A_204 = arith.constant 96 : index
        %get3A_205 = tpu.vector_load %get3A_202[%get3A_203, %get3A_204] {strides = array<i32>} : memref<312x128xf32, #tpu.memory_space<vmem>>, vector<1x16xf32>,
        %get3A_206 = vector.shape_cast %get3A_205 : vector<1x16xf32> to vector<16xf32>
        %add3A_207 = arith.addf %get3A_199, %get3A_206 : vector<16xf32>
        %get3A_208 = arith.constant 96 : index
        %get3A_209 = tpu.vector_load %arg7[%get3A_208] {strides = array<i32>} : memref<128xf32, #tpu.memory_space<vmem>>, vector<16xf32>,
        %get3A_210 = vector.shape_cast %get3A_209 : vector<16xf32> to vector<16xf32>
        %add3A_211 = arith.addf %add3A_207, %get3A_210 : vector<16xf32>
        %max3A_212 = arith.constant 0.000000e+00 : f32
        %max3A_213 = vector.broadcast %max3A_212 : f32 to vector<16xf32>
        %max3A_214 = arith.maximumf %add3A_211, %max3A_213 : vector<16xf32>
        %swap3A_215 = arith.constant 0 : i32
        %swap3A_216 = arith.constant 0 : i32
        %swap3A_217 = tpu.memref_slice %arg5[%swap3A_215, %swap3A_216] : memref<328x128xf32, #tpu.memory_space<vmem>> -> memref<312x128xf32, #tpu.memory_space<vmem>>
        %swap3A_218 = arith.index_cast %scan3A_15 : i32 to index
        %swap3A_219 = arith.constant 96 : index
        %swap3A_220 = tpu.vector_load %swap3A_217[%swap3A_218, %swap3A_219] {strides = array<i32>} : memref<312x128xf32, #tpu.memory_space<vmem>>, vector<1x16xf32>,
        %swap3A_221 = vector.shape_cast %swap3A_220 : vector<1x16xf32> to vector<16xf32>
        %swap3A_222 = vector.shape_cast %max3A_214 : vector<16xf32> to vector<1x16xf32>
        tpu.vector_store %swap3A_217[%swap3A_218, %swap3A_219], %swap3A_222 {strides = array<i32>} : memref<312x128xf32, #tpu.memory_space<vmem>>, vector<1x16xf32>,
        %get3A_223 = arith.constant 0 : i32
        %get3A_224 = arith.constant 0 : i32
        %get3A_225 = tpu.memref_slice %arg5[%get3A_223, %get3A_224] : memref<328x128xf32, #tpu.memory_space<vmem>> -> memref<312x128xf32, #tpu.memory_space<vmem>>
        %get3A_226 = arith.index_cast %scan3A_15 : i32 to index
        %get3A_227 = arith.constant 112 : index
        %get3A_228 = tpu.vector_load %get3A_225[%get3A_226, %get3A_227] {strides = array<i32>} : memref<312x128xf32, #tpu.memory_space<vmem>>, vector<1x16xf32>,
        %get3A_229 = vector.shape_cast %get3A_228 : vector<1x16xf32> to vector<16xf32>
        %get3A_230 = arith.constant 0 : i32
        %get3A_231 = arith.constant 0 : i32
        %get3A_232 = tpu.memref_slice %arg6[%get3A_230, %get3A_231] : memref<328x128xf32, #tpu.memory_space<vmem>> -> memref<312x128xf32, #tpu.memory_space<vmem>>
        %get3A_233 = arith.index_cast %scan3A_15 : i32 to index
        %get3A_234 = arith.constant 112 : index
        %get3A_235 = tpu.vector_load %get3A_232[%get3A_233, %get3A_234] {strides = array<i32>} : memref<312x128xf32, #tpu.memory_space<vmem>>, vector<1x16xf32>,
        %get3A_236 = vector.shape_cast %get3A_235 : vector<1x16xf32> to vector<16xf32>
        %add3A_237 = arith.addf %get3A_229, %get3A_236 : vector<16xf32>
        %get3A_238 = arith.constant 112 : index
        %get3A_239 = tpu.vector_load %arg7[%get3A_238] {strides = array<i32>} : memref<128xf32, #tpu.memory_space<vmem>>, vector<16xf32>,
        %get3A_240 = vector.shape_cast %get3A_239 : vector<16xf32> to vector<16xf32>
        %add3A_241 = arith.addf %add3A_237, %get3A_240 : vector<16xf32>
        %max3A_242 = arith.constant 0.000000e+00 : f32
        %max3A_243 = vector.broadcast %max3A_242 : f32 to vector<16xf32>
        %max3A_244 = arith.maximumf %add3A_241, %max3A_243 : vector<16xf32>
        %swap3A_245 = arith.constant 0 : i32
        %swap3A_246 = arith.constant 0 : i32
        %swap3A_247 = tpu.memref_slice %arg5[%swap3A_245, %swap3A_246] : memref<328x128xf32, #tpu.memory_space<vmem>> -> memref<312x128xf32, #tpu.memory_space<vmem>>
        %swap3A_248 = arith.index_cast %scan3A_15 : i32 to index
        %swap3A_249 = arith.constant 112 : index
        %swap3A_250 = tpu.vector_load %swap3A_247[%swap3A_248, %swap3A_249] {strides = array<i32>} : memref<312x128xf32, #tpu.memory_space<vmem>>, vector<1x16xf32>,
        %swap3A_251 = vector.shape_cast %swap3A_250 : vector<1x16xf32> to vector<16xf32>
        %swap3A_252 = vector.shape_cast %max3A_244 : vector<16xf32> to vector<1x16xf32>
        tpu.vector_store %swap3A_247[%swap3A_248, %swap3A_249], %swap3A_252 {strides = array<i32>} : memref<312x128xf32, #tpu.memory_space<vmem>>, vector<1x16xf32>,
      }
      %scan3A_14 = arith.constant 312 : i32
      "tpu.region"() ({
        %run_scoped3A_15 = tpu.sem_alloc : memref<!tpu.dma_semaphore, #tpu.memory_space<semaphore_mem>>
        %dma_start3A = arith.constant 0 : i32
        %dma_start3A_16 = arith.constant 0 : i32
        %dma_start3A_17 = tpu.memref_slice %arg5[%dma_start3A, %dma_start3A_16] : memref<328x128xf32, #tpu.memory_space<vmem>> -> memref<312x128xf32, #tpu.memory_space<vmem>>
        %dma_start3A_18 = arith.constant 0 : i32
        %dma_start3A_19 = tpu.memref_slice %arg4[%mul3A_2, %dma_start3A_18] : memref<10000x128xf32, #tpu.memory_space<hbm>> -> memref<312x128xf32, #tpu.memory_space<hbm>>
        %dma_start3A_20 = arith.constant 0 : i32
        %dma_start3A_21 = tpu.memref_slice %arg4[%mul3A_2, %dma_start3A_20] : memref<10000x128xf32, #tpu.memory_space<hbm>> -> memref<312x128xf32, #tpu.memory_space<hbm>>
        %dma_start3A_22 = arith.constant 0 : i32
        %dma_start3A_23 = arith.constant 0 : i32
        %dma_start3A_24 = tpu.memref_slice %arg5[%dma_start3A_22, %dma_start3A_23] : memref<328x128xf32, #tpu.memory_space<vmem>> -> memref<312x128xf32, #tpu.memory_space<vmem>>
        tpu.enqueue_dma source(%dma_start3A_24 : memref<312x128xf32, #tpu.memory_space<vmem>>) target(%dma_start3A_21 : memref<312x128xf32, #tpu.memory_space<hbm>>) target_semaphore(%run_scoped3A_15 : memref<!tpu.dma_semaphore, #tpu.memory_space<semaphore_mem>>)
        %dma_wait3A = arith.constant 0 : i32
        %dma_wait3A_25 = arith.constant 0 : i32
        %dma_wait3A_26 = tpu.memref_slice %arg5[%dma_wait3A, %dma_wait3A_25] : memref<328x128xf32, #tpu.memory_space<vmem>> -> memref<312x128xf32, #tpu.memory_space<vmem>>
        %dma_wait3A_27 = arith.constant 0 : i32
        %dma_wait3A_28 = tpu.memref_slice %arg4[%mul3A_2, %dma_wait3A_27] : memref<10000x128xf32, #tpu.memory_space<hbm>> -> memref<312x128xf32, #tpu.memory_space<hbm>>
        %dma_wait3A_29 = arith.constant 0 : i32
        %dma_wait3A_30 = tpu.memref_slice %arg4[%mul3A_2, %dma_wait3A_29] : memref<10000x128xf32, #tpu.memory_space<hbm>> -> memref<312x128xf32, #tpu.memory_space<hbm>>
        %dma_wait3A_31 = arith.constant 0 : i32
        %dma_wait3A_32 = arith.constant 0 : i32
        %dma_wait3A_33 = tpu.memref_slice %arg5[%dma_wait3A_31, %dma_wait3A_32] : memref<328x128xf32, #tpu.memory_space<vmem>> -> memref<312x128xf32, #tpu.memory_space<vmem>>
        tpu.wait_dma2 semaphore(%run_scoped3A_15 : memref<!tpu.dma_semaphore, #tpu.memory_space<semaphore_mem>>) src(%dma_wait3A_33 : memref<312x128xf32, #tpu.memory_space<vmem>>) dst(%dma_wait3A_30 : memref<312x128xf32, #tpu.memory_space<hbm>>)
        tpu.yield
      }) : () -> ()
    } else {
    }
    %eq3A = arith.constant 31 : i32
    %eq3A_5 = arith.cmpi eq, %add3A, %eq3A : i32
    %convert_element_type3A_6 = arith.extui %eq3A_5 : i1 to i32
    %cond3A_7 = arith.constant 0 : i32
    %cond3A_8 = arith.cmpi ne, %convert_element_type3A_6, %cond3A_7 : i32
    scf.if %cond3A_8 {
      %run_scoped3A = arith.constant 0 : i32
      "tpu.region"() ({
        %run_scoped3A_15 = tpu.sem_alloc : memref<!tpu.dma_semaphore, #tpu.memory_space<semaphore_mem>>
        %dma_start3A = arith.constant 0 : i32
        %dma_start3A_16 = tpu.memref_slice %arg2[%run_scoped3A, %mul3A_2, %dma_start3A] : memref<2x10000x128xf32, #tpu.memory_space<hbm>> -> memref<1x328x128xf32, #tpu.memory_space<hbm>>
        %dma_start3A_17 = tpu.memref_squeeze %dma_start3A_16 : memref<1x328x128xf32, #tpu.memory_space<hbm>> -> memref<328x128xf32, #tpu.memory_space<hbm>>
        %dma_start3A_18 = arith.constant 0 : i32
        %dma_start3A_19 = tpu.memref_slice %arg2[%run_scoped3A, %mul3A_2, %dma_start3A_18] : memref<2x10000x128xf32, #tpu.memory_space<hbm>> -> memref<1x328x128xf32, #tpu.memory_space<hbm>>
        %dma_start3A_20 = tpu.memref_squeeze %dma_start3A_19 : memref<1x328x128xf32, #tpu.memory_space<hbm>> -> memref<328x128xf32, #tpu.memory_space<hbm>>
        tpu.enqueue_dma source(%dma_start3A_20 : memref<328x128xf32, #tpu.memory_space<hbm>>) target(%arg5 : memref<328x128xf32, #tpu.memory_space<vmem>>) target_semaphore(%run_scoped3A_15 : memref<!tpu.dma_semaphore, #tpu.memory_space<semaphore_mem>>)
        %dma_wait3A = arith.constant 0 : i32
        %dma_wait3A_21 = tpu.memref_slice %arg2[%run_scoped3A, %mul3A_2, %dma_wait3A] : memref<2x10000x128xf32, #tpu.memory_space<hbm>> -> memref<1x328x128xf32, #tpu.memory_space<hbm>>
        %dma_wait3A_22 = tpu.memref_squeeze %dma_wait3A_21 : memref<1x328x128xf32, #tpu.memory_space<hbm>> -> memref<328x128xf32, #tpu.memory_space<hbm>>
        %dma_wait3A_23 = arith.constant 0 : i32
        %dma_wait3A_24 = tpu.memref_slice %arg2[%run_scoped3A, %mul3A_2, %dma_wait3A_23] : memref<2x10000x128xf32, #tpu.memory_space<hbm>> -> memref<1x328x128xf32, #tpu.memory_space<hbm>>
        %dma_wait3A_25 = tpu.memref_squeeze %dma_wait3A_24 : memref<1x328x128xf32, #tpu.memory_space<hbm>> -> memref<328x128xf32, #tpu.memory_space<hbm>>
        tpu.wait_dma2 semaphore(%run_scoped3A_15 : memref<!tpu.dma_semaphore, #tpu.memory_space<semaphore_mem>>) src(%dma_wait3A_25 : memref<328x128xf32, #tpu.memory_space<hbm>>) dst(%arg5 : memref<328x128xf32, #tpu.memory_space<vmem>>)
        tpu.yield
      }) : () -> ()
      %run_scoped3A_9 = arith.constant 1 : i32
      "tpu.region"() ({
        %run_scoped3A_15 = tpu.sem_alloc : memref<!tpu.dma_semaphore, #tpu.memory_space<semaphore_mem>>
        %dma_start3A = arith.constant 0 : i32
        %dma_start3A_16 = tpu.memref_slice %arg2[%run_scoped3A_9, %mul3A_2, %dma_start3A] : memref<2x10000x128xf32, #tpu.memory_space<hbm>> -> memref<1x328x128xf32, #tpu.memory_space<hbm>>
        %dma_start3A_17 = tpu.memref_squeeze %dma_start3A_16 : memref<1x328x128xf32, #tpu.memory_space<hbm>> -> memref<328x128xf32, #tpu.memory_space<hbm>>
        %dma_start3A_18 = arith.constant 0 : i32
        %dma_start3A_19 = tpu.memref_slice %arg2[%run_scoped3A_9, %mul3A_2, %dma_start3A_18] : memref<2x10000x128xf32, #tpu.memory_space<hbm>> -> memref<1x328x128xf32, #tpu.memory_space<hbm>>
        %dma_start3A_20 = tpu.memref_squeeze %dma_start3A_19 : memref<1x328x128xf32, #tpu.memory_space<hbm>> -> memref<328x128xf32, #tpu.memory_space<hbm>>
        tpu.enqueue_dma source(%dma_start3A_20 : memref<328x128xf32, #tpu.memory_space<hbm>>) target(%arg6 : memref<328x128xf32, #tpu.memory_space<vmem>>) target_semaphore(%run_scoped3A_15 : memref<!tpu.dma_semaphore, #tpu.memory_space<semaphore_mem>>)
        %dma_wait3A = arith.constant 0 : i32
        %dma_wait3A_21 = tpu.memref_slice %arg2[%run_scoped3A_9, %mul3A_2, %dma_wait3A] : memref<2x10000x128xf32, #tpu.memory_space<hbm>> -> memref<1x328x128xf32, #tpu.memory_space<hbm>>
        %dma_wait3A_22 = tpu.memref_squeeze %dma_wait3A_21 : memref<1x328x128xf32, #tpu.memory_space<hbm>> -> memref<328x128xf32, #tpu.memory_space<hbm>>
        %dma_wait3A_23 = arith.constant 0 : i32
        %dma_wait3A_24 = tpu.memref_slice %arg2[%run_scoped3A_9, %mul3A_2, %dma_wait3A_23] : memref<2x10000x128xf32, #tpu.memory_space<hbm>> -> memref<1x328x128xf32, #tpu.memory_space<hbm>>
        %dma_wait3A_25 = tpu.memref_squeeze %dma_wait3A_24 : memref<1x328x128xf32, #tpu.memory_space<hbm>> -> memref<328x128xf32, #tpu.memory_space<hbm>>
        tpu.wait_dma2 semaphore(%run_scoped3A_15 : memref<!tpu.dma_semaphore, #tpu.memory_space<semaphore_mem>>) src(%dma_wait3A_25 : memref<328x128xf32, #tpu.memory_space<hbm>>) dst(%arg6 : memref<328x128xf32, #tpu.memory_space<vmem>>)
        tpu.yield
      }) : () -> ()
      %scan3A = arith.constant 0 : i32
      %scan3A_10 = arith.constant 0 : i32
      %scan3A_11 = arith.constant 328 : i32
      %scan3A_12 = arith.addi %scan3A_10, %scan3A_11 : i32
      %scan3A_13 = arith.constant 1 : i32
      scf.for %scan3A_15 = %scan3A_10 to %scan3A_12 step %scan3A_13  : i32 {
        %get3A = arith.index_cast %scan3A_15 : i32 to index
        %get3A_16 = arith.constant 0 : index
        %get3A_17 = tpu.vector_load %arg5[%get3A, %get3A_16] {strides = array<i32>} : memref<328x128xf32, #tpu.memory_space<vmem>>, vector<1x16xf32>,
        %get3A_18 = vector.shape_cast %get3A_17 : vector<1x16xf32> to vector<16xf32>
        %get3A_19 = arith.index_cast %scan3A_15 : i32 to index
        %get3A_20 = arith.constant 0 : index
        %get3A_21 = tpu.vector_load %arg6[%get3A_19, %get3A_20] {strides = array<i32>} : memref<328x128xf32, #tpu.memory_space<vmem>>, vector<1x16xf32>,
        %get3A_22 = vector.shape_cast %get3A_21 : vector<1x16xf32> to vector<16xf32>
        %add3A_23 = arith.addf %get3A_18, %get3A_22 : vector<16xf32>
        %get3A_24 = arith.constant 0 : index
        %get3A_25 = tpu.vector_load %arg7[%get3A_24] {strides = array<i32>} : memref<128xf32, #tpu.memory_space<vmem>>, vector<16xf32>,
        %get3A_26 = vector.shape_cast %get3A_25 : vector<16xf32> to vector<16xf32>
        %add3A_27 = arith.addf %add3A_23, %get3A_26 : vector<16xf32>
        %max3A = arith.constant 0.000000e+00 : f32
        %max3A_28 = vector.broadcast %max3A : f32 to vector<16xf32>
        %max3A_29 = arith.maximumf %add3A_27, %max3A_28 : vector<16xf32>
        %swap3A = arith.index_cast %scan3A_15 : i32 to index
        %swap3A_30 = arith.constant 0 : index
        %swap3A_31 = tpu.vector_load %arg5[%swap3A, %swap3A_30] {strides = array<i32>} : memref<328x128xf32, #tpu.memory_space<vmem>>, vector<1x16xf32>,
        %swap3A_32 = vector.shape_cast %swap3A_31 : vector<1x16xf32> to vector<16xf32>
        %swap3A_33 = vector.shape_cast %max3A_29 : vector<16xf32> to vector<1x16xf32>
        tpu.vector_store %arg5[%swap3A, %swap3A_30], %swap3A_33 {strides = array<i32>} : memref<328x128xf32, #tpu.memory_space<vmem>>, vector<1x16xf32>,
        %get3A_34 = arith.index_cast %scan3A_15 : i32 to index
        %get3A_35 = arith.constant 16 : index
        %get3A_36 = tpu.vector_load %arg5[%get3A_34, %get3A_35] {strides = array<i32>} : memref<328x128xf32, #tpu.memory_space<vmem>>, vector<1x16xf32>,
        %get3A_37 = vector.shape_cast %get3A_36 : vector<1x16xf32> to vector<16xf32>
        %get3A_38 = arith.index_cast %scan3A_15 : i32 to index
        %get3A_39 = arith.constant 16 : index
        %get3A_40 = tpu.vector_load %arg6[%get3A_38, %get3A_39] {strides = array<i32>} : memref<328x128xf32, #tpu.memory_space<vmem>>, vector<1x16xf32>,
        %get3A_41 = vector.shape_cast %get3A_40 : vector<1x16xf32> to vector<16xf32>
        %add3A_42 = arith.addf %get3A_37, %get3A_41 : vector<16xf32>
        %get3A_43 = arith.constant 16 : index
        %get3A_44 = tpu.vector_load %arg7[%get3A_43] {strides = array<i32>} : memref<128xf32, #tpu.memory_space<vmem>>, vector<16xf32>,
        %get3A_45 = vector.shape_cast %get3A_44 : vector<16xf32> to vector<16xf32>
        %add3A_46 = arith.addf %add3A_42, %get3A_45 : vector<16xf32>
        %max3A_47 = arith.constant 0.000000e+00 : f32
        %max3A_48 = vector.broadcast %max3A_47 : f32 to vector<16xf32>
        %max3A_49 = arith.maximumf %add3A_46, %max3A_48 : vector<16xf32>
        %swap3A_50 = arith.index_cast %scan3A_15 : i32 to index
        %swap3A_51 = arith.constant 16 : index
        %swap3A_52 = tpu.vector_load %arg5[%swap3A_50, %swap3A_51] {strides = array<i32>} : memref<328x128xf32, #tpu.memory_space<vmem>>, vector<1x16xf32>,
        %swap3A_53 = vector.shape_cast %swap3A_52 : vector<1x16xf32> to vector<16xf32>
        %swap3A_54 = vector.shape_cast %max3A_49 : vector<16xf32> to vector<1x16xf32>
        tpu.vector_store %arg5[%swap3A_50, %swap3A_51], %swap3A_54 {strides = array<i32>} : memref<328x128xf32, #tpu.memory_space<vmem>>, vector<1x16xf32>,
        %get3A_55 = arith.index_cast %scan3A_15 : i32 to index
        %get3A_56 = arith.constant 32 : index
        %get3A_57 = tpu.vector_load %arg5[%get3A_55, %get3A_56] {strides = array<i32>} : memref<328x128xf32, #tpu.memory_space<vmem>>, vector<1x16xf32>,
        %get3A_58 = vector.shape_cast %get3A_57 : vector<1x16xf32> to vector<16xf32>
        %get3A_59 = arith.index_cast %scan3A_15 : i32 to index
        %get3A_60 = arith.constant 32 : index
        %get3A_61 = tpu.vector_load %arg6[%get3A_59, %get3A_60] {strides = array<i32>} : memref<328x128xf32, #tpu.memory_space<vmem>>, vector<1x16xf32>,
        %get3A_62 = vector.shape_cast %get3A_61 : vector<1x16xf32> to vector<16xf32>
        %add3A_63 = arith.addf %get3A_58, %get3A_62 : vector<16xf32>
        %get3A_64 = arith.constant 32 : index
        %get3A_65 = tpu.vector_load %arg7[%get3A_64] {strides = array<i32>} : memref<128xf32, #tpu.memory_space<vmem>>, vector<16xf32>,
        %get3A_66 = vector.shape_cast %get3A_65 : vector<16xf32> to vector<16xf32>
        %add3A_67 = arith.addf %add3A_63, %get3A_66 : vector<16xf32>
        %max3A_68 = arith.constant 0.000000e+00 : f32
        %max3A_69 = vector.broadcast %max3A_68 : f32 to vector<16xf32>
        %max3A_70 = arith.maximumf %add3A_67, %max3A_69 : vector<16xf32>
        %swap3A_71 = arith.index_cast %scan3A_15 : i32 to index
        %swap3A_72 = arith.constant 32 : index
        %swap3A_73 = tpu.vector_load %arg5[%swap3A_71, %swap3A_72] {strides = array<i32>} : memref<328x128xf32, #tpu.memory_space<vmem>>, vector<1x16xf32>,
        %swap3A_74 = vector.shape_cast %swap3A_73 : vector<1x16xf32> to vector<16xf32>
        %swap3A_75 = vector.shape_cast %max3A_70 : vector<16xf32> to vector<1x16xf32>
        tpu.vector_store %arg5[%swap3A_71, %swap3A_72], %swap3A_75 {strides = array<i32>} : memref<328x128xf32, #tpu.memory_space<vmem>>, vector<1x16xf32>,
        %get3A_76 = arith.index_cast %scan3A_15 : i32 to index
        %get3A_77 = arith.constant 48 : index
        %get3A_78 = tpu.vector_load %arg5[%get3A_76, %get3A_77] {strides = array<i32>} : memref<328x128xf32, #tpu.memory_space<vmem>>, vector<1x16xf32>,
        %get3A_79 = vector.shape_cast %get3A_78 : vector<1x16xf32> to vector<16xf32>
        %get3A_80 = arith.index_cast %scan3A_15 : i32 to index
        %get3A_81 = arith.constant 48 : index
        %get3A_82 = tpu.vector_load %arg6[%get3A_80, %get3A_81] {strides = array<i32>} : memref<328x128xf32, #tpu.memory_space<vmem>>, vector<1x16xf32>,
        %get3A_83 = vector.shape_cast %get3A_82 : vector<1x16xf32> to vector<16xf32>
        %add3A_84 = arith.addf %get3A_79, %get3A_83 : vector<16xf32>
        %get3A_85 = arith.constant 48 : index
        %get3A_86 = tpu.vector_load %arg7[%get3A_85] {strides = array<i32>} : memref<128xf32, #tpu.memory_space<vmem>>, vector<16xf32>,
        %get3A_87 = vector.shape_cast %get3A_86 : vector<16xf32> to vector<16xf32>
        %add3A_88 = arith.addf %add3A_84, %get3A_87 : vector<16xf32>
        %max3A_89 = arith.constant 0.000000e+00 : f32
        %max3A_90 = vector.broadcast %max3A_89 : f32 to vector<16xf32>
        %max3A_91 = arith.maximumf %add3A_88, %max3A_90 : vector<16xf32>
        %swap3A_92 = arith.index_cast %scan3A_15 : i32 to index
        %swap3A_93 = arith.constant 48 : index
        %swap3A_94 = tpu.vector_load %arg5[%swap3A_92, %swap3A_93] {strides = array<i32>} : memref<328x128xf32, #tpu.memory_space<vmem>>, vector<1x16xf32>,
        %swap3A_95 = vector.shape_cast %swap3A_94 : vector<1x16xf32> to vector<16xf32>
        %swap3A_96 = vector.shape_cast %max3A_91 : vector<16xf32> to vector<1x16xf32>
        tpu.vector_store %arg5[%swap3A_92, %swap3A_93], %swap3A_96 {strides = array<i32>} : memref<328x128xf32, #tpu.memory_space<vmem>>, vector<1x16xf32>,
        %get3A_97 = arith.index_cast %scan3A_15 : i32 to index
        %get3A_98 = arith.constant 64 : index
        %get3A_99 = tpu.vector_load %arg5[%get3A_97, %get3A_98] {strides = array<i32>} : memref<328x128xf32, #tpu.memory_space<vmem>>, vector<1x16xf32>,
        %get3A_100 = vector.shape_cast %get3A_99 : vector<1x16xf32> to vector<16xf32>
        %get3A_101 = arith.index_cast %scan3A_15 : i32 to index
        %get3A_102 = arith.constant 64 : index
        %get3A_103 = tpu.vector_load %arg6[%get3A_101, %get3A_102] {strides = array<i32>} : memref<328x128xf32, #tpu.memory_space<vmem>>, vector<1x16xf32>,
        %get3A_104 = vector.shape_cast %get3A_103 : vector<1x16xf32> to vector<16xf32>
        %add3A_105 = arith.addf %get3A_100, %get3A_104 : vector<16xf32>
        %get3A_106 = arith.constant 64 : index
        %get3A_107 = tpu.vector_load %arg7[%get3A_106] {strides = array<i32>} : memref<128xf32, #tpu.memory_space<vmem>>, vector<16xf32>,
        %get3A_108 = vector.shape_cast %get3A_107 : vector<16xf32> to vector<16xf32>
        %add3A_109 = arith.addf %add3A_105, %get3A_108 : vector<16xf32>
        %max3A_110 = arith.constant 0.000000e+00 : f32
        %max3A_111 = vector.broadcast %max3A_110 : f32 to vector<16xf32>
        %max3A_112 = arith.maximumf %add3A_109, %max3A_111 : vector<16xf32>
        %swap3A_113 = arith.index_cast %scan3A_15 : i32 to index
        %swap3A_114 = arith.constant 64 : index
        %swap3A_115 = tpu.vector_load %arg5[%swap3A_113, %swap3A_114] {strides = array<i32>} : memref<328x128xf32, #tpu.memory_space<vmem>>, vector<1x16xf32>,
        %swap3A_116 = vector.shape_cast %swap3A_115 : vector<1x16xf32> to vector<16xf32>
        %swap3A_117 = vector.shape_cast %max3A_112 : vector<16xf32> to vector<1x16xf32>
        tpu.vector_store %arg5[%swap3A_113, %swap3A_114], %swap3A_117 {strides = array<i32>} : memref<328x128xf32, #tpu.memory_space<vmem>>, vector<1x16xf32>,
        %get3A_118 = arith.index_cast %scan3A_15 : i32 to index
        %get3A_119 = arith.constant 80 : index
        %get3A_120 = tpu.vector_load %arg5[%get3A_118, %get3A_119] {strides = array<i32>} : memref<328x128xf32, #tpu.memory_space<vmem>>, vector<1x16xf32>,
        %get3A_121 = vector.shape_cast %get3A_120 : vector<1x16xf32> to vector<16xf32>
        %get3A_122 = arith.index_cast %scan3A_15 : i32 to index
        %get3A_123 = arith.constant 80 : index
        %get3A_124 = tpu.vector_load %arg6[%get3A_122, %get3A_123] {strides = array<i32>} : memref<328x128xf32, #tpu.memory_space<vmem>>, vector<1x16xf32>,
        %get3A_125 = vector.shape_cast %get3A_124 : vector<1x16xf32> to vector<16xf32>
        %add3A_126 = arith.addf %get3A_121, %get3A_125 : vector<16xf32>
        %get3A_127 = arith.constant 80 : index
        %get3A_128 = tpu.vector_load %arg7[%get3A_127] {strides = array<i32>} : memref<128xf32, #tpu.memory_space<vmem>>, vector<16xf32>,
        %get3A_129 = vector.shape_cast %get3A_128 : vector<16xf32> to vector<16xf32>
        %add3A_130 = arith.addf %add3A_126, %get3A_129 : vector<16xf32>
        %max3A_131 = arith.constant 0.000000e+00 : f32
        %max3A_132 = vector.broadcast %max3A_131 : f32 to vector<16xf32>
        %max3A_133 = arith.maximumf %add3A_130, %max3A_132 : vector<16xf32>
        %swap3A_134 = arith.index_cast %scan3A_15 : i32 to index
        %swap3A_135 = arith.constant 80 : index
        %swap3A_136 = tpu.vector_load %arg5[%swap3A_134, %swap3A_135] {strides = array<i32>} : memref<328x128xf32, #tpu.memory_space<vmem>>, vector<1x16xf32>,
        %swap3A_137 = vector.shape_cast %swap3A_136 : vector<1x16xf32> to vector<16xf32>
        %swap3A_138 = vector.shape_cast %max3A_133 : vector<16xf32> to vector<1x16xf32>
        tpu.vector_store %arg5[%swap3A_134, %swap3A_135], %swap3A_138 {strides = array<i32>} : memref<328x128xf32, #tpu.memory_space<vmem>>, vector<1x16xf32>,
        %get3A_139 = arith.index_cast %scan3A_15 : i32 to index
        %get3A_140 = arith.constant 96 : index
        %get3A_141 = tpu.vector_load %arg5[%get3A_139, %get3A_140] {strides = array<i32>} : memref<328x128xf32, #tpu.memory_space<vmem>>, vector<1x16xf32>,
        %get3A_142 = vector.shape_cast %get3A_141 : vector<1x16xf32> to vector<16xf32>
        %get3A_143 = arith.index_cast %scan3A_15 : i32 to index
        %get3A_144 = arith.constant 96 : index
        %get3A_145 = tpu.vector_load %arg6[%get3A_143, %get3A_144] {strides = array<i32>} : memref<328x128xf32, #tpu.memory_space<vmem>>, vector<1x16xf32>,
        %get3A_146 = vector.shape_cast %get3A_145 : vector<1x16xf32> to vector<16xf32>
        %add3A_147 = arith.addf %get3A_142, %get3A_146 : vector<16xf32>
        %get3A_148 = arith.constant 96 : index
        %get3A_149 = tpu.vector_load %arg7[%get3A_148] {strides = array<i32>} : memref<128xf32, #tpu.memory_space<vmem>>, vector<16xf32>,
        %get3A_150 = vector.shape_cast %get3A_149 : vector<16xf32> to vector<16xf32>
        %add3A_151 = arith.addf %add3A_147, %get3A_150 : vector<16xf32>
        %max3A_152 = arith.constant 0.000000e+00 : f32
        %max3A_153 = vector.broadcast %max3A_152 : f32 to vector<16xf32>
        %max3A_154 = arith.maximumf %add3A_151, %max3A_153 : vector<16xf32>
        %swap3A_155 = arith.index_cast %scan3A_15 : i32 to index
        %swap3A_156 = arith.constant 96 : index
        %swap3A_157 = tpu.vector_load %arg5[%swap3A_155, %swap3A_156] {strides = array<i32>} : memref<328x128xf32, #tpu.memory_space<vmem>>, vector<1x16xf32>,
        %swap3A_158 = vector.shape_cast %swap3A_157 : vector<1x16xf32> to vector<16xf32>
        %swap3A_159 = vector.shape_cast %max3A_154 : vector<16xf32> to vector<1x16xf32>
        tpu.vector_store %arg5[%swap3A_155, %swap3A_156], %swap3A_159 {strides = array<i32>} : memref<328x128xf32, #tpu.memory_space<vmem>>, vector<1x16xf32>,
        %get3A_160 = arith.index_cast %scan3A_15 : i32 to index
        %get3A_161 = arith.constant 112 : index
        %get3A_162 = tpu.vector_load %arg5[%get3A_160, %get3A_161] {strides = array<i32>} : memref<328x128xf32, #tpu.memory_space<vmem>>, vector<1x16xf32>,
        %get3A_163 = vector.shape_cast %get3A_162 : vector<1x16xf32> to vector<16xf32>
        %get3A_164 = arith.index_cast %scan3A_15 : i32 to index
        %get3A_165 = arith.constant 112 : index
        %get3A_166 = tpu.vector_load %arg6[%get3A_164, %get3A_165] {strides = array<i32>} : memref<328x128xf32, #tpu.memory_space<vmem>>, vector<1x16xf32>,
        %get3A_167 = vector.shape_cast %get3A_166 : vector<1x16xf32> to vector<16xf32>
        %add3A_168 = arith.addf %get3A_163, %get3A_167 : vector<16xf32>
        %get3A_169 = arith.constant 112 : index
        %get3A_170 = tpu.vector_load %arg7[%get3A_169] {strides = array<i32>} : memref<128xf32, #tpu.memory_space<vmem>>, vector<16xf32>,
        %get3A_171 = vector.shape_cast %get3A_170 : vector<16xf32> to vector<16xf32>
        %add3A_172 = arith.addf %add3A_168, %get3A_171 : vector<16xf32>
        %max3A_173 = arith.constant 0.000000e+00 : f32
        %max3A_174 = vector.broadcast %max3A_173 : f32 to vector<16xf32>
        %max3A_175 = arith.maximumf %add3A_172, %max3A_174 : vector<16xf32>
        %swap3A_176 = arith.index_cast %scan3A_15 : i32 to index
        %swap3A_177 = arith.constant 112 : index
        %swap3A_178 = tpu.vector_load %arg5[%swap3A_176, %swap3A_177] {strides = array<i32>} : memref<328x128xf32, #tpu.memory_space<vmem>>, vector<1x16xf32>,
        %swap3A_179 = vector.shape_cast %swap3A_178 : vector<1x16xf32> to vector<16xf32>
        %swap3A_180 = vector.shape_cast %max3A_175 : vector<16xf32> to vector<1x16xf32>
        tpu.vector_store %arg5[%swap3A_176, %swap3A_177], %swap3A_180 {strides = array<i32>} : memref<328x128xf32, #tpu.memory_space<vmem>>, vector<1x16xf32>,
      }
      %scan3A_14 = arith.constant 328 : i32
      "tpu.region"() ({
        %run_scoped3A_15 = tpu.sem_alloc : memref<!tpu.dma_semaphore, #tpu.memory_space<semaphore_mem>>
        %dma_start3A = arith.constant 0 : i32
        %dma_start3A_16 = tpu.memref_slice %arg4[%mul3A_2, %dma_start3A] : memref<10000x128xf32, #tpu.memory_space<hbm>> -> memref<328x128xf32, #tpu.memory_space<hbm>>
        %dma_start3A_17 = arith.constant 0 : i32
        %dma_start3A_18 = tpu.memref_slice %arg4[%mul3A_2, %dma_start3A_17] : memref<10000x128xf32, #tpu.memory_space<hbm>> -> memref<328x128xf32, #tpu.memory_space<hbm>>
        tpu.enqueue_dma source(%arg5 : memref<328x128xf32, #tpu.memory_space<vmem>>) target(%dma_start3A_18 : memref<328x128xf32, #tpu.memory_space<hbm>>) target_semaphore(%run_scoped3A_15 : memref<!tpu.dma_semaphore, #tpu.memory_space<semaphore_mem>>)
        %dma_wait3A = arith.constant 0 : i32
        %dma_wait3A_19 = tpu.memref_slice %arg4[%mul3A_2, %dma_wait3A] : memref<10000x128xf32, #tpu.memory_space<hbm>> -> memref<328x128xf32, #tpu.memory_space<hbm>>
        %dma_wait3A_20 = arith.constant 0 : i32
        %dma_wait3A_21 = tpu.memref_slice %arg4[%mul3A_2, %dma_wait3A_20] : memref<10000x128xf32, #tpu.memory_space<hbm>> -> memref<328x128xf32, #tpu.memory_space<hbm>>
        tpu.wait_dma2 semaphore(%run_scoped3A_15 : memref<!tpu.dma_semaphore, #tpu.memory_space<semaphore_mem>>) src(%arg5 : memref<328x128xf32, #tpu.memory_space<vmem>>) dst(%dma_wait3A_21 : memref<328x128xf32, #tpu.memory_space<hbm>>)
        tpu.yield
      }) : () -> ()
    } else {
    }
    return
  }
}

#map = affine_map<(d0, d1) -> (0, 0)>
#map1 = affine_map<(d0, d1) -> (0)>
#map2 = affine_map<(d0, d1) -> (0, 0, 0)>
module attributes {stable_mosaic.version = 14 : i64} {
  func.func @_sc_body(%arg0: i32, %arg1: i32, %arg2: memref<20000x128xi32, #tpu.memory_space<hbm>>, %arg3: memref<320000xi32, #tpu.memory_space<hbm>>, %arg4: memref<320000xi32, #tpu.memory_space<hbm>>, %arg5: memref<320000xf32, #tpu.memory_space<hbm>>, %arg6: memref<320000xf32, #tpu.memory_space<hbm>>, %arg7: memref<320000xf32, #tpu.memory_space<hbm>>, %arg8: memref<320000xf32, #tpu.memory_space<hbm>>, %arg9: memref<640x128xf32, #tpu.memory_space<hbm>>, %arg10: memref<2x10000x128xf32, #tpu.memory_space<hbm>>, %arg11: memref<800xi32, #tpu.memory_space<vmem>>, %arg12: memref<800xi32, #tpu.memory_space<vmem>>, %arg13: memref<3200xf32, #tpu.memory_space<vmem>>, %arg14: memref<2x1x80xi32, #tpu.memory_space<vmem>>, %arg15: memref<2x1x40xi32, #tpu.memory_space<vmem>>, %arg16: memref<2x80x128xi32, #tpu.memory_space<vmem>>, %arg17: memref<2x40x128xf32, #tpu.memory_space<vmem>>, %arg18: memref<10000x128xf32, #tpu.memory_space<vmem_shared>>, %arg19: memref<!tpu.dma_semaphore, #tpu.memory_space<semaphore_mem>>, %arg20: memref<!tpu.dma_semaphore, #tpu.memory_space<semaphore_mem>>, %arg21: memref<!tpu.dma_semaphore, #tpu.memory_space<semaphore_mem>>, %arg22: memref<!tpu.dma_semaphore, #tpu.memory_space<semaphore_mem>>, %arg23: memref<!tpu.dma_semaphore, #tpu.memory_space<semaphore_mem>>) attributes {dimension_semantics = [#tpu.dimension_semantics<core_parallel>, #tpu.dimension_semantics<subcore_parallel>], iteration_bounds = array<i64: 2, 16>, scalar_prefetch = 0 : i64, scratch_operands = 13 : i64, tpu.core_type = #tpu.core_type<sc_vector_subcore>, window_params = [{transform_indices = #map}, {transform_indices = #map1}, {transform_indices = #map1}, {transform_indices = #map1}, {transform_indices = #map1}, {transform_indices = #map1}, {transform_indices = #map1}, {transform_indices = #map}, {transform_indices = #map2}]} {
    %mul3A = arith.constant 16 : i32
    %mul3A_0 = arith.muli %arg0, %mul3A : i32
    %add3A = arith.addi %mul3A_0, %arg1 : i32
    %mul3A_1 = arith.constant 10000 : i32
    %mul3A_2 = arith.muli %add3A, %mul3A_1 : i32
    %lt3A = arith.constant 15 : i32
    %lt3A_3 = arith.cmpi slt, %arg1, %lt3A : i32
    %convert_element_type3A = arith.extui %lt3A_3 : i1 to i32
    %cond3A = arith.constant 0 : i32
    %cond3A_4 = arith.cmpi ne, %convert_element_type3A, %cond3A : i32
    scf.if %cond3A_4 {
      %mul3A_202 = arith.constant 624 : i32
      %mul3A_203 = arith.muli %arg1, %mul3A_202 : i32
      "tpu.region"() ({
        %run_scoped3A = tpu.sem_alloc : memref<!tpu.dma_semaphore, #tpu.memory_space<semaphore_mem>>
        %dma_start3A_204 = arith.constant 0 : i32
        %dma_start3A_205 = tpu.memref_slice %arg18[%mul3A_203, %dma_start3A_204] : memref<10000x128xf32, #tpu.memory_space<vmem_shared>> -> memref<624x128xf32, #tpu.memory_space<vmem_shared>>
        %dma_start3A_206 = arith.constant 0 : i32
        %dma_start3A_207 = arith.constant 0 : i32
        %dma_start3A_208 = tpu.memref_slice %arg9[%dma_start3A_206, %dma_start3A_207] : memref<640x128xf32, #tpu.memory_space<hbm>> -> memref<624x128xf32, #tpu.memory_space<hbm>>
        tpu.enqueue_dma source(%dma_start3A_208 : memref<624x128xf32, #tpu.memory_space<hbm>>) target(%dma_start3A_205 : memref<624x128xf32, #tpu.memory_space<vmem_shared>>) target_semaphore(%run_scoped3A : memref<!tpu.dma_semaphore, #tpu.memory_space<semaphore_mem>>)
        %dma_wait3A_209 = arith.constant 0 : i32
        %dma_wait3A_210 = tpu.memref_slice %arg18[%mul3A_203, %dma_wait3A_209] : memref<10000x128xf32, #tpu.memory_space<vmem_shared>> -> memref<624x128xf32, #tpu.memory_space<vmem_shared>>
        %dma_wait3A_211 = arith.constant 0 : i32
        %dma_wait3A_212 = arith.constant 0 : i32
        %dma_wait3A_213 = tpu.memref_slice %arg9[%dma_wait3A_211, %dma_wait3A_212] : memref<640x128xf32, #tpu.memory_space<hbm>> -> memref<624x128xf32, #tpu.memory_space<hbm>>
        tpu.wait_dma2 semaphore(%run_scoped3A : memref<!tpu.dma_semaphore, #tpu.memory_space<semaphore_mem>>) src(%dma_wait3A_213 : memref<624x128xf32, #tpu.memory_space<hbm>>) dst(%dma_wait3A_210 : memref<624x128xf32, #tpu.memory_space<vmem_shared>>)
        tpu.yield
      }) : () -> ()
    } else {
    }
    %eq3A = arith.constant 15 : i32
    %eq3A_5 = arith.cmpi eq, %arg1, %eq3A : i32
    %convert_element_type3A_6 = arith.extui %eq3A_5 : i1 to i32
    %cond3A_7 = arith.constant 0 : i32
    %cond3A_8 = arith.cmpi ne, %convert_element_type3A_6, %cond3A_7 : i32
    scf.if %cond3A_8 {
      "tpu.region"() ({
        %run_scoped3A = tpu.sem_alloc : memref<!tpu.dma_semaphore, #tpu.memory_space<semaphore_mem>>
        %dma_start3A_202 = arith.constant 9360 : i32
        %dma_start3A_203 = arith.constant 0 : i32
        %dma_start3A_204 = tpu.memref_slice %arg18[%dma_start3A_202, %dma_start3A_203] : memref<10000x128xf32, #tpu.memory_space<vmem_shared>> -> memref<640x128xf32, #tpu.memory_space<vmem_shared>>
        tpu.enqueue_dma source(%arg9 : memref<640x128xf32, #tpu.memory_space<hbm>>) target(%dma_start3A_204 : memref<640x128xf32, #tpu.memory_space<vmem_shared>>) target_semaphore(%run_scoped3A : memref<!tpu.dma_semaphore, #tpu.memory_space<semaphore_mem>>)
        %dma_wait3A_205 = arith.constant 9360 : i32
        %dma_wait3A_206 = arith.constant 0 : i32
        %dma_wait3A_207 = tpu.memref_slice %arg18[%dma_wait3A_205, %dma_wait3A_206] : memref<10000x128xf32, #tpu.memory_space<vmem_shared>> -> memref<640x128xf32, #tpu.memory_space<vmem_shared>>
        tpu.wait_dma2 semaphore(%run_scoped3A : memref<!tpu.dma_semaphore, #tpu.memory_space<semaphore_mem>>) src(%arg9 : memref<640x128xf32, #tpu.memory_space<hbm>>) dst(%dma_wait3A_207 : memref<640x128xf32, #tpu.memory_space<vmem_shared>>)
        tpu.yield
      }) : () -> ()
    } else {
    }
    %barrier3A = arith.constant 0 : index
    tpu.barrier barrier_id(%barrier3A)
    %add3A_9 = arith.constant 0 : i32
    %add3A_10 = arith.addi %mul3A_2, %add3A_9 : i32
    %dma_start3A = arith.constant 0 : i32
    %dma_start3A_11 = tpu.memref_slice %arg11[%dma_start3A] : memref<800xi32, #tpu.memory_space<vmem>> -> memref<400xi32, #tpu.memory_space<vmem>>
    %dma_start3A_12 = tpu.memref_slice %arg3[%add3A_10] : memref<320000xi32, #tpu.memory_space<hbm>> -> memref<400xi32, #tpu.memory_space<hbm>>
    %dma_start3A_13 = arith.constant 0 : i32
    %dma_start3A_14 = tpu.memref_slice %arg11[%dma_start3A_13] : memref<800xi32, #tpu.memory_space<vmem>> -> memref<400xi32, #tpu.memory_space<vmem>>
    %dma_start3A_15 = tpu.memref_slice %arg3[%add3A_10] : memref<320000xi32, #tpu.memory_space<hbm>> -> memref<400xi32, #tpu.memory_space<hbm>>
    tpu.enqueue_dma source(%dma_start3A_15 : memref<400xi32, #tpu.memory_space<hbm>>) target(%dma_start3A_14 : memref<400xi32, #tpu.memory_space<vmem>>) target_semaphore(%arg23 : memref<!tpu.dma_semaphore, #tpu.memory_space<semaphore_mem>>)
    %dma_start3A_16 = arith.constant 0 : i32
    %dma_start3A_17 = tpu.memref_slice %arg12[%dma_start3A_16] : memref<800xi32, #tpu.memory_space<vmem>> -> memref<400xi32, #tpu.memory_space<vmem>>
    %dma_start3A_18 = tpu.memref_slice %arg4[%add3A_10] : memref<320000xi32, #tpu.memory_space<hbm>> -> memref<400xi32, #tpu.memory_space<hbm>>
    %dma_start3A_19 = arith.constant 0 : i32
    %dma_start3A_20 = tpu.memref_slice %arg12[%dma_start3A_19] : memref<800xi32, #tpu.memory_space<vmem>> -> memref<400xi32, #tpu.memory_space<vmem>>
    %dma_start3A_21 = tpu.memref_slice %arg4[%add3A_10] : memref<320000xi32, #tpu.memory_space<hbm>> -> memref<400xi32, #tpu.memory_space<hbm>>
    tpu.enqueue_dma source(%dma_start3A_21 : memref<400xi32, #tpu.memory_space<hbm>>) target(%dma_start3A_20 : memref<400xi32, #tpu.memory_space<vmem>>) target_semaphore(%arg23 : memref<!tpu.dma_semaphore, #tpu.memory_space<semaphore_mem>>)
    %dma_start3A_22 = arith.constant 0 : i32
    %dma_start3A_23 = tpu.memref_slice %arg13[%dma_start3A_22] : memref<3200xf32, #tpu.memory_space<vmem>> -> memref<400xf32, #tpu.memory_space<vmem>>
    %dma_start3A_24 = tpu.memref_slice %arg5[%add3A_10] : memref<320000xf32, #tpu.memory_space<hbm>> -> memref<400xf32, #tpu.memory_space<hbm>>
    %dma_start3A_25 = arith.constant 0 : i32
    %dma_start3A_26 = tpu.memref_slice %arg13[%dma_start3A_25] : memref<3200xf32, #tpu.memory_space<vmem>> -> memref<400xf32, #tpu.memory_space<vmem>>
    %dma_start3A_27 = tpu.memref_slice %arg5[%add3A_10] : memref<320000xf32, #tpu.memory_space<hbm>> -> memref<400xf32, #tpu.memory_space<hbm>>
    tpu.enqueue_dma source(%dma_start3A_27 : memref<400xf32, #tpu.memory_space<hbm>>) target(%dma_start3A_26 : memref<400xf32, #tpu.memory_space<vmem>>) target_semaphore(%arg23 : memref<!tpu.dma_semaphore, #tpu.memory_space<semaphore_mem>>)
    %dma_start3A_28 = arith.constant 400 : i32
    %dma_start3A_29 = tpu.memref_slice %arg13[%dma_start3A_28] : memref<3200xf32, #tpu.memory_space<vmem>> -> memref<400xf32, #tpu.memory_space<vmem>>
    %dma_start3A_30 = tpu.memref_slice %arg6[%add3A_10] : memref<320000xf32, #tpu.memory_space<hbm>> -> memref<400xf32, #tpu.memory_space<hbm>>
    %dma_start3A_31 = arith.constant 400 : i32
    %dma_start3A_32 = tpu.memref_slice %arg13[%dma_start3A_31] : memref<3200xf32, #tpu.memory_space<vmem>> -> memref<400xf32, #tpu.memory_space<vmem>>
    %dma_start3A_33 = tpu.memref_slice %arg6[%add3A_10] : memref<320000xf32, #tpu.memory_space<hbm>> -> memref<400xf32, #tpu.memory_space<hbm>>
    tpu.enqueue_dma source(%dma_start3A_33 : memref<400xf32, #tpu.memory_space<hbm>>) target(%dma_start3A_32 : memref<400xf32, #tpu.memory_space<vmem>>) target_semaphore(%arg23 : memref<!tpu.dma_semaphore, #tpu.memory_space<semaphore_mem>>)
    %dma_start3A_34 = arith.constant 800 : i32
    %dma_start3A_35 = tpu.memref_slice %arg13[%dma_start3A_34] : memref<3200xf32, #tpu.memory_space<vmem>> -> memref<400xf32, #tpu.memory_space<vmem>>
    %dma_start3A_36 = tpu.memref_slice %arg7[%add3A_10] : memref<320000xf32, #tpu.memory_space<hbm>> -> memref<400xf32, #tpu.memory_space<hbm>>
    %dma_start3A_37 = arith.constant 800 : i32
    %dma_start3A_38 = tpu.memref_slice %arg13[%dma_start3A_37] : memref<3200xf32, #tpu.memory_space<vmem>> -> memref<400xf32, #tpu.memory_space<vmem>>
    %dma_start3A_39 = tpu.memref_slice %arg7[%add3A_10] : memref<320000xf32, #tpu.memory_space<hbm>> -> memref<400xf32, #tpu.memory_space<hbm>>
    tpu.enqueue_dma source(%dma_start3A_39 : memref<400xf32, #tpu.memory_space<hbm>>) target(%dma_start3A_38 : memref<400xf32, #tpu.memory_space<vmem>>) target_semaphore(%arg23 : memref<!tpu.dma_semaphore, #tpu.memory_space<semaphore_mem>>)
    %dma_start3A_40 = arith.constant 1200 : i32
    %dma_start3A_41 = tpu.memref_slice %arg13[%dma_start3A_40] : memref<3200xf32, #tpu.memory_space<vmem>> -> memref<400xf32, #tpu.memory_space<vmem>>
    %dma_start3A_42 = tpu.memref_slice %arg8[%add3A_10] : memref<320000xf32, #tpu.memory_space<hbm>> -> memref<400xf32, #tpu.memory_space<hbm>>
    %dma_start3A_43 = arith.constant 1200 : i32
    %dma_start3A_44 = tpu.memref_slice %arg13[%dma_start3A_43] : memref<3200xf32, #tpu.memory_space<vmem>> -> memref<400xf32, #tpu.memory_space<vmem>>
    %dma_start3A_45 = tpu.memref_slice %arg8[%add3A_10] : memref<320000xf32, #tpu.memory_space<hbm>> -> memref<400xf32, #tpu.memory_space<hbm>>
    tpu.enqueue_dma source(%dma_start3A_45 : memref<400xf32, #tpu.memory_space<hbm>>) target(%dma_start3A_44 : memref<400xf32, #tpu.memory_space<vmem>>) target_semaphore(%arg23 : memref<!tpu.dma_semaphore, #tpu.memory_space<semaphore_mem>>)
    %add3A_46 = arith.constant 0 : i32
    %add3A_47 = arith.addi %mul3A_2, %add3A_46 : i32
    %dma_wait3A = arith.constant 0 : i32
    %dma_wait3A_48 = tpu.memref_slice %arg11[%dma_wait3A] : memref<800xi32, #tpu.memory_space<vmem>> -> memref<400xi32, #tpu.memory_space<vmem>>
    %dma_wait3A_49 = tpu.memref_slice %arg3[%add3A_47] : memref<320000xi32, #tpu.memory_space<hbm>> -> memref<400xi32, #tpu.memory_space<hbm>>
    %dma_wait3A_50 = arith.constant 0 : i32
    %dma_wait3A_51 = tpu.memref_slice %arg11[%dma_wait3A_50] : memref<800xi32, #tpu.memory_space<vmem>> -> memref<400xi32, #tpu.memory_space<vmem>>
    %dma_wait3A_52 = tpu.memref_slice %arg3[%add3A_47] : memref<320000xi32, #tpu.memory_space<hbm>> -> memref<400xi32, #tpu.memory_space<hbm>>
    tpu.wait_dma2 semaphore(%arg23 : memref<!tpu.dma_semaphore, #tpu.memory_space<semaphore_mem>>) src(%dma_wait3A_52 : memref<400xi32, #tpu.memory_space<hbm>>) dst(%dma_wait3A_51 : memref<400xi32, #tpu.memory_space<vmem>>)
    %dma_wait3A_53 = arith.constant 0 : i32
    %dma_wait3A_54 = tpu.memref_slice %arg12[%dma_wait3A_53] : memref<800xi32, #tpu.memory_space<vmem>> -> memref<400xi32, #tpu.memory_space<vmem>>
    %dma_wait3A_55 = tpu.memref_slice %arg4[%add3A_47] : memref<320000xi32, #tpu.memory_space<hbm>> -> memref<400xi32, #tpu.memory_space<hbm>>
    %dma_wait3A_56 = arith.constant 0 : i32
    %dma_wait3A_57 = tpu.memref_slice %arg12[%dma_wait3A_56] : memref<800xi32, #tpu.memory_space<vmem>> -> memref<400xi32, #tpu.memory_space<vmem>>
    %dma_wait3A_58 = tpu.memref_slice %arg4[%add3A_47] : memref<320000xi32, #tpu.memory_space<hbm>> -> memref<400xi32, #tpu.memory_space<hbm>>
    tpu.wait_dma2 semaphore(%arg23 : memref<!tpu.dma_semaphore, #tpu.memory_space<semaphore_mem>>) src(%dma_wait3A_58 : memref<400xi32, #tpu.memory_space<hbm>>) dst(%dma_wait3A_57 : memref<400xi32, #tpu.memory_space<vmem>>)
    %dma_wait3A_59 = arith.constant 0 : i32
    %dma_wait3A_60 = tpu.memref_slice %arg13[%dma_wait3A_59] : memref<3200xf32, #tpu.memory_space<vmem>> -> memref<400xf32, #tpu.memory_space<vmem>>
    %dma_wait3A_61 = tpu.memref_slice %arg5[%add3A_47] : memref<320000xf32, #tpu.memory_space<hbm>> -> memref<400xf32, #tpu.memory_space<hbm>>
    %dma_wait3A_62 = arith.constant 0 : i32
    %dma_wait3A_63 = tpu.memref_slice %arg13[%dma_wait3A_62] : memref<3200xf32, #tpu.memory_space<vmem>> -> memref<400xf32, #tpu.memory_space<vmem>>
    %dma_wait3A_64 = tpu.memref_slice %arg5[%add3A_47] : memref<320000xf32, #tpu.memory_space<hbm>> -> memref<400xf32, #tpu.memory_space<hbm>>
    tpu.wait_dma2 semaphore(%arg23 : memref<!tpu.dma_semaphore, #tpu.memory_space<semaphore_mem>>) src(%dma_wait3A_64 : memref<400xf32, #tpu.memory_space<hbm>>) dst(%dma_wait3A_63 : memref<400xf32, #tpu.memory_space<vmem>>)
    %dma_wait3A_65 = arith.constant 400 : i32
    %dma_wait3A_66 = tpu.memref_slice %arg13[%dma_wait3A_65] : memref<3200xf32, #tpu.memory_space<vmem>> -> memref<400xf32, #tpu.memory_space<vmem>>
    %dma_wait3A_67 = tpu.memref_slice %arg6[%add3A_47] : memref<320000xf32, #tpu.memory_space<hbm>> -> memref<400xf32, #tpu.memory_space<hbm>>
    %dma_wait3A_68 = arith.constant 400 : i32
    %dma_wait3A_69 = tpu.memref_slice %arg13[%dma_wait3A_68] : memref<3200xf32, #tpu.memory_space<vmem>> -> memref<400xf32, #tpu.memory_space<vmem>>
    %dma_wait3A_70 = tpu.memref_slice %arg6[%add3A_47] : memref<320000xf32, #tpu.memory_space<hbm>> -> memref<400xf32, #tpu.memory_space<hbm>>
    tpu.wait_dma2 semaphore(%arg23 : memref<!tpu.dma_semaphore, #tpu.memory_space<semaphore_mem>>) src(%dma_wait3A_70 : memref<400xf32, #tpu.memory_space<hbm>>) dst(%dma_wait3A_69 : memref<400xf32, #tpu.memory_space<vmem>>)
    %dma_wait3A_71 = arith.constant 800 : i32
    %dma_wait3A_72 = tpu.memref_slice %arg13[%dma_wait3A_71] : memref<3200xf32, #tpu.memory_space<vmem>> -> memref<400xf32, #tpu.memory_space<vmem>>
    %dma_wait3A_73 = tpu.memref_slice %arg7[%add3A_47] : memref<320000xf32, #tpu.memory_space<hbm>> -> memref<400xf32, #tpu.memory_space<hbm>>
    %dma_wait3A_74 = arith.constant 800 : i32
    %dma_wait3A_75 = tpu.memref_slice %arg13[%dma_wait3A_74] : memref<3200xf32, #tpu.memory_space<vmem>> -> memref<400xf32, #tpu.memory_space<vmem>>
    %dma_wait3A_76 = tpu.memref_slice %arg7[%add3A_47] : memref<320000xf32, #tpu.memory_space<hbm>> -> memref<400xf32, #tpu.memory_space<hbm>>
    tpu.wait_dma2 semaphore(%arg23 : memref<!tpu.dma_semaphore, #tpu.memory_space<semaphore_mem>>) src(%dma_wait3A_76 : memref<400xf32, #tpu.memory_space<hbm>>) dst(%dma_wait3A_75 : memref<400xf32, #tpu.memory_space<vmem>>)
    %dma_wait3A_77 = arith.constant 1200 : i32
    %dma_wait3A_78 = tpu.memref_slice %arg13[%dma_wait3A_77] : memref<3200xf32, #tpu.memory_space<vmem>> -> memref<400xf32, #tpu.memory_space<vmem>>
    %dma_wait3A_79 = tpu.memref_slice %arg8[%add3A_47] : memref<320000xf32, #tpu.memory_space<hbm>> -> memref<400xf32, #tpu.memory_space<hbm>>
    %dma_wait3A_80 = arith.constant 1200 : i32
    %dma_wait3A_81 = tpu.memref_slice %arg13[%dma_wait3A_80] : memref<3200xf32, #tpu.memory_space<vmem>> -> memref<400xf32, #tpu.memory_space<vmem>>
    %dma_wait3A_82 = tpu.memref_slice %arg8[%add3A_47] : memref<320000xf32, #tpu.memory_space<hbm>> -> memref<400xf32, #tpu.memory_space<hbm>>
    tpu.wait_dma2 semaphore(%arg23 : memref<!tpu.dma_semaphore, #tpu.memory_space<semaphore_mem>>) src(%dma_wait3A_82 : memref<400xf32, #tpu.memory_space<hbm>>) dst(%dma_wait3A_81 : memref<400xf32, #tpu.memory_space<vmem>>)
    %get3A = arith.constant 0 : index
    %get3A_83 = tpu.vector_load %arg11[%get3A] {strides = array<i32>} : memref<800xi32, #tpu.memory_space<vmem>>, vector<16xi32>,
    %get3A_84 = vector.shape_cast %get3A_83 : vector<16xi32> to vector<16xi32>
    %swap3A = arith.constant 0 : i32
    %swap3A_85 = arith.constant 0 : i32
    %swap3A_86 = arith.index_cast %swap3A : i32 to index
    %swap3A_87 = arith.index_cast %swap3A_85 : i32 to index
    %swap3A_88 = arith.constant 0 : index
    %swap3A_89 = tpu.vector_load %arg14[%swap3A_86, %swap3A_87, %swap3A_88] {strides = array<i32>} : memref<2x1x80xi32, #tpu.memory_space<vmem>>, vector<1x1x16xi32>,
    %swap3A_90 = vector.shape_cast %swap3A_89 : vector<1x1x16xi32> to vector<16xi32>
    %swap3A_91 = vector.shape_cast %get3A_84 : vector<16xi32> to vector<1x1x16xi32>
    tpu.vector_store %arg14[%swap3A_86, %swap3A_87, %swap3A_88], %swap3A_91 {strides = array<i32>} : memref<2x1x80xi32, #tpu.memory_space<vmem>>, vector<1x1x16xi32>,
    %add3A_92 = arith.constant 10000 : i32
    %add3A_93 = vector.broadcast %add3A_92 : i32 to vector<16xi32>
    %add3A_94 = arith.addi %get3A_84, %add3A_93 : vector<16xi32>
    %swap3A_95 = arith.constant 0 : i32
    %swap3A_96 = arith.constant 0 : i32
    %swap3A_97 = arith.index_cast %swap3A_95 : i32 to index
    %swap3A_98 = arith.index_cast %swap3A_96 : i32 to index
    %swap3A_99 = arith.constant 40 : index
    %swap3A_100 = tpu.vector_load %arg14[%swap3A_97, %swap3A_98, %swap3A_99] {strides = array<i32>} : memref<2x1x80xi32, #tpu.memory_space<vmem>>, vector<1x1x16xi32>,
    %swap3A_101 = vector.shape_cast %swap3A_100 : vector<1x1x16xi32> to vector<16xi32>
    %swap3A_102 = vector.shape_cast %add3A_94 : vector<16xi32> to vector<1x1x16xi32>
    tpu.vector_store %arg14[%swap3A_97, %swap3A_98, %swap3A_99], %swap3A_102 {strides = array<i32>} : memref<2x1x80xi32, #tpu.memory_space<vmem>>, vector<1x1x16xi32>,
    %get3A_103 = arith.constant 16 : index
    %get3A_104 = tpu.vector_load %arg11[%get3A_103] {strides = array<i32>} : memref<800xi32, #tpu.memory_space<vmem>>, vector<16xi32>,
    %get3A_105 = vector.shape_cast %get3A_104 : vector<16xi32> to vector<16xi32>
    %swap3A_106 = arith.constant 0 : i32
    %swap3A_107 = arith.constant 0 : i32
    %swap3A_108 = arith.index_cast %swap3A_106 : i32 to index
    %swap3A_109 = arith.index_cast %swap3A_107 : i32 to index
    %swap3A_110 = arith.constant 16 : index
    %swap3A_111 = tpu.vector_load %arg14[%swap3A_108, %swap3A_109, %swap3A_110] {strides = array<i32>} : memref<2x1x80xi32, #tpu.memory_space<vmem>>, vector<1x1x16xi32>,
    %swap3A_112 = vector.shape_cast %swap3A_111 : vector<1x1x16xi32> to vector<16xi32>
    %swap3A_113 = vector.shape_cast %get3A_105 : vector<16xi32> to vector<1x1x16xi32>
    tpu.vector_store %arg14[%swap3A_108, %swap3A_109, %swap3A_110], %swap3A_113 {strides = array<i32>} : memref<2x1x80xi32, #tpu.memory_space<vmem>>, vector<1x1x16xi32>,
    %add3A_114 = arith.constant 10000 : i32
    %add3A_115 = vector.broadcast %add3A_114 : i32 to vector<16xi32>
    %add3A_116 = arith.addi %get3A_105, %add3A_115 : vector<16xi32>
    %swap3A_117 = arith.constant 0 : i32
    %swap3A_118 = arith.constant 0 : i32
    %swap3A_119 = arith.index_cast %swap3A_117 : i32 to index
    %swap3A_120 = arith.index_cast %swap3A_118 : i32 to index
    %swap3A_121 = arith.constant 56 : index
    %swap3A_122 = tpu.vector_load %arg14[%swap3A_119, %swap3A_120, %swap3A_121] {strides = array<i32>} : memref<2x1x80xi32, #tpu.memory_space<vmem>>, vector<1x1x16xi32>,
    %swap3A_123 = vector.shape_cast %swap3A_122 : vector<1x1x16xi32> to vector<16xi32>
    %swap3A_124 = vector.shape_cast %add3A_116 : vector<16xi32> to vector<1x1x16xi32>
    tpu.vector_store %arg14[%swap3A_119, %swap3A_120, %swap3A_121], %swap3A_124 {strides = array<i32>} : memref<2x1x80xi32, #tpu.memory_space<vmem>>, vector<1x1x16xi32>,
    %get3A_125 = arith.constant 24 : index
    %get3A_126 = tpu.vector_load %arg11[%get3A_125] {strides = array<i32>} : memref<800xi32, #tpu.memory_space<vmem>>, vector<16xi32>,
    %get3A_127 = vector.shape_cast %get3A_126 : vector<16xi32> to vector<16xi32>
    %swap3A_128 = arith.constant 0 : i32
    %swap3A_129 = arith.constant 0 : i32
    %swap3A_130 = arith.index_cast %swap3A_128 : i32 to index
    %swap3A_131 = arith.index_cast %swap3A_129 : i32 to index
    %swap3A_132 = arith.constant 24 : index
    %swap3A_133 = tpu.vector_load %arg14[%swap3A_130, %swap3A_131, %swap3A_132] {strides = array<i32>} : memref<2x1x80xi32, #tpu.memory_space<vmem>>, vector<1x1x16xi32>,
    %swap3A_134 = vector.shape_cast %swap3A_133 : vector<1x1x16xi32> to vector<16xi32>
    %swap3A_135 = vector.shape_cast %get3A_127 : vector<16xi32> to vector<1x1x16xi32>
    tpu.vector_store %arg14[%swap3A_130, %swap3A_131, %swap3A_132], %swap3A_135 {strides = array<i32>} : memref<2x1x80xi32, #tpu.memory_space<vmem>>, vector<1x1x16xi32>,
    %add3A_136 = arith.constant 10000 : i32
    %add3A_137 = vector.broadcast %add3A_136 : i32 to vector<16xi32>
    %add3A_138 = arith.addi %get3A_127, %add3A_137 : vector<16xi32>
    %swap3A_139 = arith.constant 0 : i32
    %swap3A_140 = arith.constant 0 : i32
    %swap3A_141 = arith.index_cast %swap3A_139 : i32 to index
    %swap3A_142 = arith.index_cast %swap3A_140 : i32 to index
    %swap3A_143 = arith.constant 64 : index
    %swap3A_144 = tpu.vector_load %arg14[%swap3A_141, %swap3A_142, %swap3A_143] {strides = array<i32>} : memref<2x1x80xi32, #tpu.memory_space<vmem>>, vector<1x1x16xi32>,
    %swap3A_145 = vector.shape_cast %swap3A_144 : vector<1x1x16xi32> to vector<16xi32>
    %swap3A_146 = vector.shape_cast %add3A_138 : vector<16xi32> to vector<1x1x16xi32>
    tpu.vector_store %arg14[%swap3A_141, %swap3A_142, %swap3A_143], %swap3A_146 {strides = array<i32>} : memref<2x1x80xi32, #tpu.memory_space<vmem>>, vector<1x1x16xi32>,
    %dma_start3A_147 = arith.constant 0 : i32
    %dma_start3A_148 = arith.constant 0 : i32
    %dma_start3A_149 = arith.constant 0 : i32
    %dma_start3A_150 = arith.constant 0 : i32
    %dma_start3A_151 = arith.constant 0 : i32
    %dma_start3A_152 = tpu.memref_slice %arg16[%dma_start3A_149, %dma_start3A_150, %dma_start3A_151] : memref<2x80x128xi32, #tpu.memory_space<vmem>> -> memref<1x80x128xi32, #tpu.memory_space<vmem>>
    %dma_start3A_153 = tpu.memref_squeeze %dma_start3A_152 : memref<1x80x128xi32, #tpu.memory_space<vmem>> -> memref<80x128xi32, #tpu.memory_space<vmem>>
    %dma_start3A_154 = arith.constant 0 : i32
    %dma_start3A_155 = tpu.memref_slice %arg14[%dma_start3A_147, %dma_start3A_148, %dma_start3A_154] : memref<2x1x80xi32, #tpu.memory_space<vmem>> -> memref<1x1x80xi32, #tpu.memory_space<vmem>>
    %dma_start3A_156 = tpu.memref_squeeze %dma_start3A_155 : memref<1x1x80xi32, #tpu.memory_space<vmem>> -> memref<80xi32, #tpu.memory_space<vmem>>
    %dma_start3A_157 = arith.constant 0 : i32
    %dma_start3A_158 = arith.constant 0 : i32
    %dma_start3A_159 = tpu.memref_slice %arg2[%dma_start3A_157, %dma_start3A_158] : memref<20000x128xi32, #tpu.memory_space<hbm>> -> memref<20000x128xi32, #tpu.memory_space<hbm>>
    tpu.enqueue_indirect_dma source(%dma_start3A_159 : memref<20000x128xi32, #tpu.memory_space<hbm>>) target(%dma_start3A_153 : memref<80x128xi32, #tpu.memory_space<vmem>>) offsets(%dma_start3A_156 : memref<80xi32, #tpu.memory_space<vmem>>) semaphore(%arg19 : memref<!tpu.dma_semaphore, #tpu.memory_space<semaphore_mem>>)
    %scan3A = arith.constant 0 : i32
    %scan3A_160 = arith.constant 0 : i32
    %scan3A_161 = arith.constant 25 : i32
    %scan3A_162 = arith.addi %scan3A_160, %scan3A_161 : i32
    %scan3A_163 = arith.constant 1 : i32
    scf.for %scan3A_202 = %scan3A_160 to %scan3A_162 step %scan3A_163  : i32 {
      %rem3A = arith.constant 2 : i32
      %rem3A_203 = arith.remsi %scan3A_202, %rem3A : i32
      %add3A_204 = arith.constant 1 : i32
      %add3A_205 = arith.addi %scan3A_202, %add3A_204 : i32
      %rem3A_206 = arith.constant 2 : i32
      %rem3A_207 = arith.remsi %add3A_205, %rem3A_206 : i32
      %ge3A = arith.constant 1 : i32
      %ge3A_208 = arith.cmpi sge, %scan3A_202, %ge3A : i32
      %convert_element_type3A_209 = arith.extui %ge3A_208 : i1 to i32
      %cond3A_210 = arith.constant 0 : i32
      %cond3A_211 = arith.cmpi ne, %convert_element_type3A_209, %cond3A_210 : i32
      scf.if %cond3A_211 {
        %dma_wait3A_225 = arith.constant 0 : i32
        %dma_wait3A_226 = arith.constant 0 : i32
        %dma_wait3A_227 = arith.constant 0 : i32
        %dma_wait3A_228 = arith.constant 0 : i32
        %dma_wait3A_229 = arith.constant 0 : i32
        %dma_wait3A_230 = tpu.memref_slice %arg17[%dma_wait3A_225, %dma_wait3A_228, %dma_wait3A_229] : memref<2x40x128xf32, #tpu.memory_space<vmem>> -> memref<1x40x128xf32, #tpu.memory_space<vmem>>
        %dma_wait3A_231 = tpu.memref_squeeze %dma_wait3A_230 : memref<1x40x128xf32, #tpu.memory_space<vmem>> -> memref<40x128xf32, #tpu.memory_space<vmem>>
        %dma_wait3A_232 = arith.constant 0 : i32
        %dma_wait3A_233 = tpu.memref_slice %arg15[%dma_wait3A_226, %dma_wait3A_227, %dma_wait3A_232] : memref<2x1x40xi32, #tpu.memory_space<vmem>> -> memref<1x1x40xi32, #tpu.memory_space<vmem>>
        %dma_wait3A_234 = tpu.memref_squeeze %dma_wait3A_233 : memref<1x1x40xi32, #tpu.memory_space<vmem>> -> memref<40xi32, #tpu.memory_space<vmem>>
        %dma_wait3A_235 = arith.constant 0 : i32
        %dma_wait3A_236 = arith.constant 0 : i32
        %dma_wait3A_237 = tpu.memref_slice %arg18[%dma_wait3A_235, %dma_wait3A_236] : memref<10000x128xf32, #tpu.memory_space<vmem_shared>> -> memref<10000x128xf32, #tpu.memory_space<vmem_shared>>
        tpu.wait_indirect_dma semaphore(%arg21 : memref<!tpu.dma_semaphore, #tpu.memory_space<semaphore_mem>>) src(%dma_wait3A_231 : memref<40x128xf32, #tpu.memory_space<vmem>>) dst(%dma_wait3A_237 : memref<10000x128xf32, #tpu.memory_space<vmem_shared>>)
        %dma_wait3A_238 = arith.constant 1 : i32
        %dma_wait3A_239 = arith.constant 1 : i32
        %dma_wait3A_240 = arith.constant 0 : i32
        %dma_wait3A_241 = arith.constant 0 : i32
        %dma_wait3A_242 = arith.constant 0 : i32
        %dma_wait3A_243 = tpu.memref_slice %arg17[%dma_wait3A_238, %dma_wait3A_241, %dma_wait3A_242] : memref<2x40x128xf32, #tpu.memory_space<vmem>> -> memref<1x40x128xf32, #tpu.memory_space<vmem>>
        %dma_wait3A_244 = tpu.memref_squeeze %dma_wait3A_243 : memref<1x40x128xf32, #tpu.memory_space<vmem>> -> memref<40x128xf32, #tpu.memory_space<vmem>>
        %dma_wait3A_245 = arith.constant 0 : i32
        %dma_wait3A_246 = tpu.memref_slice %arg15[%dma_wait3A_239, %dma_wait3A_240, %dma_wait3A_245] : memref<2x1x40xi32, #tpu.memory_space<vmem>> -> memref<1x1x40xi32, #tpu.memory_space<vmem>>
        %dma_wait3A_247 = tpu.memref_squeeze %dma_wait3A_246 : memref<1x1x40xi32, #tpu.memory_space<vmem>> -> memref<40xi32, #tpu.memory_space<vmem>>
        %dma_wait3A_248 = arith.constant 0 : i32
        %dma_wait3A_249 = arith.constant 0 : i32
        %dma_wait3A_250 = tpu.memref_slice %arg18[%dma_wait3A_248, %dma_wait3A_249] : memref<10000x128xf32, #tpu.memory_space<vmem_shared>> -> memref<10000x128xf32, #tpu.memory_space<vmem_shared>>
        tpu.wait_indirect_dma semaphore(%arg22 : memref<!tpu.dma_semaphore, #tpu.memory_space<semaphore_mem>>) src(%dma_wait3A_244 : memref<40x128xf32, #tpu.memory_space<vmem>>) dst(%dma_wait3A_250 : memref<10000x128xf32, #tpu.memory_space<vmem_shared>>)
      } else {
      }
      %add3A_212 = arith.constant 1 : i32
      %add3A_213 = arith.addi %scan3A_202, %add3A_212 : i32
      %lt3A_214 = arith.constant 25 : i32
      %lt3A_215 = arith.cmpi slt, %add3A_213, %lt3A_214 : i32
      %convert_element_type3A_216 = arith.extui %lt3A_215 : i1 to i32
      %cond3A_217 = arith.constant 0 : i32
      %cond3A_218 = arith.cmpi ne, %convert_element_type3A_216, %cond3A_217 : i32
      scf.if %cond3A_218 {
        %add3A_225 = arith.constant 1 : i32
        %add3A_226 = arith.addi %scan3A_202, %add3A_225 : i32
        %mul3A_227 = arith.constant 400 : i32
        %mul3A_228 = arith.muli %add3A_226, %mul3A_227 : i32
        %add3A_229 = arith.addi %mul3A_2, %mul3A_228 : i32
        %mul3A_230 = arith.constant 400 : i32
        %mul3A_231 = arith.muli %rem3A_207, %mul3A_230 : i32
        %dma_start3A_232 = tpu.memref_slice %arg11[%mul3A_231] : memref<800xi32, #tpu.memory_space<vmem>> -> memref<400xi32, #tpu.memory_space<vmem>>
        %dma_start3A_233 = tpu.memref_slice %arg3[%add3A_229] : memref<320000xi32, #tpu.memory_space<hbm>> -> memref<400xi32, #tpu.memory_space<hbm>>
        %dma_start3A_234 = tpu.memref_slice %arg11[%mul3A_231] : memref<800xi32, #tpu.memory_space<vmem>> -> memref<400xi32, #tpu.memory_space<vmem>>
        %dma_start3A_235 = tpu.memref_slice %arg3[%add3A_229] : memref<320000xi32, #tpu.memory_space<hbm>> -> memref<400xi32, #tpu.memory_space<hbm>>
        tpu.enqueue_dma source(%dma_start3A_235 : memref<400xi32, #tpu.memory_space<hbm>>) target(%dma_start3A_234 : memref<400xi32, #tpu.memory_space<vmem>>) target_semaphore(%arg23 : memref<!tpu.dma_semaphore, #tpu.memory_space<semaphore_mem>>)
        %mul3A_236 = arith.constant 400 : i32
        %mul3A_237 = arith.muli %rem3A_207, %mul3A_236 : i32
        %dma_start3A_238 = tpu.memref_slice %arg12[%mul3A_237] : memref<800xi32, #tpu.memory_space<vmem>> -> memref<400xi32, #tpu.memory_space<vmem>>
        %dma_start3A_239 = tpu.memref_slice %arg4[%add3A_229] : memref<320000xi32, #tpu.memory_space<hbm>> -> memref<400xi32, #tpu.memory_space<hbm>>
        %dma_start3A_240 = tpu.memref_slice %arg12[%mul3A_237] : memref<800xi32, #tpu.memory_space<vmem>> -> memref<400xi32, #tpu.memory_space<vmem>>
        %dma_start3A_241 = tpu.memref_slice %arg4[%add3A_229] : memref<320000xi32, #tpu.memory_space<hbm>> -> memref<400xi32, #tpu.memory_space<hbm>>
        tpu.enqueue_dma source(%dma_start3A_241 : memref<400xi32, #tpu.memory_space<hbm>>) target(%dma_start3A_240 : memref<400xi32, #tpu.memory_space<vmem>>) target_semaphore(%arg23 : memref<!tpu.dma_semaphore, #tpu.memory_space<semaphore_mem>>)
        %mul3A_242 = arith.constant 4 : i32
        %mul3A_243 = arith.muli %rem3A_207, %mul3A_242 : i32
        %add3A_244 = arith.constant 0 : i32
        %add3A_245 = arith.addi %mul3A_243, %add3A_244 : i32
        %mul3A_246 = arith.constant 400 : i32
        %mul3A_247 = arith.muli %add3A_245, %mul3A_246 : i32
        %dma_start3A_248 = tpu.memref_slice %arg13[%mul3A_247] : memref<3200xf32, #tpu.memory_space<vmem>> -> memref<400xf32, #tpu.memory_space<vmem>>
        %dma_start3A_249 = tpu.memref_slice %arg5[%add3A_229] : memref<320000xf32, #tpu.memory_space<hbm>> -> memref<400xf32, #tpu.memory_space<hbm>>
        %dma_start3A_250 = tpu.memref_slice %arg13[%mul3A_247] : memref<3200xf32, #tpu.memory_space<vmem>> -> memref<400xf32, #tpu.memory_space<vmem>>
        %dma_start3A_251 = tpu.memref_slice %arg5[%add3A_229] : memref<320000xf32, #tpu.memory_space<hbm>> -> memref<400xf32, #tpu.memory_space<hbm>>
        tpu.enqueue_dma source(%dma_start3A_251 : memref<400xf32, #tpu.memory_space<hbm>>) target(%dma_start3A_250 : memref<400xf32, #tpu.memory_space<vmem>>) target_semaphore(%arg23 : memref<!tpu.dma_semaphore, #tpu.memory_space<semaphore_mem>>)
        %mul3A_252 = arith.constant 4 : i32
        %mul3A_253 = arith.muli %rem3A_207, %mul3A_252 : i32
        %add3A_254 = arith.constant 1 : i32
        %add3A_255 = arith.addi %mul3A_253, %add3A_254 : i32
        %mul3A_256 = arith.constant 400 : i32
        %mul3A_257 = arith.muli %add3A_255, %mul3A_256 : i32
        %dma_start3A_258 = tpu.memref_slice %arg13[%mul3A_257] : memref<3200xf32, #tpu.memory_space<vmem>> -> memref<400xf32, #tpu.memory_space<vmem>>
        %dma_start3A_259 = tpu.memref_slice %arg6[%add3A_229] : memref<320000xf32, #tpu.memory_space<hbm>> -> memref<400xf32, #tpu.memory_space<hbm>>
        %dma_start3A_260 = tpu.memref_slice %arg13[%mul3A_257] : memref<3200xf32, #tpu.memory_space<vmem>> -> memref<400xf32, #tpu.memory_space<vmem>>
        %dma_start3A_261 = tpu.memref_slice %arg6[%add3A_229] : memref<320000xf32, #tpu.memory_space<hbm>> -> memref<400xf32, #tpu.memory_space<hbm>>
        tpu.enqueue_dma source(%dma_start3A_261 : memref<400xf32, #tpu.memory_space<hbm>>) target(%dma_start3A_260 : memref<400xf32, #tpu.memory_space<vmem>>) target_semaphore(%arg23 : memref<!tpu.dma_semaphore, #tpu.memory_space<semaphore_mem>>)
        %mul3A_262 = arith.constant 4 : i32
        %mul3A_263 = arith.muli %rem3A_207, %mul3A_262 : i32
        %add3A_264 = arith.constant 2 : i32
        %add3A_265 = arith.addi %mul3A_263, %add3A_264 : i32
        %mul3A_266 = arith.constant 400 : i32
        %mul3A_267 = arith.muli %add3A_265, %mul3A_266 : i32
        %dma_start3A_268 = tpu.memref_slice %arg13[%mul3A_267] : memref<3200xf32, #tpu.memory_space<vmem>> -> memref<400xf32, #tpu.memory_space<vmem>>
        %dma_start3A_269 = tpu.memref_slice %arg7[%add3A_229] : memref<320000xf32, #tpu.memory_space<hbm>> -> memref<400xf32, #tpu.memory_space<hbm>>
        %dma_start3A_270 = tpu.memref_slice %arg13[%mul3A_267] : memref<3200xf32, #tpu.memory_space<vmem>> -> memref<400xf32, #tpu.memory_space<vmem>>
        %dma_start3A_271 = tpu.memref_slice %arg7[%add3A_229] : memref<320000xf32, #tpu.memory_space<hbm>> -> memref<400xf32, #tpu.memory_space<hbm>>
        tpu.enqueue_dma source(%dma_start3A_271 : memref<400xf32, #tpu.memory_space<hbm>>) target(%dma_start3A_270 : memref<400xf32, #tpu.memory_space<vmem>>) target_semaphore(%arg23 : memref<!tpu.dma_semaphore, #tpu.memory_space<semaphore_mem>>)
        %mul3A_272 = arith.constant 4 : i32
        %mul3A_273 = arith.muli %rem3A_207, %mul3A_272 : i32
        %add3A_274 = arith.constant 3 : i32
        %add3A_275 = arith.addi %mul3A_273, %add3A_274 : i32
        %mul3A_276 = arith.constant 400 : i32
        %mul3A_277 = arith.muli %add3A_275, %mul3A_276 : i32
        %dma_start3A_278 = tpu.memref_slice %arg13[%mul3A_277] : memref<3200xf32, #tpu.memory_space<vmem>> -> memref<400xf32, #tpu.memory_space<vmem>>
        %dma_start3A_279 = tpu.memref_slice %arg8[%add3A_229] : memref<320000xf32, #tpu.memory_space<hbm>> -> memref<400xf32, #tpu.memory_space<hbm>>
        %dma_start3A_280 = tpu.memref_slice %arg13[%mul3A_277] : memref<3200xf32, #tpu.memory_space<vmem>> -> memref<400xf32, #tpu.memory_space<vmem>>
        %dma_start3A_281 = tpu.memref_slice %arg8[%add3A_229] : memref<320000xf32, #tpu.memory_space<hbm>> -> memref<400xf32, #tpu.memory_space<hbm>>
        tpu.enqueue_dma source(%dma_start3A_281 : memref<400xf32, #tpu.memory_space<hbm>>) target(%dma_start3A_280 : memref<400xf32, #tpu.memory_space<vmem>>) target_semaphore(%arg23 : memref<!tpu.dma_semaphore, #tpu.memory_space<semaphore_mem>>)
      } else {
      }
      %scan3A_219 = arith.constant 0 : i32
      %scan3A_220 = arith.constant 0 : i32
      %scan3A_221 = arith.constant 5 : i32
      %scan3A_222 = arith.addi %scan3A_220, %scan3A_221 : i32
      %scan3A_223 = arith.constant 1 : i32
      scf.for %scan3A_225 = %scan3A_220 to %scan3A_222 step %scan3A_223  : i32 {
        %mul3A_226 = arith.constant 2 : i32
        %mul3A_227 = arith.muli %mul3A_226, %scan3A_225 : i32
        %dma_wait3A_228 = arith.constant 0 : i32
        %dma_wait3A_229 = arith.constant 0 : i32
        %dma_wait3A_230 = arith.constant 0 : i32
        %dma_wait3A_231 = arith.constant 0 : i32
        %dma_wait3A_232 = arith.constant 0 : i32
        %dma_wait3A_233 = tpu.memref_slice %arg16[%dma_wait3A_230, %dma_wait3A_231, %dma_wait3A_232] : memref<2x80x128xi32, #tpu.memory_space<vmem>> -> memref<1x80x128xi32, #tpu.memory_space<vmem>>
        %dma_wait3A_234 = tpu.memref_squeeze %dma_wait3A_233 : memref<1x80x128xi32, #tpu.memory_space<vmem>> -> memref<80x128xi32, #tpu.memory_space<vmem>>
        %dma_wait3A_235 = arith.constant 0 : i32
        %dma_wait3A_236 = tpu.memref_slice %arg14[%dma_wait3A_228, %dma_wait3A_229, %dma_wait3A_235] : memref<2x1x80xi32, #tpu.memory_space<vmem>> -> memref<1x1x80xi32, #tpu.memory_space<vmem>>
        %dma_wait3A_237 = tpu.memref_squeeze %dma_wait3A_236 : memref<1x1x80xi32, #tpu.memory_space<vmem>> -> memref<80xi32, #tpu.memory_space<vmem>>
        %dma_wait3A_238 = arith.constant 0 : i32
        %dma_wait3A_239 = arith.constant 0 : i32
        %dma_wait3A_240 = tpu.memref_slice %arg2[%dma_wait3A_238, %dma_wait3A_239] : memref<20000x128xi32, #tpu.memory_space<hbm>> -> memref<20000x128xi32, #tpu.memory_space<hbm>>
        tpu.wait_indirect_dma semaphore(%arg19 : memref<!tpu.dma_semaphore, #tpu.memory_space<semaphore_mem>>) src(%dma_wait3A_240 : memref<20000x128xi32, #tpu.memory_space<hbm>>) dst(%dma_wait3A_234 : memref<80x128xi32, #tpu.memory_space<vmem>>)
        %add3A_241 = arith.constant 1 : i32
        %add3A_242 = arith.addi %mul3A_227, %add3A_241 : i32
        %mul3A_243 = arith.constant 400 : i32
        %mul3A_244 = arith.muli %rem3A_203, %mul3A_243 : i32
        %mul3A_245 = arith.constant 40 : i32
        %mul3A_246 = arith.muli %add3A_242, %mul3A_245 : i32
        %add3A_247 = arith.addi %mul3A_244, %mul3A_246 : i32
        %add3A_248 = arith.constant 0 : i32
        %add3A_249 = arith.addi %add3A_247, %add3A_248 : i32
        %get3A_250 = arith.index_cast %add3A_249 : i32 to index
        %get3A_251 = tpu.vector_load %arg11[%get3A_250] {strides = array<i32>} : memref<800xi32, #tpu.memory_space<vmem>>, vector<16xi32>,
        %get3A_252 = vector.shape_cast %get3A_251 : vector<16xi32> to vector<16xi32>
        %swap3A_253 = arith.constant 1 : i32
        %swap3A_254 = arith.constant 0 : i32
        %swap3A_255 = arith.index_cast %swap3A_253 : i32 to index
        %swap3A_256 = arith.index_cast %swap3A_254 : i32 to index
        %swap3A_257 = arith.constant 0 : index
        %swap3A_258 = tpu.vector_load %arg14[%swap3A_255, %swap3A_256, %swap3A_257] {strides = array<i32>} : memref<2x1x80xi32, #tpu.memory_space<vmem>>, vector<1x1x16xi32>,
        %swap3A_259 = vector.shape_cast %swap3A_258 : vector<1x1x16xi32> to vector<16xi32>
        %swap3A_260 = vector.shape_cast %get3A_252 : vector<16xi32> to vector<1x1x16xi32>
        tpu.vector_store %arg14[%swap3A_255, %swap3A_256, %swap3A_257], %swap3A_260 {strides = array<i32>} : memref<2x1x80xi32, #tpu.memory_space<vmem>>, vector<1x1x16xi32>,
        %add3A_261 = arith.constant 10000 : i32
        %add3A_262 = vector.broadcast %add3A_261 : i32 to vector<16xi32>
        %add3A_263 = arith.addi %get3A_252, %add3A_262 : vector<16xi32>
        %swap3A_264 = arith.constant 1 : i32
        %swap3A_265 = arith.constant 0 : i32
        %swap3A_266 = arith.index_cast %swap3A_264 : i32 to index
        %swap3A_267 = arith.index_cast %swap3A_265 : i32 to index
        %swap3A_268 = arith.constant 40 : index
        %swap3A_269 = tpu.vector_load %arg14[%swap3A_266, %swap3A_267, %swap3A_268] {strides = array<i32>} : memref<2x1x80xi32, #tpu.memory_space<vmem>>, vector<1x1x16xi32>,
        %swap3A_270 = vector.shape_cast %swap3A_269 : vector<1x1x16xi32> to vector<16xi32>
        %swap3A_271 = vector.shape_cast %add3A_263 : vector<16xi32> to vector<1x1x16xi32>
        tpu.vector_store %arg14[%swap3A_266, %swap3A_267, %swap3A_268], %swap3A_271 {strides = array<i32>} : memref<2x1x80xi32, #tpu.memory_space<vmem>>, vector<1x1x16xi32>,
        %mul3A_272 = arith.constant 400 : i32
        %mul3A_273 = arith.muli %rem3A_203, %mul3A_272 : i32
        %mul3A_274 = arith.constant 40 : i32
        %mul3A_275 = arith.muli %add3A_242, %mul3A_274 : i32
        %add3A_276 = arith.addi %mul3A_273, %mul3A_275 : i32
        %add3A_277 = arith.constant 16 : i32
        %add3A_278 = arith.addi %add3A_276, %add3A_277 : i32
        %get3A_279 = arith.index_cast %add3A_278 : i32 to index
        %get3A_280 = tpu.vector_load %arg11[%get3A_279] {strides = array<i32>} : memref<800xi32, #tpu.memory_space<vmem>>, vector<16xi32>,
        %get3A_281 = vector.shape_cast %get3A_280 : vector<16xi32> to vector<16xi32>
        %swap3A_282 = arith.constant 1 : i32
        %swap3A_283 = arith.constant 0 : i32
        %swap3A_284 = arith.index_cast %swap3A_282 : i32 to index
        %swap3A_285 = arith.index_cast %swap3A_283 : i32 to index
        %swap3A_286 = arith.constant 16 : index
        %swap3A_287 = tpu.vector_load %arg14[%swap3A_284, %swap3A_285, %swap3A_286] {strides = array<i32>} : memref<2x1x80xi32, #tpu.memory_space<vmem>>, vector<1x1x16xi32>,
        %swap3A_288 = vector.shape_cast %swap3A_287 : vector<1x1x16xi32> to vector<16xi32>
        %swap3A_289 = vector.shape_cast %get3A_281 : vector<16xi32> to vector<1x1x16xi32>
        tpu.vector_store %arg14[%swap3A_284, %swap3A_285, %swap3A_286], %swap3A_289 {strides = array<i32>} : memref<2x1x80xi32, #tpu.memory_space<vmem>>, vector<1x1x16xi32>,
        %add3A_290 = arith.constant 10000 : i32
        %add3A_291 = vector.broadcast %add3A_290 : i32 to vector<16xi32>
        %add3A_292 = arith.addi %get3A_281, %add3A_291 : vector<16xi32>
        %swap3A_293 = arith.constant 1 : i32
        %swap3A_294 = arith.constant 0 : i32
        %swap3A_295 = arith.index_cast %swap3A_293 : i32 to index
        %swap3A_296 = arith.index_cast %swap3A_294 : i32 to index
        %swap3A_297 = arith.constant 56 : index
        %swap3A_298 = tpu.vector_load %arg14[%swap3A_295, %swap3A_296, %swap3A_297] {strides = array<i32>} : memref<2x1x80xi32, #tpu.memory_space<vmem>>, vector<1x1x16xi32>,
        %swap3A_299 = vector.shape_cast %swap3A_298 : vector<1x1x16xi32> to vector<16xi32>
        %swap3A_300 = vector.shape_cast %add3A_292 : vector<16xi32> to vector<1x1x16xi32>
        tpu.vector_store %arg14[%swap3A_295, %swap3A_296, %swap3A_297], %swap3A_300 {strides = array<i32>} : memref<2x1x80xi32, #tpu.memory_space<vmem>>, vector<1x1x16xi32>,
        %mul3A_301 = arith.constant 400 : i32
        %mul3A_302 = arith.muli %rem3A_203, %mul3A_301 : i32
        %mul3A_303 = arith.constant 40 : i32
        %mul3A_304 = arith.muli %add3A_242, %mul3A_303 : i32
        %add3A_305 = arith.addi %mul3A_302, %mul3A_304 : i32
        %add3A_306 = arith.constant 24 : i32
        %add3A_307 = arith.addi %add3A_305, %add3A_306 : i32
        %get3A_308 = arith.index_cast %add3A_307 : i32 to index
        %get3A_309 = tpu.vector_load %arg11[%get3A_308] {strides = array<i32>} : memref<800xi32, #tpu.memory_space<vmem>>, vector<16xi32>,
        %get3A_310 = vector.shape_cast %get3A_309 : vector<16xi32> to vector<16xi32>
        %swap3A_311 = arith.constant 1 : i32
        %swap3A_312 = arith.constant 0 : i32
        %swap3A_313 = arith.index_cast %swap3A_311 : i32 to index
        %swap3A_314 = arith.index_cast %swap3A_312 : i32 to index
        %swap3A_315 = arith.constant 24 : index
        %swap3A_316 = tpu.vector_load %arg14[%swap3A_313, %swap3A_314, %swap3A_315] {strides = array<i32>} : memref<2x1x80xi32, #tpu.memory_space<vmem>>, vector<1x1x16xi32>,
        %swap3A_317 = vector.shape_cast %swap3A_316 : vector<1x1x16xi32> to vector<16xi32>
        %swap3A_318 = vector.shape_cast %get3A_310 : vector<16xi32> to vector<1x1x16xi32>
        tpu.vector_store %arg14[%swap3A_313, %swap3A_314, %swap3A_315], %swap3A_318 {strides = array<i32>} : memref<2x1x80xi32, #tpu.memory_space<vmem>>, vector<1x1x16xi32>,
        %add3A_319 = arith.constant 10000 : i32
        %add3A_320 = vector.broadcast %add3A_319 : i32 to vector<16xi32>
        %add3A_321 = arith.addi %get3A_310, %add3A_320 : vector<16xi32>
        %swap3A_322 = arith.constant 1 : i32
        %swap3A_323 = arith.constant 0 : i32
        %swap3A_324 = arith.index_cast %swap3A_322 : i32 to index
        %swap3A_325 = arith.index_cast %swap3A_323 : i32 to index
        %swap3A_326 = arith.constant 64 : index
        %swap3A_327 = tpu.vector_load %arg14[%swap3A_324, %swap3A_325, %swap3A_326] {strides = array<i32>} : memref<2x1x80xi32, #tpu.memory_space<vmem>>, vector<1x1x16xi32>,
        %swap3A_328 = vector.shape_cast %swap3A_327 : vector<1x1x16xi32> to vector<16xi32>
        %swap3A_329 = vector.shape_cast %add3A_321 : vector<16xi32> to vector<1x1x16xi32>
        tpu.vector_store %arg14[%swap3A_324, %swap3A_325, %swap3A_326], %swap3A_329 {strides = array<i32>} : memref<2x1x80xi32, #tpu.memory_space<vmem>>, vector<1x1x16xi32>,
        %dma_start3A_330 = arith.constant 1 : i32
        %dma_start3A_331 = arith.constant 0 : i32
        %dma_start3A_332 = arith.constant 1 : i32
        %dma_start3A_333 = arith.constant 0 : i32
        %dma_start3A_334 = arith.constant 0 : i32
        %dma_start3A_335 = tpu.memref_slice %arg16[%dma_start3A_332, %dma_start3A_333, %dma_start3A_334] : memref<2x80x128xi32, #tpu.memory_space<vmem>> -> memref<1x80x128xi32, #tpu.memory_space<vmem>>
        %dma_start3A_336 = tpu.memref_squeeze %dma_start3A_335 : memref<1x80x128xi32, #tpu.memory_space<vmem>> -> memref<80x128xi32, #tpu.memory_space<vmem>>
        %dma_start3A_337 = arith.constant 0 : i32
        %dma_start3A_338 = tpu.memref_slice %arg14[%dma_start3A_330, %dma_start3A_331, %dma_start3A_337] : memref<2x1x80xi32, #tpu.memory_space<vmem>> -> memref<1x1x80xi32, #tpu.memory_space<vmem>>
        %dma_start3A_339 = tpu.memref_squeeze %dma_start3A_338 : memref<1x1x80xi32, #tpu.memory_space<vmem>> -> memref<80xi32, #tpu.memory_space<vmem>>
        %dma_start3A_340 = arith.constant 0 : i32
        %dma_start3A_341 = arith.constant 0 : i32
        %dma_start3A_342 = tpu.memref_slice %arg2[%dma_start3A_340, %dma_start3A_341] : memref<20000x128xi32, #tpu.memory_space<hbm>> -> memref<20000x128xi32, #tpu.memory_space<hbm>>
        tpu.enqueue_indirect_dma source(%dma_start3A_342 : memref<20000x128xi32, #tpu.memory_space<hbm>>) target(%dma_start3A_336 : memref<80x128xi32, #tpu.memory_space<vmem>>) offsets(%dma_start3A_339 : memref<80xi32, #tpu.memory_space<vmem>>) semaphore(%arg20 : memref<!tpu.dma_semaphore, #tpu.memory_space<semaphore_mem>>)
        %ge3A_343 = arith.constant 1 : i32
        %ge3A_344 = arith.cmpi sge, %scan3A_225, %ge3A_343 : i32
        %convert_element_type3A_345 = arith.extui %ge3A_344 : i1 to i32
        %cond3A_346 = arith.constant 0 : i32
        %cond3A_347 = arith.cmpi ne, %convert_element_type3A_345, %cond3A_346 : i32
        scf.if %cond3A_347 {
          %dma_wait3A_536 = arith.constant 0 : i32
          %dma_wait3A_537 = arith.constant 0 : i32
          %dma_wait3A_538 = arith.constant 0 : i32
          %dma_wait3A_539 = arith.constant 0 : i32
          %dma_wait3A_540 = arith.constant 0 : i32
          %dma_wait3A_541 = tpu.memref_slice %arg17[%dma_wait3A_536, %dma_wait3A_539, %dma_wait3A_540] : memref<2x40x128xf32, #tpu.memory_space<vmem>> -> memref<1x40x128xf32, #tpu.memory_space<vmem>>
          %dma_wait3A_542 = tpu.memref_squeeze %dma_wait3A_541 : memref<1x40x128xf32, #tpu.memory_space<vmem>> -> memref<40x128xf32, #tpu.memory_space<vmem>>
          %dma_wait3A_543 = arith.constant 0 : i32
          %dma_wait3A_544 = tpu.memref_slice %arg15[%dma_wait3A_537, %dma_wait3A_538, %dma_wait3A_543] : memref<2x1x40xi32, #tpu.memory_space<vmem>> -> memref<1x1x40xi32, #tpu.memory_space<vmem>>
          %dma_wait3A_545 = tpu.memref_squeeze %dma_wait3A_544 : memref<1x1x40xi32, #tpu.memory_space<vmem>> -> memref<40xi32, #tpu.memory_space<vmem>>
          %dma_wait3A_546 = arith.constant 0 : i32
          %dma_wait3A_547 = arith.constant 0 : i32
          %dma_wait3A_548 = tpu.memref_slice %arg18[%dma_wait3A_546, %dma_wait3A_547] : memref<10000x128xf32, #tpu.memory_space<vmem_shared>> -> memref<10000x128xf32, #tpu.memory_space<vmem_shared>>
          tpu.wait_indirect_dma semaphore(%arg21 : memref<!tpu.dma_semaphore, #tpu.memory_space<semaphore_mem>>) src(%dma_wait3A_542 : memref<40x128xf32, #tpu.memory_space<vmem>>) dst(%dma_wait3A_548 : memref<10000x128xf32, #tpu.memory_space<vmem_shared>>)
        } else {
        }
        %scan3A_348 = arith.constant 0 : i32
        %scan3A_349 = arith.constant 0 : i32
        %scan3A_350 = arith.constant 10 : i32
        %scan3A_351 = arith.addi %scan3A_349, %scan3A_350 : i32
        %scan3A_352 = arith.constant 1 : i32
        scf.for %scan3A_536 = %scan3A_349 to %scan3A_351 step %scan3A_352  : i32 {
          %mul3A_537 = arith.constant 4 : i32
          %mul3A_538 = arith.muli %mul3A_537, %scan3A_536 : i32
          %mul3A_539 = arith.constant 40 : i32
          %mul3A_540 = arith.muli %mul3A_227, %mul3A_539 : i32
          %jit3A = arith.constant 4 : i32
          %div3A = arith.divsi %scan3A_536, %jit3A : i32
          %sign3A = arith.constant 0 : i32
          %sign3A_541 = arith.cmpi sgt, %scan3A_536, %sign3A : i32
          %sign3A_542 = arith.extui %sign3A_541 : i1 to i32
          %sign3A_543 = arith.constant 0 : i32
          %sign3A_544 = arith.cmpi slt, %scan3A_536, %sign3A_543 : i32
          %sign3A_545 = arith.extui %sign3A_544 : i1 to i32
          %sign3A_546 = arith.subi %sign3A_542, %sign3A_545 : i32
          %sign3A_547 = arith.constant 0 : i32
          %sign3A_548 = arith.cmpi sgt, %jit3A, %sign3A_547 : i32
          %sign3A_549 = arith.extui %sign3A_548 : i1 to i32
          %sign3A_550 = arith.constant 0 : i32
          %sign3A_551 = arith.cmpi slt, %jit3A, %sign3A_550 : i32
          %sign3A_552 = arith.extui %sign3A_551 : i1 to i32
          %sign3A_553 = arith.subi %sign3A_549, %sign3A_552 : i32
          %ne3A = arith.cmpi ne, %sign3A_546, %sign3A_553 : i32
          %rem3A_554 = arith.remsi %scan3A_536, %jit3A : i32
          %ne3A_555 = arith.constant 0 : i32
          %ne3A_556 = arith.cmpi ne, %rem3A_554, %ne3A_555 : i32
          %and3A_557 = arith.andi %ne3A, %ne3A_556 : i1
          %sub3A = arith.constant 1 : i32
          %sub3A_558 = arith.subi %div3A, %sub3A : i32
          %select_n3A = arith.select %and3A_557, %sub3A_558, %div3A : i32
          %mul3A_559 = arith.constant 16 : i32
          %mul3A_560 = arith.muli %mul3A_559, %select_n3A : i32
          %add3A_561 = arith.addi %mul3A_540, %mul3A_560 : i32
          %jit3A_562 = arith.constant 4 : i32
          %div3A_563 = arith.divsi %scan3A_536, %jit3A_562 : i32
          %sign3A_564 = arith.constant 0 : i32
          %sign3A_565 = arith.cmpi sgt, %scan3A_536, %sign3A_564 : i32
          %sign3A_566 = arith.extui %sign3A_565 : i1 to i32
          %sign3A_567 = arith.constant 0 : i32
          %sign3A_568 = arith.cmpi slt, %scan3A_536, %sign3A_567 : i32
          %sign3A_569 = arith.extui %sign3A_568 : i1 to i32
          %sign3A_570 = arith.subi %sign3A_566, %sign3A_569 : i32
          %sign3A_571 = arith.constant 0 : i32
          %sign3A_572 = arith.cmpi sgt, %jit3A_562, %sign3A_571 : i32
          %sign3A_573 = arith.extui %sign3A_572 : i1 to i32
          %sign3A_574 = arith.constant 0 : i32
          %sign3A_575 = arith.cmpi slt, %jit3A_562, %sign3A_574 : i32
          %sign3A_576 = arith.extui %sign3A_575 : i1 to i32
          %sign3A_577 = arith.subi %sign3A_573, %sign3A_576 : i32
          %ne3A_578 = arith.cmpi ne, %sign3A_570, %sign3A_577 : i32
          %rem3A_579 = arith.remsi %scan3A_536, %jit3A_562 : i32
          %ne3A_580 = arith.constant 0 : i32
          %ne3A_581 = arith.cmpi ne, %rem3A_579, %ne3A_580 : i32
          %and3A_582 = arith.andi %ne3A_578, %ne3A_581 : i1
          %sub3A_583 = arith.constant 1 : i32
          %sub3A_584 = arith.subi %div3A_563, %sub3A_583 : i32
          %select_n3A_585 = arith.select %and3A_582, %sub3A_584, %div3A_563 : i32
          %mul3A_586 = arith.constant 4 : i32
          %mul3A_587 = arith.muli %mul3A_586, %select_n3A_585 : i32
          %sub3A_588 = arith.subi %scan3A_536, %mul3A_587 : i32
          %mul3A_589 = arith.constant 4 : i32
          %mul3A_590 = arith.muli %mul3A_589, %sub3A_588 : i32
          %mul3A_591 = arith.constant 1600 : i32
          %mul3A_592 = arith.muli %rem3A_203, %mul3A_591 : i32
          %add3A_593 = arith.addi %mul3A_592, %add3A_561 : i32
          %get3A_594 = arith.index_cast %add3A_593 : i32 to index
          %get3A_595 = tpu.vector_load %arg13[%get3A_594] {strides = array<i32>} : memref<3200xf32, #tpu.memory_space<vmem>>, vector<16xf32>,
          %get3A_596 = vector.shape_cast %get3A_595 : vector<16xf32> to vector<16xf32>
          %add3A_597 = arith.constant 400 : i32
          %add3A_598 = arith.addi %add3A_593, %add3A_597 : i32
          %get3A_599 = arith.index_cast %add3A_598 : i32 to index
          %get3A_600 = tpu.vector_load %arg13[%get3A_599] {strides = array<i32>} : memref<3200xf32, #tpu.memory_space<vmem>>, vector<16xf32>,
          %get3A_601 = vector.shape_cast %get3A_600 : vector<16xf32> to vector<16xf32>
          %add3A_602 = arith.constant 800 : i32
          %add3A_603 = arith.addi %add3A_593, %add3A_602 : i32
          %get3A_604 = arith.index_cast %add3A_603 : i32 to index
          %get3A_605 = tpu.vector_load %arg13[%get3A_604] {strides = array<i32>} : memref<3200xf32, #tpu.memory_space<vmem>>, vector<16xf32>,
          %get3A_606 = vector.shape_cast %get3A_605 : vector<16xf32> to vector<16xf32>
          %add3A_607 = arith.constant 1200 : i32
          %add3A_608 = arith.addi %add3A_593, %add3A_607 : i32
          %get3A_609 = arith.index_cast %add3A_608 : i32 to index
          %get3A_610 = tpu.vector_load %arg13[%get3A_609] {strides = array<i32>} : memref<3200xf32, #tpu.memory_space<vmem>>, vector<16xf32>,
          %get3A_611 = vector.shape_cast %get3A_610 : vector<16xf32> to vector<16xf32>
          %add3A_612 = arith.constant 0 : i32
          %add3A_613 = arith.addi %mul3A_538, %add3A_612 : i32
          %add3A_614 = arith.constant 0 : i32
          %add3A_615 = arith.addi %mul3A_590, %add3A_614 : i32
          %broadcast_in_dim3A = vector.broadcast %add3A_615 : i32 to vector<16x1xi32>
          %gather3A = vector.shape_cast %broadcast_in_dim3A : vector<16x1xi32> to vector<16xi32>
          %gather3A_616 = tpu.dynamic_gather %get3A_596[%gather3A] in [0] : vector<16xf32>, vector<16xi32> -> vector<16xf32>
          %broadcast_in_dim3A_617 = vector.broadcast %add3A_615 : i32 to vector<16x1xi32>
          %gather3A_618 = vector.shape_cast %broadcast_in_dim3A_617 : vector<16x1xi32> to vector<16xi32>
          %gather3A_619 = tpu.dynamic_gather %get3A_601[%gather3A_618] in [0] : vector<16xf32>, vector<16xi32> -> vector<16xf32>
          %broadcast_in_dim3A_620 = vector.broadcast %add3A_615 : i32 to vector<16x1xi32>
          %gather3A_621 = vector.shape_cast %broadcast_in_dim3A_620 : vector<16x1xi32> to vector<16xi32>
          %gather3A_622 = tpu.dynamic_gather %get3A_606[%gather3A_621] in [0] : vector<16xf32>, vector<16xi32> -> vector<16xf32>
          %broadcast_in_dim3A_623 = vector.broadcast %add3A_615 : i32 to vector<16x1xi32>
          %gather3A_624 = vector.shape_cast %broadcast_in_dim3A_623 : vector<16x1xi32> to vector<16xi32>
          %gather3A_625 = tpu.dynamic_gather %get3A_611[%gather3A_624] in [0] : vector<16xf32>, vector<16xi32> -> vector<16xf32>
          %get3A_626 = arith.constant 0 : i32
          %get3A_627 = arith.index_cast %get3A_626 : i32 to index
          %get3A_628 = arith.index_cast %add3A_613 : i32 to index
          %get3A_629 = arith.constant 0 : index
          %get3A_630 = tpu.vector_load %arg16[%get3A_627, %get3A_628, %get3A_629] {strides = array<i32>} : memref<2x80x128xi32, #tpu.memory_space<vmem>>, vector<1x1x16xi32>,
          %get3A_631 = vector.shape_cast %get3A_630 : vector<1x1x16xi32> to vector<16xi32>
          %add3A_632 = arith.constant 40 : i32
          %add3A_633 = arith.addi %add3A_632, %add3A_613 : i32
          %get3A_634 = arith.constant 0 : i32
          %get3A_635 = arith.index_cast %get3A_634 : i32 to index
          %get3A_636 = arith.index_cast %add3A_633 : i32 to index
          %get3A_637 = arith.constant 0 : index
          %get3A_638 = tpu.vector_load %arg16[%get3A_635, %get3A_636, %get3A_637] {strides = array<i32>} : memref<2x80x128xi32, #tpu.memory_space<vmem>>, vector<1x1x16xi32>,
          %get3A_639 = vector.shape_cast %get3A_638 : vector<1x1x16xi32> to vector<16xi32>
          %shift_left3A = arith.constant 16 : i32
          %shift_left3A_640 = vector.broadcast %shift_left3A : i32 to vector<16xi32>
          %shift_left3A_641 = arith.shli %get3A_631, %shift_left3A_640 : vector<16xi32>
          %bitcast_convert_type3A = tpu.bitcast %shift_left3A_641 : vector<16xi32> -> vector<16xf32>
          %and3A_642 = arith.constant -65536 : i32
          %and3A_643 = vector.broadcast %and3A_642 : i32 to vector<16xi32>
          %and3A_644 = arith.andi %get3A_631, %and3A_643 : vector<16xi32>
          %bitcast_convert_type3A_645 = tpu.bitcast %and3A_644 : vector<16xi32> -> vector<16xf32>
          %shift_left3A_646 = arith.constant 16 : i32
          %shift_left3A_647 = vector.broadcast %shift_left3A_646 : i32 to vector<16xi32>
          %shift_left3A_648 = arith.shli %get3A_639, %shift_left3A_647 : vector<16xi32>
          %bitcast_convert_type3A_649 = tpu.bitcast %shift_left3A_648 : vector<16xi32> -> vector<16xf32>
          %and3A_650 = arith.constant -65536 : i32
          %and3A_651 = vector.broadcast %and3A_650 : i32 to vector<16xi32>
          %and3A_652 = arith.andi %get3A_639, %and3A_651 : vector<16xi32>
          %bitcast_convert_type3A_653 = tpu.bitcast %and3A_652 : vector<16xi32> -> vector<16xf32>
          %mul3A_654 = arith.mulf %gather3A_616, %bitcast_convert_type3A : vector<16xf32>
          %mul3A_655 = arith.mulf %gather3A_619, %bitcast_convert_type3A_645 : vector<16xf32>
          %add3A_656 = arith.addf %mul3A_654, %mul3A_655 : vector<16xf32>
          %mul3A_657 = arith.mulf %gather3A_622, %bitcast_convert_type3A_649 : vector<16xf32>
          %add3A_658 = arith.addf %add3A_656, %mul3A_657 : vector<16xf32>
          %mul3A_659 = arith.mulf %gather3A_625, %bitcast_convert_type3A_653 : vector<16xf32>
          %add3A_660 = arith.addf %add3A_658, %mul3A_659 : vector<16xf32>
          %swap3A_661 = arith.constant 0 : i32
          %swap3A_662 = arith.index_cast %swap3A_661 : i32 to index
          %swap3A_663 = arith.index_cast %add3A_613 : i32 to index
          %swap3A_664 = arith.constant 0 : index
          %swap3A_665 = tpu.vector_load %arg17[%swap3A_662, %swap3A_663, %swap3A_664] {strides = array<i32>} : memref<2x40x128xf32, #tpu.memory_space<vmem>>, vector<1x1x16xf32>,
          %swap3A_666 = vector.shape_cast %swap3A_665 : vector<1x1x16xf32> to vector<16xf32>
          %swap3A_667 = vector.shape_cast %add3A_660 : vector<16xf32> to vector<1x1x16xf32>
          tpu.vector_store %arg17[%swap3A_662, %swap3A_663, %swap3A_664], %swap3A_667 {strides = array<i32>} : memref<2x40x128xf32, #tpu.memory_space<vmem>>, vector<1x1x16xf32>,
          %get3A_668 = arith.constant 0 : i32
          %get3A_669 = arith.index_cast %get3A_668 : i32 to index
          %get3A_670 = arith.index_cast %add3A_613 : i32 to index
          %get3A_671 = arith.constant 16 : index
          %get3A_672 = tpu.vector_load %arg16[%get3A_669, %get3A_670, %get3A_671] {strides = array<i32>} : memref<2x80x128xi32, #tpu.memory_space<vmem>>, vector<1x1x16xi32>,
          %get3A_673 = vector.shape_cast %get3A_672 : vector<1x1x16xi32> to vector<16xi32>
          %add3A_674 = arith.constant 40 : i32
          %add3A_675 = arith.addi %add3A_674, %add3A_613 : i32
          %get3A_676 = arith.constant 0 : i32
          %get3A_677 = arith.index_cast %get3A_676 : i32 to index
          %get3A_678 = arith.index_cast %add3A_675 : i32 to index
          %get3A_679 = arith.constant 16 : index
          %get3A_680 = tpu.vector_load %arg16[%get3A_677, %get3A_678, %get3A_679] {strides = array<i32>} : memref<2x80x128xi32, #tpu.memory_space<vmem>>, vector<1x1x16xi32>,
          %get3A_681 = vector.shape_cast %get3A_680 : vector<1x1x16xi32> to vector<16xi32>
          %shift_left3A_682 = arith.constant 16 : i32
          %shift_left3A_683 = vector.broadcast %shift_left3A_682 : i32 to vector<16xi32>
          %shift_left3A_684 = arith.shli %get3A_673, %shift_left3A_683 : vector<16xi32>
          %bitcast_convert_type3A_685 = tpu.bitcast %shift_left3A_684 : vector<16xi32> -> vector<16xf32>
          %and3A_686 = arith.constant -65536 : i32
          %and3A_687 = vector.broadcast %and3A_686 : i32 to vector<16xi32>
          %and3A_688 = arith.andi %get3A_673, %and3A_687 : vector<16xi32>
          %bitcast_convert_type3A_689 = tpu.bitcast %and3A_688 : vector<16xi32> -> vector<16xf32>
          %shift_left3A_690 = arith.constant 16 : i32
          %shift_left3A_691 = vector.broadcast %shift_left3A_690 : i32 to vector<16xi32>
          %shift_left3A_692 = arith.shli %get3A_681, %shift_left3A_691 : vector<16xi32>
          %bitcast_convert_type3A_693 = tpu.bitcast %shift_left3A_692 : vector<16xi32> -> vector<16xf32>
          %and3A_694 = arith.constant -65536 : i32
          %and3A_695 = vector.broadcast %and3A_694 : i32 to vector<16xi32>
          %and3A_696 = arith.andi %get3A_681, %and3A_695 : vector<16xi32>
          %bitcast_convert_type3A_697 = tpu.bitcast %and3A_696 : vector<16xi32> -> vector<16xf32>
          %mul3A_698 = arith.mulf %gather3A_616, %bitcast_convert_type3A_685 : vector<16xf32>
          %mul3A_699 = arith.mulf %gather3A_619, %bitcast_convert_type3A_689 : vector<16xf32>
          %add3A_700 = arith.addf %mul3A_698, %mul3A_699 : vector<16xf32>
          %mul3A_701 = arith.mulf %gather3A_622, %bitcast_convert_type3A_693 : vector<16xf32>
          %add3A_702 = arith.addf %add3A_700, %mul3A_701 : vector<16xf32>
          %mul3A_703 = arith.mulf %gather3A_625, %bitcast_convert_type3A_697 : vector<16xf32>
          %add3A_704 = arith.addf %add3A_702, %mul3A_703 : vector<16xf32>
          %swap3A_705 = arith.constant 0 : i32
          %swap3A_706 = arith.index_cast %swap3A_705 : i32 to index
          %swap3A_707 = arith.index_cast %add3A_613 : i32 to index
          %swap3A_708 = arith.constant 16 : index
          %swap3A_709 = tpu.vector_load %arg17[%swap3A_706, %swap3A_707, %swap3A_708] {strides = array<i32>} : memref<2x40x128xf32, #tpu.memory_space<vmem>>, vector<1x1x16xf32>,
          %swap3A_710 = vector.shape_cast %swap3A_709 : vector<1x1x16xf32> to vector<16xf32>
          %swap3A_711 = vector.shape_cast %add3A_704 : vector<16xf32> to vector<1x1x16xf32>
          tpu.vector_store %arg17[%swap3A_706, %swap3A_707, %swap3A_708], %swap3A_711 {strides = array<i32>} : memref<2x40x128xf32, #tpu.memory_space<vmem>>, vector<1x1x16xf32>,
          %get3A_712 = arith.constant 0 : i32
          %get3A_713 = arith.index_cast %get3A_712 : i32 to index
          %get3A_714 = arith.index_cast %add3A_613 : i32 to index
          %get3A_715 = arith.constant 32 : index
          %get3A_716 = tpu.vector_load %arg16[%get3A_713, %get3A_714, %get3A_715] {strides = array<i32>} : memref<2x80x128xi32, #tpu.memory_space<vmem>>, vector<1x1x16xi32>,
          %get3A_717 = vector.shape_cast %get3A_716 : vector<1x1x16xi32> to vector<16xi32>
          %add3A_718 = arith.constant 40 : i32
          %add3A_719 = arith.addi %add3A_718, %add3A_613 : i32
          %get3A_720 = arith.constant 0 : i32
          %get3A_721 = arith.index_cast %get3A_720 : i32 to index
          %get3A_722 = arith.index_cast %add3A_719 : i32 to index
          %get3A_723 = arith.constant 32 : index
          %get3A_724 = tpu.vector_load %arg16[%get3A_721, %get3A_722, %get3A_723] {strides = array<i32>} : memref<2x80x128xi32, #tpu.memory_space<vmem>>, vector<1x1x16xi32>,
          %get3A_725 = vector.shape_cast %get3A_724 : vector<1x1x16xi32> to vector<16xi32>
          %shift_left3A_726 = arith.constant 16 : i32
          %shift_left3A_727 = vector.broadcast %shift_left3A_726 : i32 to vector<16xi32>
          %shift_left3A_728 = arith.shli %get3A_717, %shift_left3A_727 : vector<16xi32>
          %bitcast_convert_type3A_729 = tpu.bitcast %shift_left3A_728 : vector<16xi32> -> vector<16xf32>
          %and3A_730 = arith.constant -65536 : i32
          %and3A_731 = vector.broadcast %and3A_730 : i32 to vector<16xi32>
          %and3A_732 = arith.andi %get3A_717, %and3A_731 : vector<16xi32>
          %bitcast_convert_type3A_733 = tpu.bitcast %and3A_732 : vector<16xi32> -> vector<16xf32>
          %shift_left3A_734 = arith.constant 16 : i32
          %shift_left3A_735 = vector.broadcast %shift_left3A_734 : i32 to vector<16xi32>
          %shift_left3A_736 = arith.shli %get3A_725, %shift_left3A_735 : vector<16xi32>
          %bitcast_convert_type3A_737 = tpu.bitcast %shift_left3A_736 : vector<16xi32> -> vector<16xf32>
          %and3A_738 = arith.constant -65536 : i32
          %and3A_739 = vector.broadcast %and3A_738 : i32 to vector<16xi32>
          %and3A_740 = arith.andi %get3A_725, %and3A_739 : vector<16xi32>
          %bitcast_convert_type3A_741 = tpu.bitcast %and3A_740 : vector<16xi32> -> vector<16xf32>
          %mul3A_742 = arith.mulf %gather3A_616, %bitcast_convert_type3A_729 : vector<16xf32>
          %mul3A_743 = arith.mulf %gather3A_619, %bitcast_convert_type3A_733 : vector<16xf32>
          %add3A_744 = arith.addf %mul3A_742, %mul3A_743 : vector<16xf32>
          %mul3A_745 = arith.mulf %gather3A_622, %bitcast_convert_type3A_737 : vector<16xf32>
          %add3A_746 = arith.addf %add3A_744, %mul3A_745 : vector<16xf32>
          %mul3A_747 = arith.mulf %gather3A_625, %bitcast_convert_type3A_741 : vector<16xf32>
          %add3A_748 = arith.addf %add3A_746, %mul3A_747 : vector<16xf32>
          %swap3A_749 = arith.constant 0 : i32
          %swap3A_750 = arith.index_cast %swap3A_749 : i32 to index
          %swap3A_751 = arith.index_cast %add3A_613 : i32 to index
          %swap3A_752 = arith.constant 32 : index
          %swap3A_753 = tpu.vector_load %arg17[%swap3A_750, %swap3A_751, %swap3A_752] {strides = array<i32>} : memref<2x40x128xf32, #tpu.memory_space<vmem>>, vector<1x1x16xf32>,
          %swap3A_754 = vector.shape_cast %swap3A_753 : vector<1x1x16xf32> to vector<16xf32>
          %swap3A_755 = vector.shape_cast %add3A_748 : vector<16xf32> to vector<1x1x16xf32>
          tpu.vector_store %arg17[%swap3A_750, %swap3A_751, %swap3A_752], %swap3A_755 {strides = array<i32>} : memref<2x40x128xf32, #tpu.memory_space<vmem>>, vector<1x1x16xf32>,
          %get3A_756 = arith.constant 0 : i32
          %get3A_757 = arith.index_cast %get3A_756 : i32 to index
          %get3A_758 = arith.index_cast %add3A_613 : i32 to index
          %get3A_759 = arith.constant 48 : index
          %get3A_760 = tpu.vector_load %arg16[%get3A_757, %get3A_758, %get3A_759] {strides = array<i32>} : memref<2x80x128xi32, #tpu.memory_space<vmem>>, vector<1x1x16xi32>,
          %get3A_761 = vector.shape_cast %get3A_760 : vector<1x1x16xi32> to vector<16xi32>
          %add3A_762 = arith.constant 40 : i32
          %add3A_763 = arith.addi %add3A_762, %add3A_613 : i32
          %get3A_764 = arith.constant 0 : i32
          %get3A_765 = arith.index_cast %get3A_764 : i32 to index
          %get3A_766 = arith.index_cast %add3A_763 : i32 to index
          %get3A_767 = arith.constant 48 : index
          %get3A_768 = tpu.vector_load %arg16[%get3A_765, %get3A_766, %get3A_767] {strides = array<i32>} : memref<2x80x128xi32, #tpu.memory_space<vmem>>, vector<1x1x16xi32>,
          %get3A_769 = vector.shape_cast %get3A_768 : vector<1x1x16xi32> to vector<16xi32>
          %shift_left3A_770 = arith.constant 16 : i32
          %shift_left3A_771 = vector.broadcast %shift_left3A_770 : i32 to vector<16xi32>
          %shift_left3A_772 = arith.shli %get3A_761, %shift_left3A_771 : vector<16xi32>
          %bitcast_convert_type3A_773 = tpu.bitcast %shift_left3A_772 : vector<16xi32> -> vector<16xf32>
          %and3A_774 = arith.constant -65536 : i32
          %and3A_775 = vector.broadcast %and3A_774 : i32 to vector<16xi32>
          %and3A_776 = arith.andi %get3A_761, %and3A_775 : vector<16xi32>
          %bitcast_convert_type3A_777 = tpu.bitcast %and3A_776 : vector<16xi32> -> vector<16xf32>
          %shift_left3A_778 = arith.constant 16 : i32
          %shift_left3A_779 = vector.broadcast %shift_left3A_778 : i32 to vector<16xi32>
          %shift_left3A_780 = arith.shli %get3A_769, %shift_left3A_779 : vector<16xi32>
          %bitcast_convert_type3A_781 = tpu.bitcast %shift_left3A_780 : vector<16xi32> -> vector<16xf32>
          %and3A_782 = arith.constant -65536 : i32
          %and3A_783 = vector.broadcast %and3A_782 : i32 to vector<16xi32>
          %and3A_784 = arith.andi %get3A_769, %and3A_783 : vector<16xi32>
          %bitcast_convert_type3A_785 = tpu.bitcast %and3A_784 : vector<16xi32> -> vector<16xf32>
          %mul3A_786 = arith.mulf %gather3A_616, %bitcast_convert_type3A_773 : vector<16xf32>
          %mul3A_787 = arith.mulf %gather3A_619, %bitcast_convert_type3A_777 : vector<16xf32>
          %add3A_788 = arith.addf %mul3A_786, %mul3A_787 : vector<16xf32>
          %mul3A_789 = arith.mulf %gather3A_622, %bitcast_convert_type3A_781 : vector<16xf32>
          %add3A_790 = arith.addf %add3A_788, %mul3A_789 : vector<16xf32>
          %mul3A_791 = arith.mulf %gather3A_625, %bitcast_convert_type3A_785 : vector<16xf32>
          %add3A_792 = arith.addf %add3A_790, %mul3A_791 : vector<16xf32>
          %swap3A_793 = arith.constant 0 : i32
          %swap3A_794 = arith.index_cast %swap3A_793 : i32 to index
          %swap3A_795 = arith.index_cast %add3A_613 : i32 to index
          %swap3A_796 = arith.constant 48 : index
          %swap3A_797 = tpu.vector_load %arg17[%swap3A_794, %swap3A_795, %swap3A_796] {strides = array<i32>} : memref<2x40x128xf32, #tpu.memory_space<vmem>>, vector<1x1x16xf32>,
          %swap3A_798 = vector.shape_cast %swap3A_797 : vector<1x1x16xf32> to vector<16xf32>
          %swap3A_799 = vector.shape_cast %add3A_792 : vector<16xf32> to vector<1x1x16xf32>
          tpu.vector_store %arg17[%swap3A_794, %swap3A_795, %swap3A_796], %swap3A_799 {strides = array<i32>} : memref<2x40x128xf32, #tpu.memory_space<vmem>>, vector<1x1x16xf32>,
          %get3A_800 = arith.constant 0 : i32
          %get3A_801 = arith.index_cast %get3A_800 : i32 to index
          %get3A_802 = arith.index_cast %add3A_613 : i32 to index
          %get3A_803 = arith.constant 64 : index
          %get3A_804 = tpu.vector_load %arg16[%get3A_801, %get3A_802, %get3A_803] {strides = array<i32>} : memref<2x80x128xi32, #tpu.memory_space<vmem>>, vector<1x1x16xi32>,
          %get3A_805 = vector.shape_cast %get3A_804 : vector<1x1x16xi32> to vector<16xi32>
          %add3A_806 = arith.constant 40 : i32
          %add3A_807 = arith.addi %add3A_806, %add3A_613 : i32
          %get3A_808 = arith.constant 0 : i32
          %get3A_809 = arith.index_cast %get3A_808 : i32 to index
          %get3A_810 = arith.index_cast %add3A_807 : i32 to index
          %get3A_811 = arith.constant 64 : index
          %get3A_812 = tpu.vector_load %arg16[%get3A_809, %get3A_810, %get3A_811] {strides = array<i32>} : memref<2x80x128xi32, #tpu.memory_space<vmem>>, vector<1x1x16xi32>,
          %get3A_813 = vector.shape_cast %get3A_812 : vector<1x1x16xi32> to vector<16xi32>
          %shift_left3A_814 = arith.constant 16 : i32
          %shift_left3A_815 = vector.broadcast %shift_left3A_814 : i32 to vector<16xi32>
          %shift_left3A_816 = arith.shli %get3A_805, %shift_left3A_815 : vector<16xi32>
          %bitcast_convert_type3A_817 = tpu.bitcast %shift_left3A_816 : vector<16xi32> -> vector<16xf32>
          %and3A_818 = arith.constant -65536 : i32
          %and3A_819 = vector.broadcast %and3A_818 : i32 to vector<16xi32>
          %and3A_820 = arith.andi %get3A_805, %and3A_819 : vector<16xi32>
          %bitcast_convert_type3A_821 = tpu.bitcast %and3A_820 : vector<16xi32> -> vector<16xf32>
          %shift_left3A_822 = arith.constant 16 : i32
          %shift_left3A_823 = vector.broadcast %shift_left3A_822 : i32 to vector<16xi32>
          %shift_left3A_824 = arith.shli %get3A_813, %shift_left3A_823 : vector<16xi32>
          %bitcast_convert_type3A_825 = tpu.bitcast %shift_left3A_824 : vector<16xi32> -> vector<16xf32>
          %and3A_826 = arith.constant -65536 : i32
          %and3A_827 = vector.broadcast %and3A_826 : i32 to vector<16xi32>
          %and3A_828 = arith.andi %get3A_813, %and3A_827 : vector<16xi32>
          %bitcast_convert_type3A_829 = tpu.bitcast %and3A_828 : vector<16xi32> -> vector<16xf32>
          %mul3A_830 = arith.mulf %gather3A_616, %bitcast_convert_type3A_817 : vector<16xf32>
          %mul3A_831 = arith.mulf %gather3A_619, %bitcast_convert_type3A_821 : vector<16xf32>
          %add3A_832 = arith.addf %mul3A_830, %mul3A_831 : vector<16xf32>
          %mul3A_833 = arith.mulf %gather3A_622, %bitcast_convert_type3A_825 : vector<16xf32>
          %add3A_834 = arith.addf %add3A_832, %mul3A_833 : vector<16xf32>
          %mul3A_835 = arith.mulf %gather3A_625, %bitcast_convert_type3A_829 : vector<16xf32>
          %add3A_836 = arith.addf %add3A_834, %mul3A_835 : vector<16xf32>
          %swap3A_837 = arith.constant 0 : i32
          %swap3A_838 = arith.index_cast %swap3A_837 : i32 to index
          %swap3A_839 = arith.index_cast %add3A_613 : i32 to index
          %swap3A_840 = arith.constant 64 : index
          %swap3A_841 = tpu.vector_load %arg17[%swap3A_838, %swap3A_839, %swap3A_840] {strides = array<i32>} : memref<2x40x128xf32, #tpu.memory_space<vmem>>, vector<1x1x16xf32>,
          %swap3A_842 = vector.shape_cast %swap3A_841 : vector<1x1x16xf32> to vector<16xf32>
          %swap3A_843 = vector.shape_cast %add3A_836 : vector<16xf32> to vector<1x1x16xf32>
          tpu.vector_store %arg17[%swap3A_838, %swap3A_839, %swap3A_840], %swap3A_843 {strides = array<i32>} : memref<2x40x128xf32, #tpu.memory_space<vmem>>, vector<1x1x16xf32>,
          %get3A_844 = arith.constant 0 : i32
          %get3A_845 = arith.index_cast %get3A_844 : i32 to index
          %get3A_846 = arith.index_cast %add3A_613 : i32 to index
          %get3A_847 = arith.constant 80 : index
          %get3A_848 = tpu.vector_load %arg16[%get3A_845, %get3A_846, %get3A_847] {strides = array<i32>} : memref<2x80x128xi32, #tpu.memory_space<vmem>>, vector<1x1x16xi32>,
          %get3A_849 = vector.shape_cast %get3A_848 : vector<1x1x16xi32> to vector<16xi32>
          %add3A_850 = arith.constant 40 : i32
          %add3A_851 = arith.addi %add3A_850, %add3A_613 : i32
          %get3A_852 = arith.constant 0 : i32
          %get3A_853 = arith.index_cast %get3A_852 : i32 to index
          %get3A_854 = arith.index_cast %add3A_851 : i32 to index
          %get3A_855 = arith.constant 80 : index
          %get3A_856 = tpu.vector_load %arg16[%get3A_853, %get3A_854, %get3A_855] {strides = array<i32>} : memref<2x80x128xi32, #tpu.memory_space<vmem>>, vector<1x1x16xi32>,
          %get3A_857 = vector.shape_cast %get3A_856 : vector<1x1x16xi32> to vector<16xi32>
          %shift_left3A_858 = arith.constant 16 : i32
          %shift_left3A_859 = vector.broadcast %shift_left3A_858 : i32 to vector<16xi32>
          %shift_left3A_860 = arith.shli %get3A_849, %shift_left3A_859 : vector<16xi32>
          %bitcast_convert_type3A_861 = tpu.bitcast %shift_left3A_860 : vector<16xi32> -> vector<16xf32>
          %and3A_862 = arith.constant -65536 : i32
          %and3A_863 = vector.broadcast %and3A_862 : i32 to vector<16xi32>
          %and3A_864 = arith.andi %get3A_849, %and3A_863 : vector<16xi32>
          %bitcast_convert_type3A_865 = tpu.bitcast %and3A_864 : vector<16xi32> -> vector<16xf32>
          %shift_left3A_866 = arith.constant 16 : i32
          %shift_left3A_867 = vector.broadcast %shift_left3A_866 : i32 to vector<16xi32>
          %shift_left3A_868 = arith.shli %get3A_857, %shift_left3A_867 : vector<16xi32>
          %bitcast_convert_type3A_869 = tpu.bitcast %shift_left3A_868 : vector<16xi32> -> vector<16xf32>
          %and3A_870 = arith.constant -65536 : i32
          %and3A_871 = vector.broadcast %and3A_870 : i32 to vector<16xi32>
          %and3A_872 = arith.andi %get3A_857, %and3A_871 : vector<16xi32>
          %bitcast_convert_type3A_873 = tpu.bitcast %and3A_872 : vector<16xi32> -> vector<16xf32>
          %mul3A_874 = arith.mulf %gather3A_616, %bitcast_convert_type3A_861 : vector<16xf32>
          %mul3A_875 = arith.mulf %gather3A_619, %bitcast_convert_type3A_865 : vector<16xf32>
          %add3A_876 = arith.addf %mul3A_874, %mul3A_875 : vector<16xf32>
          %mul3A_877 = arith.mulf %gather3A_622, %bitcast_convert_type3A_869 : vector<16xf32>
          %add3A_878 = arith.addf %add3A_876, %mul3A_877 : vector<16xf32>
          %mul3A_879 = arith.mulf %gather3A_625, %bitcast_convert_type3A_873 : vector<16xf32>
          %add3A_880 = arith.addf %add3A_878, %mul3A_879 : vector<16xf32>
          %swap3A_881 = arith.constant 0 : i32
          %swap3A_882 = arith.index_cast %swap3A_881 : i32 to index
          %swap3A_883 = arith.index_cast %add3A_613 : i32 to index
          %swap3A_884 = arith.constant 80 : index
          %swap3A_885 = tpu.vector_load %arg17[%swap3A_882, %swap3A_883, %swap3A_884] {strides = array<i32>} : memref<2x40x128xf32, #tpu.memory_space<vmem>>, vector<1x1x16xf32>,
          %swap3A_886 = vector.shape_cast %swap3A_885 : vector<1x1x16xf32> to vector<16xf32>
          %swap3A_887 = vector.shape_cast %add3A_880 : vector<16xf32> to vector<1x1x16xf32>
          tpu.vector_store %arg17[%swap3A_882, %swap3A_883, %swap3A_884], %swap3A_887 {strides = array<i32>} : memref<2x40x128xf32, #tpu.memory_space<vmem>>, vector<1x1x16xf32>,
          %get3A_888 = arith.constant 0 : i32
          %get3A_889 = arith.index_cast %get3A_888 : i32 to index
          %get3A_890 = arith.index_cast %add3A_613 : i32 to index
          %get3A_891 = arith.constant 96 : index
          %get3A_892 = tpu.vector_load %arg16[%get3A_889, %get3A_890, %get3A_891] {strides = array<i32>} : memref<2x80x128xi32, #tpu.memory_space<vmem>>, vector<1x1x16xi32>,
          %get3A_893 = vector.shape_cast %get3A_892 : vector<1x1x16xi32> to vector<16xi32>
          %add3A_894 = arith.constant 40 : i32
          %add3A_895 = arith.addi %add3A_894, %add3A_613 : i32
          %get3A_896 = arith.constant 0 : i32
          %get3A_897 = arith.index_cast %get3A_896 : i32 to index
          %get3A_898 = arith.index_cast %add3A_895 : i32 to index
          %get3A_899 = arith.constant 96 : index
          %get3A_900 = tpu.vector_load %arg16[%get3A_897, %get3A_898, %get3A_899] {strides = array<i32>} : memref<2x80x128xi32, #tpu.memory_space<vmem>>, vector<1x1x16xi32>,
          %get3A_901 = vector.shape_cast %get3A_900 : vector<1x1x16xi32> to vector<16xi32>
          %shift_left3A_902 = arith.constant 16 : i32
          %shift_left3A_903 = vector.broadcast %shift_left3A_902 : i32 to vector<16xi32>
          %shift_left3A_904 = arith.shli %get3A_893, %shift_left3A_903 : vector<16xi32>
          %bitcast_convert_type3A_905 = tpu.bitcast %shift_left3A_904 : vector<16xi32> -> vector<16xf32>
          %and3A_906 = arith.constant -65536 : i32
          %and3A_907 = vector.broadcast %and3A_906 : i32 to vector<16xi32>
          %and3A_908 = arith.andi %get3A_893, %and3A_907 : vector<16xi32>
          %bitcast_convert_type3A_909 = tpu.bitcast %and3A_908 : vector<16xi32> -> vector<16xf32>
          %shift_left3A_910 = arith.constant 16 : i32
          %shift_left3A_911 = vector.broadcast %shift_left3A_910 : i32 to vector<16xi32>
          %shift_left3A_912 = arith.shli %get3A_901, %shift_left3A_911 : vector<16xi32>
          %bitcast_convert_type3A_913 = tpu.bitcast %shift_left3A_912 : vector<16xi32> -> vector<16xf32>
          %and3A_914 = arith.constant -65536 : i32
          %and3A_915 = vector.broadcast %and3A_914 : i32 to vector<16xi32>
          %and3A_916 = arith.andi %get3A_901, %and3A_915 : vector<16xi32>
          %bitcast_convert_type3A_917 = tpu.bitcast %and3A_916 : vector<16xi32> -> vector<16xf32>
          %mul3A_918 = arith.mulf %gather3A_616, %bitcast_convert_type3A_905 : vector<16xf32>
          %mul3A_919 = arith.mulf %gather3A_619, %bitcast_convert_type3A_909 : vector<16xf32>
          %add3A_920 = arith.addf %mul3A_918, %mul3A_919 : vector<16xf32>
          %mul3A_921 = arith.mulf %gather3A_622, %bitcast_convert_type3A_913 : vector<16xf32>
          %add3A_922 = arith.addf %add3A_920, %mul3A_921 : vector<16xf32>
          %mul3A_923 = arith.mulf %gather3A_625, %bitcast_convert_type3A_917 : vector<16xf32>
          %add3A_924 = arith.addf %add3A_922, %mul3A_923 : vector<16xf32>
          %swap3A_925 = arith.constant 0 : i32
          %swap3A_926 = arith.index_cast %swap3A_925 : i32 to index
          %swap3A_927 = arith.index_cast %add3A_613 : i32 to index
          %swap3A_928 = arith.constant 96 : index
          %swap3A_929 = tpu.vector_load %arg17[%swap3A_926, %swap3A_927, %swap3A_928] {strides = array<i32>} : memref<2x40x128xf32, #tpu.memory_space<vmem>>, vector<1x1x16xf32>,
          %swap3A_930 = vector.shape_cast %swap3A_929 : vector<1x1x16xf32> to vector<16xf32>
          %swap3A_931 = vector.shape_cast %add3A_924 : vector<16xf32> to vector<1x1x16xf32>
          tpu.vector_store %arg17[%swap3A_926, %swap3A_927, %swap3A_928], %swap3A_931 {strides = array<i32>} : memref<2x40x128xf32, #tpu.memory_space<vmem>>, vector<1x1x16xf32>,
          %get3A_932 = arith.constant 0 : i32
          %get3A_933 = arith.index_cast %get3A_932 : i32 to index
          %get3A_934 = arith.index_cast %add3A_613 : i32 to index
          %get3A_935 = arith.constant 112 : index
          %get3A_936 = tpu.vector_load %arg16[%get3A_933, %get3A_934, %get3A_935] {strides = array<i32>} : memref<2x80x128xi32, #tpu.memory_space<vmem>>, vector<1x1x16xi32>,
          %get3A_937 = vector.shape_cast %get3A_936 : vector<1x1x16xi32> to vector<16xi32>
          %add3A_938 = arith.constant 40 : i32
          %add3A_939 = arith.addi %add3A_938, %add3A_613 : i32
          %get3A_940 = arith.constant 0 : i32
          %get3A_941 = arith.index_cast %get3A_940 : i32 to index
          %get3A_942 = arith.index_cast %add3A_939 : i32 to index
          %get3A_943 = arith.constant 112 : index
          %get3A_944 = tpu.vector_load %arg16[%get3A_941, %get3A_942, %get3A_943] {strides = array<i32>} : memref<2x80x128xi32, #tpu.memory_space<vmem>>, vector<1x1x16xi32>,
          %get3A_945 = vector.shape_cast %get3A_944 : vector<1x1x16xi32> to vector<16xi32>
          %shift_left3A_946 = arith.constant 16 : i32
          %shift_left3A_947 = vector.broadcast %shift_left3A_946 : i32 to vector<16xi32>
          %shift_left3A_948 = arith.shli %get3A_937, %shift_left3A_947 : vector<16xi32>
          %bitcast_convert_type3A_949 = tpu.bitcast %shift_left3A_948 : vector<16xi32> -> vector<16xf32>
          %and3A_950 = arith.constant -65536 : i32
          %and3A_951 = vector.broadcast %and3A_950 : i32 to vector<16xi32>
          %and3A_952 = arith.andi %get3A_937, %and3A_951 : vector<16xi32>
          %bitcast_convert_type3A_953 = tpu.bitcast %and3A_952 : vector<16xi32> -> vector<16xf32>
          %shift_left3A_954 = arith.constant 16 : i32
          %shift_left3A_955 = vector.broadcast %shift_left3A_954 : i32 to vector<16xi32>
          %shift_left3A_956 = arith.shli %get3A_945, %shift_left3A_955 : vector<16xi32>
          %bitcast_convert_type3A_957 = tpu.bitcast %shift_left3A_956 : vector<16xi32> -> vector<16xf32>
          %and3A_958 = arith.constant -65536 : i32
          %and3A_959 = vector.broadcast %and3A_958 : i32 to vector<16xi32>
          %and3A_960 = arith.andi %get3A_945, %and3A_959 : vector<16xi32>
          %bitcast_convert_type3A_961 = tpu.bitcast %and3A_960 : vector<16xi32> -> vector<16xf32>
          %mul3A_962 = arith.mulf %gather3A_616, %bitcast_convert_type3A_949 : vector<16xf32>
          %mul3A_963 = arith.mulf %gather3A_619, %bitcast_convert_type3A_953 : vector<16xf32>
          %add3A_964 = arith.addf %mul3A_962, %mul3A_963 : vector<16xf32>
          %mul3A_965 = arith.mulf %gather3A_622, %bitcast_convert_type3A_957 : vector<16xf32>
          %add3A_966 = arith.addf %add3A_964, %mul3A_965 : vector<16xf32>
          %mul3A_967 = arith.mulf %gather3A_625, %bitcast_convert_type3A_961 : vector<16xf32>
          %add3A_968 = arith.addf %add3A_966, %mul3A_967 : vector<16xf32>
          %swap3A_969 = arith.constant 0 : i32
          %swap3A_970 = arith.index_cast %swap3A_969 : i32 to index
          %swap3A_971 = arith.index_cast %add3A_613 : i32 to index
          %swap3A_972 = arith.constant 112 : index
          %swap3A_973 = tpu.vector_load %arg17[%swap3A_970, %swap3A_971, %swap3A_972] {strides = array<i32>} : memref<2x40x128xf32, #tpu.memory_space<vmem>>, vector<1x1x16xf32>,
          %swap3A_974 = vector.shape_cast %swap3A_973 : vector<1x1x16xf32> to vector<16xf32>
          %swap3A_975 = vector.shape_cast %add3A_968 : vector<16xf32> to vector<1x1x16xf32>
          tpu.vector_store %arg17[%swap3A_970, %swap3A_971, %swap3A_972], %swap3A_975 {strides = array<i32>} : memref<2x40x128xf32, #tpu.memory_space<vmem>>, vector<1x1x16xf32>,
          %add3A_976 = arith.constant 1 : i32
          %add3A_977 = arith.addi %mul3A_538, %add3A_976 : i32
          %add3A_978 = arith.constant 1 : i32
          %add3A_979 = arith.addi %mul3A_590, %add3A_978 : i32
          %broadcast_in_dim3A_980 = vector.broadcast %add3A_979 : i32 to vector<16x1xi32>
          %gather3A_981 = vector.shape_cast %broadcast_in_dim3A_980 : vector<16x1xi32> to vector<16xi32>
          %gather3A_982 = tpu.dynamic_gather %get3A_596[%gather3A_981] in [0] : vector<16xf32>, vector<16xi32> -> vector<16xf32>
          %broadcast_in_dim3A_983 = vector.broadcast %add3A_979 : i32 to vector<16x1xi32>
          %gather3A_984 = vector.shape_cast %broadcast_in_dim3A_983 : vector<16x1xi32> to vector<16xi32>
          %gather3A_985 = tpu.dynamic_gather %get3A_601[%gather3A_984] in [0] : vector<16xf32>, vector<16xi32> -> vector<16xf32>
          %broadcast_in_dim3A_986 = vector.broadcast %add3A_979 : i32 to vector<16x1xi32>
          %gather3A_987 = vector.shape_cast %broadcast_in_dim3A_986 : vector<16x1xi32> to vector<16xi32>
          %gather3A_988 = tpu.dynamic_gather %get3A_606[%gather3A_987] in [0] : vector<16xf32>, vector<16xi32> -> vector<16xf32>
          %broadcast_in_dim3A_989 = vector.broadcast %add3A_979 : i32 to vector<16x1xi32>
          %gather3A_990 = vector.shape_cast %broadcast_in_dim3A_989 : vector<16x1xi32> to vector<16xi32>
          %gather3A_991 = tpu.dynamic_gather %get3A_611[%gather3A_990] in [0] : vector<16xf32>, vector<16xi32> -> vector<16xf32>
          %get3A_992 = arith.constant 0 : i32
          %get3A_993 = arith.index_cast %get3A_992 : i32 to index
          %get3A_994 = arith.index_cast %add3A_977 : i32 to index
          %get3A_995 = arith.constant 0 : index
          %get3A_996 = tpu.vector_load %arg16[%get3A_993, %get3A_994, %get3A_995] {strides = array<i32>} : memref<2x80x128xi32, #tpu.memory_space<vmem>>, vector<1x1x16xi32>,
          %get3A_997 = vector.shape_cast %get3A_996 : vector<1x1x16xi32> to vector<16xi32>
          %add3A_998 = arith.constant 40 : i32
          %add3A_999 = arith.addi %add3A_998, %add3A_977 : i32
          %get3A_1000 = arith.constant 0 : i32
          %get3A_1001 = arith.index_cast %get3A_1000 : i32 to index
          %get3A_1002 = arith.index_cast %add3A_999 : i32 to index
          %get3A_1003 = arith.constant 0 : index
          %get3A_1004 = tpu.vector_load %arg16[%get3A_1001, %get3A_1002, %get3A_1003] {strides = array<i32>} : memref<2x80x128xi32, #tpu.memory_space<vmem>>, vector<1x1x16xi32>,
          %get3A_1005 = vector.shape_cast %get3A_1004 : vector<1x1x16xi32> to vector<16xi32>
          %shift_left3A_1006 = arith.constant 16 : i32
          %shift_left3A_1007 = vector.broadcast %shift_left3A_1006 : i32 to vector<16xi32>
          %shift_left3A_1008 = arith.shli %get3A_997, %shift_left3A_1007 : vector<16xi32>
          %bitcast_convert_type3A_1009 = tpu.bitcast %shift_left3A_1008 : vector<16xi32> -> vector<16xf32>
          %and3A_1010 = arith.constant -65536 : i32
          %and3A_1011 = vector.broadcast %and3A_1010 : i32 to vector<16xi32>
          %and3A_1012 = arith.andi %get3A_997, %and3A_1011 : vector<16xi32>
          %bitcast_convert_type3A_1013 = tpu.bitcast %and3A_1012 : vector<16xi32> -> vector<16xf32>
          %shift_left3A_1014 = arith.constant 16 : i32
          %shift_left3A_1015 = vector.broadcast %shift_left3A_1014 : i32 to vector<16xi32>
          %shift_left3A_1016 = arith.shli %get3A_1005, %shift_left3A_1015 : vector<16xi32>
          %bitcast_convert_type3A_1017 = tpu.bitcast %shift_left3A_1016 : vector<16xi32> -> vector<16xf32>
          %and3A_1018 = arith.constant -65536 : i32
          %and3A_1019 = vector.broadcast %and3A_1018 : i32 to vector<16xi32>
          %and3A_1020 = arith.andi %get3A_1005, %and3A_1019 : vector<16xi32>
          %bitcast_convert_type3A_1021 = tpu.bitcast %and3A_1020 : vector<16xi32> -> vector<16xf32>
          %mul3A_1022 = arith.mulf %gather3A_982, %bitcast_convert_type3A_1009 : vector<16xf32>
          %mul3A_1023 = arith.mulf %gather3A_985, %bitcast_convert_type3A_1013 : vector<16xf32>
          %add3A_1024 = arith.addf %mul3A_1022, %mul3A_1023 : vector<16xf32>
          %mul3A_1025 = arith.mulf %gather3A_988, %bitcast_convert_type3A_1017 : vector<16xf32>
          %add3A_1026 = arith.addf %add3A_1024, %mul3A_1025 : vector<16xf32>
          %mul3A_1027 = arith.mulf %gather3A_991, %bitcast_convert_type3A_1021 : vector<16xf32>
          %add3A_1028 = arith.addf %add3A_1026, %mul3A_1027 : vector<16xf32>
          %swap3A_1029 = arith.constant 0 : i32
          %swap3A_1030 = arith.index_cast %swap3A_1029 : i32 to index
          %swap3A_1031 = arith.index_cast %add3A_977 : i32 to index
          %swap3A_1032 = arith.constant 0 : index
          %swap3A_1033 = tpu.vector_load %arg17[%swap3A_1030, %swap3A_1031, %swap3A_1032] {strides = array<i32>} : memref<2x40x128xf32, #tpu.memory_space<vmem>>, vector<1x1x16xf32>,
          %swap3A_1034 = vector.shape_cast %swap3A_1033 : vector<1x1x16xf32> to vector<16xf32>
          %swap3A_1035 = vector.shape_cast %add3A_1028 : vector<16xf32> to vector<1x1x16xf32>
          tpu.vector_store %arg17[%swap3A_1030, %swap3A_1031, %swap3A_1032], %swap3A_1035 {strides = array<i32>} : memref<2x40x128xf32, #tpu.memory_space<vmem>>, vector<1x1x16xf32>,
          %get3A_1036 = arith.constant 0 : i32
          %get3A_1037 = arith.index_cast %get3A_1036 : i32 to index
          %get3A_1038 = arith.index_cast %add3A_977 : i32 to index
          %get3A_1039 = arith.constant 16 : index
          %get3A_1040 = tpu.vector_load %arg16[%get3A_1037, %get3A_1038, %get3A_1039] {strides = array<i32>} : memref<2x80x128xi32, #tpu.memory_space<vmem>>, vector<1x1x16xi32>,
          %get3A_1041 = vector.shape_cast %get3A_1040 : vector<1x1x16xi32> to vector<16xi32>
          %add3A_1042 = arith.constant 40 : i32
          %add3A_1043 = arith.addi %add3A_1042, %add3A_977 : i32
          %get3A_1044 = arith.constant 0 : i32
          %get3A_1045 = arith.index_cast %get3A_1044 : i32 to index
          %get3A_1046 = arith.index_cast %add3A_1043 : i32 to index
          %get3A_1047 = arith.constant 16 : index
          %get3A_1048 = tpu.vector_load %arg16[%get3A_1045, %get3A_1046, %get3A_1047] {strides = array<i32>} : memref<2x80x128xi32, #tpu.memory_space<vmem>>, vector<1x1x16xi32>,
          %get3A_1049 = vector.shape_cast %get3A_1048 : vector<1x1x16xi32> to vector<16xi32>
          %shift_left3A_1050 = arith.constant 16 : i32
          %shift_left3A_1051 = vector.broadcast %shift_left3A_1050 : i32 to vector<16xi32>
          %shift_left3A_1052 = arith.shli %get3A_1041, %shift_left3A_1051 : vector<16xi32>
          %bitcast_convert_type3A_1053 = tpu.bitcast %shift_left3A_1052 : vector<16xi32> -> vector<16xf32>
          %and3A_1054 = arith.constant -65536 : i32
          %and3A_1055 = vector.broadcast %and3A_1054 : i32 to vector<16xi32>
          %and3A_1056 = arith.andi %get3A_1041, %and3A_1055 : vector<16xi32>
          %bitcast_convert_type3A_1057 = tpu.bitcast %and3A_1056 : vector<16xi32> -> vector<16xf32>
          %shift_left3A_1058 = arith.constant 16 : i32
          %shift_left3A_1059 = vector.broadcast %shift_left3A_1058 : i32 to vector<16xi32>
          %shift_left3A_1060 = arith.shli %get3A_1049, %shift_left3A_1059 : vector<16xi32>
          %bitcast_convert_type3A_1061 = tpu.bitcast %shift_left3A_1060 : vector<16xi32> -> vector<16xf32>
          %and3A_1062 = arith.constant -65536 : i32
          %and3A_1063 = vector.broadcast %and3A_1062 : i32 to vector<16xi32>
          %and3A_1064 = arith.andi %get3A_1049, %and3A_1063 : vector<16xi32>
          %bitcast_convert_type3A_1065 = tpu.bitcast %and3A_1064 : vector<16xi32> -> vector<16xf32>
          %mul3A_1066 = arith.mulf %gather3A_982, %bitcast_convert_type3A_1053 : vector<16xf32>
          %mul3A_1067 = arith.mulf %gather3A_985, %bitcast_convert_type3A_1057 : vector<16xf32>
          %add3A_1068 = arith.addf %mul3A_1066, %mul3A_1067 : vector<16xf32>
          %mul3A_1069 = arith.mulf %gather3A_988, %bitcast_convert_type3A_1061 : vector<16xf32>
          %add3A_1070 = arith.addf %add3A_1068, %mul3A_1069 : vector<16xf32>
          %mul3A_1071 = arith.mulf %gather3A_991, %bitcast_convert_type3A_1065 : vector<16xf32>
          %add3A_1072 = arith.addf %add3A_1070, %mul3A_1071 : vector<16xf32>
          %swap3A_1073 = arith.constant 0 : i32
          %swap3A_1074 = arith.index_cast %swap3A_1073 : i32 to index
          %swap3A_1075 = arith.index_cast %add3A_977 : i32 to index
          %swap3A_1076 = arith.constant 16 : index
          %swap3A_1077 = tpu.vector_load %arg17[%swap3A_1074, %swap3A_1075, %swap3A_1076] {strides = array<i32>} : memref<2x40x128xf32, #tpu.memory_space<vmem>>, vector<1x1x16xf32>,
          %swap3A_1078 = vector.shape_cast %swap3A_1077 : vector<1x1x16xf32> to vector<16xf32>
          %swap3A_1079 = vector.shape_cast %add3A_1072 : vector<16xf32> to vector<1x1x16xf32>
          tpu.vector_store %arg17[%swap3A_1074, %swap3A_1075, %swap3A_1076], %swap3A_1079 {strides = array<i32>} : memref<2x40x128xf32, #tpu.memory_space<vmem>>, vector<1x1x16xf32>,
          %get3A_1080 = arith.constant 0 : i32
          %get3A_1081 = arith.index_cast %get3A_1080 : i32 to index
          %get3A_1082 = arith.index_cast %add3A_977 : i32 to index
          %get3A_1083 = arith.constant 32 : index
          %get3A_1084 = tpu.vector_load %arg16[%get3A_1081, %get3A_1082, %get3A_1083] {strides = array<i32>} : memref<2x80x128xi32, #tpu.memory_space<vmem>>, vector<1x1x16xi32>,
          %get3A_1085 = vector.shape_cast %get3A_1084 : vector<1x1x16xi32> to vector<16xi32>
          %add3A_1086 = arith.constant 40 : i32
          %add3A_1087 = arith.addi %add3A_1086, %add3A_977 : i32
          %get3A_1088 = arith.constant 0 : i32
          %get3A_1089 = arith.index_cast %get3A_1088 : i32 to index
          %get3A_1090 = arith.index_cast %add3A_1087 : i32 to index
          %get3A_1091 = arith.constant 32 : index
          %get3A_1092 = tpu.vector_load %arg16[%get3A_1089, %get3A_1090, %get3A_1091] {strides = array<i32>} : memref<2x80x128xi32, #tpu.memory_space<vmem>>, vector<1x1x16xi32>,
          %get3A_1093 = vector.shape_cast %get3A_1092 : vector<1x1x16xi32> to vector<16xi32>
          %shift_left3A_1094 = arith.constant 16 : i32
          %shift_left3A_1095 = vector.broadcast %shift_left3A_1094 : i32 to vector<16xi32>
          %shift_left3A_1096 = arith.shli %get3A_1085, %shift_left3A_1095 : vector<16xi32>
          %bitcast_convert_type3A_1097 = tpu.bitcast %shift_left3A_1096 : vector<16xi32> -> vector<16xf32>
          %and3A_1098 = arith.constant -65536 : i32
          %and3A_1099 = vector.broadcast %and3A_1098 : i32 to vector<16xi32>
          %and3A_1100 = arith.andi %get3A_1085, %and3A_1099 : vector<16xi32>
          %bitcast_convert_type3A_1101 = tpu.bitcast %and3A_1100 : vector<16xi32> -> vector<16xf32>
          %shift_left3A_1102 = arith.constant 16 : i32
          %shift_left3A_1103 = vector.broadcast %shift_left3A_1102 : i32 to vector<16xi32>
          %shift_left3A_1104 = arith.shli %get3A_1093, %shift_left3A_1103 : vector<16xi32>
          %bitcast_convert_type3A_1105 = tpu.bitcast %shift_left3A_1104 : vector<16xi32> -> vector<16xf32>
          %and3A_1106 = arith.constant -65536 : i32
          %and3A_1107 = vector.broadcast %and3A_1106 : i32 to vector<16xi32>
          %and3A_1108 = arith.andi %get3A_1093, %and3A_1107 : vector<16xi32>
          %bitcast_convert_type3A_1109 = tpu.bitcast %and3A_1108 : vector<16xi32> -> vector<16xf32>
          %mul3A_1110 = arith.mulf %gather3A_982, %bitcast_convert_type3A_1097 : vector<16xf32>
          %mul3A_1111 = arith.mulf %gather3A_985, %bitcast_convert_type3A_1101 : vector<16xf32>
          %add3A_1112 = arith.addf %mul3A_1110, %mul3A_1111 : vector<16xf32>
          %mul3A_1113 = arith.mulf %gather3A_988, %bitcast_convert_type3A_1105 : vector<16xf32>
          %add3A_1114 = arith.addf %add3A_1112, %mul3A_1113 : vector<16xf32>
          %mul3A_1115 = arith.mulf %gather3A_991, %bitcast_convert_type3A_1109 : vector<16xf32>
          %add3A_1116 = arith.addf %add3A_1114, %mul3A_1115 : vector<16xf32>
          %swap3A_1117 = arith.constant 0 : i32
          %swap3A_1118 = arith.index_cast %swap3A_1117 : i32 to index
          %swap3A_1119 = arith.index_cast %add3A_977 : i32 to index
          %swap3A_1120 = arith.constant 32 : index
          %swap3A_1121 = tpu.vector_load %arg17[%swap3A_1118, %swap3A_1119, %swap3A_1120] {strides = array<i32>} : memref<2x40x128xf32, #tpu.memory_space<vmem>>, vector<1x1x16xf32>,
          %swap3A_1122 = vector.shape_cast %swap3A_1121 : vector<1x1x16xf32> to vector<16xf32>
          %swap3A_1123 = vector.shape_cast %add3A_1116 : vector<16xf32> to vector<1x1x16xf32>
          tpu.vector_store %arg17[%swap3A_1118, %swap3A_1119, %swap3A_1120], %swap3A_1123 {strides = array<i32>} : memref<2x40x128xf32, #tpu.memory_space<vmem>>, vector<1x1x16xf32>,
          %get3A_1124 = arith.constant 0 : i32
          %get3A_1125 = arith.index_cast %get3A_1124 : i32 to index
          %get3A_1126 = arith.index_cast %add3A_977 : i32 to index
          %get3A_1127 = arith.constant 48 : index
          %get3A_1128 = tpu.vector_load %arg16[%get3A_1125, %get3A_1126, %get3A_1127] {strides = array<i32>} : memref<2x80x128xi32, #tpu.memory_space<vmem>>, vector<1x1x16xi32>,
          %get3A_1129 = vector.shape_cast %get3A_1128 : vector<1x1x16xi32> to vector<16xi32>
          %add3A_1130 = arith.constant 40 : i32
          %add3A_1131 = arith.addi %add3A_1130, %add3A_977 : i32
          %get3A_1132 = arith.constant 0 : i32
          %get3A_1133 = arith.index_cast %get3A_1132 : i32 to index
          %get3A_1134 = arith.index_cast %add3A_1131 : i32 to index
          %get3A_1135 = arith.constant 48 : index
          %get3A_1136 = tpu.vector_load %arg16[%get3A_1133, %get3A_1134, %get3A_1135] {strides = array<i32>} : memref<2x80x128xi32, #tpu.memory_space<vmem>>, vector<1x1x16xi32>,
          %get3A_1137 = vector.shape_cast %get3A_1136 : vector<1x1x16xi32> to vector<16xi32>
          %shift_left3A_1138 = arith.constant 16 : i32
          %shift_left3A_1139 = vector.broadcast %shift_left3A_1138 : i32 to vector<16xi32>
          %shift_left3A_1140 = arith.shli %get3A_1129, %shift_left3A_1139 : vector<16xi32>
          %bitcast_convert_type3A_1141 = tpu.bitcast %shift_left3A_1140 : vector<16xi32> -> vector<16xf32>
          %and3A_1142 = arith.constant -65536 : i32
          %and3A_1143 = vector.broadcast %and3A_1142 : i32 to vector<16xi32>
          %and3A_1144 = arith.andi %get3A_1129, %and3A_1143 : vector<16xi32>
          %bitcast_convert_type3A_1145 = tpu.bitcast %and3A_1144 : vector<16xi32> -> vector<16xf32>
          %shift_left3A_1146 = arith.constant 16 : i32
          %shift_left3A_1147 = vector.broadcast %shift_left3A_1146 : i32 to vector<16xi32>
          %shift_left3A_1148 = arith.shli %get3A_1137, %shift_left3A_1147 : vector<16xi32>
          %bitcast_convert_type3A_1149 = tpu.bitcast %shift_left3A_1148 : vector<16xi32> -> vector<16xf32>
          %and3A_1150 = arith.constant -65536 : i32
          %and3A_1151 = vector.broadcast %and3A_1150 : i32 to vector<16xi32>
          %and3A_1152 = arith.andi %get3A_1137, %and3A_1151 : vector<16xi32>
          %bitcast_convert_type3A_1153 = tpu.bitcast %and3A_1152 : vector<16xi32> -> vector<16xf32>
          %mul3A_1154 = arith.mulf %gather3A_982, %bitcast_convert_type3A_1141 : vector<16xf32>
          %mul3A_1155 = arith.mulf %gather3A_985, %bitcast_convert_type3A_1145 : vector<16xf32>
          %add3A_1156 = arith.addf %mul3A_1154, %mul3A_1155 : vector<16xf32>
          %mul3A_1157 = arith.mulf %gather3A_988, %bitcast_convert_type3A_1149 : vector<16xf32>
          %add3A_1158 = arith.addf %add3A_1156, %mul3A_1157 : vector<16xf32>
          %mul3A_1159 = arith.mulf %gather3A_991, %bitcast_convert_type3A_1153 : vector<16xf32>
          %add3A_1160 = arith.addf %add3A_1158, %mul3A_1159 : vector<16xf32>
          %swap3A_1161 = arith.constant 0 : i32
          %swap3A_1162 = arith.index_cast %swap3A_1161 : i32 to index
          %swap3A_1163 = arith.index_cast %add3A_977 : i32 to index
          %swap3A_1164 = arith.constant 48 : index
          %swap3A_1165 = tpu.vector_load %arg17[%swap3A_1162, %swap3A_1163, %swap3A_1164] {strides = array<i32>} : memref<2x40x128xf32, #tpu.memory_space<vmem>>, vector<1x1x16xf32>,
          %swap3A_1166 = vector.shape_cast %swap3A_1165 : vector<1x1x16xf32> to vector<16xf32>
          %swap3A_1167 = vector.shape_cast %add3A_1160 : vector<16xf32> to vector<1x1x16xf32>
          tpu.vector_store %arg17[%swap3A_1162, %swap3A_1163, %swap3A_1164], %swap3A_1167 {strides = array<i32>} : memref<2x40x128xf32, #tpu.memory_space<vmem>>, vector<1x1x16xf32>,
          %get3A_1168 = arith.constant 0 : i32
          %get3A_1169 = arith.index_cast %get3A_1168 : i32 to index
          %get3A_1170 = arith.index_cast %add3A_977 : i32 to index
          %get3A_1171 = arith.constant 64 : index
          %get3A_1172 = tpu.vector_load %arg16[%get3A_1169, %get3A_1170, %get3A_1171] {strides = array<i32>} : memref<2x80x128xi32, #tpu.memory_space<vmem>>, vector<1x1x16xi32>,
          %get3A_1173 = vector.shape_cast %get3A_1172 : vector<1x1x16xi32> to vector<16xi32>
          %add3A_1174 = arith.constant 40 : i32
          %add3A_1175 = arith.addi %add3A_1174, %add3A_977 : i32
          %get3A_1176 = arith.constant 0 : i32
          %get3A_1177 = arith.index_cast %get3A_1176 : i32 to index
          %get3A_1178 = arith.index_cast %add3A_1175 : i32 to index
          %get3A_1179 = arith.constant 64 : index
          %get3A_1180 = tpu.vector_load %arg16[%get3A_1177, %get3A_1178, %get3A_1179] {strides = array<i32>} : memref<2x80x128xi32, #tpu.memory_space<vmem>>, vector<1x1x16xi32>,
          %get3A_1181 = vector.shape_cast %get3A_1180 : vector<1x1x16xi32> to vector<16xi32>
          %shift_left3A_1182 = arith.constant 16 : i32
          %shift_left3A_1183 = vector.broadcast %shift_left3A_1182 : i32 to vector<16xi32>
          %shift_left3A_1184 = arith.shli %get3A_1173, %shift_left3A_1183 : vector<16xi32>
          %bitcast_convert_type3A_1185 = tpu.bitcast %shift_left3A_1184 : vector<16xi32> -> vector<16xf32>
          %and3A_1186 = arith.constant -65536 : i32
          %and3A_1187 = vector.broadcast %and3A_1186 : i32 to vector<16xi32>
          %and3A_1188 = arith.andi %get3A_1173, %and3A_1187 : vector<16xi32>
          %bitcast_convert_type3A_1189 = tpu.bitcast %and3A_1188 : vector<16xi32> -> vector<16xf32>
          %shift_left3A_1190 = arith.constant 16 : i32
          %shift_left3A_1191 = vector.broadcast %shift_left3A_1190 : i32 to vector<16xi32>
          %shift_left3A_1192 = arith.shli %get3A_1181, %shift_left3A_1191 : vector<16xi32>
          %bitcast_convert_type3A_1193 = tpu.bitcast %shift_left3A_1192 : vector<16xi32> -> vector<16xf32>
          %and3A_1194 = arith.constant -65536 : i32
          %and3A_1195 = vector.broadcast %and3A_1194 : i32 to vector<16xi32>
          %and3A_1196 = arith.andi %get3A_1181, %and3A_1195 : vector<16xi32>
          %bitcast_convert_type3A_1197 = tpu.bitcast %and3A_1196 : vector<16xi32> -> vector<16xf32>
          %mul3A_1198 = arith.mulf %gather3A_982, %bitcast_convert_type3A_1185 : vector<16xf32>
          %mul3A_1199 = arith.mulf %gather3A_985, %bitcast_convert_type3A_1189 : vector<16xf32>
          %add3A_1200 = arith.addf %mul3A_1198, %mul3A_1199 : vector<16xf32>
          %mul3A_1201 = arith.mulf %gather3A_988, %bitcast_convert_type3A_1193 : vector<16xf32>
          %add3A_1202 = arith.addf %add3A_1200, %mul3A_1201 : vector<16xf32>
          %mul3A_1203 = arith.mulf %gather3A_991, %bitcast_convert_type3A_1197 : vector<16xf32>
          %add3A_1204 = arith.addf %add3A_1202, %mul3A_1203 : vector<16xf32>
          %swap3A_1205 = arith.constant 0 : i32
          %swap3A_1206 = arith.index_cast %swap3A_1205 : i32 to index
          %swap3A_1207 = arith.index_cast %add3A_977 : i32 to index
          %swap3A_1208 = arith.constant 64 : index
          %swap3A_1209 = tpu.vector_load %arg17[%swap3A_1206, %swap3A_1207, %swap3A_1208] {strides = array<i32>} : memref<2x40x128xf32, #tpu.memory_space<vmem>>, vector<1x1x16xf32>,
          %swap3A_1210 = vector.shape_cast %swap3A_1209 : vector<1x1x16xf32> to vector<16xf32>
          %swap3A_1211 = vector.shape_cast %add3A_1204 : vector<16xf32> to vector<1x1x16xf32>
          tpu.vector_store %arg17[%swap3A_1206, %swap3A_1207, %swap3A_1208], %swap3A_1211 {strides = array<i32>} : memref<2x40x128xf32, #tpu.memory_space<vmem>>, vector<1x1x16xf32>,
          %get3A_1212 = arith.constant 0 : i32
          %get3A_1213 = arith.index_cast %get3A_1212 : i32 to index
          %get3A_1214 = arith.index_cast %add3A_977 : i32 to index
          %get3A_1215 = arith.constant 80 : index
          %get3A_1216 = tpu.vector_load %arg16[%get3A_1213, %get3A_1214, %get3A_1215] {strides = array<i32>} : memref<2x80x128xi32, #tpu.memory_space<vmem>>, vector<1x1x16xi32>,
          %get3A_1217 = vector.shape_cast %get3A_1216 : vector<1x1x16xi32> to vector<16xi32>
          %add3A_1218 = arith.constant 40 : i32
          %add3A_1219 = arith.addi %add3A_1218, %add3A_977 : i32
          %get3A_1220 = arith.constant 0 : i32
          %get3A_1221 = arith.index_cast %get3A_1220 : i32 to index
          %get3A_1222 = arith.index_cast %add3A_1219 : i32 to index
          %get3A_1223 = arith.constant 80 : index
          %get3A_1224 = tpu.vector_load %arg16[%get3A_1221, %get3A_1222, %get3A_1223] {strides = array<i32>} : memref<2x80x128xi32, #tpu.memory_space<vmem>>, vector<1x1x16xi32>,
          %get3A_1225 = vector.shape_cast %get3A_1224 : vector<1x1x16xi32> to vector<16xi32>
          %shift_left3A_1226 = arith.constant 16 : i32
          %shift_left3A_1227 = vector.broadcast %shift_left3A_1226 : i32 to vector<16xi32>
          %shift_left3A_1228 = arith.shli %get3A_1217, %shift_left3A_1227 : vector<16xi32>
          %bitcast_convert_type3A_1229 = tpu.bitcast %shift_left3A_1228 : vector<16xi32> -> vector<16xf32>
          %and3A_1230 = arith.constant -65536 : i32
          %and3A_1231 = vector.broadcast %and3A_1230 : i32 to vector<16xi32>
          %and3A_1232 = arith.andi %get3A_1217, %and3A_1231 : vector<16xi32>
          %bitcast_convert_type3A_1233 = tpu.bitcast %and3A_1232 : vector<16xi32> -> vector<16xf32>
          %shift_left3A_1234 = arith.constant 16 : i32
          %shift_left3A_1235 = vector.broadcast %shift_left3A_1234 : i32 to vector<16xi32>
          %shift_left3A_1236 = arith.shli %get3A_1225, %shift_left3A_1235 : vector<16xi32>
          %bitcast_convert_type3A_1237 = tpu.bitcast %shift_left3A_1236 : vector<16xi32> -> vector<16xf32>
          %and3A_1238 = arith.constant -65536 : i32
          %and3A_1239 = vector.broadcast %and3A_1238 : i32 to vector<16xi32>
          %and3A_1240 = arith.andi %get3A_1225, %and3A_1239 : vector<16xi32>
          %bitcast_convert_type3A_1241 = tpu.bitcast %and3A_1240 : vector<16xi32> -> vector<16xf32>
          %mul3A_1242 = arith.mulf %gather3A_982, %bitcast_convert_type3A_1229 : vector<16xf32>
          %mul3A_1243 = arith.mulf %gather3A_985, %bitcast_convert_type3A_1233 : vector<16xf32>
          %add3A_1244 = arith.addf %mul3A_1242, %mul3A_1243 : vector<16xf32>
          %mul3A_1245 = arith.mulf %gather3A_988, %bitcast_convert_type3A_1237 : vector<16xf32>
          %add3A_1246 = arith.addf %add3A_1244, %mul3A_1245 : vector<16xf32>
          %mul3A_1247 = arith.mulf %gather3A_991, %bitcast_convert_type3A_1241 : vector<16xf32>
          %add3A_1248 = arith.addf %add3A_1246, %mul3A_1247 : vector<16xf32>
          %swap3A_1249 = arith.constant 0 : i32
          %swap3A_1250 = arith.index_cast %swap3A_1249 : i32 to index
          %swap3A_1251 = arith.index_cast %add3A_977 : i32 to index
          %swap3A_1252 = arith.constant 80 : index
          %swap3A_1253 = tpu.vector_load %arg17[%swap3A_1250, %swap3A_1251, %swap3A_1252] {strides = array<i32>} : memref<2x40x128xf32, #tpu.memory_space<vmem>>, vector<1x1x16xf32>,
          %swap3A_1254 = vector.shape_cast %swap3A_1253 : vector<1x1x16xf32> to vector<16xf32>
          %swap3A_1255 = vector.shape_cast %add3A_1248 : vector<16xf32> to vector<1x1x16xf32>
          tpu.vector_store %arg17[%swap3A_1250, %swap3A_1251, %swap3A_1252], %swap3A_1255 {strides = array<i32>} : memref<2x40x128xf32, #tpu.memory_space<vmem>>, vector<1x1x16xf32>,
          %get3A_1256 = arith.constant 0 : i32
          %get3A_1257 = arith.index_cast %get3A_1256 : i32 to index
          %get3A_1258 = arith.index_cast %add3A_977 : i32 to index
          %get3A_1259 = arith.constant 96 : index
          %get3A_1260 = tpu.vector_load %arg16[%get3A_1257, %get3A_1258, %get3A_1259] {strides = array<i32>} : memref<2x80x128xi32, #tpu.memory_space<vmem>>, vector<1x1x16xi32>,
          %get3A_1261 = vector.shape_cast %get3A_1260 : vector<1x1x16xi32> to vector<16xi32>
          %add3A_1262 = arith.constant 40 : i32
          %add3A_1263 = arith.addi %add3A_1262, %add3A_977 : i32
          %get3A_1264 = arith.constant 0 : i32
          %get3A_1265 = arith.index_cast %get3A_1264 : i32 to index
          %get3A_1266 = arith.index_cast %add3A_1263 : i32 to index
          %get3A_1267 = arith.constant 96 : index
          %get3A_1268 = tpu.vector_load %arg16[%get3A_1265, %get3A_1266, %get3A_1267] {strides = array<i32>} : memref<2x80x128xi32, #tpu.memory_space<vmem>>, vector<1x1x16xi32>,
          %get3A_1269 = vector.shape_cast %get3A_1268 : vector<1x1x16xi32> to vector<16xi32>
          %shift_left3A_1270 = arith.constant 16 : i32
          %shift_left3A_1271 = vector.broadcast %shift_left3A_1270 : i32 to vector<16xi32>
          %shift_left3A_1272 = arith.shli %get3A_1261, %shift_left3A_1271 : vector<16xi32>
          %bitcast_convert_type3A_1273 = tpu.bitcast %shift_left3A_1272 : vector<16xi32> -> vector<16xf32>
          %and3A_1274 = arith.constant -65536 : i32
          %and3A_1275 = vector.broadcast %and3A_1274 : i32 to vector<16xi32>
          %and3A_1276 = arith.andi %get3A_1261, %and3A_1275 : vector<16xi32>
          %bitcast_convert_type3A_1277 = tpu.bitcast %and3A_1276 : vector<16xi32> -> vector<16xf32>
          %shift_left3A_1278 = arith.constant 16 : i32
          %shift_left3A_1279 = vector.broadcast %shift_left3A_1278 : i32 to vector<16xi32>
          %shift_left3A_1280 = arith.shli %get3A_1269, %shift_left3A_1279 : vector<16xi32>
          %bitcast_convert_type3A_1281 = tpu.bitcast %shift_left3A_1280 : vector<16xi32> -> vector<16xf32>
          %and3A_1282 = arith.constant -65536 : i32
          %and3A_1283 = vector.broadcast %and3A_1282 : i32 to vector<16xi32>
          %and3A_1284 = arith.andi %get3A_1269, %and3A_1283 : vector<16xi32>
          %bitcast_convert_type3A_1285 = tpu.bitcast %and3A_1284 : vector<16xi32> -> vector<16xf32>
          %mul3A_1286 = arith.mulf %gather3A_982, %bitcast_convert_type3A_1273 : vector<16xf32>
          %mul3A_1287 = arith.mulf %gather3A_985, %bitcast_convert_type3A_1277 : vector<16xf32>
          %add3A_1288 = arith.addf %mul3A_1286, %mul3A_1287 : vector<16xf32>
          %mul3A_1289 = arith.mulf %gather3A_988, %bitcast_convert_type3A_1281 : vector<16xf32>
          %add3A_1290 = arith.addf %add3A_1288, %mul3A_1289 : vector<16xf32>
          %mul3A_1291 = arith.mulf %gather3A_991, %bitcast_convert_type3A_1285 : vector<16xf32>
          %add3A_1292 = arith.addf %add3A_1290, %mul3A_1291 : vector<16xf32>
          %swap3A_1293 = arith.constant 0 : i32
          %swap3A_1294 = arith.index_cast %swap3A_1293 : i32 to index
          %swap3A_1295 = arith.index_cast %add3A_977 : i32 to index
          %swap3A_1296 = arith.constant 96 : index
          %swap3A_1297 = tpu.vector_load %arg17[%swap3A_1294, %swap3A_1295, %swap3A_1296] {strides = array<i32>} : memref<2x40x128xf32, #tpu.memory_space<vmem>>, vector<1x1x16xf32>,
          %swap3A_1298 = vector.shape_cast %swap3A_1297 : vector<1x1x16xf32> to vector<16xf32>
          %swap3A_1299 = vector.shape_cast %add3A_1292 : vector<16xf32> to vector<1x1x16xf32>
          tpu.vector_store %arg17[%swap3A_1294, %swap3A_1295, %swap3A_1296], %swap3A_1299 {strides = array<i32>} : memref<2x40x128xf32, #tpu.memory_space<vmem>>, vector<1x1x16xf32>,
          %get3A_1300 = arith.constant 0 : i32
          %get3A_1301 = arith.index_cast %get3A_1300 : i32 to index
          %get3A_1302 = arith.index_cast %add3A_977 : i32 to index
          %get3A_1303 = arith.constant 112 : index
          %get3A_1304 = tpu.vector_load %arg16[%get3A_1301, %get3A_1302, %get3A_1303] {strides = array<i32>} : memref<2x80x128xi32, #tpu.memory_space<vmem>>, vector<1x1x16xi32>,
          %get3A_1305 = vector.shape_cast %get3A_1304 : vector<1x1x16xi32> to vector<16xi32>
          %add3A_1306 = arith.constant 40 : i32
          %add3A_1307 = arith.addi %add3A_1306, %add3A_977 : i32
          %get3A_1308 = arith.constant 0 : i32
          %get3A_1309 = arith.index_cast %get3A_1308 : i32 to index
          %get3A_1310 = arith.index_cast %add3A_1307 : i32 to index
          %get3A_1311 = arith.constant 112 : index
          %get3A_1312 = tpu.vector_load %arg16[%get3A_1309, %get3A_1310, %get3A_1311] {strides = array<i32>} : memref<2x80x128xi32, #tpu.memory_space<vmem>>, vector<1x1x16xi32>,
          %get3A_1313 = vector.shape_cast %get3A_1312 : vector<1x1x16xi32> to vector<16xi32>
          %shift_left3A_1314 = arith.constant 16 : i32
          %shift_left3A_1315 = vector.broadcast %shift_left3A_1314 : i32 to vector<16xi32>
          %shift_left3A_1316 = arith.shli %get3A_1305, %shift_left3A_1315 : vector<16xi32>
          %bitcast_convert_type3A_1317 = tpu.bitcast %shift_left3A_1316 : vector<16xi32> -> vector<16xf32>
          %and3A_1318 = arith.constant -65536 : i32
          %and3A_1319 = vector.broadcast %and3A_1318 : i32 to vector<16xi32>
          %and3A_1320 = arith.andi %get3A_1305, %and3A_1319 : vector<16xi32>
          %bitcast_convert_type3A_1321 = tpu.bitcast %and3A_1320 : vector<16xi32> -> vector<16xf32>
          %shift_left3A_1322 = arith.constant 16 : i32
          %shift_left3A_1323 = vector.broadcast %shift_left3A_1322 : i32 to vector<16xi32>
          %shift_left3A_1324 = arith.shli %get3A_1313, %shift_left3A_1323 : vector<16xi32>
          %bitcast_convert_type3A_1325 = tpu.bitcast %shift_left3A_1324 : vector<16xi32> -> vector<16xf32>
          %and3A_1326 = arith.constant -65536 : i32
          %and3A_1327 = vector.broadcast %and3A_1326 : i32 to vector<16xi32>
          %and3A_1328 = arith.andi %get3A_1313, %and3A_1327 : vector<16xi32>
          %bitcast_convert_type3A_1329 = tpu.bitcast %and3A_1328 : vector<16xi32> -> vector<16xf32>
          %mul3A_1330 = arith.mulf %gather3A_982, %bitcast_convert_type3A_1317 : vector<16xf32>
          %mul3A_1331 = arith.mulf %gather3A_985, %bitcast_convert_type3A_1321 : vector<16xf32>
          %add3A_1332 = arith.addf %mul3A_1330, %mul3A_1331 : vector<16xf32>
          %mul3A_1333 = arith.mulf %gather3A_988, %bitcast_convert_type3A_1325 : vector<16xf32>
          %add3A_1334 = arith.addf %add3A_1332, %mul3A_1333 : vector<16xf32>
          %mul3A_1335 = arith.mulf %gather3A_991, %bitcast_convert_type3A_1329 : vector<16xf32>
          %add3A_1336 = arith.addf %add3A_1334, %mul3A_1335 : vector<16xf32>
          %swap3A_1337 = arith.constant 0 : i32
          %swap3A_1338 = arith.index_cast %swap3A_1337 : i32 to index
          %swap3A_1339 = arith.index_cast %add3A_977 : i32 to index
          %swap3A_1340 = arith.constant 112 : index
          %swap3A_1341 = tpu.vector_load %arg17[%swap3A_1338, %swap3A_1339, %swap3A_1340] {strides = array<i32>} : memref<2x40x128xf32, #tpu.memory_space<vmem>>, vector<1x1x16xf32>,
          %swap3A_1342 = vector.shape_cast %swap3A_1341 : vector<1x1x16xf32> to vector<16xf32>
          %swap3A_1343 = vector.shape_cast %add3A_1336 : vector<16xf32> to vector<1x1x16xf32>
          tpu.vector_store %arg17[%swap3A_1338, %swap3A_1339, %swap3A_1340], %swap3A_1343 {strides = array<i32>} : memref<2x40x128xf32, #tpu.memory_space<vmem>>, vector<1x1x16xf32>,
          %add3A_1344 = arith.constant 2 : i32
          %add3A_1345 = arith.addi %mul3A_538, %add3A_1344 : i32
          %add3A_1346 = arith.constant 2 : i32
          %add3A_1347 = arith.addi %mul3A_590, %add3A_1346 : i32
          %broadcast_in_dim3A_1348 = vector.broadcast %add3A_1347 : i32 to vector<16x1xi32>
          %gather3A_1349 = vector.shape_cast %broadcast_in_dim3A_1348 : vector<16x1xi32> to vector<16xi32>
          %gather3A_1350 = tpu.dynamic_gather %get3A_596[%gather3A_1349] in [0] : vector<16xf32>, vector<16xi32> -> vector<16xf32>
          %broadcast_in_dim3A_1351 = vector.broadcast %add3A_1347 : i32 to vector<16x1xi32>
          %gather3A_1352 = vector.shape_cast %broadcast_in_dim3A_1351 : vector<16x1xi32> to vector<16xi32>
          %gather3A_1353 = tpu.dynamic_gather %get3A_601[%gather3A_1352] in [0] : vector<16xf32>, vector<16xi32> -> vector<16xf32>
          %broadcast_in_dim3A_1354 = vector.broadcast %add3A_1347 : i32 to vector<16x1xi32>
          %gather3A_1355 = vector.shape_cast %broadcast_in_dim3A_1354 : vector<16x1xi32> to vector<16xi32>
          %gather3A_1356 = tpu.dynamic_gather %get3A_606[%gather3A_1355] in [0] : vector<16xf32>, vector<16xi32> -> vector<16xf32>
          %broadcast_in_dim3A_1357 = vector.broadcast %add3A_1347 : i32 to vector<16x1xi32>
          %gather3A_1358 = vector.shape_cast %broadcast_in_dim3A_1357 : vector<16x1xi32> to vector<16xi32>
          %gather3A_1359 = tpu.dynamic_gather %get3A_611[%gather3A_1358] in [0] : vector<16xf32>, vector<16xi32> -> vector<16xf32>
          %get3A_1360 = arith.constant 0 : i32
          %get3A_1361 = arith.index_cast %get3A_1360 : i32 to index
          %get3A_1362 = arith.index_cast %add3A_1345 : i32 to index
          %get3A_1363 = arith.constant 0 : index
          %get3A_1364 = tpu.vector_load %arg16[%get3A_1361, %get3A_1362, %get3A_1363] {strides = array<i32>} : memref<2x80x128xi32, #tpu.memory_space<vmem>>, vector<1x1x16xi32>,
          %get3A_1365 = vector.shape_cast %get3A_1364 : vector<1x1x16xi32> to vector<16xi32>
          %add3A_1366 = arith.constant 40 : i32
          %add3A_1367 = arith.addi %add3A_1366, %add3A_1345 : i32
          %get3A_1368 = arith.constant 0 : i32
          %get3A_1369 = arith.index_cast %get3A_1368 : i32 to index
          %get3A_1370 = arith.index_cast %add3A_1367 : i32 to index
          %get3A_1371 = arith.constant 0 : index
          %get3A_1372 = tpu.vector_load %arg16[%get3A_1369, %get3A_1370, %get3A_1371] {strides = array<i32>} : memref<2x80x128xi32, #tpu.memory_space<vmem>>, vector<1x1x16xi32>,
          %get3A_1373 = vector.shape_cast %get3A_1372 : vector<1x1x16xi32> to vector<16xi32>
          %shift_left3A_1374 = arith.constant 16 : i32
          %shift_left3A_1375 = vector.broadcast %shift_left3A_1374 : i32 to vector<16xi32>
          %shift_left3A_1376 = arith.shli %get3A_1365, %shift_left3A_1375 : vector<16xi32>
          %bitcast_convert_type3A_1377 = tpu.bitcast %shift_left3A_1376 : vector<16xi32> -> vector<16xf32>
          %and3A_1378 = arith.constant -65536 : i32
          %and3A_1379 = vector.broadcast %and3A_1378 : i32 to vector<16xi32>
          %and3A_1380 = arith.andi %get3A_1365, %and3A_1379 : vector<16xi32>
          %bitcast_convert_type3A_1381 = tpu.bitcast %and3A_1380 : vector<16xi32> -> vector<16xf32>
          %shift_left3A_1382 = arith.constant 16 : i32
          %shift_left3A_1383 = vector.broadcast %shift_left3A_1382 : i32 to vector<16xi32>
          %shift_left3A_1384 = arith.shli %get3A_1373, %shift_left3A_1383 : vector<16xi32>
          %bitcast_convert_type3A_1385 = tpu.bitcast %shift_left3A_1384 : vector<16xi32> -> vector<16xf32>
          %and3A_1386 = arith.constant -65536 : i32
          %and3A_1387 = vector.broadcast %and3A_1386 : i32 to vector<16xi32>
          %and3A_1388 = arith.andi %get3A_1373, %and3A_1387 : vector<16xi32>
          %bitcast_convert_type3A_1389 = tpu.bitcast %and3A_1388 : vector<16xi32> -> vector<16xf32>
          %mul3A_1390 = arith.mulf %gather3A_1350, %bitcast_convert_type3A_1377 : vector<16xf32>
          %mul3A_1391 = arith.mulf %gather3A_1353, %bitcast_convert_type3A_1381 : vector<16xf32>
          %add3A_1392 = arith.addf %mul3A_1390, %mul3A_1391 : vector<16xf32>
          %mul3A_1393 = arith.mulf %gather3A_1356, %bitcast_convert_type3A_1385 : vector<16xf32>
          %add3A_1394 = arith.addf %add3A_1392, %mul3A_1393 : vector<16xf32>
          %mul3A_1395 = arith.mulf %gather3A_1359, %bitcast_convert_type3A_1389 : vector<16xf32>
          %add3A_1396 = arith.addf %add3A_1394, %mul3A_1395 : vector<16xf32>
          %swap3A_1397 = arith.constant 0 : i32
          %swap3A_1398 = arith.index_cast %swap3A_1397 : i32 to index
          %swap3A_1399 = arith.index_cast %add3A_1345 : i32 to index
          %swap3A_1400 = arith.constant 0 : index
          %swap3A_1401 = tpu.vector_load %arg17[%swap3A_1398, %swap3A_1399, %swap3A_1400] {strides = array<i32>} : memref<2x40x128xf32, #tpu.memory_space<vmem>>, vector<1x1x16xf32>,
          %swap3A_1402 = vector.shape_cast %swap3A_1401 : vector<1x1x16xf32> to vector<16xf32>
          %swap3A_1403 = vector.shape_cast %add3A_1396 : vector<16xf32> to vector<1x1x16xf32>
          tpu.vector_store %arg17[%swap3A_1398, %swap3A_1399, %swap3A_1400], %swap3A_1403 {strides = array<i32>} : memref<2x40x128xf32, #tpu.memory_space<vmem>>, vector<1x1x16xf32>,
          %get3A_1404 = arith.constant 0 : i32
          %get3A_1405 = arith.index_cast %get3A_1404 : i32 to index
          %get3A_1406 = arith.index_cast %add3A_1345 : i32 to index
          %get3A_1407 = arith.constant 16 : index
          %get3A_1408 = tpu.vector_load %arg16[%get3A_1405, %get3A_1406, %get3A_1407] {strides = array<i32>} : memref<2x80x128xi32, #tpu.memory_space<vmem>>, vector<1x1x16xi32>,
          %get3A_1409 = vector.shape_cast %get3A_1408 : vector<1x1x16xi32> to vector<16xi32>
          %add3A_1410 = arith.constant 40 : i32
          %add3A_1411 = arith.addi %add3A_1410, %add3A_1345 : i32
          %get3A_1412 = arith.constant 0 : i32
          %get3A_1413 = arith.index_cast %get3A_1412 : i32 to index
          %get3A_1414 = arith.index_cast %add3A_1411 : i32 to index
          %get3A_1415 = arith.constant 16 : index
          %get3A_1416 = tpu.vector_load %arg16[%get3A_1413, %get3A_1414, %get3A_1415] {strides = array<i32>} : memref<2x80x128xi32, #tpu.memory_space<vmem>>, vector<1x1x16xi32>,
          %get3A_1417 = vector.shape_cast %get3A_1416 : vector<1x1x16xi32> to vector<16xi32>
          %shift_left3A_1418 = arith.constant 16 : i32
          %shift_left3A_1419 = vector.broadcast %shift_left3A_1418 : i32 to vector<16xi32>
          %shift_left3A_1420 = arith.shli %get3A_1409, %shift_left3A_1419 : vector<16xi32>
          %bitcast_convert_type3A_1421 = tpu.bitcast %shift_left3A_1420 : vector<16xi32> -> vector<16xf32>
          %and3A_1422 = arith.constant -65536 : i32
          %and3A_1423 = vector.broadcast %and3A_1422 : i32 to vector<16xi32>
          %and3A_1424 = arith.andi %get3A_1409, %and3A_1423 : vector<16xi32>
          %bitcast_convert_type3A_1425 = tpu.bitcast %and3A_1424 : vector<16xi32> -> vector<16xf32>
          %shift_left3A_1426 = arith.constant 16 : i32
          %shift_left3A_1427 = vector.broadcast %shift_left3A_1426 : i32 to vector<16xi32>
          %shift_left3A_1428 = arith.shli %get3A_1417, %shift_left3A_1427 : vector<16xi32>
          %bitcast_convert_type3A_1429 = tpu.bitcast %shift_left3A_1428 : vector<16xi32> -> vector<16xf32>
          %and3A_1430 = arith.constant -65536 : i32
          %and3A_1431 = vector.broadcast %and3A_1430 : i32 to vector<16xi32>
          %and3A_1432 = arith.andi %get3A_1417, %and3A_1431 : vector<16xi32>
          %bitcast_convert_type3A_1433 = tpu.bitcast %and3A_1432 : vector<16xi32> -> vector<16xf32>
          %mul3A_1434 = arith.mulf %gather3A_1350, %bitcast_convert_type3A_1421 : vector<16xf32>
          %mul3A_1435 = arith.mulf %gather3A_1353, %bitcast_convert_type3A_1425 : vector<16xf32>
          %add3A_1436 = arith.addf %mul3A_1434, %mul3A_1435 : vector<16xf32>
          %mul3A_1437 = arith.mulf %gather3A_1356, %bitcast_convert_type3A_1429 : vector<16xf32>
          %add3A_1438 = arith.addf %add3A_1436, %mul3A_1437 : vector<16xf32>
          %mul3A_1439 = arith.mulf %gather3A_1359, %bitcast_convert_type3A_1433 : vector<16xf32>
          %add3A_1440 = arith.addf %add3A_1438, %mul3A_1439 : vector<16xf32>
          %swap3A_1441 = arith.constant 0 : i32
          %swap3A_1442 = arith.index_cast %swap3A_1441 : i32 to index
          %swap3A_1443 = arith.index_cast %add3A_1345 : i32 to index
          %swap3A_1444 = arith.constant 16 : index
          %swap3A_1445 = tpu.vector_load %arg17[%swap3A_1442, %swap3A_1443, %swap3A_1444] {strides = array<i32>} : memref<2x40x128xf32, #tpu.memory_space<vmem>>, vector<1x1x16xf32>,
          %swap3A_1446 = vector.shape_cast %swap3A_1445 : vector<1x1x16xf32> to vector<16xf32>
          %swap3A_1447 = vector.shape_cast %add3A_1440 : vector<16xf32> to vector<1x1x16xf32>
          tpu.vector_store %arg17[%swap3A_1442, %swap3A_1443, %swap3A_1444], %swap3A_1447 {strides = array<i32>} : memref<2x40x128xf32, #tpu.memory_space<vmem>>, vector<1x1x16xf32>,
          %get3A_1448 = arith.constant 0 : i32
          %get3A_1449 = arith.index_cast %get3A_1448 : i32 to index
          %get3A_1450 = arith.index_cast %add3A_1345 : i32 to index
          %get3A_1451 = arith.constant 32 : index
          %get3A_1452 = tpu.vector_load %arg16[%get3A_1449, %get3A_1450, %get3A_1451] {strides = array<i32>} : memref<2x80x128xi32, #tpu.memory_space<vmem>>, vector<1x1x16xi32>,
          %get3A_1453 = vector.shape_cast %get3A_1452 : vector<1x1x16xi32> to vector<16xi32>
          %add3A_1454 = arith.constant 40 : i32
          %add3A_1455 = arith.addi %add3A_1454, %add3A_1345 : i32
          %get3A_1456 = arith.constant 0 : i32
          %get3A_1457 = arith.index_cast %get3A_1456 : i32 to index
          %get3A_1458 = arith.index_cast %add3A_1455 : i32 to index
          %get3A_1459 = arith.constant 32 : index
          %get3A_1460 = tpu.vector_load %arg16[%get3A_1457, %get3A_1458, %get3A_1459] {strides = array<i32>} : memref<2x80x128xi32, #tpu.memory_space<vmem>>, vector<1x1x16xi32>,
          %get3A_1461 = vector.shape_cast %get3A_1460 : vector<1x1x16xi32> to vector<16xi32>
          %shift_left3A_1462 = arith.constant 16 : i32
          %shift_left3A_1463 = vector.broadcast %shift_left3A_1462 : i32 to vector<16xi32>
          %shift_left3A_1464 = arith.shli %get3A_1453, %shift_left3A_1463 : vector<16xi32>
          %bitcast_convert_type3A_1465 = tpu.bitcast %shift_left3A_1464 : vector<16xi32> -> vector<16xf32>
          %and3A_1466 = arith.constant -65536 : i32
          %and3A_1467 = vector.broadcast %and3A_1466 : i32 to vector<16xi32>
          %and3A_1468 = arith.andi %get3A_1453, %and3A_1467 : vector<16xi32>
          %bitcast_convert_type3A_1469 = tpu.bitcast %and3A_1468 : vector<16xi32> -> vector<16xf32>
          %shift_left3A_1470 = arith.constant 16 : i32
          %shift_left3A_1471 = vector.broadcast %shift_left3A_1470 : i32 to vector<16xi32>
          %shift_left3A_1472 = arith.shli %get3A_1461, %shift_left3A_1471 : vector<16xi32>
          %bitcast_convert_type3A_1473 = tpu.bitcast %shift_left3A_1472 : vector<16xi32> -> vector<16xf32>
          %and3A_1474 = arith.constant -65536 : i32
          %and3A_1475 = vector.broadcast %and3A_1474 : i32 to vector<16xi32>
          %and3A_1476 = arith.andi %get3A_1461, %and3A_1475 : vector<16xi32>
          %bitcast_convert_type3A_1477 = tpu.bitcast %and3A_1476 : vector<16xi32> -> vector<16xf32>
          %mul3A_1478 = arith.mulf %gather3A_1350, %bitcast_convert_type3A_1465 : vector<16xf32>
          %mul3A_1479 = arith.mulf %gather3A_1353, %bitcast_convert_type3A_1469 : vector<16xf32>
          %add3A_1480 = arith.addf %mul3A_1478, %mul3A_1479 : vector<16xf32>
          %mul3A_1481 = arith.mulf %gather3A_1356, %bitcast_convert_type3A_1473 : vector<16xf32>
          %add3A_1482 = arith.addf %add3A_1480, %mul3A_1481 : vector<16xf32>
          %mul3A_1483 = arith.mulf %gather3A_1359, %bitcast_convert_type3A_1477 : vector<16xf32>
          %add3A_1484 = arith.addf %add3A_1482, %mul3A_1483 : vector<16xf32>
          %swap3A_1485 = arith.constant 0 : i32
          %swap3A_1486 = arith.index_cast %swap3A_1485 : i32 to index
          %swap3A_1487 = arith.index_cast %add3A_1345 : i32 to index
          %swap3A_1488 = arith.constant 32 : index
          %swap3A_1489 = tpu.vector_load %arg17[%swap3A_1486, %swap3A_1487, %swap3A_1488] {strides = array<i32>} : memref<2x40x128xf32, #tpu.memory_space<vmem>>, vector<1x1x16xf32>,
          %swap3A_1490 = vector.shape_cast %swap3A_1489 : vector<1x1x16xf32> to vector<16xf32>
          %swap3A_1491 = vector.shape_cast %add3A_1484 : vector<16xf32> to vector<1x1x16xf32>
          tpu.vector_store %arg17[%swap3A_1486, %swap3A_1487, %swap3A_1488], %swap3A_1491 {strides = array<i32>} : memref<2x40x128xf32, #tpu.memory_space<vmem>>, vector<1x1x16xf32>,
          %get3A_1492 = arith.constant 0 : i32
          %get3A_1493 = arith.index_cast %get3A_1492 : i32 to index
          %get3A_1494 = arith.index_cast %add3A_1345 : i32 to index
          %get3A_1495 = arith.constant 48 : index
          %get3A_1496 = tpu.vector_load %arg16[%get3A_1493, %get3A_1494, %get3A_1495] {strides = array<i32>} : memref<2x80x128xi32, #tpu.memory_space<vmem>>, vector<1x1x16xi32>,
          %get3A_1497 = vector.shape_cast %get3A_1496 : vector<1x1x16xi32> to vector<16xi32>
          %add3A_1498 = arith.constant 40 : i32
          %add3A_1499 = arith.addi %add3A_1498, %add3A_1345 : i32
          %get3A_1500 = arith.constant 0 : i32
          %get3A_1501 = arith.index_cast %get3A_1500 : i32 to index
          %get3A_1502 = arith.index_cast %add3A_1499 : i32 to index
          %get3A_1503 = arith.constant 48 : index
          %get3A_1504 = tpu.vector_load %arg16[%get3A_1501, %get3A_1502, %get3A_1503] {strides = array<i32>} : memref<2x80x128xi32, #tpu.memory_space<vmem>>, vector<1x1x16xi32>,
          %get3A_1505 = vector.shape_cast %get3A_1504 : vector<1x1x16xi32> to vector<16xi32>
          %shift_left3A_1506 = arith.constant 16 : i32
          %shift_left3A_1507 = vector.broadcast %shift_left3A_1506 : i32 to vector<16xi32>
          %shift_left3A_1508 = arith.shli %get3A_1497, %shift_left3A_1507 : vector<16xi32>
          %bitcast_convert_type3A_1509 = tpu.bitcast %shift_left3A_1508 : vector<16xi32> -> vector<16xf32>
          %and3A_1510 = arith.constant -65536 : i32
          %and3A_1511 = vector.broadcast %and3A_1510 : i32 to vector<16xi32>
          %and3A_1512 = arith.andi %get3A_1497, %and3A_1511 : vector<16xi32>
          %bitcast_convert_type3A_1513 = tpu.bitcast %and3A_1512 : vector<16xi32> -> vector<16xf32>
          %shift_left3A_1514 = arith.constant 16 : i32
          %shift_left3A_1515 = vector.broadcast %shift_left3A_1514 : i32 to vector<16xi32>
          %shift_left3A_1516 = arith.shli %get3A_1505, %shift_left3A_1515 : vector<16xi32>
          %bitcast_convert_type3A_1517 = tpu.bitcast %shift_left3A_1516 : vector<16xi32> -> vector<16xf32>
          %and3A_1518 = arith.constant -65536 : i32
          %and3A_1519 = vector.broadcast %and3A_1518 : i32 to vector<16xi32>
          %and3A_1520 = arith.andi %get3A_1505, %and3A_1519 : vector<16xi32>
          %bitcast_convert_type3A_1521 = tpu.bitcast %and3A_1520 : vector<16xi32> -> vector<16xf32>
          %mul3A_1522 = arith.mulf %gather3A_1350, %bitcast_convert_type3A_1509 : vector<16xf32>
          %mul3A_1523 = arith.mulf %gather3A_1353, %bitcast_convert_type3A_1513 : vector<16xf32>
          %add3A_1524 = arith.addf %mul3A_1522, %mul3A_1523 : vector<16xf32>
          %mul3A_1525 = arith.mulf %gather3A_1356, %bitcast_convert_type3A_1517 : vector<16xf32>
          %add3A_1526 = arith.addf %add3A_1524, %mul3A_1525 : vector<16xf32>
          %mul3A_1527 = arith.mulf %gather3A_1359, %bitcast_convert_type3A_1521 : vector<16xf32>
          %add3A_1528 = arith.addf %add3A_1526, %mul3A_1527 : vector<16xf32>
          %swap3A_1529 = arith.constant 0 : i32
          %swap3A_1530 = arith.index_cast %swap3A_1529 : i32 to index
          %swap3A_1531 = arith.index_cast %add3A_1345 : i32 to index
          %swap3A_1532 = arith.constant 48 : index
          %swap3A_1533 = tpu.vector_load %arg17[%swap3A_1530, %swap3A_1531, %swap3A_1532] {strides = array<i32>} : memref<2x40x128xf32, #tpu.memory_space<vmem>>, vector<1x1x16xf32>,
          %swap3A_1534 = vector.shape_cast %swap3A_1533 : vector<1x1x16xf32> to vector<16xf32>
          %swap3A_1535 = vector.shape_cast %add3A_1528 : vector<16xf32> to vector<1x1x16xf32>
          tpu.vector_store %arg17[%swap3A_1530, %swap3A_1531, %swap3A_1532], %swap3A_1535 {strides = array<i32>} : memref<2x40x128xf32, #tpu.memory_space<vmem>>, vector<1x1x16xf32>,
          %get3A_1536 = arith.constant 0 : i32
          %get3A_1537 = arith.index_cast %get3A_1536 : i32 to index
          %get3A_1538 = arith.index_cast %add3A_1345 : i32 to index
          %get3A_1539 = arith.constant 64 : index
          %get3A_1540 = tpu.vector_load %arg16[%get3A_1537, %get3A_1538, %get3A_1539] {strides = array<i32>} : memref<2x80x128xi32, #tpu.memory_space<vmem>>, vector<1x1x16xi32>,
          %get3A_1541 = vector.shape_cast %get3A_1540 : vector<1x1x16xi32> to vector<16xi32>
          %add3A_1542 = arith.constant 40 : i32
          %add3A_1543 = arith.addi %add3A_1542, %add3A_1345 : i32
          %get3A_1544 = arith.constant 0 : i32
          %get3A_1545 = arith.index_cast %get3A_1544 : i32 to index
          %get3A_1546 = arith.index_cast %add3A_1543 : i32 to index
          %get3A_1547 = arith.constant 64 : index
          %get3A_1548 = tpu.vector_load %arg16[%get3A_1545, %get3A_1546, %get3A_1547] {strides = array<i32>} : memref<2x80x128xi32, #tpu.memory_space<vmem>>, vector<1x1x16xi32>,
          %get3A_1549 = vector.shape_cast %get3A_1548 : vector<1x1x16xi32> to vector<16xi32>
          %shift_left3A_1550 = arith.constant 16 : i32
          %shift_left3A_1551 = vector.broadcast %shift_left3A_1550 : i32 to vector<16xi32>
          %shift_left3A_1552 = arith.shli %get3A_1541, %shift_left3A_1551 : vector<16xi32>
          %bitcast_convert_type3A_1553 = tpu.bitcast %shift_left3A_1552 : vector<16xi32> -> vector<16xf32>
          %and3A_1554 = arith.constant -65536 : i32
          %and3A_1555 = vector.broadcast %and3A_1554 : i32 to vector<16xi32>
          %and3A_1556 = arith.andi %get3A_1541, %and3A_1555 : vector<16xi32>
          %bitcast_convert_type3A_1557 = tpu.bitcast %and3A_1556 : vector<16xi32> -> vector<16xf32>
          %shift_left3A_1558 = arith.constant 16 : i32
          %shift_left3A_1559 = vector.broadcast %shift_left3A_1558 : i32 to vector<16xi32>
          %shift_left3A_1560 = arith.shli %get3A_1549, %shift_left3A_1559 : vector<16xi32>
          %bitcast_convert_type3A_1561 = tpu.bitcast %shift_left3A_1560 : vector<16xi32> -> vector<16xf32>
          %and3A_1562 = arith.constant -65536 : i32
          %and3A_1563 = vector.broadcast %and3A_1562 : i32 to vector<16xi32>
          %and3A_1564 = arith.andi %get3A_1549, %and3A_1563 : vector<16xi32>
          %bitcast_convert_type3A_1565 = tpu.bitcast %and3A_1564 : vector<16xi32> -> vector<16xf32>
          %mul3A_1566 = arith.mulf %gather3A_1350, %bitcast_convert_type3A_1553 : vector<16xf32>
          %mul3A_1567 = arith.mulf %gather3A_1353, %bitcast_convert_type3A_1557 : vector<16xf32>
          %add3A_1568 = arith.addf %mul3A_1566, %mul3A_1567 : vector<16xf32>
          %mul3A_1569 = arith.mulf %gather3A_1356, %bitcast_convert_type3A_1561 : vector<16xf32>
          %add3A_1570 = arith.addf %add3A_1568, %mul3A_1569 : vector<16xf32>
          %mul3A_1571 = arith.mulf %gather3A_1359, %bitcast_convert_type3A_1565 : vector<16xf32>
          %add3A_1572 = arith.addf %add3A_1570, %mul3A_1571 : vector<16xf32>
          %swap3A_1573 = arith.constant 0 : i32
          %swap3A_1574 = arith.index_cast %swap3A_1573 : i32 to index
          %swap3A_1575 = arith.index_cast %add3A_1345 : i32 to index
          %swap3A_1576 = arith.constant 64 : index
          %swap3A_1577 = tpu.vector_load %arg17[%swap3A_1574, %swap3A_1575, %swap3A_1576] {strides = array<i32>} : memref<2x40x128xf32, #tpu.memory_space<vmem>>, vector<1x1x16xf32>,
          %swap3A_1578 = vector.shape_cast %swap3A_1577 : vector<1x1x16xf32> to vector<16xf32>
          %swap3A_1579 = vector.shape_cast %add3A_1572 : vector<16xf32> to vector<1x1x16xf32>
          tpu.vector_store %arg17[%swap3A_1574, %swap3A_1575, %swap3A_1576], %swap3A_1579 {strides = array<i32>} : memref<2x40x128xf32, #tpu.memory_space<vmem>>, vector<1x1x16xf32>,
          %get3A_1580 = arith.constant 0 : i32
          %get3A_1581 = arith.index_cast %get3A_1580 : i32 to index
          %get3A_1582 = arith.index_cast %add3A_1345 : i32 to index
          %get3A_1583 = arith.constant 80 : index
          %get3A_1584 = tpu.vector_load %arg16[%get3A_1581, %get3A_1582, %get3A_1583] {strides = array<i32>} : memref<2x80x128xi32, #tpu.memory_space<vmem>>, vector<1x1x16xi32>,
          %get3A_1585 = vector.shape_cast %get3A_1584 : vector<1x1x16xi32> to vector<16xi32>
          %add3A_1586 = arith.constant 40 : i32
          %add3A_1587 = arith.addi %add3A_1586, %add3A_1345 : i32
          %get3A_1588 = arith.constant 0 : i32
          %get3A_1589 = arith.index_cast %get3A_1588 : i32 to index
          %get3A_1590 = arith.index_cast %add3A_1587 : i32 to index
          %get3A_1591 = arith.constant 80 : index
          %get3A_1592 = tpu.vector_load %arg16[%get3A_1589, %get3A_1590, %get3A_1591] {strides = array<i32>} : memref<2x80x128xi32, #tpu.memory_space<vmem>>, vector<1x1x16xi32>,
          %get3A_1593 = vector.shape_cast %get3A_1592 : vector<1x1x16xi32> to vector<16xi32>
          %shift_left3A_1594 = arith.constant 16 : i32
          %shift_left3A_1595 = vector.broadcast %shift_left3A_1594 : i32 to vector<16xi32>
          %shift_left3A_1596 = arith.shli %get3A_1585, %shift_left3A_1595 : vector<16xi32>
          %bitcast_convert_type3A_1597 = tpu.bitcast %shift_left3A_1596 : vector<16xi32> -> vector<16xf32>
          %and3A_1598 = arith.constant -65536 : i32
          %and3A_1599 = vector.broadcast %and3A_1598 : i32 to vector<16xi32>
          %and3A_1600 = arith.andi %get3A_1585, %and3A_1599 : vector<16xi32>
          %bitcast_convert_type3A_1601 = tpu.bitcast %and3A_1600 : vector<16xi32> -> vector<16xf32>
          %shift_left3A_1602 = arith.constant 16 : i32
          %shift_left3A_1603 = vector.broadcast %shift_left3A_1602 : i32 to vector<16xi32>
          %shift_left3A_1604 = arith.shli %get3A_1593, %shift_left3A_1603 : vector<16xi32>
          %bitcast_convert_type3A_1605 = tpu.bitcast %shift_left3A_1604 : vector<16xi32> -> vector<16xf32>
          %and3A_1606 = arith.constant -65536 : i32
          %and3A_1607 = vector.broadcast %and3A_1606 : i32 to vector<16xi32>
          %and3A_1608 = arith.andi %get3A_1593, %and3A_1607 : vector<16xi32>
          %bitcast_convert_type3A_1609 = tpu.bitcast %and3A_1608 : vector<16xi32> -> vector<16xf32>
          %mul3A_1610 = arith.mulf %gather3A_1350, %bitcast_convert_type3A_1597 : vector<16xf32>
          %mul3A_1611 = arith.mulf %gather3A_1353, %bitcast_convert_type3A_1601 : vector<16xf32>
          %add3A_1612 = arith.addf %mul3A_1610, %mul3A_1611 : vector<16xf32>
          %mul3A_1613 = arith.mulf %gather3A_1356, %bitcast_convert_type3A_1605 : vector<16xf32>
          %add3A_1614 = arith.addf %add3A_1612, %mul3A_1613 : vector<16xf32>
          %mul3A_1615 = arith.mulf %gather3A_1359, %bitcast_convert_type3A_1609 : vector<16xf32>
          %add3A_1616 = arith.addf %add3A_1614, %mul3A_1615 : vector<16xf32>
          %swap3A_1617 = arith.constant 0 : i32
          %swap3A_1618 = arith.index_cast %swap3A_1617 : i32 to index
          %swap3A_1619 = arith.index_cast %add3A_1345 : i32 to index
          %swap3A_1620 = arith.constant 80 : index
          %swap3A_1621 = tpu.vector_load %arg17[%swap3A_1618, %swap3A_1619, %swap3A_1620] {strides = array<i32>} : memref<2x40x128xf32, #tpu.memory_space<vmem>>, vector<1x1x16xf32>,
          %swap3A_1622 = vector.shape_cast %swap3A_1621 : vector<1x1x16xf32> to vector<16xf32>
          %swap3A_1623 = vector.shape_cast %add3A_1616 : vector<16xf32> to vector<1x1x16xf32>
          tpu.vector_store %arg17[%swap3A_1618, %swap3A_1619, %swap3A_1620], %swap3A_1623 {strides = array<i32>} : memref<2x40x128xf32, #tpu.memory_space<vmem>>, vector<1x1x16xf32>,
          %get3A_1624 = arith.constant 0 : i32
          %get3A_1625 = arith.index_cast %get3A_1624 : i32 to index
          %get3A_1626 = arith.index_cast %add3A_1345 : i32 to index
          %get3A_1627 = arith.constant 96 : index
          %get3A_1628 = tpu.vector_load %arg16[%get3A_1625, %get3A_1626, %get3A_1627] {strides = array<i32>} : memref<2x80x128xi32, #tpu.memory_space<vmem>>, vector<1x1x16xi32>,
          %get3A_1629 = vector.shape_cast %get3A_1628 : vector<1x1x16xi32> to vector<16xi32>
          %add3A_1630 = arith.constant 40 : i32
          %add3A_1631 = arith.addi %add3A_1630, %add3A_1345 : i32
          %get3A_1632 = arith.constant 0 : i32
          %get3A_1633 = arith.index_cast %get3A_1632 : i32 to index
          %get3A_1634 = arith.index_cast %add3A_1631 : i32 to index
          %get3A_1635 = arith.constant 96 : index
          %get3A_1636 = tpu.vector_load %arg16[%get3A_1633, %get3A_1634, %get3A_1635] {strides = array<i32>} : memref<2x80x128xi32, #tpu.memory_space<vmem>>, vector<1x1x16xi32>,
          %get3A_1637 = vector.shape_cast %get3A_1636 : vector<1x1x16xi32> to vector<16xi32>
          %shift_left3A_1638 = arith.constant 16 : i32
          %shift_left3A_1639 = vector.broadcast %shift_left3A_1638 : i32 to vector<16xi32>
          %shift_left3A_1640 = arith.shli %get3A_1629, %shift_left3A_1639 : vector<16xi32>
          %bitcast_convert_type3A_1641 = tpu.bitcast %shift_left3A_1640 : vector<16xi32> -> vector<16xf32>
          %and3A_1642 = arith.constant -65536 : i32
          %and3A_1643 = vector.broadcast %and3A_1642 : i32 to vector<16xi32>
          %and3A_1644 = arith.andi %get3A_1629, %and3A_1643 : vector<16xi32>
          %bitcast_convert_type3A_1645 = tpu.bitcast %and3A_1644 : vector<16xi32> -> vector<16xf32>
          %shift_left3A_1646 = arith.constant 16 : i32
          %shift_left3A_1647 = vector.broadcast %shift_left3A_1646 : i32 to vector<16xi32>
          %shift_left3A_1648 = arith.shli %get3A_1637, %shift_left3A_1647 : vector<16xi32>
          %bitcast_convert_type3A_1649 = tpu.bitcast %shift_left3A_1648 : vector<16xi32> -> vector<16xf32>
          %and3A_1650 = arith.constant -65536 : i32
          %and3A_1651 = vector.broadcast %and3A_1650 : i32 to vector<16xi32>
          %and3A_1652 = arith.andi %get3A_1637, %and3A_1651 : vector<16xi32>
          %bitcast_convert_type3A_1653 = tpu.bitcast %and3A_1652 : vector<16xi32> -> vector<16xf32>
          %mul3A_1654 = arith.mulf %gather3A_1350, %bitcast_convert_type3A_1641 : vector<16xf32>
          %mul3A_1655 = arith.mulf %gather3A_1353, %bitcast_convert_type3A_1645 : vector<16xf32>
          %add3A_1656 = arith.addf %mul3A_1654, %mul3A_1655 : vector<16xf32>
          %mul3A_1657 = arith.mulf %gather3A_1356, %bitcast_convert_type3A_1649 : vector<16xf32>
          %add3A_1658 = arith.addf %add3A_1656, %mul3A_1657 : vector<16xf32>
          %mul3A_1659 = arith.mulf %gather3A_1359, %bitcast_convert_type3A_1653 : vector<16xf32>
          %add3A_1660 = arith.addf %add3A_1658, %mul3A_1659 : vector<16xf32>
          %swap3A_1661 = arith.constant 0 : i32
          %swap3A_1662 = arith.index_cast %swap3A_1661 : i32 to index
          %swap3A_1663 = arith.index_cast %add3A_1345 : i32 to index
          %swap3A_1664 = arith.constant 96 : index
          %swap3A_1665 = tpu.vector_load %arg17[%swap3A_1662, %swap3A_1663, %swap3A_1664] {strides = array<i32>} : memref<2x40x128xf32, #tpu.memory_space<vmem>>, vector<1x1x16xf32>,
          %swap3A_1666 = vector.shape_cast %swap3A_1665 : vector<1x1x16xf32> to vector<16xf32>
          %swap3A_1667 = vector.shape_cast %add3A_1660 : vector<16xf32> to vector<1x1x16xf32>
          tpu.vector_store %arg17[%swap3A_1662, %swap3A_1663, %swap3A_1664], %swap3A_1667 {strides = array<i32>} : memref<2x40x128xf32, #tpu.memory_space<vmem>>, vector<1x1x16xf32>,
          %get3A_1668 = arith.constant 0 : i32
          %get3A_1669 = arith.index_cast %get3A_1668 : i32 to index
          %get3A_1670 = arith.index_cast %add3A_1345 : i32 to index
          %get3A_1671 = arith.constant 112 : index
          %get3A_1672 = tpu.vector_load %arg16[%get3A_1669, %get3A_1670, %get3A_1671] {strides = array<i32>} : memref<2x80x128xi32, #tpu.memory_space<vmem>>, vector<1x1x16xi32>,
          %get3A_1673 = vector.shape_cast %get3A_1672 : vector<1x1x16xi32> to vector<16xi32>
          %add3A_1674 = arith.constant 40 : i32
          %add3A_1675 = arith.addi %add3A_1674, %add3A_1345 : i32
          %get3A_1676 = arith.constant 0 : i32
          %get3A_1677 = arith.index_cast %get3A_1676 : i32 to index
          %get3A_1678 = arith.index_cast %add3A_1675 : i32 to index
          %get3A_1679 = arith.constant 112 : index
          %get3A_1680 = tpu.vector_load %arg16[%get3A_1677, %get3A_1678, %get3A_1679] {strides = array<i32>} : memref<2x80x128xi32, #tpu.memory_space<vmem>>, vector<1x1x16xi32>,
          %get3A_1681 = vector.shape_cast %get3A_1680 : vector<1x1x16xi32> to vector<16xi32>
          %shift_left3A_1682 = arith.constant 16 : i32
          %shift_left3A_1683 = vector.broadcast %shift_left3A_1682 : i32 to vector<16xi32>
          %shift_left3A_1684 = arith.shli %get3A_1673, %shift_left3A_1683 : vector<16xi32>
          %bitcast_convert_type3A_1685 = tpu.bitcast %shift_left3A_1684 : vector<16xi32> -> vector<16xf32>
          %and3A_1686 = arith.constant -65536 : i32
          %and3A_1687 = vector.broadcast %and3A_1686 : i32 to vector<16xi32>
          %and3A_1688 = arith.andi %get3A_1673, %and3A_1687 : vector<16xi32>
          %bitcast_convert_type3A_1689 = tpu.bitcast %and3A_1688 : vector<16xi32> -> vector<16xf32>
          %shift_left3A_1690 = arith.constant 16 : i32
          %shift_left3A_1691 = vector.broadcast %shift_left3A_1690 : i32 to vector<16xi32>
          %shift_left3A_1692 = arith.shli %get3A_1681, %shift_left3A_1691 : vector<16xi32>
          %bitcast_convert_type3A_1693 = tpu.bitcast %shift_left3A_1692 : vector<16xi32> -> vector<16xf32>
          %and3A_1694 = arith.constant -65536 : i32
          %and3A_1695 = vector.broadcast %and3A_1694 : i32 to vector<16xi32>
          %and3A_1696 = arith.andi %get3A_1681, %and3A_1695 : vector<16xi32>
          %bitcast_convert_type3A_1697 = tpu.bitcast %and3A_1696 : vector<16xi32> -> vector<16xf32>
          %mul3A_1698 = arith.mulf %gather3A_1350, %bitcast_convert_type3A_1685 : vector<16xf32>
          %mul3A_1699 = arith.mulf %gather3A_1353, %bitcast_convert_type3A_1689 : vector<16xf32>
          %add3A_1700 = arith.addf %mul3A_1698, %mul3A_1699 : vector<16xf32>
          %mul3A_1701 = arith.mulf %gather3A_1356, %bitcast_convert_type3A_1693 : vector<16xf32>
          %add3A_1702 = arith.addf %add3A_1700, %mul3A_1701 : vector<16xf32>
          %mul3A_1703 = arith.mulf %gather3A_1359, %bitcast_convert_type3A_1697 : vector<16xf32>
          %add3A_1704 = arith.addf %add3A_1702, %mul3A_1703 : vector<16xf32>
          %swap3A_1705 = arith.constant 0 : i32
          %swap3A_1706 = arith.index_cast %swap3A_1705 : i32 to index
          %swap3A_1707 = arith.index_cast %add3A_1345 : i32 to index
          %swap3A_1708 = arith.constant 112 : index
          %swap3A_1709 = tpu.vector_load %arg17[%swap3A_1706, %swap3A_1707, %swap3A_1708] {strides = array<i32>} : memref<2x40x128xf32, #tpu.memory_space<vmem>>, vector<1x1x16xf32>,
          %swap3A_1710 = vector.shape_cast %swap3A_1709 : vector<1x1x16xf32> to vector<16xf32>
          %swap3A_1711 = vector.shape_cast %add3A_1704 : vector<16xf32> to vector<1x1x16xf32>
          tpu.vector_store %arg17[%swap3A_1706, %swap3A_1707, %swap3A_1708], %swap3A_1711 {strides = array<i32>} : memref<2x40x128xf32, #tpu.memory_space<vmem>>, vector<1x1x16xf32>,
          %add3A_1712 = arith.constant 3 : i32
          %add3A_1713 = arith.addi %mul3A_538, %add3A_1712 : i32
          %add3A_1714 = arith.constant 3 : i32
          %add3A_1715 = arith.addi %mul3A_590, %add3A_1714 : i32
          %broadcast_in_dim3A_1716 = vector.broadcast %add3A_1715 : i32 to vector<16x1xi32>
          %gather3A_1717 = vector.shape_cast %broadcast_in_dim3A_1716 : vector<16x1xi32> to vector<16xi32>
          %gather3A_1718 = tpu.dynamic_gather %get3A_596[%gather3A_1717] in [0] : vector<16xf32>, vector<16xi32> -> vector<16xf32>
          %broadcast_in_dim3A_1719 = vector.broadcast %add3A_1715 : i32 to vector<16x1xi32>
          %gather3A_1720 = vector.shape_cast %broadcast_in_dim3A_1719 : vector<16x1xi32> to vector<16xi32>
          %gather3A_1721 = tpu.dynamic_gather %get3A_601[%gather3A_1720] in [0] : vector<16xf32>, vector<16xi32> -> vector<16xf32>
          %broadcast_in_dim3A_1722 = vector.broadcast %add3A_1715 : i32 to vector<16x1xi32>
          %gather3A_1723 = vector.shape_cast %broadcast_in_dim3A_1722 : vector<16x1xi32> to vector<16xi32>
          %gather3A_1724 = tpu.dynamic_gather %get3A_606[%gather3A_1723] in [0] : vector<16xf32>, vector<16xi32> -> vector<16xf32>
          %broadcast_in_dim3A_1725 = vector.broadcast %add3A_1715 : i32 to vector<16x1xi32>
          %gather3A_1726 = vector.shape_cast %broadcast_in_dim3A_1725 : vector<16x1xi32> to vector<16xi32>
          %gather3A_1727 = tpu.dynamic_gather %get3A_611[%gather3A_1726] in [0] : vector<16xf32>, vector<16xi32> -> vector<16xf32>
          %get3A_1728 = arith.constant 0 : i32
          %get3A_1729 = arith.index_cast %get3A_1728 : i32 to index
          %get3A_1730 = arith.index_cast %add3A_1713 : i32 to index
          %get3A_1731 = arith.constant 0 : index
          %get3A_1732 = tpu.vector_load %arg16[%get3A_1729, %get3A_1730, %get3A_1731] {strides = array<i32>} : memref<2x80x128xi32, #tpu.memory_space<vmem>>, vector<1x1x16xi32>,
          %get3A_1733 = vector.shape_cast %get3A_1732 : vector<1x1x16xi32> to vector<16xi32>
          %add3A_1734 = arith.constant 40 : i32
          %add3A_1735 = arith.addi %add3A_1734, %add3A_1713 : i32
          %get3A_1736 = arith.constant 0 : i32
          %get3A_1737 = arith.index_cast %get3A_1736 : i32 to index
          %get3A_1738 = arith.index_cast %add3A_1735 : i32 to index
          %get3A_1739 = arith.constant 0 : index
          %get3A_1740 = tpu.vector_load %arg16[%get3A_1737, %get3A_1738, %get3A_1739] {strides = array<i32>} : memref<2x80x128xi32, #tpu.memory_space<vmem>>, vector<1x1x16xi32>,
          %get3A_1741 = vector.shape_cast %get3A_1740 : vector<1x1x16xi32> to vector<16xi32>
          %shift_left3A_1742 = arith.constant 16 : i32
          %shift_left3A_1743 = vector.broadcast %shift_left3A_1742 : i32 to vector<16xi32>
          %shift_left3A_1744 = arith.shli %get3A_1733, %shift_left3A_1743 : vector<16xi32>
          %bitcast_convert_type3A_1745 = tpu.bitcast %shift_left3A_1744 : vector<16xi32> -> vector<16xf32>
          %and3A_1746 = arith.constant -65536 : i32
          %and3A_1747 = vector.broadcast %and3A_1746 : i32 to vector<16xi32>
          %and3A_1748 = arith.andi %get3A_1733, %and3A_1747 : vector<16xi32>
          %bitcast_convert_type3A_1749 = tpu.bitcast %and3A_1748 : vector<16xi32> -> vector<16xf32>
          %shift_left3A_1750 = arith.constant 16 : i32
          %shift_left3A_1751 = vector.broadcast %shift_left3A_1750 : i32 to vector<16xi32>
          %shift_left3A_1752 = arith.shli %get3A_1741, %shift_left3A_1751 : vector<16xi32>
          %bitcast_convert_type3A_1753 = tpu.bitcast %shift_left3A_1752 : vector<16xi32> -> vector<16xf32>
          %and3A_1754 = arith.constant -65536 : i32
          %and3A_1755 = vector.broadcast %and3A_1754 : i32 to vector<16xi32>
          %and3A_1756 = arith.andi %get3A_1741, %and3A_1755 : vector<16xi32>
          %bitcast_convert_type3A_1757 = tpu.bitcast %and3A_1756 : vector<16xi32> -> vector<16xf32>
          %mul3A_1758 = arith.mulf %gather3A_1718, %bitcast_convert_type3A_1745 : vector<16xf32>
          %mul3A_1759 = arith.mulf %gather3A_1721, %bitcast_convert_type3A_1749 : vector<16xf32>
          %add3A_1760 = arith.addf %mul3A_1758, %mul3A_1759 : vector<16xf32>
          %mul3A_1761 = arith.mulf %gather3A_1724, %bitcast_convert_type3A_1753 : vector<16xf32>
          %add3A_1762 = arith.addf %add3A_1760, %mul3A_1761 : vector<16xf32>
          %mul3A_1763 = arith.mulf %gather3A_1727, %bitcast_convert_type3A_1757 : vector<16xf32>
          %add3A_1764 = arith.addf %add3A_1762, %mul3A_1763 : vector<16xf32>
          %swap3A_1765 = arith.constant 0 : i32
          %swap3A_1766 = arith.index_cast %swap3A_1765 : i32 to index
          %swap3A_1767 = arith.index_cast %add3A_1713 : i32 to index
          %swap3A_1768 = arith.constant 0 : index
          %swap3A_1769 = tpu.vector_load %arg17[%swap3A_1766, %swap3A_1767, %swap3A_1768] {strides = array<i32>} : memref<2x40x128xf32, #tpu.memory_space<vmem>>, vector<1x1x16xf32>,
          %swap3A_1770 = vector.shape_cast %swap3A_1769 : vector<1x1x16xf32> to vector<16xf32>
          %swap3A_1771 = vector.shape_cast %add3A_1764 : vector<16xf32> to vector<1x1x16xf32>
          tpu.vector_store %arg17[%swap3A_1766, %swap3A_1767, %swap3A_1768], %swap3A_1771 {strides = array<i32>} : memref<2x40x128xf32, #tpu.memory_space<vmem>>, vector<1x1x16xf32>,
          %get3A_1772 = arith.constant 0 : i32
          %get3A_1773 = arith.index_cast %get3A_1772 : i32 to index
          %get3A_1774 = arith.index_cast %add3A_1713 : i32 to index
          %get3A_1775 = arith.constant 16 : index
          %get3A_1776 = tpu.vector_load %arg16[%get3A_1773, %get3A_1774, %get3A_1775] {strides = array<i32>} : memref<2x80x128xi32, #tpu.memory_space<vmem>>, vector<1x1x16xi32>,
          %get3A_1777 = vector.shape_cast %get3A_1776 : vector<1x1x16xi32> to vector<16xi32>
          %add3A_1778 = arith.constant 40 : i32
          %add3A_1779 = arith.addi %add3A_1778, %add3A_1713 : i32
          %get3A_1780 = arith.constant 0 : i32
          %get3A_1781 = arith.index_cast %get3A_1780 : i32 to index
          %get3A_1782 = arith.index_cast %add3A_1779 : i32 to index
          %get3A_1783 = arith.constant 16 : index
          %get3A_1784 = tpu.vector_load %arg16[%get3A_1781, %get3A_1782, %get3A_1783] {strides = array<i32>} : memref<2x80x128xi32, #tpu.memory_space<vmem>>, vector<1x1x16xi32>,
          %get3A_1785 = vector.shape_cast %get3A_1784 : vector<1x1x16xi32> to vector<16xi32>
          %shift_left3A_1786 = arith.constant 16 : i32
          %shift_left3A_1787 = vector.broadcast %shift_left3A_1786 : i32 to vector<16xi32>
          %shift_left3A_1788 = arith.shli %get3A_1777, %shift_left3A_1787 : vector<16xi32>
          %bitcast_convert_type3A_1789 = tpu.bitcast %shift_left3A_1788 : vector<16xi32> -> vector<16xf32>
          %and3A_1790 = arith.constant -65536 : i32
          %and3A_1791 = vector.broadcast %and3A_1790 : i32 to vector<16xi32>
          %and3A_1792 = arith.andi %get3A_1777, %and3A_1791 : vector<16xi32>
          %bitcast_convert_type3A_1793 = tpu.bitcast %and3A_1792 : vector<16xi32> -> vector<16xf32>
          %shift_left3A_1794 = arith.constant 16 : i32
          %shift_left3A_1795 = vector.broadcast %shift_left3A_1794 : i32 to vector<16xi32>
          %shift_left3A_1796 = arith.shli %get3A_1785, %shift_left3A_1795 : vector<16xi32>
          %bitcast_convert_type3A_1797 = tpu.bitcast %shift_left3A_1796 : vector<16xi32> -> vector<16xf32>
          %and3A_1798 = arith.constant -65536 : i32
          %and3A_1799 = vector.broadcast %and3A_1798 : i32 to vector<16xi32>
          %and3A_1800 = arith.andi %get3A_1785, %and3A_1799 : vector<16xi32>
          %bitcast_convert_type3A_1801 = tpu.bitcast %and3A_1800 : vector<16xi32> -> vector<16xf32>
          %mul3A_1802 = arith.mulf %gather3A_1718, %bitcast_convert_type3A_1789 : vector<16xf32>
          %mul3A_1803 = arith.mulf %gather3A_1721, %bitcast_convert_type3A_1793 : vector<16xf32>
          %add3A_1804 = arith.addf %mul3A_1802, %mul3A_1803 : vector<16xf32>
          %mul3A_1805 = arith.mulf %gather3A_1724, %bitcast_convert_type3A_1797 : vector<16xf32>
          %add3A_1806 = arith.addf %add3A_1804, %mul3A_1805 : vector<16xf32>
          %mul3A_1807 = arith.mulf %gather3A_1727, %bitcast_convert_type3A_1801 : vector<16xf32>
          %add3A_1808 = arith.addf %add3A_1806, %mul3A_1807 : vector<16xf32>
          %swap3A_1809 = arith.constant 0 : i32
          %swap3A_1810 = arith.index_cast %swap3A_1809 : i32 to index
          %swap3A_1811 = arith.index_cast %add3A_1713 : i32 to index
          %swap3A_1812 = arith.constant 16 : index
          %swap3A_1813 = tpu.vector_load %arg17[%swap3A_1810, %swap3A_1811, %swap3A_1812] {strides = array<i32>} : memref<2x40x128xf32, #tpu.memory_space<vmem>>, vector<1x1x16xf32>,
          %swap3A_1814 = vector.shape_cast %swap3A_1813 : vector<1x1x16xf32> to vector<16xf32>
          %swap3A_1815 = vector.shape_cast %add3A_1808 : vector<16xf32> to vector<1x1x16xf32>
          tpu.vector_store %arg17[%swap3A_1810, %swap3A_1811, %swap3A_1812], %swap3A_1815 {strides = array<i32>} : memref<2x40x128xf32, #tpu.memory_space<vmem>>, vector<1x1x16xf32>,
          %get3A_1816 = arith.constant 0 : i32
          %get3A_1817 = arith.index_cast %get3A_1816 : i32 to index
          %get3A_1818 = arith.index_cast %add3A_1713 : i32 to index
          %get3A_1819 = arith.constant 32 : index
          %get3A_1820 = tpu.vector_load %arg16[%get3A_1817, %get3A_1818, %get3A_1819] {strides = array<i32>} : memref<2x80x128xi32, #tpu.memory_space<vmem>>, vector<1x1x16xi32>,
          %get3A_1821 = vector.shape_cast %get3A_1820 : vector<1x1x16xi32> to vector<16xi32>
          %add3A_1822 = arith.constant 40 : i32
          %add3A_1823 = arith.addi %add3A_1822, %add3A_1713 : i32
          %get3A_1824 = arith.constant 0 : i32
          %get3A_1825 = arith.index_cast %get3A_1824 : i32 to index
          %get3A_1826 = arith.index_cast %add3A_1823 : i32 to index
          %get3A_1827 = arith.constant 32 : index
          %get3A_1828 = tpu.vector_load %arg16[%get3A_1825, %get3A_1826, %get3A_1827] {strides = array<i32>} : memref<2x80x128xi32, #tpu.memory_space<vmem>>, vector<1x1x16xi32>,
          %get3A_1829 = vector.shape_cast %get3A_1828 : vector<1x1x16xi32> to vector<16xi32>
          %shift_left3A_1830 = arith.constant 16 : i32
          %shift_left3A_1831 = vector.broadcast %shift_left3A_1830 : i32 to vector<16xi32>
          %shift_left3A_1832 = arith.shli %get3A_1821, %shift_left3A_1831 : vector<16xi32>
          %bitcast_convert_type3A_1833 = tpu.bitcast %shift_left3A_1832 : vector<16xi32> -> vector<16xf32>
          %and3A_1834 = arith.constant -65536 : i32
          %and3A_1835 = vector.broadcast %and3A_1834 : i32 to vector<16xi32>
          %and3A_1836 = arith.andi %get3A_1821, %and3A_1835 : vector<16xi32>
          %bitcast_convert_type3A_1837 = tpu.bitcast %and3A_1836 : vector<16xi32> -> vector<16xf32>
          %shift_left3A_1838 = arith.constant 16 : i32
          %shift_left3A_1839 = vector.broadcast %shift_left3A_1838 : i32 to vector<16xi32>
          %shift_left3A_1840 = arith.shli %get3A_1829, %shift_left3A_1839 : vector<16xi32>
          %bitcast_convert_type3A_1841 = tpu.bitcast %shift_left3A_1840 : vector<16xi32> -> vector<16xf32>
          %and3A_1842 = arith.constant -65536 : i32
          %and3A_1843 = vector.broadcast %and3A_1842 : i32 to vector<16xi32>
          %and3A_1844 = arith.andi %get3A_1829, %and3A_1843 : vector<16xi32>
          %bitcast_convert_type3A_1845 = tpu.bitcast %and3A_1844 : vector<16xi32> -> vector<16xf32>
          %mul3A_1846 = arith.mulf %gather3A_1718, %bitcast_convert_type3A_1833 : vector<16xf32>
          %mul3A_1847 = arith.mulf %gather3A_1721, %bitcast_convert_type3A_1837 : vector<16xf32>
          %add3A_1848 = arith.addf %mul3A_1846, %mul3A_1847 : vector<16xf32>
          %mul3A_1849 = arith.mulf %gather3A_1724, %bitcast_convert_type3A_1841 : vector<16xf32>
          %add3A_1850 = arith.addf %add3A_1848, %mul3A_1849 : vector<16xf32>
          %mul3A_1851 = arith.mulf %gather3A_1727, %bitcast_convert_type3A_1845 : vector<16xf32>
          %add3A_1852 = arith.addf %add3A_1850, %mul3A_1851 : vector<16xf32>
          %swap3A_1853 = arith.constant 0 : i32
          %swap3A_1854 = arith.index_cast %swap3A_1853 : i32 to index
          %swap3A_1855 = arith.index_cast %add3A_1713 : i32 to index
          %swap3A_1856 = arith.constant 32 : index
          %swap3A_1857 = tpu.vector_load %arg17[%swap3A_1854, %swap3A_1855, %swap3A_1856] {strides = array<i32>} : memref<2x40x128xf32, #tpu.memory_space<vmem>>, vector<1x1x16xf32>,
          %swap3A_1858 = vector.shape_cast %swap3A_1857 : vector<1x1x16xf32> to vector<16xf32>
          %swap3A_1859 = vector.shape_cast %add3A_1852 : vector<16xf32> to vector<1x1x16xf32>
          tpu.vector_store %arg17[%swap3A_1854, %swap3A_1855, %swap3A_1856], %swap3A_1859 {strides = array<i32>} : memref<2x40x128xf32, #tpu.memory_space<vmem>>, vector<1x1x16xf32>,
          %get3A_1860 = arith.constant 0 : i32
          %get3A_1861 = arith.index_cast %get3A_1860 : i32 to index
          %get3A_1862 = arith.index_cast %add3A_1713 : i32 to index
          %get3A_1863 = arith.constant 48 : index
          %get3A_1864 = tpu.vector_load %arg16[%get3A_1861, %get3A_1862, %get3A_1863] {strides = array<i32>} : memref<2x80x128xi32, #tpu.memory_space<vmem>>, vector<1x1x16xi32>,
          %get3A_1865 = vector.shape_cast %get3A_1864 : vector<1x1x16xi32> to vector<16xi32>
          %add3A_1866 = arith.constant 40 : i32
          %add3A_1867 = arith.addi %add3A_1866, %add3A_1713 : i32
          %get3A_1868 = arith.constant 0 : i32
          %get3A_1869 = arith.index_cast %get3A_1868 : i32 to index
          %get3A_1870 = arith.index_cast %add3A_1867 : i32 to index
          %get3A_1871 = arith.constant 48 : index
          %get3A_1872 = tpu.vector_load %arg16[%get3A_1869, %get3A_1870, %get3A_1871] {strides = array<i32>} : memref<2x80x128xi32, #tpu.memory_space<vmem>>, vector<1x1x16xi32>,
          %get3A_1873 = vector.shape_cast %get3A_1872 : vector<1x1x16xi32> to vector<16xi32>
          %shift_left3A_1874 = arith.constant 16 : i32
          %shift_left3A_1875 = vector.broadcast %shift_left3A_1874 : i32 to vector<16xi32>
          %shift_left3A_1876 = arith.shli %get3A_1865, %shift_left3A_1875 : vector<16xi32>
          %bitcast_convert_type3A_1877 = tpu.bitcast %shift_left3A_1876 : vector<16xi32> -> vector<16xf32>
          %and3A_1878 = arith.constant -65536 : i32
          %and3A_1879 = vector.broadcast %and3A_1878 : i32 to vector<16xi32>
          %and3A_1880 = arith.andi %get3A_1865, %and3A_1879 : vector<16xi32>
          %bitcast_convert_type3A_1881 = tpu.bitcast %and3A_1880 : vector<16xi32> -> vector<16xf32>
          %shift_left3A_1882 = arith.constant 16 : i32
          %shift_left3A_1883 = vector.broadcast %shift_left3A_1882 : i32 to vector<16xi32>
          %shift_left3A_1884 = arith.shli %get3A_1873, %shift_left3A_1883 : vector<16xi32>
          %bitcast_convert_type3A_1885 = tpu.bitcast %shift_left3A_1884 : vector<16xi32> -> vector<16xf32>
          %and3A_1886 = arith.constant -65536 : i32
          %and3A_1887 = vector.broadcast %and3A_1886 : i32 to vector<16xi32>
          %and3A_1888 = arith.andi %get3A_1873, %and3A_1887 : vector<16xi32>
          %bitcast_convert_type3A_1889 = tpu.bitcast %and3A_1888 : vector<16xi32> -> vector<16xf32>
          %mul3A_1890 = arith.mulf %gather3A_1718, %bitcast_convert_type3A_1877 : vector<16xf32>
          %mul3A_1891 = arith.mulf %gather3A_1721, %bitcast_convert_type3A_1881 : vector<16xf32>
          %add3A_1892 = arith.addf %mul3A_1890, %mul3A_1891 : vector<16xf32>
          %mul3A_1893 = arith.mulf %gather3A_1724, %bitcast_convert_type3A_1885 : vector<16xf32>
          %add3A_1894 = arith.addf %add3A_1892, %mul3A_1893 : vector<16xf32>
          %mul3A_1895 = arith.mulf %gather3A_1727, %bitcast_convert_type3A_1889 : vector<16xf32>
          %add3A_1896 = arith.addf %add3A_1894, %mul3A_1895 : vector<16xf32>
          %swap3A_1897 = arith.constant 0 : i32
          %swap3A_1898 = arith.index_cast %swap3A_1897 : i32 to index
          %swap3A_1899 = arith.index_cast %add3A_1713 : i32 to index
          %swap3A_1900 = arith.constant 48 : index
          %swap3A_1901 = tpu.vector_load %arg17[%swap3A_1898, %swap3A_1899, %swap3A_1900] {strides = array<i32>} : memref<2x40x128xf32, #tpu.memory_space<vmem>>, vector<1x1x16xf32>,
          %swap3A_1902 = vector.shape_cast %swap3A_1901 : vector<1x1x16xf32> to vector<16xf32>
          %swap3A_1903 = vector.shape_cast %add3A_1896 : vector<16xf32> to vector<1x1x16xf32>
          tpu.vector_store %arg17[%swap3A_1898, %swap3A_1899, %swap3A_1900], %swap3A_1903 {strides = array<i32>} : memref<2x40x128xf32, #tpu.memory_space<vmem>>, vector<1x1x16xf32>,
          %get3A_1904 = arith.constant 0 : i32
          %get3A_1905 = arith.index_cast %get3A_1904 : i32 to index
          %get3A_1906 = arith.index_cast %add3A_1713 : i32 to index
          %get3A_1907 = arith.constant 64 : index
          %get3A_1908 = tpu.vector_load %arg16[%get3A_1905, %get3A_1906, %get3A_1907] {strides = array<i32>} : memref<2x80x128xi32, #tpu.memory_space<vmem>>, vector<1x1x16xi32>,
          %get3A_1909 = vector.shape_cast %get3A_1908 : vector<1x1x16xi32> to vector<16xi32>
          %add3A_1910 = arith.constant 40 : i32
          %add3A_1911 = arith.addi %add3A_1910, %add3A_1713 : i32
          %get3A_1912 = arith.constant 0 : i32
          %get3A_1913 = arith.index_cast %get3A_1912 : i32 to index
          %get3A_1914 = arith.index_cast %add3A_1911 : i32 to index
          %get3A_1915 = arith.constant 64 : index
          %get3A_1916 = tpu.vector_load %arg16[%get3A_1913, %get3A_1914, %get3A_1915] {strides = array<i32>} : memref<2x80x128xi32, #tpu.memory_space<vmem>>, vector<1x1x16xi32>,
          %get3A_1917 = vector.shape_cast %get3A_1916 : vector<1x1x16xi32> to vector<16xi32>
          %shift_left3A_1918 = arith.constant 16 : i32
          %shift_left3A_1919 = vector.broadcast %shift_left3A_1918 : i32 to vector<16xi32>
          %shift_left3A_1920 = arith.shli %get3A_1909, %shift_left3A_1919 : vector<16xi32>
          %bitcast_convert_type3A_1921 = tpu.bitcast %shift_left3A_1920 : vector<16xi32> -> vector<16xf32>
          %and3A_1922 = arith.constant -65536 : i32
          %and3A_1923 = vector.broadcast %and3A_1922 : i32 to vector<16xi32>
          %and3A_1924 = arith.andi %get3A_1909, %and3A_1923 : vector<16xi32>
          %bitcast_convert_type3A_1925 = tpu.bitcast %and3A_1924 : vector<16xi32> -> vector<16xf32>
          %shift_left3A_1926 = arith.constant 16 : i32
          %shift_left3A_1927 = vector.broadcast %shift_left3A_1926 : i32 to vector<16xi32>
          %shift_left3A_1928 = arith.shli %get3A_1917, %shift_left3A_1927 : vector<16xi32>
          %bitcast_convert_type3A_1929 = tpu.bitcast %shift_left3A_1928 : vector<16xi32> -> vector<16xf32>
          %and3A_1930 = arith.constant -65536 : i32
          %and3A_1931 = vector.broadcast %and3A_1930 : i32 to vector<16xi32>
          %and3A_1932 = arith.andi %get3A_1917, %and3A_1931 : vector<16xi32>
          %bitcast_convert_type3A_1933 = tpu.bitcast %and3A_1932 : vector<16xi32> -> vector<16xf32>
          %mul3A_1934 = arith.mulf %gather3A_1718, %bitcast_convert_type3A_1921 : vector<16xf32>
          %mul3A_1935 = arith.mulf %gather3A_1721, %bitcast_convert_type3A_1925 : vector<16xf32>
          %add3A_1936 = arith.addf %mul3A_1934, %mul3A_1935 : vector<16xf32>
          %mul3A_1937 = arith.mulf %gather3A_1724, %bitcast_convert_type3A_1929 : vector<16xf32>
          %add3A_1938 = arith.addf %add3A_1936, %mul3A_1937 : vector<16xf32>
          %mul3A_1939 = arith.mulf %gather3A_1727, %bitcast_convert_type3A_1933 : vector<16xf32>
          %add3A_1940 = arith.addf %add3A_1938, %mul3A_1939 : vector<16xf32>
          %swap3A_1941 = arith.constant 0 : i32
          %swap3A_1942 = arith.index_cast %swap3A_1941 : i32 to index
          %swap3A_1943 = arith.index_cast %add3A_1713 : i32 to index
          %swap3A_1944 = arith.constant 64 : index
          %swap3A_1945 = tpu.vector_load %arg17[%swap3A_1942, %swap3A_1943, %swap3A_1944] {strides = array<i32>} : memref<2x40x128xf32, #tpu.memory_space<vmem>>, vector<1x1x16xf32>,
          %swap3A_1946 = vector.shape_cast %swap3A_1945 : vector<1x1x16xf32> to vector<16xf32>
          %swap3A_1947 = vector.shape_cast %add3A_1940 : vector<16xf32> to vector<1x1x16xf32>
          tpu.vector_store %arg17[%swap3A_1942, %swap3A_1943, %swap3A_1944], %swap3A_1947 {strides = array<i32>} : memref<2x40x128xf32, #tpu.memory_space<vmem>>, vector<1x1x16xf32>,
          %get3A_1948 = arith.constant 0 : i32
          %get3A_1949 = arith.index_cast %get3A_1948 : i32 to index
          %get3A_1950 = arith.index_cast %add3A_1713 : i32 to index
          %get3A_1951 = arith.constant 80 : index
          %get3A_1952 = tpu.vector_load %arg16[%get3A_1949, %get3A_1950, %get3A_1951] {strides = array<i32>} : memref<2x80x128xi32, #tpu.memory_space<vmem>>, vector<1x1x16xi32>,
          %get3A_1953 = vector.shape_cast %get3A_1952 : vector<1x1x16xi32> to vector<16xi32>
          %add3A_1954 = arith.constant 40 : i32
          %add3A_1955 = arith.addi %add3A_1954, %add3A_1713 : i32
          %get3A_1956 = arith.constant 0 : i32
          %get3A_1957 = arith.index_cast %get3A_1956 : i32 to index
          %get3A_1958 = arith.index_cast %add3A_1955 : i32 to index
          %get3A_1959 = arith.constant 80 : index
          %get3A_1960 = tpu.vector_load %arg16[%get3A_1957, %get3A_1958, %get3A_1959] {strides = array<i32>} : memref<2x80x128xi32, #tpu.memory_space<vmem>>, vector<1x1x16xi32>,
          %get3A_1961 = vector.shape_cast %get3A_1960 : vector<1x1x16xi32> to vector<16xi32>
          %shift_left3A_1962 = arith.constant 16 : i32
          %shift_left3A_1963 = vector.broadcast %shift_left3A_1962 : i32 to vector<16xi32>
          %shift_left3A_1964 = arith.shli %get3A_1953, %shift_left3A_1963 : vector<16xi32>
          %bitcast_convert_type3A_1965 = tpu.bitcast %shift_left3A_1964 : vector<16xi32> -> vector<16xf32>
          %and3A_1966 = arith.constant -65536 : i32
          %and3A_1967 = vector.broadcast %and3A_1966 : i32 to vector<16xi32>
          %and3A_1968 = arith.andi %get3A_1953, %and3A_1967 : vector<16xi32>
          %bitcast_convert_type3A_1969 = tpu.bitcast %and3A_1968 : vector<16xi32> -> vector<16xf32>
          %shift_left3A_1970 = arith.constant 16 : i32
          %shift_left3A_1971 = vector.broadcast %shift_left3A_1970 : i32 to vector<16xi32>
          %shift_left3A_1972 = arith.shli %get3A_1961, %shift_left3A_1971 : vector<16xi32>
          %bitcast_convert_type3A_1973 = tpu.bitcast %shift_left3A_1972 : vector<16xi32> -> vector<16xf32>
          %and3A_1974 = arith.constant -65536 : i32
          %and3A_1975 = vector.broadcast %and3A_1974 : i32 to vector<16xi32>
          %and3A_1976 = arith.andi %get3A_1961, %and3A_1975 : vector<16xi32>
          %bitcast_convert_type3A_1977 = tpu.bitcast %and3A_1976 : vector<16xi32> -> vector<16xf32>
          %mul3A_1978 = arith.mulf %gather3A_1718, %bitcast_convert_type3A_1965 : vector<16xf32>
          %mul3A_1979 = arith.mulf %gather3A_1721, %bitcast_convert_type3A_1969 : vector<16xf32>
          %add3A_1980 = arith.addf %mul3A_1978, %mul3A_1979 : vector<16xf32>
          %mul3A_1981 = arith.mulf %gather3A_1724, %bitcast_convert_type3A_1973 : vector<16xf32>
          %add3A_1982 = arith.addf %add3A_1980, %mul3A_1981 : vector<16xf32>
          %mul3A_1983 = arith.mulf %gather3A_1727, %bitcast_convert_type3A_1977 : vector<16xf32>
          %add3A_1984 = arith.addf %add3A_1982, %mul3A_1983 : vector<16xf32>
          %swap3A_1985 = arith.constant 0 : i32
          %swap3A_1986 = arith.index_cast %swap3A_1985 : i32 to index
          %swap3A_1987 = arith.index_cast %add3A_1713 : i32 to index
          %swap3A_1988 = arith.constant 80 : index
          %swap3A_1989 = tpu.vector_load %arg17[%swap3A_1986, %swap3A_1987, %swap3A_1988] {strides = array<i32>} : memref<2x40x128xf32, #tpu.memory_space<vmem>>, vector<1x1x16xf32>,
          %swap3A_1990 = vector.shape_cast %swap3A_1989 : vector<1x1x16xf32> to vector<16xf32>
          %swap3A_1991 = vector.shape_cast %add3A_1984 : vector<16xf32> to vector<1x1x16xf32>
          tpu.vector_store %arg17[%swap3A_1986, %swap3A_1987, %swap3A_1988], %swap3A_1991 {strides = array<i32>} : memref<2x40x128xf32, #tpu.memory_space<vmem>>, vector<1x1x16xf32>,
          %get3A_1992 = arith.constant 0 : i32
          %get3A_1993 = arith.index_cast %get3A_1992 : i32 to index
          %get3A_1994 = arith.index_cast %add3A_1713 : i32 to index
          %get3A_1995 = arith.constant 96 : index
          %get3A_1996 = tpu.vector_load %arg16[%get3A_1993, %get3A_1994, %get3A_1995] {strides = array<i32>} : memref<2x80x128xi32, #tpu.memory_space<vmem>>, vector<1x1x16xi32>,
          %get3A_1997 = vector.shape_cast %get3A_1996 : vector<1x1x16xi32> to vector<16xi32>
          %add3A_1998 = arith.constant 40 : i32
          %add3A_1999 = arith.addi %add3A_1998, %add3A_1713 : i32
          %get3A_2000 = arith.constant 0 : i32
          %get3A_2001 = arith.index_cast %get3A_2000 : i32 to index
          %get3A_2002 = arith.index_cast %add3A_1999 : i32 to index
          %get3A_2003 = arith.constant 96 : index
          %get3A_2004 = tpu.vector_load %arg16[%get3A_2001, %get3A_2002, %get3A_2003] {strides = array<i32>} : memref<2x80x128xi32, #tpu.memory_space<vmem>>, vector<1x1x16xi32>,
          %get3A_2005 = vector.shape_cast %get3A_2004 : vector<1x1x16xi32> to vector<16xi32>
          %shift_left3A_2006 = arith.constant 16 : i32
          %shift_left3A_2007 = vector.broadcast %shift_left3A_2006 : i32 to vector<16xi32>
          %shift_left3A_2008 = arith.shli %get3A_1997, %shift_left3A_2007 : vector<16xi32>
          %bitcast_convert_type3A_2009 = tpu.bitcast %shift_left3A_2008 : vector<16xi32> -> vector<16xf32>
          %and3A_2010 = arith.constant -65536 : i32
          %and3A_2011 = vector.broadcast %and3A_2010 : i32 to vector<16xi32>
          %and3A_2012 = arith.andi %get3A_1997, %and3A_2011 : vector<16xi32>
          %bitcast_convert_type3A_2013 = tpu.bitcast %and3A_2012 : vector<16xi32> -> vector<16xf32>
          %shift_left3A_2014 = arith.constant 16 : i32
          %shift_left3A_2015 = vector.broadcast %shift_left3A_2014 : i32 to vector<16xi32>
          %shift_left3A_2016 = arith.shli %get3A_2005, %shift_left3A_2015 : vector<16xi32>
          %bitcast_convert_type3A_2017 = tpu.bitcast %shift_left3A_2016 : vector<16xi32> -> vector<16xf32>
          %and3A_2018 = arith.constant -65536 : i32
          %and3A_2019 = vector.broadcast %and3A_2018 : i32 to vector<16xi32>
          %and3A_2020 = arith.andi %get3A_2005, %and3A_2019 : vector<16xi32>
          %bitcast_convert_type3A_2021 = tpu.bitcast %and3A_2020 : vector<16xi32> -> vector<16xf32>
          %mul3A_2022 = arith.mulf %gather3A_1718, %bitcast_convert_type3A_2009 : vector<16xf32>
          %mul3A_2023 = arith.mulf %gather3A_1721, %bitcast_convert_type3A_2013 : vector<16xf32>
          %add3A_2024 = arith.addf %mul3A_2022, %mul3A_2023 : vector<16xf32>
          %mul3A_2025 = arith.mulf %gather3A_1724, %bitcast_convert_type3A_2017 : vector<16xf32>
          %add3A_2026 = arith.addf %add3A_2024, %mul3A_2025 : vector<16xf32>
          %mul3A_2027 = arith.mulf %gather3A_1727, %bitcast_convert_type3A_2021 : vector<16xf32>
          %add3A_2028 = arith.addf %add3A_2026, %mul3A_2027 : vector<16xf32>
          %swap3A_2029 = arith.constant 0 : i32
          %swap3A_2030 = arith.index_cast %swap3A_2029 : i32 to index
          %swap3A_2031 = arith.index_cast %add3A_1713 : i32 to index
          %swap3A_2032 = arith.constant 96 : index
          %swap3A_2033 = tpu.vector_load %arg17[%swap3A_2030, %swap3A_2031, %swap3A_2032] {strides = array<i32>} : memref<2x40x128xf32, #tpu.memory_space<vmem>>, vector<1x1x16xf32>,
          %swap3A_2034 = vector.shape_cast %swap3A_2033 : vector<1x1x16xf32> to vector<16xf32>
          %swap3A_2035 = vector.shape_cast %add3A_2028 : vector<16xf32> to vector<1x1x16xf32>
          tpu.vector_store %arg17[%swap3A_2030, %swap3A_2031, %swap3A_2032], %swap3A_2035 {strides = array<i32>} : memref<2x40x128xf32, #tpu.memory_space<vmem>>, vector<1x1x16xf32>,
          %get3A_2036 = arith.constant 0 : i32
          %get3A_2037 = arith.index_cast %get3A_2036 : i32 to index
          %get3A_2038 = arith.index_cast %add3A_1713 : i32 to index
          %get3A_2039 = arith.constant 112 : index
          %get3A_2040 = tpu.vector_load %arg16[%get3A_2037, %get3A_2038, %get3A_2039] {strides = array<i32>} : memref<2x80x128xi32, #tpu.memory_space<vmem>>, vector<1x1x16xi32>,
          %get3A_2041 = vector.shape_cast %get3A_2040 : vector<1x1x16xi32> to vector<16xi32>
          %add3A_2042 = arith.constant 40 : i32
          %add3A_2043 = arith.addi %add3A_2042, %add3A_1713 : i32
          %get3A_2044 = arith.constant 0 : i32
          %get3A_2045 = arith.index_cast %get3A_2044 : i32 to index
          %get3A_2046 = arith.index_cast %add3A_2043 : i32 to index
          %get3A_2047 = arith.constant 112 : index
          %get3A_2048 = tpu.vector_load %arg16[%get3A_2045, %get3A_2046, %get3A_2047] {strides = array<i32>} : memref<2x80x128xi32, #tpu.memory_space<vmem>>, vector<1x1x16xi32>,
          %get3A_2049 = vector.shape_cast %get3A_2048 : vector<1x1x16xi32> to vector<16xi32>
          %shift_left3A_2050 = arith.constant 16 : i32
          %shift_left3A_2051 = vector.broadcast %shift_left3A_2050 : i32 to vector<16xi32>
          %shift_left3A_2052 = arith.shli %get3A_2041, %shift_left3A_2051 : vector<16xi32>
          %bitcast_convert_type3A_2053 = tpu.bitcast %shift_left3A_2052 : vector<16xi32> -> vector<16xf32>
          %and3A_2054 = arith.constant -65536 : i32
          %and3A_2055 = vector.broadcast %and3A_2054 : i32 to vector<16xi32>
          %and3A_2056 = arith.andi %get3A_2041, %and3A_2055 : vector<16xi32>
          %bitcast_convert_type3A_2057 = tpu.bitcast %and3A_2056 : vector<16xi32> -> vector<16xf32>
          %shift_left3A_2058 = arith.constant 16 : i32
          %shift_left3A_2059 = vector.broadcast %shift_left3A_2058 : i32 to vector<16xi32>
          %shift_left3A_2060 = arith.shli %get3A_2049, %shift_left3A_2059 : vector<16xi32>
          %bitcast_convert_type3A_2061 = tpu.bitcast %shift_left3A_2060 : vector<16xi32> -> vector<16xf32>
          %and3A_2062 = arith.constant -65536 : i32
          %and3A_2063 = vector.broadcast %and3A_2062 : i32 to vector<16xi32>
          %and3A_2064 = arith.andi %get3A_2049, %and3A_2063 : vector<16xi32>
          %bitcast_convert_type3A_2065 = tpu.bitcast %and3A_2064 : vector<16xi32> -> vector<16xf32>
          %mul3A_2066 = arith.mulf %gather3A_1718, %bitcast_convert_type3A_2053 : vector<16xf32>
          %mul3A_2067 = arith.mulf %gather3A_1721, %bitcast_convert_type3A_2057 : vector<16xf32>
          %add3A_2068 = arith.addf %mul3A_2066, %mul3A_2067 : vector<16xf32>
          %mul3A_2069 = arith.mulf %gather3A_1724, %bitcast_convert_type3A_2061 : vector<16xf32>
          %add3A_2070 = arith.addf %add3A_2068, %mul3A_2069 : vector<16xf32>
          %mul3A_2071 = arith.mulf %gather3A_1727, %bitcast_convert_type3A_2065 : vector<16xf32>
          %add3A_2072 = arith.addf %add3A_2070, %mul3A_2071 : vector<16xf32>
          %swap3A_2073 = arith.constant 0 : i32
          %swap3A_2074 = arith.index_cast %swap3A_2073 : i32 to index
          %swap3A_2075 = arith.index_cast %add3A_1713 : i32 to index
          %swap3A_2076 = arith.constant 112 : index
          %swap3A_2077 = tpu.vector_load %arg17[%swap3A_2074, %swap3A_2075, %swap3A_2076] {strides = array<i32>} : memref<2x40x128xf32, #tpu.memory_space<vmem>>, vector<1x1x16xf32>,
          %swap3A_2078 = vector.shape_cast %swap3A_2077 : vector<1x1x16xf32> to vector<16xf32>
          %swap3A_2079 = vector.shape_cast %add3A_2072 : vector<16xf32> to vector<1x1x16xf32>
          tpu.vector_store %arg17[%swap3A_2074, %swap3A_2075, %swap3A_2076], %swap3A_2079 {strides = array<i32>} : memref<2x40x128xf32, #tpu.memory_space<vmem>>, vector<1x1x16xf32>,
        }
        %scan3A_353 = arith.constant 10 : i32
        %mul3A_354 = arith.constant 400 : i32
        %mul3A_355 = arith.muli %rem3A_203, %mul3A_354 : i32
        %mul3A_356 = arith.constant 40 : i32
        %mul3A_357 = arith.muli %mul3A_227, %mul3A_356 : i32
        %add3A_358 = arith.addi %mul3A_355, %mul3A_357 : i32
        %add3A_359 = arith.constant 0 : i32
        %add3A_360 = arith.addi %add3A_358, %add3A_359 : i32
        %get3A_361 = arith.index_cast %add3A_360 : i32 to index
        %get3A_362 = tpu.vector_load %arg12[%get3A_361] {strides = array<i32>} : memref<800xi32, #tpu.memory_space<vmem>>, vector<16xi32>,
        %get3A_363 = vector.shape_cast %get3A_362 : vector<16xi32> to vector<16xi32>
        %swap3A_364 = arith.constant 0 : i32
        %swap3A_365 = arith.constant 0 : i32
        %swap3A_366 = arith.index_cast %swap3A_364 : i32 to index
        %swap3A_367 = arith.index_cast %swap3A_365 : i32 to index
        %swap3A_368 = arith.constant 0 : index
        %swap3A_369 = tpu.vector_load %arg15[%swap3A_366, %swap3A_367, %swap3A_368] {strides = array<i32>} : memref<2x1x40xi32, #tpu.memory_space<vmem>>, vector<1x1x16xi32>,
        %swap3A_370 = vector.shape_cast %swap3A_369 : vector<1x1x16xi32> to vector<16xi32>
        %swap3A_371 = vector.shape_cast %get3A_363 : vector<16xi32> to vector<1x1x16xi32>
        tpu.vector_store %arg15[%swap3A_366, %swap3A_367, %swap3A_368], %swap3A_371 {strides = array<i32>} : memref<2x1x40xi32, #tpu.memory_space<vmem>>, vector<1x1x16xi32>,
        %mul3A_372 = arith.constant 400 : i32
        %mul3A_373 = arith.muli %rem3A_203, %mul3A_372 : i32
        %mul3A_374 = arith.constant 40 : i32
        %mul3A_375 = arith.muli %mul3A_227, %mul3A_374 : i32
        %add3A_376 = arith.addi %mul3A_373, %mul3A_375 : i32
        %add3A_377 = arith.constant 16 : i32
        %add3A_378 = arith.addi %add3A_376, %add3A_377 : i32
        %get3A_379 = arith.index_cast %add3A_378 : i32 to index
        %get3A_380 = tpu.vector_load %arg12[%get3A_379] {strides = array<i32>} : memref<800xi32, #tpu.memory_space<vmem>>, vector<16xi32>,
        %get3A_381 = vector.shape_cast %get3A_380 : vector<16xi32> to vector<16xi32>
        %swap3A_382 = arith.constant 0 : i32
        %swap3A_383 = arith.constant 0 : i32
        %swap3A_384 = arith.index_cast %swap3A_382 : i32 to index
        %swap3A_385 = arith.index_cast %swap3A_383 : i32 to index
        %swap3A_386 = arith.constant 16 : index
        %swap3A_387 = tpu.vector_load %arg15[%swap3A_384, %swap3A_385, %swap3A_386] {strides = array<i32>} : memref<2x1x40xi32, #tpu.memory_space<vmem>>, vector<1x1x16xi32>,
        %swap3A_388 = vector.shape_cast %swap3A_387 : vector<1x1x16xi32> to vector<16xi32>
        %swap3A_389 = vector.shape_cast %get3A_381 : vector<16xi32> to vector<1x1x16xi32>
        tpu.vector_store %arg15[%swap3A_384, %swap3A_385, %swap3A_386], %swap3A_389 {strides = array<i32>} : memref<2x1x40xi32, #tpu.memory_space<vmem>>, vector<1x1x16xi32>,
        %mul3A_390 = arith.constant 400 : i32
        %mul3A_391 = arith.muli %rem3A_203, %mul3A_390 : i32
        %mul3A_392 = arith.constant 40 : i32
        %mul3A_393 = arith.muli %mul3A_227, %mul3A_392 : i32
        %add3A_394 = arith.addi %mul3A_391, %mul3A_393 : i32
        %add3A_395 = arith.constant 24 : i32
        %add3A_396 = arith.addi %add3A_394, %add3A_395 : i32
        %get3A_397 = arith.index_cast %add3A_396 : i32 to index
        %get3A_398 = tpu.vector_load %arg12[%get3A_397] {strides = array<i32>} : memref<800xi32, #tpu.memory_space<vmem>>, vector<16xi32>,
        %get3A_399 = vector.shape_cast %get3A_398 : vector<16xi32> to vector<16xi32>
        %swap3A_400 = arith.constant 0 : i32
        %swap3A_401 = arith.constant 0 : i32
        %swap3A_402 = arith.index_cast %swap3A_400 : i32 to index
        %swap3A_403 = arith.index_cast %swap3A_401 : i32 to index
        %swap3A_404 = arith.constant 24 : index
        %swap3A_405 = tpu.vector_load %arg15[%swap3A_402, %swap3A_403, %swap3A_404] {strides = array<i32>} : memref<2x1x40xi32, #tpu.memory_space<vmem>>, vector<1x1x16xi32>,
        %swap3A_406 = vector.shape_cast %swap3A_405 : vector<1x1x16xi32> to vector<16xi32>
        %swap3A_407 = vector.shape_cast %get3A_399 : vector<16xi32> to vector<1x1x16xi32>
        tpu.vector_store %arg15[%swap3A_402, %swap3A_403, %swap3A_404], %swap3A_407 {strides = array<i32>} : memref<2x1x40xi32, #tpu.memory_space<vmem>>, vector<1x1x16xi32>,
        %dma_start3A_408 = arith.constant 0 : i32
        %dma_start3A_409 = arith.constant 0 : i32
        %dma_start3A_410 = arith.constant 0 : i32
        %dma_start3A_411 = arith.constant 0 : i32
        %dma_start3A_412 = arith.constant 0 : i32
        %dma_start3A_413 = tpu.memref_slice %arg17[%dma_start3A_408, %dma_start3A_411, %dma_start3A_412] : memref<2x40x128xf32, #tpu.memory_space<vmem>> -> memref<1x40x128xf32, #tpu.memory_space<vmem>>
        %dma_start3A_414 = tpu.memref_squeeze %dma_start3A_413 : memref<1x40x128xf32, #tpu.memory_space<vmem>> -> memref<40x128xf32, #tpu.memory_space<vmem>>
        %dma_start3A_415 = arith.constant 0 : i32
        %dma_start3A_416 = tpu.memref_slice %arg15[%dma_start3A_409, %dma_start3A_410, %dma_start3A_415] : memref<2x1x40xi32, #tpu.memory_space<vmem>> -> memref<1x1x40xi32, #tpu.memory_space<vmem>>
        %dma_start3A_417 = tpu.memref_squeeze %dma_start3A_416 : memref<1x1x40xi32, #tpu.memory_space<vmem>> -> memref<40xi32, #tpu.memory_space<vmem>>
        %dma_start3A_418 = arith.constant 0 : i32
        %dma_start3A_419 = arith.constant 0 : i32
        %dma_start3A_420 = tpu.memref_slice %arg18[%dma_start3A_418, %dma_start3A_419] : memref<10000x128xf32, #tpu.memory_space<vmem_shared>> -> memref<10000x128xf32, #tpu.memory_space<vmem_shared>>
        tpu.enqueue_indirect_dma source(%dma_start3A_414 : memref<40x128xf32, #tpu.memory_space<vmem>>) target(%dma_start3A_420 : memref<10000x128xf32, #tpu.memory_space<vmem_shared>>) offsets(%dma_start3A_417 : memref<40xi32, #tpu.memory_space<vmem>>) semaphore(%arg21 : memref<!tpu.dma_semaphore, #tpu.memory_space<semaphore_mem>>) {add = true}
        %add3A_421 = arith.constant 1 : i32
        %add3A_422 = arith.addi %mul3A_227, %add3A_421 : i32
        %dma_wait3A_423 = arith.constant 1 : i32
        %dma_wait3A_424 = arith.constant 0 : i32
        %dma_wait3A_425 = arith.constant 1 : i32
        %dma_wait3A_426 = arith.constant 0 : i32
        %dma_wait3A_427 = arith.constant 0 : i32
        %dma_wait3A_428 = tpu.memref_slice %arg16[%dma_wait3A_425, %dma_wait3A_426, %dma_wait3A_427] : memref<2x80x128xi32, #tpu.memory_space<vmem>> -> memref<1x80x128xi32, #tpu.memory_space<vmem>>
        %dma_wait3A_429 = tpu.memref_squeeze %dma_wait3A_428 : memref<1x80x128xi32, #tpu.memory_space<vmem>> -> memref<80x128xi32, #tpu.memory_space<vmem>>
        %dma_wait3A_430 = arith.constant 0 : i32
        %dma_wait3A_431 = tpu.memref_slice %arg14[%dma_wait3A_423, %dma_wait3A_424, %dma_wait3A_430] : memref<2x1x80xi32, #tpu.memory_space<vmem>> -> memref<1x1x80xi32, #tpu.memory_space<vmem>>
        %dma_wait3A_432 = tpu.memref_squeeze %dma_wait3A_431 : memref<1x1x80xi32, #tpu.memory_space<vmem>> -> memref<80xi32, #tpu.memory_space<vmem>>
        %dma_wait3A_433 = arith.constant 0 : i32
        %dma_wait3A_434 = arith.constant 0 : i32
        %dma_wait3A_435 = tpu.memref_slice %arg2[%dma_wait3A_433, %dma_wait3A_434] : memref<20000x128xi32, #tpu.memory_space<hbm>> -> memref<20000x128xi32, #tpu.memory_space<hbm>>
        tpu.wait_indirect_dma semaphore(%arg20 : memref<!tpu.dma_semaphore, #tpu.memory_space<semaphore_mem>>) src(%dma_wait3A_435 : memref<20000x128xi32, #tpu.memory_space<hbm>>) dst(%dma_wait3A_429 : memref<80x128xi32, #tpu.memory_space<vmem>>)
        %add3A_436 = arith.constant 1 : i32
        %add3A_437 = arith.addi %scan3A_225, %add3A_436 : i32
        %lt3A_438 = arith.constant 5 : i32
        %lt3A_439 = arith.cmpi slt, %add3A_437, %lt3A_438 : i32
        %convert_element_type3A_440 = arith.extui %lt3A_439 : i1 to i32
        %cond3A_441 = arith.constant 0 : i32
        %cond3A_442 = arith.cmpi ne, %convert_element_type3A_440, %cond3A_441 : i32
        scf.if %cond3A_442 {
          %add3A_536 = arith.constant 2 : i32
          %add3A_537 = arith.addi %mul3A_227, %add3A_536 : i32
          %mul3A_538 = arith.constant 400 : i32
          %mul3A_539 = arith.muli %rem3A_203, %mul3A_538 : i32
          %mul3A_540 = arith.constant 40 : i32
          %mul3A_541 = arith.muli %add3A_537, %mul3A_540 : i32
          %add3A_542 = arith.addi %mul3A_539, %mul3A_541 : i32
          %add3A_543 = arith.constant 0 : i32
          %add3A_544 = arith.addi %add3A_542, %add3A_543 : i32
          %get3A_545 = arith.index_cast %add3A_544 : i32 to index
          %get3A_546 = tpu.vector_load %arg11[%get3A_545] {strides = array<i32>} : memref<800xi32, #tpu.memory_space<vmem>>, vector<16xi32>,
          %get3A_547 = vector.shape_cast %get3A_546 : vector<16xi32> to vector<16xi32>
          %swap3A_548 = arith.constant 0 : i32
          %swap3A_549 = arith.constant 0 : i32
          %swap3A_550 = arith.index_cast %swap3A_548 : i32 to index
          %swap3A_551 = arith.index_cast %swap3A_549 : i32 to index
          %swap3A_552 = arith.constant 0 : index
          %swap3A_553 = tpu.vector_load %arg14[%swap3A_550, %swap3A_551, %swap3A_552] {strides = array<i32>} : memref<2x1x80xi32, #tpu.memory_space<vmem>>, vector<1x1x16xi32>,
          %swap3A_554 = vector.shape_cast %swap3A_553 : vector<1x1x16xi32> to vector<16xi32>
          %swap3A_555 = vector.shape_cast %get3A_547 : vector<16xi32> to vector<1x1x16xi32>
          tpu.vector_store %arg14[%swap3A_550, %swap3A_551, %swap3A_552], %swap3A_555 {strides = array<i32>} : memref<2x1x80xi32, #tpu.memory_space<vmem>>, vector<1x1x16xi32>,
          %add3A_556 = arith.constant 10000 : i32
          %add3A_557 = vector.broadcast %add3A_556 : i32 to vector<16xi32>
          %add3A_558 = arith.addi %get3A_547, %add3A_557 : vector<16xi32>
          %swap3A_559 = arith.constant 0 : i32
          %swap3A_560 = arith.constant 0 : i32
          %swap3A_561 = arith.index_cast %swap3A_559 : i32 to index
          %swap3A_562 = arith.index_cast %swap3A_560 : i32 to index
          %swap3A_563 = arith.constant 40 : index
          %swap3A_564 = tpu.vector_load %arg14[%swap3A_561, %swap3A_562, %swap3A_563] {strides = array<i32>} : memref<2x1x80xi32, #tpu.memory_space<vmem>>, vector<1x1x16xi32>,
          %swap3A_565 = vector.shape_cast %swap3A_564 : vector<1x1x16xi32> to vector<16xi32>
          %swap3A_566 = vector.shape_cast %add3A_558 : vector<16xi32> to vector<1x1x16xi32>
          tpu.vector_store %arg14[%swap3A_561, %swap3A_562, %swap3A_563], %swap3A_566 {strides = array<i32>} : memref<2x1x80xi32, #tpu.memory_space<vmem>>, vector<1x1x16xi32>,
          %mul3A_567 = arith.constant 400 : i32
          %mul3A_568 = arith.muli %rem3A_203, %mul3A_567 : i32
          %mul3A_569 = arith.constant 40 : i32
          %mul3A_570 = arith.muli %add3A_537, %mul3A_569 : i32
          %add3A_571 = arith.addi %mul3A_568, %mul3A_570 : i32
          %add3A_572 = arith.constant 16 : i32
          %add3A_573 = arith.addi %add3A_571, %add3A_572 : i32
          %get3A_574 = arith.index_cast %add3A_573 : i32 to index
          %get3A_575 = tpu.vector_load %arg11[%get3A_574] {strides = array<i32>} : memref<800xi32, #tpu.memory_space<vmem>>, vector<16xi32>,
          %get3A_576 = vector.shape_cast %get3A_575 : vector<16xi32> to vector<16xi32>
          %swap3A_577 = arith.constant 0 : i32
          %swap3A_578 = arith.constant 0 : i32
          %swap3A_579 = arith.index_cast %swap3A_577 : i32 to index
          %swap3A_580 = arith.index_cast %swap3A_578 : i32 to index
          %swap3A_581 = arith.constant 16 : index
          %swap3A_582 = tpu.vector_load %arg14[%swap3A_579, %swap3A_580, %swap3A_581] {strides = array<i32>} : memref<2x1x80xi32, #tpu.memory_space<vmem>>, vector<1x1x16xi32>,
          %swap3A_583 = vector.shape_cast %swap3A_582 : vector<1x1x16xi32> to vector<16xi32>
          %swap3A_584 = vector.shape_cast %get3A_576 : vector<16xi32> to vector<1x1x16xi32>
          tpu.vector_store %arg14[%swap3A_579, %swap3A_580, %swap3A_581], %swap3A_584 {strides = array<i32>} : memref<2x1x80xi32, #tpu.memory_space<vmem>>, vector<1x1x16xi32>,
          %add3A_585 = arith.constant 10000 : i32
          %add3A_586 = vector.broadcast %add3A_585 : i32 to vector<16xi32>
          %add3A_587 = arith.addi %get3A_576, %add3A_586 : vector<16xi32>
          %swap3A_588 = arith.constant 0 : i32
          %swap3A_589 = arith.constant 0 : i32
          %swap3A_590 = arith.index_cast %swap3A_588 : i32 to index
          %swap3A_591 = arith.index_cast %swap3A_589 : i32 to index
          %swap3A_592 = arith.constant 56 : index
          %swap3A_593 = tpu.vector_load %arg14[%swap3A_590, %swap3A_591, %swap3A_592] {strides = array<i32>} : memref<2x1x80xi32, #tpu.memory_space<vmem>>, vector<1x1x16xi32>,
          %swap3A_594 = vector.shape_cast %swap3A_593 : vector<1x1x16xi32> to vector<16xi32>
          %swap3A_595 = vector.shape_cast %add3A_587 : vector<16xi32> to vector<1x1x16xi32>
          tpu.vector_store %arg14[%swap3A_590, %swap3A_591, %swap3A_592], %swap3A_595 {strides = array<i32>} : memref<2x1x80xi32, #tpu.memory_space<vmem>>, vector<1x1x16xi32>,
          %mul3A_596 = arith.constant 400 : i32
          %mul3A_597 = arith.muli %rem3A_203, %mul3A_596 : i32
          %mul3A_598 = arith.constant 40 : i32
          %mul3A_599 = arith.muli %add3A_537, %mul3A_598 : i32
          %add3A_600 = arith.addi %mul3A_597, %mul3A_599 : i32
          %add3A_601 = arith.constant 24 : i32
          %add3A_602 = arith.addi %add3A_600, %add3A_601 : i32
          %get3A_603 = arith.index_cast %add3A_602 : i32 to index
          %get3A_604 = tpu.vector_load %arg11[%get3A_603] {strides = array<i32>} : memref<800xi32, #tpu.memory_space<vmem>>, vector<16xi32>,
          %get3A_605 = vector.shape_cast %get3A_604 : vector<16xi32> to vector<16xi32>
          %swap3A_606 = arith.constant 0 : i32
          %swap3A_607 = arith.constant 0 : i32
          %swap3A_608 = arith.index_cast %swap3A_606 : i32 to index
          %swap3A_609 = arith.index_cast %swap3A_607 : i32 to index
          %swap3A_610 = arith.constant 24 : index
          %swap3A_611 = tpu.vector_load %arg14[%swap3A_608, %swap3A_609, %swap3A_610] {strides = array<i32>} : memref<2x1x80xi32, #tpu.memory_space<vmem>>, vector<1x1x16xi32>,
          %swap3A_612 = vector.shape_cast %swap3A_611 : vector<1x1x16xi32> to vector<16xi32>
          %swap3A_613 = vector.shape_cast %get3A_605 : vector<16xi32> to vector<1x1x16xi32>
          tpu.vector_store %arg14[%swap3A_608, %swap3A_609, %swap3A_610], %swap3A_613 {strides = array<i32>} : memref<2x1x80xi32, #tpu.memory_space<vmem>>, vector<1x1x16xi32>,
          %add3A_614 = arith.constant 10000 : i32
          %add3A_615 = vector.broadcast %add3A_614 : i32 to vector<16xi32>
          %add3A_616 = arith.addi %get3A_605, %add3A_615 : vector<16xi32>
          %swap3A_617 = arith.constant 0 : i32
          %swap3A_618 = arith.constant 0 : i32
          %swap3A_619 = arith.index_cast %swap3A_617 : i32 to index
          %swap3A_620 = arith.index_cast %swap3A_618 : i32 to index
          %swap3A_621 = arith.constant 64 : index
          %swap3A_622 = tpu.vector_load %arg14[%swap3A_619, %swap3A_620, %swap3A_621] {strides = array<i32>} : memref<2x1x80xi32, #tpu.memory_space<vmem>>, vector<1x1x16xi32>,
          %swap3A_623 = vector.shape_cast %swap3A_622 : vector<1x1x16xi32> to vector<16xi32>
          %swap3A_624 = vector.shape_cast %add3A_616 : vector<16xi32> to vector<1x1x16xi32>
          tpu.vector_store %arg14[%swap3A_619, %swap3A_620, %swap3A_621], %swap3A_624 {strides = array<i32>} : memref<2x1x80xi32, #tpu.memory_space<vmem>>, vector<1x1x16xi32>,
          %dma_start3A_625 = arith.constant 0 : i32
          %dma_start3A_626 = arith.constant 0 : i32
          %dma_start3A_627 = arith.constant 0 : i32
          %dma_start3A_628 = arith.constant 0 : i32
          %dma_start3A_629 = arith.constant 0 : i32
          %dma_start3A_630 = tpu.memref_slice %arg16[%dma_start3A_627, %dma_start3A_628, %dma_start3A_629] : memref<2x80x128xi32, #tpu.memory_space<vmem>> -> memref<1x80x128xi32, #tpu.memory_space<vmem>>
          %dma_start3A_631 = tpu.memref_squeeze %dma_start3A_630 : memref<1x80x128xi32, #tpu.memory_space<vmem>> -> memref<80x128xi32, #tpu.memory_space<vmem>>
          %dma_start3A_632 = arith.constant 0 : i32
          %dma_start3A_633 = tpu.memref_slice %arg14[%dma_start3A_625, %dma_start3A_626, %dma_start3A_632] : memref<2x1x80xi32, #tpu.memory_space<vmem>> -> memref<1x1x80xi32, #tpu.memory_space<vmem>>
          %dma_start3A_634 = tpu.memref_squeeze %dma_start3A_633 : memref<1x1x80xi32, #tpu.memory_space<vmem>> -> memref<80xi32, #tpu.memory_space<vmem>>
          %dma_start3A_635 = arith.constant 0 : i32
          %dma_start3A_636 = arith.constant 0 : i32
          %dma_start3A_637 = tpu.memref_slice %arg2[%dma_start3A_635, %dma_start3A_636] : memref<20000x128xi32, #tpu.memory_space<hbm>> -> memref<20000x128xi32, #tpu.memory_space<hbm>>
          tpu.enqueue_indirect_dma source(%dma_start3A_637 : memref<20000x128xi32, #tpu.memory_space<hbm>>) target(%dma_start3A_631 : memref<80x128xi32, #tpu.memory_space<vmem>>) offsets(%dma_start3A_634 : memref<80xi32, #tpu.memory_space<vmem>>) semaphore(%arg19 : memref<!tpu.dma_semaphore, #tpu.memory_space<semaphore_mem>>)
        } else {
        }
        %add3A_443 = arith.constant 1 : i32
        %add3A_444 = arith.addi %scan3A_225, %add3A_443 : i32
        %eq3A_445 = arith.constant 5 : i32
        %eq3A_446 = arith.cmpi eq, %add3A_444, %eq3A_445 : i32
        %add3A_447 = arith.constant 1 : i32
        %add3A_448 = arith.addi %scan3A_202, %add3A_447 : i32
        %lt3A_449 = arith.constant 25 : i32
        %lt3A_450 = arith.cmpi slt, %add3A_448, %lt3A_449 : i32
        %and3A = arith.andi %eq3A_446, %lt3A_450 : i1
        %convert_element_type3A_451 = arith.extui %and3A : i1 to i32
        %cond3A_452 = arith.constant 0 : i32
        %cond3A_453 = arith.cmpi ne, %convert_element_type3A_451, %cond3A_452 : i32
        scf.if %cond3A_453 {
          %add3A_536 = arith.constant 1 : i32
          %add3A_537 = arith.addi %scan3A_202, %add3A_536 : i32
          %mul3A_538 = arith.constant 400 : i32
          %mul3A_539 = arith.muli %add3A_537, %mul3A_538 : i32
          %add3A_540 = arith.addi %mul3A_2, %mul3A_539 : i32
          %mul3A_541 = arith.constant 400 : i32
          %mul3A_542 = arith.muli %rem3A_207, %mul3A_541 : i32
          %dma_wait3A_543 = tpu.memref_slice %arg11[%mul3A_542] : memref<800xi32, #tpu.memory_space<vmem>> -> memref<400xi32, #tpu.memory_space<vmem>>
          %dma_wait3A_544 = tpu.memref_slice %arg3[%add3A_540] : memref<320000xi32, #tpu.memory_space<hbm>> -> memref<400xi32, #tpu.memory_space<hbm>>
          %dma_wait3A_545 = tpu.memref_slice %arg11[%mul3A_542] : memref<800xi32, #tpu.memory_space<vmem>> -> memref<400xi32, #tpu.memory_space<vmem>>
          %dma_wait3A_546 = tpu.memref_slice %arg3[%add3A_540] : memref<320000xi32, #tpu.memory_space<hbm>> -> memref<400xi32, #tpu.memory_space<hbm>>
          tpu.wait_dma2 semaphore(%arg23 : memref<!tpu.dma_semaphore, #tpu.memory_space<semaphore_mem>>) src(%dma_wait3A_546 : memref<400xi32, #tpu.memory_space<hbm>>) dst(%dma_wait3A_545 : memref<400xi32, #tpu.memory_space<vmem>>)
          %mul3A_547 = arith.constant 400 : i32
          %mul3A_548 = arith.muli %rem3A_207, %mul3A_547 : i32
          %dma_wait3A_549 = tpu.memref_slice %arg12[%mul3A_548] : memref<800xi32, #tpu.memory_space<vmem>> -> memref<400xi32, #tpu.memory_space<vmem>>
          %dma_wait3A_550 = tpu.memref_slice %arg4[%add3A_540] : memref<320000xi32, #tpu.memory_space<hbm>> -> memref<400xi32, #tpu.memory_space<hbm>>
          %dma_wait3A_551 = tpu.memref_slice %arg12[%mul3A_548] : memref<800xi32, #tpu.memory_space<vmem>> -> memref<400xi32, #tpu.memory_space<vmem>>
          %dma_wait3A_552 = tpu.memref_slice %arg4[%add3A_540] : memref<320000xi32, #tpu.memory_space<hbm>> -> memref<400xi32, #tpu.memory_space<hbm>>
          tpu.wait_dma2 semaphore(%arg23 : memref<!tpu.dma_semaphore, #tpu.memory_space<semaphore_mem>>) src(%dma_wait3A_552 : memref<400xi32, #tpu.memory_space<hbm>>) dst(%dma_wait3A_551 : memref<400xi32, #tpu.memory_space<vmem>>)
          %mul3A_553 = arith.constant 4 : i32
          %mul3A_554 = arith.muli %rem3A_207, %mul3A_553 : i32
          %add3A_555 = arith.constant 0 : i32
          %add3A_556 = arith.addi %mul3A_554, %add3A_555 : i32
          %mul3A_557 = arith.constant 400 : i32
          %mul3A_558 = arith.muli %add3A_556, %mul3A_557 : i32
          %dma_wait3A_559 = tpu.memref_slice %arg13[%mul3A_558] : memref<3200xf32, #tpu.memory_space<vmem>> -> memref<400xf32, #tpu.memory_space<vmem>>
          %dma_wait3A_560 = tpu.memref_slice %arg5[%add3A_540] : memref<320000xf32, #tpu.memory_space<hbm>> -> memref<400xf32, #tpu.memory_space<hbm>>
          %dma_wait3A_561 = tpu.memref_slice %arg13[%mul3A_558] : memref<3200xf32, #tpu.memory_space<vmem>> -> memref<400xf32, #tpu.memory_space<vmem>>
          %dma_wait3A_562 = tpu.memref_slice %arg5[%add3A_540] : memref<320000xf32, #tpu.memory_space<hbm>> -> memref<400xf32, #tpu.memory_space<hbm>>
          tpu.wait_dma2 semaphore(%arg23 : memref<!tpu.dma_semaphore, #tpu.memory_space<semaphore_mem>>) src(%dma_wait3A_562 : memref<400xf32, #tpu.memory_space<hbm>>) dst(%dma_wait3A_561 : memref<400xf32, #tpu.memory_space<vmem>>)
          %mul3A_563 = arith.constant 4 : i32
          %mul3A_564 = arith.muli %rem3A_207, %mul3A_563 : i32
          %add3A_565 = arith.constant 1 : i32
          %add3A_566 = arith.addi %mul3A_564, %add3A_565 : i32
          %mul3A_567 = arith.constant 400 : i32
          %mul3A_568 = arith.muli %add3A_566, %mul3A_567 : i32
          %dma_wait3A_569 = tpu.memref_slice %arg13[%mul3A_568] : memref<3200xf32, #tpu.memory_space<vmem>> -> memref<400xf32, #tpu.memory_space<vmem>>
          %dma_wait3A_570 = tpu.memref_slice %arg6[%add3A_540] : memref<320000xf32, #tpu.memory_space<hbm>> -> memref<400xf32, #tpu.memory_space<hbm>>
          %dma_wait3A_571 = tpu.memref_slice %arg13[%mul3A_568] : memref<3200xf32, #tpu.memory_space<vmem>> -> memref<400xf32, #tpu.memory_space<vmem>>
          %dma_wait3A_572 = tpu.memref_slice %arg6[%add3A_540] : memref<320000xf32, #tpu.memory_space<hbm>> -> memref<400xf32, #tpu.memory_space<hbm>>
          tpu.wait_dma2 semaphore(%arg23 : memref<!tpu.dma_semaphore, #tpu.memory_space<semaphore_mem>>) src(%dma_wait3A_572 : memref<400xf32, #tpu.memory_space<hbm>>) dst(%dma_wait3A_571 : memref<400xf32, #tpu.memory_space<vmem>>)
          %mul3A_573 = arith.constant 4 : i32
          %mul3A_574 = arith.muli %rem3A_207, %mul3A_573 : i32
          %add3A_575 = arith.constant 2 : i32
          %add3A_576 = arith.addi %mul3A_574, %add3A_575 : i32
          %mul3A_577 = arith.constant 400 : i32
          %mul3A_578 = arith.muli %add3A_576, %mul3A_577 : i32
          %dma_wait3A_579 = tpu.memref_slice %arg13[%mul3A_578] : memref<3200xf32, #tpu.memory_space<vmem>> -> memref<400xf32, #tpu.memory_space<vmem>>
          %dma_wait3A_580 = tpu.memref_slice %arg7[%add3A_540] : memref<320000xf32, #tpu.memory_space<hbm>> -> memref<400xf32, #tpu.memory_space<hbm>>
          %dma_wait3A_581 = tpu.memref_slice %arg13[%mul3A_578] : memref<3200xf32, #tpu.memory_space<vmem>> -> memref<400xf32, #tpu.memory_space<vmem>>
          %dma_wait3A_582 = tpu.memref_slice %arg7[%add3A_540] : memref<320000xf32, #tpu.memory_space<hbm>> -> memref<400xf32, #tpu.memory_space<hbm>>
          tpu.wait_dma2 semaphore(%arg23 : memref<!tpu.dma_semaphore, #tpu.memory_space<semaphore_mem>>) src(%dma_wait3A_582 : memref<400xf32, #tpu.memory_space<hbm>>) dst(%dma_wait3A_581 : memref<400xf32, #tpu.memory_space<vmem>>)
          %mul3A_583 = arith.constant 4 : i32
          %mul3A_584 = arith.muli %rem3A_207, %mul3A_583 : i32
          %add3A_585 = arith.constant 3 : i32
          %add3A_586 = arith.addi %mul3A_584, %add3A_585 : i32
          %mul3A_587 = arith.constant 400 : i32
          %mul3A_588 = arith.muli %add3A_586, %mul3A_587 : i32
          %dma_wait3A_589 = tpu.memref_slice %arg13[%mul3A_588] : memref<3200xf32, #tpu.memory_space<vmem>> -> memref<400xf32, #tpu.memory_space<vmem>>
          %dma_wait3A_590 = tpu.memref_slice %arg8[%add3A_540] : memref<320000xf32, #tpu.memory_space<hbm>> -> memref<400xf32, #tpu.memory_space<hbm>>
          %dma_wait3A_591 = tpu.memref_slice %arg13[%mul3A_588] : memref<3200xf32, #tpu.memory_space<vmem>> -> memref<400xf32, #tpu.memory_space<vmem>>
          %dma_wait3A_592 = tpu.memref_slice %arg8[%add3A_540] : memref<320000xf32, #tpu.memory_space<hbm>> -> memref<400xf32, #tpu.memory_space<hbm>>
          tpu.wait_dma2 semaphore(%arg23 : memref<!tpu.dma_semaphore, #tpu.memory_space<semaphore_mem>>) src(%dma_wait3A_592 : memref<400xf32, #tpu.memory_space<hbm>>) dst(%dma_wait3A_591 : memref<400xf32, #tpu.memory_space<vmem>>)
          %mul3A_593 = arith.constant 400 : i32
          %mul3A_594 = arith.muli %rem3A_207, %mul3A_593 : i32
          %add3A_595 = arith.constant 0 : i32
          %add3A_596 = arith.addi %mul3A_594, %add3A_595 : i32
          %add3A_597 = arith.constant 0 : i32
          %add3A_598 = arith.addi %add3A_596, %add3A_597 : i32
          %get3A_599 = arith.index_cast %add3A_598 : i32 to index
          %get3A_600 = tpu.vector_load %arg11[%get3A_599] {strides = array<i32>} : memref<800xi32, #tpu.memory_space<vmem>>, vector<16xi32>,
          %get3A_601 = vector.shape_cast %get3A_600 : vector<16xi32> to vector<16xi32>
          %swap3A_602 = arith.constant 0 : i32
          %swap3A_603 = arith.constant 0 : i32
          %swap3A_604 = arith.index_cast %swap3A_602 : i32 to index
          %swap3A_605 = arith.index_cast %swap3A_603 : i32 to index
          %swap3A_606 = arith.constant 0 : index
          %swap3A_607 = tpu.vector_load %arg14[%swap3A_604, %swap3A_605, %swap3A_606] {strides = array<i32>} : memref<2x1x80xi32, #tpu.memory_space<vmem>>, vector<1x1x16xi32>,
          %swap3A_608 = vector.shape_cast %swap3A_607 : vector<1x1x16xi32> to vector<16xi32>
          %swap3A_609 = vector.shape_cast %get3A_601 : vector<16xi32> to vector<1x1x16xi32>
          tpu.vector_store %arg14[%swap3A_604, %swap3A_605, %swap3A_606], %swap3A_609 {strides = array<i32>} : memref<2x1x80xi32, #tpu.memory_space<vmem>>, vector<1x1x16xi32>,
          %add3A_610 = arith.constant 10000 : i32
          %add3A_611 = vector.broadcast %add3A_610 : i32 to vector<16xi32>
          %add3A_612 = arith.addi %get3A_601, %add3A_611 : vector<16xi32>
          %swap3A_613 = arith.constant 0 : i32
          %swap3A_614 = arith.constant 0 : i32
          %swap3A_615 = arith.index_cast %swap3A_613 : i32 to index
          %swap3A_616 = arith.index_cast %swap3A_614 : i32 to index
          %swap3A_617 = arith.constant 40 : index
          %swap3A_618 = tpu.vector_load %arg14[%swap3A_615, %swap3A_616, %swap3A_617] {strides = array<i32>} : memref<2x1x80xi32, #tpu.memory_space<vmem>>, vector<1x1x16xi32>,
          %swap3A_619 = vector.shape_cast %swap3A_618 : vector<1x1x16xi32> to vector<16xi32>
          %swap3A_620 = vector.shape_cast %add3A_612 : vector<16xi32> to vector<1x1x16xi32>
          tpu.vector_store %arg14[%swap3A_615, %swap3A_616, %swap3A_617], %swap3A_620 {strides = array<i32>} : memref<2x1x80xi32, #tpu.memory_space<vmem>>, vector<1x1x16xi32>,
          %mul3A_621 = arith.constant 400 : i32
          %mul3A_622 = arith.muli %rem3A_207, %mul3A_621 : i32
          %add3A_623 = arith.constant 0 : i32
          %add3A_624 = arith.addi %mul3A_622, %add3A_623 : i32
          %add3A_625 = arith.constant 16 : i32
          %add3A_626 = arith.addi %add3A_624, %add3A_625 : i32
          %get3A_627 = arith.index_cast %add3A_626 : i32 to index
          %get3A_628 = tpu.vector_load %arg11[%get3A_627] {strides = array<i32>} : memref<800xi32, #tpu.memory_space<vmem>>, vector<16xi32>,
          %get3A_629 = vector.shape_cast %get3A_628 : vector<16xi32> to vector<16xi32>
          %swap3A_630 = arith.constant 0 : i32
          %swap3A_631 = arith.constant 0 : i32
          %swap3A_632 = arith.index_cast %swap3A_630 : i32 to index
          %swap3A_633 = arith.index_cast %swap3A_631 : i32 to index
          %swap3A_634 = arith.constant 16 : index
          %swap3A_635 = tpu.vector_load %arg14[%swap3A_632, %swap3A_633, %swap3A_634] {strides = array<i32>} : memref<2x1x80xi32, #tpu.memory_space<vmem>>, vector<1x1x16xi32>,
          %swap3A_636 = vector.shape_cast %swap3A_635 : vector<1x1x16xi32> to vector<16xi32>
          %swap3A_637 = vector.shape_cast %get3A_629 : vector<16xi32> to vector<1x1x16xi32>
          tpu.vector_store %arg14[%swap3A_632, %swap3A_633, %swap3A_634], %swap3A_637 {strides = array<i32>} : memref<2x1x80xi32, #tpu.memory_space<vmem>>, vector<1x1x16xi32>,
          %add3A_638 = arith.constant 10000 : i32
          %add3A_639 = vector.broadcast %add3A_638 : i32 to vector<16xi32>
          %add3A_640 = arith.addi %get3A_629, %add3A_639 : vector<16xi32>
          %swap3A_641 = arith.constant 0 : i32
          %swap3A_642 = arith.constant 0 : i32
          %swap3A_643 = arith.index_cast %swap3A_641 : i32 to index
          %swap3A_644 = arith.index_cast %swap3A_642 : i32 to index
          %swap3A_645 = arith.constant 56 : index
          %swap3A_646 = tpu.vector_load %arg14[%swap3A_643, %swap3A_644, %swap3A_645] {strides = array<i32>} : memref<2x1x80xi32, #tpu.memory_space<vmem>>, vector<1x1x16xi32>,
          %swap3A_647 = vector.shape_cast %swap3A_646 : vector<1x1x16xi32> to vector<16xi32>
          %swap3A_648 = vector.shape_cast %add3A_640 : vector<16xi32> to vector<1x1x16xi32>
          tpu.vector_store %arg14[%swap3A_643, %swap3A_644, %swap3A_645], %swap3A_648 {strides = array<i32>} : memref<2x1x80xi32, #tpu.memory_space<vmem>>, vector<1x1x16xi32>,
          %mul3A_649 = arith.constant 400 : i32
          %mul3A_650 = arith.muli %rem3A_207, %mul3A_649 : i32
          %add3A_651 = arith.constant 0 : i32
          %add3A_652 = arith.addi %mul3A_650, %add3A_651 : i32
          %add3A_653 = arith.constant 24 : i32
          %add3A_654 = arith.addi %add3A_652, %add3A_653 : i32
          %get3A_655 = arith.index_cast %add3A_654 : i32 to index
          %get3A_656 = tpu.vector_load %arg11[%get3A_655] {strides = array<i32>} : memref<800xi32, #tpu.memory_space<vmem>>, vector<16xi32>,
          %get3A_657 = vector.shape_cast %get3A_656 : vector<16xi32> to vector<16xi32>
          %swap3A_658 = arith.constant 0 : i32
          %swap3A_659 = arith.constant 0 : i32
          %swap3A_660 = arith.index_cast %swap3A_658 : i32 to index
          %swap3A_661 = arith.index_cast %swap3A_659 : i32 to index
          %swap3A_662 = arith.constant 24 : index
          %swap3A_663 = tpu.vector_load %arg14[%swap3A_660, %swap3A_661, %swap3A_662] {strides = array<i32>} : memref<2x1x80xi32, #tpu.memory_space<vmem>>, vector<1x1x16xi32>,
          %swap3A_664 = vector.shape_cast %swap3A_663 : vector<1x1x16xi32> to vector<16xi32>
          %swap3A_665 = vector.shape_cast %get3A_657 : vector<16xi32> to vector<1x1x16xi32>
          tpu.vector_store %arg14[%swap3A_660, %swap3A_661, %swap3A_662], %swap3A_665 {strides = array<i32>} : memref<2x1x80xi32, #tpu.memory_space<vmem>>, vector<1x1x16xi32>,
          %add3A_666 = arith.constant 10000 : i32
          %add3A_667 = vector.broadcast %add3A_666 : i32 to vector<16xi32>
          %add3A_668 = arith.addi %get3A_657, %add3A_667 : vector<16xi32>
          %swap3A_669 = arith.constant 0 : i32
          %swap3A_670 = arith.constant 0 : i32
          %swap3A_671 = arith.index_cast %swap3A_669 : i32 to index
          %swap3A_672 = arith.index_cast %swap3A_670 : i32 to index
          %swap3A_673 = arith.constant 64 : index
          %swap3A_674 = tpu.vector_load %arg14[%swap3A_671, %swap3A_672, %swap3A_673] {strides = array<i32>} : memref<2x1x80xi32, #tpu.memory_space<vmem>>, vector<1x1x16xi32>,
          %swap3A_675 = vector.shape_cast %swap3A_674 : vector<1x1x16xi32> to vector<16xi32>
          %swap3A_676 = vector.shape_cast %add3A_668 : vector<16xi32> to vector<1x1x16xi32>
          tpu.vector_store %arg14[%swap3A_671, %swap3A_672, %swap3A_673], %swap3A_676 {strides = array<i32>} : memref<2x1x80xi32, #tpu.memory_space<vmem>>, vector<1x1x16xi32>,
          %dma_start3A_677 = arith.constant 0 : i32
          %dma_start3A_678 = arith.constant 0 : i32
          %dma_start3A_679 = arith.constant 0 : i32
          %dma_start3A_680 = arith.constant 0 : i32
          %dma_start3A_681 = arith.constant 0 : i32
          %dma_start3A_682 = tpu.memref_slice %arg16[%dma_start3A_679, %dma_start3A_680, %dma_start3A_681] : memref<2x80x128xi32, #tpu.memory_space<vmem>> -> memref<1x80x128xi32, #tpu.memory_space<vmem>>
          %dma_start3A_683 = tpu.memref_squeeze %dma_start3A_682 : memref<1x80x128xi32, #tpu.memory_space<vmem>> -> memref<80x128xi32, #tpu.memory_space<vmem>>
          %dma_start3A_684 = arith.constant 0 : i32
          %dma_start3A_685 = tpu.memref_slice %arg14[%dma_start3A_677, %dma_start3A_678, %dma_start3A_684] : memref<2x1x80xi32, #tpu.memory_space<vmem>> -> memref<1x1x80xi32, #tpu.memory_space<vmem>>
          %dma_start3A_686 = tpu.memref_squeeze %dma_start3A_685 : memref<1x1x80xi32, #tpu.memory_space<vmem>> -> memref<80xi32, #tpu.memory_space<vmem>>
          %dma_start3A_687 = arith.constant 0 : i32
          %dma_start3A_688 = arith.constant 0 : i32
          %dma_start3A_689 = tpu.memref_slice %arg2[%dma_start3A_687, %dma_start3A_688] : memref<20000x128xi32, #tpu.memory_space<hbm>> -> memref<20000x128xi32, #tpu.memory_space<hbm>>
          tpu.enqueue_indirect_dma source(%dma_start3A_689 : memref<20000x128xi32, #tpu.memory_space<hbm>>) target(%dma_start3A_683 : memref<80x128xi32, #tpu.memory_space<vmem>>) offsets(%dma_start3A_686 : memref<80xi32, #tpu.memory_space<vmem>>) semaphore(%arg19 : memref<!tpu.dma_semaphore, #tpu.memory_space<semaphore_mem>>)
        } else {
        }
        %ge3A_454 = arith.constant 1 : i32
        %ge3A_455 = arith.cmpi sge, %scan3A_225, %ge3A_454 : i32
        %convert_element_type3A_456 = arith.extui %ge3A_455 : i1 to i32
        %cond3A_457 = arith.constant 0 : i32
        %cond3A_458 = arith.cmpi ne, %convert_element_type3A_456, %cond3A_457 : i32
        scf.if %cond3A_458 {
          %dma_wait3A_536 = arith.constant 1 : i32
          %dma_wait3A_537 = arith.constant 1 : i32
          %dma_wait3A_538 = arith.constant 0 : i32
          %dma_wait3A_539 = arith.constant 0 : i32
          %dma_wait3A_540 = arith.constant 0 : i32
          %dma_wait3A_541 = tpu.memref_slice %arg17[%dma_wait3A_536, %dma_wait3A_539, %dma_wait3A_540] : memref<2x40x128xf32, #tpu.memory_space<vmem>> -> memref<1x40x128xf32, #tpu.memory_space<vmem>>
          %dma_wait3A_542 = tpu.memref_squeeze %dma_wait3A_541 : memref<1x40x128xf32, #tpu.memory_space<vmem>> -> memref<40x128xf32, #tpu.memory_space<vmem>>
          %dma_wait3A_543 = arith.constant 0 : i32
          %dma_wait3A_544 = tpu.memref_slice %arg15[%dma_wait3A_537, %dma_wait3A_538, %dma_wait3A_543] : memref<2x1x40xi32, #tpu.memory_space<vmem>> -> memref<1x1x40xi32, #tpu.memory_space<vmem>>
          %dma_wait3A_545 = tpu.memref_squeeze %dma_wait3A_544 : memref<1x1x40xi32, #tpu.memory_space<vmem>> -> memref<40xi32, #tpu.memory_space<vmem>>
          %dma_wait3A_546 = arith.constant 0 : i32
          %dma_wait3A_547 = arith.constant 0 : i32
          %dma_wait3A_548 = tpu.memref_slice %arg18[%dma_wait3A_546, %dma_wait3A_547] : memref<10000x128xf32, #tpu.memory_space<vmem_shared>> -> memref<10000x128xf32, #tpu.memory_space<vmem_shared>>
          tpu.wait_indirect_dma semaphore(%arg22 : memref<!tpu.dma_semaphore, #tpu.memory_space<semaphore_mem>>) src(%dma_wait3A_542 : memref<40x128xf32, #tpu.memory_space<vmem>>) dst(%dma_wait3A_548 : memref<10000x128xf32, #tpu.memory_space<vmem_shared>>)
        } else {
        }
        %add3A_459 = arith.constant 1 : i32
        %add3A_460 = arith.addi %mul3A_227, %add3A_459 : i32
        %scan3A_461 = arith.constant 0 : i32
        %scan3A_462 = arith.constant 0 : i32
        %scan3A_463 = arith.constant 10 : i32
        %scan3A_464 = arith.addi %scan3A_462, %scan3A_463 : i32
        %scan3A_465 = arith.constant 1 : i32
        scf.for %scan3A_536 = %scan3A_462 to %scan3A_464 step %scan3A_465  : i32 {
          %mul3A_537 = arith.constant 4 : i32
          %mul3A_538 = arith.muli %mul3A_537, %scan3A_536 : i32
          %mul3A_539 = arith.constant 40 : i32
          %mul3A_540 = arith.muli %add3A_460, %mul3A_539 : i32
          %jit3A = arith.constant 4 : i32
          %div3A = arith.divsi %scan3A_536, %jit3A : i32
          %sign3A = arith.constant 0 : i32
          %sign3A_541 = arith.cmpi sgt, %scan3A_536, %sign3A : i32
          %sign3A_542 = arith.extui %sign3A_541 : i1 to i32
          %sign3A_543 = arith.constant 0 : i32
          %sign3A_544 = arith.cmpi slt, %scan3A_536, %sign3A_543 : i32
          %sign3A_545 = arith.extui %sign3A_544 : i1 to i32
          %sign3A_546 = arith.subi %sign3A_542, %sign3A_545 : i32
          %sign3A_547 = arith.constant 0 : i32
          %sign3A_548 = arith.cmpi sgt, %jit3A, %sign3A_547 : i32
          %sign3A_549 = arith.extui %sign3A_548 : i1 to i32
          %sign3A_550 = arith.constant 0 : i32
          %sign3A_551 = arith.cmpi slt, %jit3A, %sign3A_550 : i32
          %sign3A_552 = arith.extui %sign3A_551 : i1 to i32
          %sign3A_553 = arith.subi %sign3A_549, %sign3A_552 : i32
          %ne3A = arith.cmpi ne, %sign3A_546, %sign3A_553 : i32
          %rem3A_554 = arith.remsi %scan3A_536, %jit3A : i32
          %ne3A_555 = arith.constant 0 : i32
          %ne3A_556 = arith.cmpi ne, %rem3A_554, %ne3A_555 : i32
          %and3A_557 = arith.andi %ne3A, %ne3A_556 : i1
          %sub3A = arith.constant 1 : i32
          %sub3A_558 = arith.subi %div3A, %sub3A : i32
          %select_n3A = arith.select %and3A_557, %sub3A_558, %div3A : i32
          %mul3A_559 = arith.constant 16 : i32
          %mul3A_560 = arith.muli %mul3A_559, %select_n3A : i32
          %add3A_561 = arith.addi %mul3A_540, %mul3A_560 : i32
          %jit3A_562 = arith.constant 4 : i32
          %div3A_563 = arith.divsi %scan3A_536, %jit3A_562 : i32
          %sign3A_564 = arith.constant 0 : i32
          %sign3A_565 = arith.cmpi sgt, %scan3A_536, %sign3A_564 : i32
          %sign3A_566 = arith.extui %sign3A_565 : i1 to i32
          %sign3A_567 = arith.constant 0 : i32
          %sign3A_568 = arith.cmpi slt, %scan3A_536, %sign3A_567 : i32
          %sign3A_569 = arith.extui %sign3A_568 : i1 to i32
          %sign3A_570 = arith.subi %sign3A_566, %sign3A_569 : i32
          %sign3A_571 = arith.constant 0 : i32
          %sign3A_572 = arith.cmpi sgt, %jit3A_562, %sign3A_571 : i32
          %sign3A_573 = arith.extui %sign3A_572 : i1 to i32
          %sign3A_574 = arith.constant 0 : i32
          %sign3A_575 = arith.cmpi slt, %jit3A_562, %sign3A_574 : i32
          %sign3A_576 = arith.extui %sign3A_575 : i1 to i32
          %sign3A_577 = arith.subi %sign3A_573, %sign3A_576 : i32
          %ne3A_578 = arith.cmpi ne, %sign3A_570, %sign3A_577 : i32
          %rem3A_579 = arith.remsi %scan3A_536, %jit3A_562 : i32
          %ne3A_580 = arith.constant 0 : i32
          %ne3A_581 = arith.cmpi ne, %rem3A_579, %ne3A_580 : i32
          %and3A_582 = arith.andi %ne3A_578, %ne3A_581 : i1
          %sub3A_583 = arith.constant 1 : i32
          %sub3A_584 = arith.subi %div3A_563, %sub3A_583 : i32
          %select_n3A_585 = arith.select %and3A_582, %sub3A_584, %div3A_563 : i32
          %mul3A_586 = arith.constant 4 : i32
          %mul3A_587 = arith.muli %mul3A_586, %select_n3A_585 : i32
          %sub3A_588 = arith.subi %scan3A_536, %mul3A_587 : i32
          %mul3A_589 = arith.constant 4 : i32
          %mul3A_590 = arith.muli %mul3A_589, %sub3A_588 : i32
          %mul3A_591 = arith.constant 1600 : i32
          %mul3A_592 = arith.muli %rem3A_203, %mul3A_591 : i32
          %add3A_593 = arith.addi %mul3A_592, %add3A_561 : i32
          %get3A_594 = arith.index_cast %add3A_593 : i32 to index
          %get3A_595 = tpu.vector_load %arg13[%get3A_594] {strides = array<i32>} : memref<3200xf32, #tpu.memory_space<vmem>>, vector<16xf32>,
          %get3A_596 = vector.shape_cast %get3A_595 : vector<16xf32> to vector<16xf32>
          %add3A_597 = arith.constant 400 : i32
          %add3A_598 = arith.addi %add3A_593, %add3A_597 : i32
          %get3A_599 = arith.index_cast %add3A_598 : i32 to index
          %get3A_600 = tpu.vector_load %arg13[%get3A_599] {strides = array<i32>} : memref<3200xf32, #tpu.memory_space<vmem>>, vector<16xf32>,
          %get3A_601 = vector.shape_cast %get3A_600 : vector<16xf32> to vector<16xf32>
          %add3A_602 = arith.constant 800 : i32
          %add3A_603 = arith.addi %add3A_593, %add3A_602 : i32
          %get3A_604 = arith.index_cast %add3A_603 : i32 to index
          %get3A_605 = tpu.vector_load %arg13[%get3A_604] {strides = array<i32>} : memref<3200xf32, #tpu.memory_space<vmem>>, vector<16xf32>,
          %get3A_606 = vector.shape_cast %get3A_605 : vector<16xf32> to vector<16xf32>
          %add3A_607 = arith.constant 1200 : i32
          %add3A_608 = arith.addi %add3A_593, %add3A_607 : i32
          %get3A_609 = arith.index_cast %add3A_608 : i32 to index
          %get3A_610 = tpu.vector_load %arg13[%get3A_609] {strides = array<i32>} : memref<3200xf32, #tpu.memory_space<vmem>>, vector<16xf32>,
          %get3A_611 = vector.shape_cast %get3A_610 : vector<16xf32> to vector<16xf32>
          %add3A_612 = arith.constant 0 : i32
          %add3A_613 = arith.addi %mul3A_538, %add3A_612 : i32
          %add3A_614 = arith.constant 0 : i32
          %add3A_615 = arith.addi %mul3A_590, %add3A_614 : i32
          %broadcast_in_dim3A = vector.broadcast %add3A_615 : i32 to vector<16x1xi32>
          %gather3A = vector.shape_cast %broadcast_in_dim3A : vector<16x1xi32> to vector<16xi32>
          %gather3A_616 = tpu.dynamic_gather %get3A_596[%gather3A] in [0] : vector<16xf32>, vector<16xi32> -> vector<16xf32>
          %broadcast_in_dim3A_617 = vector.broadcast %add3A_615 : i32 to vector<16x1xi32>
          %gather3A_618 = vector.shape_cast %broadcast_in_dim3A_617 : vector<16x1xi32> to vector<16xi32>
          %gather3A_619 = tpu.dynamic_gather %get3A_601[%gather3A_618] in [0] : vector<16xf32>, vector<16xi32> -> vector<16xf32>
          %broadcast_in_dim3A_620 = vector.broadcast %add3A_615 : i32 to vector<16x1xi32>
          %gather3A_621 = vector.shape_cast %broadcast_in_dim3A_620 : vector<16x1xi32> to vector<16xi32>
          %gather3A_622 = tpu.dynamic_gather %get3A_606[%gather3A_621] in [0] : vector<16xf32>, vector<16xi32> -> vector<16xf32>
          %broadcast_in_dim3A_623 = vector.broadcast %add3A_615 : i32 to vector<16x1xi32>
          %gather3A_624 = vector.shape_cast %broadcast_in_dim3A_623 : vector<16x1xi32> to vector<16xi32>
          %gather3A_625 = tpu.dynamic_gather %get3A_611[%gather3A_624] in [0] : vector<16xf32>, vector<16xi32> -> vector<16xf32>
          %get3A_626 = arith.constant 1 : i32
          %get3A_627 = arith.index_cast %get3A_626 : i32 to index
          %get3A_628 = arith.index_cast %add3A_613 : i32 to index
          %get3A_629 = arith.constant 0 : index
          %get3A_630 = tpu.vector_load %arg16[%get3A_627, %get3A_628, %get3A_629] {strides = array<i32>} : memref<2x80x128xi32, #tpu.memory_space<vmem>>, vector<1x1x16xi32>,
          %get3A_631 = vector.shape_cast %get3A_630 : vector<1x1x16xi32> to vector<16xi32>
          %add3A_632 = arith.constant 40 : i32
          %add3A_633 = arith.addi %add3A_632, %add3A_613 : i32
          %get3A_634 = arith.constant 1 : i32
          %get3A_635 = arith.index_cast %get3A_634 : i32 to index
          %get3A_636 = arith.index_cast %add3A_633 : i32 to index
          %get3A_637 = arith.constant 0 : index
          %get3A_638 = tpu.vector_load %arg16[%get3A_635, %get3A_636, %get3A_637] {strides = array<i32>} : memref<2x80x128xi32, #tpu.memory_space<vmem>>, vector<1x1x16xi32>,
          %get3A_639 = vector.shape_cast %get3A_638 : vector<1x1x16xi32> to vector<16xi32>
          %shift_left3A = arith.constant 16 : i32
          %shift_left3A_640 = vector.broadcast %shift_left3A : i32 to vector<16xi32>
          %shift_left3A_641 = arith.shli %get3A_631, %shift_left3A_640 : vector<16xi32>
          %bitcast_convert_type3A = tpu.bitcast %shift_left3A_641 : vector<16xi32> -> vector<16xf32>
          %and3A_642 = arith.constant -65536 : i32
          %and3A_643 = vector.broadcast %and3A_642 : i32 to vector<16xi32>
          %and3A_644 = arith.andi %get3A_631, %and3A_643 : vector<16xi32>
          %bitcast_convert_type3A_645 = tpu.bitcast %and3A_644 : vector<16xi32> -> vector<16xf32>
          %shift_left3A_646 = arith.constant 16 : i32
          %shift_left3A_647 = vector.broadcast %shift_left3A_646 : i32 to vector<16xi32>
          %shift_left3A_648 = arith.shli %get3A_639, %shift_left3A_647 : vector<16xi32>
          %bitcast_convert_type3A_649 = tpu.bitcast %shift_left3A_648 : vector<16xi32> -> vector<16xf32>
          %and3A_650 = arith.constant -65536 : i32
          %and3A_651 = vector.broadcast %and3A_650 : i32 to vector<16xi32>
          %and3A_652 = arith.andi %get3A_639, %and3A_651 : vector<16xi32>
          %bitcast_convert_type3A_653 = tpu.bitcast %and3A_652 : vector<16xi32> -> vector<16xf32>
          %mul3A_654 = arith.mulf %gather3A_616, %bitcast_convert_type3A : vector<16xf32>
          %mul3A_655 = arith.mulf %gather3A_619, %bitcast_convert_type3A_645 : vector<16xf32>
          %add3A_656 = arith.addf %mul3A_654, %mul3A_655 : vector<16xf32>
          %mul3A_657 = arith.mulf %gather3A_622, %bitcast_convert_type3A_649 : vector<16xf32>
          %add3A_658 = arith.addf %add3A_656, %mul3A_657 : vector<16xf32>
          %mul3A_659 = arith.mulf %gather3A_625, %bitcast_convert_type3A_653 : vector<16xf32>
          %add3A_660 = arith.addf %add3A_658, %mul3A_659 : vector<16xf32>
          %swap3A_661 = arith.constant 1 : i32
          %swap3A_662 = arith.index_cast %swap3A_661 : i32 to index
          %swap3A_663 = arith.index_cast %add3A_613 : i32 to index
          %swap3A_664 = arith.constant 0 : index
          %swap3A_665 = tpu.vector_load %arg17[%swap3A_662, %swap3A_663, %swap3A_664] {strides = array<i32>} : memref<2x40x128xf32, #tpu.memory_space<vmem>>, vector<1x1x16xf32>,
          %swap3A_666 = vector.shape_cast %swap3A_665 : vector<1x1x16xf32> to vector<16xf32>
          %swap3A_667 = vector.shape_cast %add3A_660 : vector<16xf32> to vector<1x1x16xf32>
          tpu.vector_store %arg17[%swap3A_662, %swap3A_663, %swap3A_664], %swap3A_667 {strides = array<i32>} : memref<2x40x128xf32, #tpu.memory_space<vmem>>, vector<1x1x16xf32>,
          %get3A_668 = arith.constant 1 : i32
          %get3A_669 = arith.index_cast %get3A_668 : i32 to index
          %get3A_670 = arith.index_cast %add3A_613 : i32 to index
          %get3A_671 = arith.constant 16 : index
          %get3A_672 = tpu.vector_load %arg16[%get3A_669, %get3A_670, %get3A_671] {strides = array<i32>} : memref<2x80x128xi32, #tpu.memory_space<vmem>>, vector<1x1x16xi32>,
          %get3A_673 = vector.shape_cast %get3A_672 : vector<1x1x16xi32> to vector<16xi32>
          %add3A_674 = arith.constant 40 : i32
          %add3A_675 = arith.addi %add3A_674, %add3A_613 : i32
          %get3A_676 = arith.constant 1 : i32
          %get3A_677 = arith.index_cast %get3A_676 : i32 to index
          %get3A_678 = arith.index_cast %add3A_675 : i32 to index
          %get3A_679 = arith.constant 16 : index
          %get3A_680 = tpu.vector_load %arg16[%get3A_677, %get3A_678, %get3A_679] {strides = array<i32>} : memref<2x80x128xi32, #tpu.memory_space<vmem>>, vector<1x1x16xi32>,
          %get3A_681 = vector.shape_cast %get3A_680 : vector<1x1x16xi32> to vector<16xi32>
          %shift_left3A_682 = arith.constant 16 : i32
          %shift_left3A_683 = vector.broadcast %shift_left3A_682 : i32 to vector<16xi32>
          %shift_left3A_684 = arith.shli %get3A_673, %shift_left3A_683 : vector<16xi32>
          %bitcast_convert_type3A_685 = tpu.bitcast %shift_left3A_684 : vector<16xi32> -> vector<16xf32>
          %and3A_686 = arith.constant -65536 : i32
          %and3A_687 = vector.broadcast %and3A_686 : i32 to vector<16xi32>
          %and3A_688 = arith.andi %get3A_673, %and3A_687 : vector<16xi32>
          %bitcast_convert_type3A_689 = tpu.bitcast %and3A_688 : vector<16xi32> -> vector<16xf32>
          %shift_left3A_690 = arith.constant 16 : i32
          %shift_left3A_691 = vector.broadcast %shift_left3A_690 : i32 to vector<16xi32>
          %shift_left3A_692 = arith.shli %get3A_681, %shift_left3A_691 : vector<16xi32>
          %bitcast_convert_type3A_693 = tpu.bitcast %shift_left3A_692 : vector<16xi32> -> vector<16xf32>
          %and3A_694 = arith.constant -65536 : i32
          %and3A_695 = vector.broadcast %and3A_694 : i32 to vector<16xi32>
          %and3A_696 = arith.andi %get3A_681, %and3A_695 : vector<16xi32>
          %bitcast_convert_type3A_697 = tpu.bitcast %and3A_696 : vector<16xi32> -> vector<16xf32>
          %mul3A_698 = arith.mulf %gather3A_616, %bitcast_convert_type3A_685 : vector<16xf32>
          %mul3A_699 = arith.mulf %gather3A_619, %bitcast_convert_type3A_689 : vector<16xf32>
          %add3A_700 = arith.addf %mul3A_698, %mul3A_699 : vector<16xf32>
          %mul3A_701 = arith.mulf %gather3A_622, %bitcast_convert_type3A_693 : vector<16xf32>
          %add3A_702 = arith.addf %add3A_700, %mul3A_701 : vector<16xf32>
          %mul3A_703 = arith.mulf %gather3A_625, %bitcast_convert_type3A_697 : vector<16xf32>
          %add3A_704 = arith.addf %add3A_702, %mul3A_703 : vector<16xf32>
          %swap3A_705 = arith.constant 1 : i32
          %swap3A_706 = arith.index_cast %swap3A_705 : i32 to index
          %swap3A_707 = arith.index_cast %add3A_613 : i32 to index
          %swap3A_708 = arith.constant 16 : index
          %swap3A_709 = tpu.vector_load %arg17[%swap3A_706, %swap3A_707, %swap3A_708] {strides = array<i32>} : memref<2x40x128xf32, #tpu.memory_space<vmem>>, vector<1x1x16xf32>,
          %swap3A_710 = vector.shape_cast %swap3A_709 : vector<1x1x16xf32> to vector<16xf32>
          %swap3A_711 = vector.shape_cast %add3A_704 : vector<16xf32> to vector<1x1x16xf32>
          tpu.vector_store %arg17[%swap3A_706, %swap3A_707, %swap3A_708], %swap3A_711 {strides = array<i32>} : memref<2x40x128xf32, #tpu.memory_space<vmem>>, vector<1x1x16xf32>,
          %get3A_712 = arith.constant 1 : i32
          %get3A_713 = arith.index_cast %get3A_712 : i32 to index
          %get3A_714 = arith.index_cast %add3A_613 : i32 to index
          %get3A_715 = arith.constant 32 : index
          %get3A_716 = tpu.vector_load %arg16[%get3A_713, %get3A_714, %get3A_715] {strides = array<i32>} : memref<2x80x128xi32, #tpu.memory_space<vmem>>, vector<1x1x16xi32>,
          %get3A_717 = vector.shape_cast %get3A_716 : vector<1x1x16xi32> to vector<16xi32>
          %add3A_718 = arith.constant 40 : i32
          %add3A_719 = arith.addi %add3A_718, %add3A_613 : i32
          %get3A_720 = arith.constant 1 : i32
          %get3A_721 = arith.index_cast %get3A_720 : i32 to index
          %get3A_722 = arith.index_cast %add3A_719 : i32 to index
          %get3A_723 = arith.constant 32 : index
          %get3A_724 = tpu.vector_load %arg16[%get3A_721, %get3A_722, %get3A_723] {strides = array<i32>} : memref<2x80x128xi32, #tpu.memory_space<vmem>>, vector<1x1x16xi32>,
          %get3A_725 = vector.shape_cast %get3A_724 : vector<1x1x16xi32> to vector<16xi32>
          %shift_left3A_726 = arith.constant 16 : i32
          %shift_left3A_727 = vector.broadcast %shift_left3A_726 : i32 to vector<16xi32>
          %shift_left3A_728 = arith.shli %get3A_717, %shift_left3A_727 : vector<16xi32>
          %bitcast_convert_type3A_729 = tpu.bitcast %shift_left3A_728 : vector<16xi32> -> vector<16xf32>
          %and3A_730 = arith.constant -65536 : i32
          %and3A_731 = vector.broadcast %and3A_730 : i32 to vector<16xi32>
          %and3A_732 = arith.andi %get3A_717, %and3A_731 : vector<16xi32>
          %bitcast_convert_type3A_733 = tpu.bitcast %and3A_732 : vector<16xi32> -> vector<16xf32>
          %shift_left3A_734 = arith.constant 16 : i32
          %shift_left3A_735 = vector.broadcast %shift_left3A_734 : i32 to vector<16xi32>
          %shift_left3A_736 = arith.shli %get3A_725, %shift_left3A_735 : vector<16xi32>
          %bitcast_convert_type3A_737 = tpu.bitcast %shift_left3A_736 : vector<16xi32> -> vector<16xf32>
          %and3A_738 = arith.constant -65536 : i32
          %and3A_739 = vector.broadcast %and3A_738 : i32 to vector<16xi32>
          %and3A_740 = arith.andi %get3A_725, %and3A_739 : vector<16xi32>
          %bitcast_convert_type3A_741 = tpu.bitcast %and3A_740 : vector<16xi32> -> vector<16xf32>
          %mul3A_742 = arith.mulf %gather3A_616, %bitcast_convert_type3A_729 : vector<16xf32>
          %mul3A_743 = arith.mulf %gather3A_619, %bitcast_convert_type3A_733 : vector<16xf32>
          %add3A_744 = arith.addf %mul3A_742, %mul3A_743 : vector<16xf32>
          %mul3A_745 = arith.mulf %gather3A_622, %bitcast_convert_type3A_737 : vector<16xf32>
          %add3A_746 = arith.addf %add3A_744, %mul3A_745 : vector<16xf32>
          %mul3A_747 = arith.mulf %gather3A_625, %bitcast_convert_type3A_741 : vector<16xf32>
          %add3A_748 = arith.addf %add3A_746, %mul3A_747 : vector<16xf32>
          %swap3A_749 = arith.constant 1 : i32
          %swap3A_750 = arith.index_cast %swap3A_749 : i32 to index
          %swap3A_751 = arith.index_cast %add3A_613 : i32 to index
          %swap3A_752 = arith.constant 32 : index
          %swap3A_753 = tpu.vector_load %arg17[%swap3A_750, %swap3A_751, %swap3A_752] {strides = array<i32>} : memref<2x40x128xf32, #tpu.memory_space<vmem>>, vector<1x1x16xf32>,
          %swap3A_754 = vector.shape_cast %swap3A_753 : vector<1x1x16xf32> to vector<16xf32>
          %swap3A_755 = vector.shape_cast %add3A_748 : vector<16xf32> to vector<1x1x16xf32>
          tpu.vector_store %arg17[%swap3A_750, %swap3A_751, %swap3A_752], %swap3A_755 {strides = array<i32>} : memref<2x40x128xf32, #tpu.memory_space<vmem>>, vector<1x1x16xf32>,
          %get3A_756 = arith.constant 1 : i32
          %get3A_757 = arith.index_cast %get3A_756 : i32 to index
          %get3A_758 = arith.index_cast %add3A_613 : i32 to index
          %get3A_759 = arith.constant 48 : index
          %get3A_760 = tpu.vector_load %arg16[%get3A_757, %get3A_758, %get3A_759] {strides = array<i32>} : memref<2x80x128xi32, #tpu.memory_space<vmem>>, vector<1x1x16xi32>,
          %get3A_761 = vector.shape_cast %get3A_760 : vector<1x1x16xi32> to vector<16xi32>
          %add3A_762 = arith.constant 40 : i32
          %add3A_763 = arith.addi %add3A_762, %add3A_613 : i32
          %get3A_764 = arith.constant 1 : i32
          %get3A_765 = arith.index_cast %get3A_764 : i32 to index
          %get3A_766 = arith.index_cast %add3A_763 : i32 to index
          %get3A_767 = arith.constant 48 : index
          %get3A_768 = tpu.vector_load %arg16[%get3A_765, %get3A_766, %get3A_767] {strides = array<i32>} : memref<2x80x128xi32, #tpu.memory_space<vmem>>, vector<1x1x16xi32>,
          %get3A_769 = vector.shape_cast %get3A_768 : vector<1x1x16xi32> to vector<16xi32>
          %shift_left3A_770 = arith.constant 16 : i32
          %shift_left3A_771 = vector.broadcast %shift_left3A_770 : i32 to vector<16xi32>
          %shift_left3A_772 = arith.shli %get3A_761, %shift_left3A_771 : vector<16xi32>
          %bitcast_convert_type3A_773 = tpu.bitcast %shift_left3A_772 : vector<16xi32> -> vector<16xf32>
          %and3A_774 = arith.constant -65536 : i32
          %and3A_775 = vector.broadcast %and3A_774 : i32 to vector<16xi32>
          %and3A_776 = arith.andi %get3A_761, %and3A_775 : vector<16xi32>
          %bitcast_convert_type3A_777 = tpu.bitcast %and3A_776 : vector<16xi32> -> vector<16xf32>
          %shift_left3A_778 = arith.constant 16 : i32
          %shift_left3A_779 = vector.broadcast %shift_left3A_778 : i32 to vector<16xi32>
          %shift_left3A_780 = arith.shli %get3A_769, %shift_left3A_779 : vector<16xi32>
          %bitcast_convert_type3A_781 = tpu.bitcast %shift_left3A_780 : vector<16xi32> -> vector<16xf32>
          %and3A_782 = arith.constant -65536 : i32
          %and3A_783 = vector.broadcast %and3A_782 : i32 to vector<16xi32>
          %and3A_784 = arith.andi %get3A_769, %and3A_783 : vector<16xi32>
          %bitcast_convert_type3A_785 = tpu.bitcast %and3A_784 : vector<16xi32> -> vector<16xf32>
          %mul3A_786 = arith.mulf %gather3A_616, %bitcast_convert_type3A_773 : vector<16xf32>
          %mul3A_787 = arith.mulf %gather3A_619, %bitcast_convert_type3A_777 : vector<16xf32>
          %add3A_788 = arith.addf %mul3A_786, %mul3A_787 : vector<16xf32>
          %mul3A_789 = arith.mulf %gather3A_622, %bitcast_convert_type3A_781 : vector<16xf32>
          %add3A_790 = arith.addf %add3A_788, %mul3A_789 : vector<16xf32>
          %mul3A_791 = arith.mulf %gather3A_625, %bitcast_convert_type3A_785 : vector<16xf32>
          %add3A_792 = arith.addf %add3A_790, %mul3A_791 : vector<16xf32>
          %swap3A_793 = arith.constant 1 : i32
          %swap3A_794 = arith.index_cast %swap3A_793 : i32 to index
          %swap3A_795 = arith.index_cast %add3A_613 : i32 to index
          %swap3A_796 = arith.constant 48 : index
          %swap3A_797 = tpu.vector_load %arg17[%swap3A_794, %swap3A_795, %swap3A_796] {strides = array<i32>} : memref<2x40x128xf32, #tpu.memory_space<vmem>>, vector<1x1x16xf32>,
          %swap3A_798 = vector.shape_cast %swap3A_797 : vector<1x1x16xf32> to vector<16xf32>
          %swap3A_799 = vector.shape_cast %add3A_792 : vector<16xf32> to vector<1x1x16xf32>
          tpu.vector_store %arg17[%swap3A_794, %swap3A_795, %swap3A_796], %swap3A_799 {strides = array<i32>} : memref<2x40x128xf32, #tpu.memory_space<vmem>>, vector<1x1x16xf32>,
          %get3A_800 = arith.constant 1 : i32
          %get3A_801 = arith.index_cast %get3A_800 : i32 to index
          %get3A_802 = arith.index_cast %add3A_613 : i32 to index
          %get3A_803 = arith.constant 64 : index
          %get3A_804 = tpu.vector_load %arg16[%get3A_801, %get3A_802, %get3A_803] {strides = array<i32>} : memref<2x80x128xi32, #tpu.memory_space<vmem>>, vector<1x1x16xi32>,
          %get3A_805 = vector.shape_cast %get3A_804 : vector<1x1x16xi32> to vector<16xi32>
          %add3A_806 = arith.constant 40 : i32
          %add3A_807 = arith.addi %add3A_806, %add3A_613 : i32
          %get3A_808 = arith.constant 1 : i32
          %get3A_809 = arith.index_cast %get3A_808 : i32 to index
          %get3A_810 = arith.index_cast %add3A_807 : i32 to index
          %get3A_811 = arith.constant 64 : index
          %get3A_812 = tpu.vector_load %arg16[%get3A_809, %get3A_810, %get3A_811] {strides = array<i32>} : memref<2x80x128xi32, #tpu.memory_space<vmem>>, vector<1x1x16xi32>,
          %get3A_813 = vector.shape_cast %get3A_812 : vector<1x1x16xi32> to vector<16xi32>
          %shift_left3A_814 = arith.constant 16 : i32
          %shift_left3A_815 = vector.broadcast %shift_left3A_814 : i32 to vector<16xi32>
          %shift_left3A_816 = arith.shli %get3A_805, %shift_left3A_815 : vector<16xi32>
          %bitcast_convert_type3A_817 = tpu.bitcast %shift_left3A_816 : vector<16xi32> -> vector<16xf32>
          %and3A_818 = arith.constant -65536 : i32
          %and3A_819 = vector.broadcast %and3A_818 : i32 to vector<16xi32>
          %and3A_820 = arith.andi %get3A_805, %and3A_819 : vector<16xi32>
          %bitcast_convert_type3A_821 = tpu.bitcast %and3A_820 : vector<16xi32> -> vector<16xf32>
          %shift_left3A_822 = arith.constant 16 : i32
          %shift_left3A_823 = vector.broadcast %shift_left3A_822 : i32 to vector<16xi32>
          %shift_left3A_824 = arith.shli %get3A_813, %shift_left3A_823 : vector<16xi32>
          %bitcast_convert_type3A_825 = tpu.bitcast %shift_left3A_824 : vector<16xi32> -> vector<16xf32>
          %and3A_826 = arith.constant -65536 : i32
          %and3A_827 = vector.broadcast %and3A_826 : i32 to vector<16xi32>
          %and3A_828 = arith.andi %get3A_813, %and3A_827 : vector<16xi32>
          %bitcast_convert_type3A_829 = tpu.bitcast %and3A_828 : vector<16xi32> -> vector<16xf32>
          %mul3A_830 = arith.mulf %gather3A_616, %bitcast_convert_type3A_817 : vector<16xf32>
          %mul3A_831 = arith.mulf %gather3A_619, %bitcast_convert_type3A_821 : vector<16xf32>
          %add3A_832 = arith.addf %mul3A_830, %mul3A_831 : vector<16xf32>
          %mul3A_833 = arith.mulf %gather3A_622, %bitcast_convert_type3A_825 : vector<16xf32>
          %add3A_834 = arith.addf %add3A_832, %mul3A_833 : vector<16xf32>
          %mul3A_835 = arith.mulf %gather3A_625, %bitcast_convert_type3A_829 : vector<16xf32>
          %add3A_836 = arith.addf %add3A_834, %mul3A_835 : vector<16xf32>
          %swap3A_837 = arith.constant 1 : i32
          %swap3A_838 = arith.index_cast %swap3A_837 : i32 to index
          %swap3A_839 = arith.index_cast %add3A_613 : i32 to index
          %swap3A_840 = arith.constant 64 : index
          %swap3A_841 = tpu.vector_load %arg17[%swap3A_838, %swap3A_839, %swap3A_840] {strides = array<i32>} : memref<2x40x128xf32, #tpu.memory_space<vmem>>, vector<1x1x16xf32>,
          %swap3A_842 = vector.shape_cast %swap3A_841 : vector<1x1x16xf32> to vector<16xf32>
          %swap3A_843 = vector.shape_cast %add3A_836 : vector<16xf32> to vector<1x1x16xf32>
          tpu.vector_store %arg17[%swap3A_838, %swap3A_839, %swap3A_840], %swap3A_843 {strides = array<i32>} : memref<2x40x128xf32, #tpu.memory_space<vmem>>, vector<1x1x16xf32>,
          %get3A_844 = arith.constant 1 : i32
          %get3A_845 = arith.index_cast %get3A_844 : i32 to index
          %get3A_846 = arith.index_cast %add3A_613 : i32 to index
          %get3A_847 = arith.constant 80 : index
          %get3A_848 = tpu.vector_load %arg16[%get3A_845, %get3A_846, %get3A_847] {strides = array<i32>} : memref<2x80x128xi32, #tpu.memory_space<vmem>>, vector<1x1x16xi32>,
          %get3A_849 = vector.shape_cast %get3A_848 : vector<1x1x16xi32> to vector<16xi32>
          %add3A_850 = arith.constant 40 : i32
          %add3A_851 = arith.addi %add3A_850, %add3A_613 : i32
          %get3A_852 = arith.constant 1 : i32
          %get3A_853 = arith.index_cast %get3A_852 : i32 to index
          %get3A_854 = arith.index_cast %add3A_851 : i32 to index
          %get3A_855 = arith.constant 80 : index
          %get3A_856 = tpu.vector_load %arg16[%get3A_853, %get3A_854, %get3A_855] {strides = array<i32>} : memref<2x80x128xi32, #tpu.memory_space<vmem>>, vector<1x1x16xi32>,
          %get3A_857 = vector.shape_cast %get3A_856 : vector<1x1x16xi32> to vector<16xi32>
          %shift_left3A_858 = arith.constant 16 : i32
          %shift_left3A_859 = vector.broadcast %shift_left3A_858 : i32 to vector<16xi32>
          %shift_left3A_860 = arith.shli %get3A_849, %shift_left3A_859 : vector<16xi32>
          %bitcast_convert_type3A_861 = tpu.bitcast %shift_left3A_860 : vector<16xi32> -> vector<16xf32>
          %and3A_862 = arith.constant -65536 : i32
          %and3A_863 = vector.broadcast %and3A_862 : i32 to vector<16xi32>
          %and3A_864 = arith.andi %get3A_849, %and3A_863 : vector<16xi32>
          %bitcast_convert_type3A_865 = tpu.bitcast %and3A_864 : vector<16xi32> -> vector<16xf32>
          %shift_left3A_866 = arith.constant 16 : i32
          %shift_left3A_867 = vector.broadcast %shift_left3A_866 : i32 to vector<16xi32>
          %shift_left3A_868 = arith.shli %get3A_857, %shift_left3A_867 : vector<16xi32>
          %bitcast_convert_type3A_869 = tpu.bitcast %shift_left3A_868 : vector<16xi32> -> vector<16xf32>
          %and3A_870 = arith.constant -65536 : i32
          %and3A_871 = vector.broadcast %and3A_870 : i32 to vector<16xi32>
          %and3A_872 = arith.andi %get3A_857, %and3A_871 : vector<16xi32>
          %bitcast_convert_type3A_873 = tpu.bitcast %and3A_872 : vector<16xi32> -> vector<16xf32>
          %mul3A_874 = arith.mulf %gather3A_616, %bitcast_convert_type3A_861 : vector<16xf32>
          %mul3A_875 = arith.mulf %gather3A_619, %bitcast_convert_type3A_865 : vector<16xf32>
          %add3A_876 = arith.addf %mul3A_874, %mul3A_875 : vector<16xf32>
          %mul3A_877 = arith.mulf %gather3A_622, %bitcast_convert_type3A_869 : vector<16xf32>
          %add3A_878 = arith.addf %add3A_876, %mul3A_877 : vector<16xf32>
          %mul3A_879 = arith.mulf %gather3A_625, %bitcast_convert_type3A_873 : vector<16xf32>
          %add3A_880 = arith.addf %add3A_878, %mul3A_879 : vector<16xf32>
          %swap3A_881 = arith.constant 1 : i32
          %swap3A_882 = arith.index_cast %swap3A_881 : i32 to index
          %swap3A_883 = arith.index_cast %add3A_613 : i32 to index
          %swap3A_884 = arith.constant 80 : index
          %swap3A_885 = tpu.vector_load %arg17[%swap3A_882, %swap3A_883, %swap3A_884] {strides = array<i32>} : memref<2x40x128xf32, #tpu.memory_space<vmem>>, vector<1x1x16xf32>,
          %swap3A_886 = vector.shape_cast %swap3A_885 : vector<1x1x16xf32> to vector<16xf32>
          %swap3A_887 = vector.shape_cast %add3A_880 : vector<16xf32> to vector<1x1x16xf32>
          tpu.vector_store %arg17[%swap3A_882, %swap3A_883, %swap3A_884], %swap3A_887 {strides = array<i32>} : memref<2x40x128xf32, #tpu.memory_space<vmem>>, vector<1x1x16xf32>,
          %get3A_888 = arith.constant 1 : i32
          %get3A_889 = arith.index_cast %get3A_888 : i32 to index
          %get3A_890 = arith.index_cast %add3A_613 : i32 to index
          %get3A_891 = arith.constant 96 : index
          %get3A_892 = tpu.vector_load %arg16[%get3A_889, %get3A_890, %get3A_891] {strides = array<i32>} : memref<2x80x128xi32, #tpu.memory_space<vmem>>, vector<1x1x16xi32>,
          %get3A_893 = vector.shape_cast %get3A_892 : vector<1x1x16xi32> to vector<16xi32>
          %add3A_894 = arith.constant 40 : i32
          %add3A_895 = arith.addi %add3A_894, %add3A_613 : i32
          %get3A_896 = arith.constant 1 : i32
          %get3A_897 = arith.index_cast %get3A_896 : i32 to index
          %get3A_898 = arith.index_cast %add3A_895 : i32 to index
          %get3A_899 = arith.constant 96 : index
          %get3A_900 = tpu.vector_load %arg16[%get3A_897, %get3A_898, %get3A_899] {strides = array<i32>} : memref<2x80x128xi32, #tpu.memory_space<vmem>>, vector<1x1x16xi32>,
          %get3A_901 = vector.shape_cast %get3A_900 : vector<1x1x16xi32> to vector<16xi32>
          %shift_left3A_902 = arith.constant 16 : i32
          %shift_left3A_903 = vector.broadcast %shift_left3A_902 : i32 to vector<16xi32>
          %shift_left3A_904 = arith.shli %get3A_893, %shift_left3A_903 : vector<16xi32>
          %bitcast_convert_type3A_905 = tpu.bitcast %shift_left3A_904 : vector<16xi32> -> vector<16xf32>
          %and3A_906 = arith.constant -65536 : i32
          %and3A_907 = vector.broadcast %and3A_906 : i32 to vector<16xi32>
          %and3A_908 = arith.andi %get3A_893, %and3A_907 : vector<16xi32>
          %bitcast_convert_type3A_909 = tpu.bitcast %and3A_908 : vector<16xi32> -> vector<16xf32>
          %shift_left3A_910 = arith.constant 16 : i32
          %shift_left3A_911 = vector.broadcast %shift_left3A_910 : i32 to vector<16xi32>
          %shift_left3A_912 = arith.shli %get3A_901, %shift_left3A_911 : vector<16xi32>
          %bitcast_convert_type3A_913 = tpu.bitcast %shift_left3A_912 : vector<16xi32> -> vector<16xf32>
          %and3A_914 = arith.constant -65536 : i32
          %and3A_915 = vector.broadcast %and3A_914 : i32 to vector<16xi32>
          %and3A_916 = arith.andi %get3A_901, %and3A_915 : vector<16xi32>
          %bitcast_convert_type3A_917 = tpu.bitcast %and3A_916 : vector<16xi32> -> vector<16xf32>
          %mul3A_918 = arith.mulf %gather3A_616, %bitcast_convert_type3A_905 : vector<16xf32>
          %mul3A_919 = arith.mulf %gather3A_619, %bitcast_convert_type3A_909 : vector<16xf32>
          %add3A_920 = arith.addf %mul3A_918, %mul3A_919 : vector<16xf32>
          %mul3A_921 = arith.mulf %gather3A_622, %bitcast_convert_type3A_913 : vector<16xf32>
          %add3A_922 = arith.addf %add3A_920, %mul3A_921 : vector<16xf32>
          %mul3A_923 = arith.mulf %gather3A_625, %bitcast_convert_type3A_917 : vector<16xf32>
          %add3A_924 = arith.addf %add3A_922, %mul3A_923 : vector<16xf32>
          %swap3A_925 = arith.constant 1 : i32
          %swap3A_926 = arith.index_cast %swap3A_925 : i32 to index
          %swap3A_927 = arith.index_cast %add3A_613 : i32 to index
          %swap3A_928 = arith.constant 96 : index
          %swap3A_929 = tpu.vector_load %arg17[%swap3A_926, %swap3A_927, %swap3A_928] {strides = array<i32>} : memref<2x40x128xf32, #tpu.memory_space<vmem>>, vector<1x1x16xf32>,
          %swap3A_930 = vector.shape_cast %swap3A_929 : vector<1x1x16xf32> to vector<16xf32>
          %swap3A_931 = vector.shape_cast %add3A_924 : vector<16xf32> to vector<1x1x16xf32>
          tpu.vector_store %arg17[%swap3A_926, %swap3A_927, %swap3A_928], %swap3A_931 {strides = array<i32>} : memref<2x40x128xf32, #tpu.memory_space<vmem>>, vector<1x1x16xf32>,
          %get3A_932 = arith.constant 1 : i32
          %get3A_933 = arith.index_cast %get3A_932 : i32 to index
          %get3A_934 = arith.index_cast %add3A_613 : i32 to index
          %get3A_935 = arith.constant 112 : index
          %get3A_936 = tpu.vector_load %arg16[%get3A_933, %get3A_934, %get3A_935] {strides = array<i32>} : memref<2x80x128xi32, #tpu.memory_space<vmem>>, vector<1x1x16xi32>,
          %get3A_937 = vector.shape_cast %get3A_936 : vector<1x1x16xi32> to vector<16xi32>
          %add3A_938 = arith.constant 40 : i32
          %add3A_939 = arith.addi %add3A_938, %add3A_613 : i32
          %get3A_940 = arith.constant 1 : i32
          %get3A_941 = arith.index_cast %get3A_940 : i32 to index
          %get3A_942 = arith.index_cast %add3A_939 : i32 to index
          %get3A_943 = arith.constant 112 : index
          %get3A_944 = tpu.vector_load %arg16[%get3A_941, %get3A_942, %get3A_943] {strides = array<i32>} : memref<2x80x128xi32, #tpu.memory_space<vmem>>, vector<1x1x16xi32>,
          %get3A_945 = vector.shape_cast %get3A_944 : vector<1x1x16xi32> to vector<16xi32>
          %shift_left3A_946 = arith.constant 16 : i32
          %shift_left3A_947 = vector.broadcast %shift_left3A_946 : i32 to vector<16xi32>
          %shift_left3A_948 = arith.shli %get3A_937, %shift_left3A_947 : vector<16xi32>
          %bitcast_convert_type3A_949 = tpu.bitcast %shift_left3A_948 : vector<16xi32> -> vector<16xf32>
          %and3A_950 = arith.constant -65536 : i32
          %and3A_951 = vector.broadcast %and3A_950 : i32 to vector<16xi32>
          %and3A_952 = arith.andi %get3A_937, %and3A_951 : vector<16xi32>
          %bitcast_convert_type3A_953 = tpu.bitcast %and3A_952 : vector<16xi32> -> vector<16xf32>
          %shift_left3A_954 = arith.constant 16 : i32
          %shift_left3A_955 = vector.broadcast %shift_left3A_954 : i32 to vector<16xi32>
          %shift_left3A_956 = arith.shli %get3A_945, %shift_left3A_955 : vector<16xi32>
          %bitcast_convert_type3A_957 = tpu.bitcast %shift_left3A_956 : vector<16xi32> -> vector<16xf32>
          %and3A_958 = arith.constant -65536 : i32
          %and3A_959 = vector.broadcast %and3A_958 : i32 to vector<16xi32>
          %and3A_960 = arith.andi %get3A_945, %and3A_959 : vector<16xi32>
          %bitcast_convert_type3A_961 = tpu.bitcast %and3A_960 : vector<16xi32> -> vector<16xf32>
          %mul3A_962 = arith.mulf %gather3A_616, %bitcast_convert_type3A_949 : vector<16xf32>
          %mul3A_963 = arith.mulf %gather3A_619, %bitcast_convert_type3A_953 : vector<16xf32>
          %add3A_964 = arith.addf %mul3A_962, %mul3A_963 : vector<16xf32>
          %mul3A_965 = arith.mulf %gather3A_622, %bitcast_convert_type3A_957 : vector<16xf32>
          %add3A_966 = arith.addf %add3A_964, %mul3A_965 : vector<16xf32>
          %mul3A_967 = arith.mulf %gather3A_625, %bitcast_convert_type3A_961 : vector<16xf32>
          %add3A_968 = arith.addf %add3A_966, %mul3A_967 : vector<16xf32>
          %swap3A_969 = arith.constant 1 : i32
          %swap3A_970 = arith.index_cast %swap3A_969 : i32 to index
          %swap3A_971 = arith.index_cast %add3A_613 : i32 to index
          %swap3A_972 = arith.constant 112 : index
          %swap3A_973 = tpu.vector_load %arg17[%swap3A_970, %swap3A_971, %swap3A_972] {strides = array<i32>} : memref<2x40x128xf32, #tpu.memory_space<vmem>>, vector<1x1x16xf32>,
          %swap3A_974 = vector.shape_cast %swap3A_973 : vector<1x1x16xf32> to vector<16xf32>
          %swap3A_975 = vector.shape_cast %add3A_968 : vector<16xf32> to vector<1x1x16xf32>
          tpu.vector_store %arg17[%swap3A_970, %swap3A_971, %swap3A_972], %swap3A_975 {strides = array<i32>} : memref<2x40x128xf32, #tpu.memory_space<vmem>>, vector<1x1x16xf32>,
          %add3A_976 = arith.constant 1 : i32
          %add3A_977 = arith.addi %mul3A_538, %add3A_976 : i32
          %add3A_978 = arith.constant 1 : i32
          %add3A_979 = arith.addi %mul3A_590, %add3A_978 : i32
          %broadcast_in_dim3A_980 = vector.broadcast %add3A_979 : i32 to vector<16x1xi32>
          %gather3A_981 = vector.shape_cast %broadcast_in_dim3A_980 : vector<16x1xi32> to vector<16xi32>
          %gather3A_982 = tpu.dynamic_gather %get3A_596[%gather3A_981] in [0] : vector<16xf32>, vector<16xi32> -> vector<16xf32>
          %broadcast_in_dim3A_983 = vector.broadcast %add3A_979 : i32 to vector<16x1xi32>
          %gather3A_984 = vector.shape_cast %broadcast_in_dim3A_983 : vector<16x1xi32> to vector<16xi32>
          %gather3A_985 = tpu.dynamic_gather %get3A_601[%gather3A_984] in [0] : vector<16xf32>, vector<16xi32> -> vector<16xf32>
          %broadcast_in_dim3A_986 = vector.broadcast %add3A_979 : i32 to vector<16x1xi32>
          %gather3A_987 = vector.shape_cast %broadcast_in_dim3A_986 : vector<16x1xi32> to vector<16xi32>
          %gather3A_988 = tpu.dynamic_gather %get3A_606[%gather3A_987] in [0] : vector<16xf32>, vector<16xi32> -> vector<16xf32>
          %broadcast_in_dim3A_989 = vector.broadcast %add3A_979 : i32 to vector<16x1xi32>
          %gather3A_990 = vector.shape_cast %broadcast_in_dim3A_989 : vector<16x1xi32> to vector<16xi32>
          %gather3A_991 = tpu.dynamic_gather %get3A_611[%gather3A_990] in [0] : vector<16xf32>, vector<16xi32> -> vector<16xf32>
          %get3A_992 = arith.constant 1 : i32
          %get3A_993 = arith.index_cast %get3A_992 : i32 to index
          %get3A_994 = arith.index_cast %add3A_977 : i32 to index
          %get3A_995 = arith.constant 0 : index
          %get3A_996 = tpu.vector_load %arg16[%get3A_993, %get3A_994, %get3A_995] {strides = array<i32>} : memref<2x80x128xi32, #tpu.memory_space<vmem>>, vector<1x1x16xi32>,
          %get3A_997 = vector.shape_cast %get3A_996 : vector<1x1x16xi32> to vector<16xi32>
          %add3A_998 = arith.constant 40 : i32
          %add3A_999 = arith.addi %add3A_998, %add3A_977 : i32
          %get3A_1000 = arith.constant 1 : i32
          %get3A_1001 = arith.index_cast %get3A_1000 : i32 to index
          %get3A_1002 = arith.index_cast %add3A_999 : i32 to index
          %get3A_1003 = arith.constant 0 : index
          %get3A_1004 = tpu.vector_load %arg16[%get3A_1001, %get3A_1002, %get3A_1003] {strides = array<i32>} : memref<2x80x128xi32, #tpu.memory_space<vmem>>, vector<1x1x16xi32>,
          %get3A_1005 = vector.shape_cast %get3A_1004 : vector<1x1x16xi32> to vector<16xi32>
          %shift_left3A_1006 = arith.constant 16 : i32
          %shift_left3A_1007 = vector.broadcast %shift_left3A_1006 : i32 to vector<16xi32>
          %shift_left3A_1008 = arith.shli %get3A_997, %shift_left3A_1007 : vector<16xi32>
          %bitcast_convert_type3A_1009 = tpu.bitcast %shift_left3A_1008 : vector<16xi32> -> vector<16xf32>
          %and3A_1010 = arith.constant -65536 : i32
          %and3A_1011 = vector.broadcast %and3A_1010 : i32 to vector<16xi32>
          %and3A_1012 = arith.andi %get3A_997, %and3A_1011 : vector<16xi32>
          %bitcast_convert_type3A_1013 = tpu.bitcast %and3A_1012 : vector<16xi32> -> vector<16xf32>
          %shift_left3A_1014 = arith.constant 16 : i32
          %shift_left3A_1015 = vector.broadcast %shift_left3A_1014 : i32 to vector<16xi32>
          %shift_left3A_1016 = arith.shli %get3A_1005, %shift_left3A_1015 : vector<16xi32>
          %bitcast_convert_type3A_1017 = tpu.bitcast %shift_left3A_1016 : vector<16xi32> -> vector<16xf32>
          %and3A_1018 = arith.constant -65536 : i32
          %and3A_1019 = vector.broadcast %and3A_1018 : i32 to vector<16xi32>
          %and3A_1020 = arith.andi %get3A_1005, %and3A_1019 : vector<16xi32>
          %bitcast_convert_type3A_1021 = tpu.bitcast %and3A_1020 : vector<16xi32> -> vector<16xf32>
          %mul3A_1022 = arith.mulf %gather3A_982, %bitcast_convert_type3A_1009 : vector<16xf32>
          %mul3A_1023 = arith.mulf %gather3A_985, %bitcast_convert_type3A_1013 : vector<16xf32>
          %add3A_1024 = arith.addf %mul3A_1022, %mul3A_1023 : vector<16xf32>
          %mul3A_1025 = arith.mulf %gather3A_988, %bitcast_convert_type3A_1017 : vector<16xf32>
          %add3A_1026 = arith.addf %add3A_1024, %mul3A_1025 : vector<16xf32>
          %mul3A_1027 = arith.mulf %gather3A_991, %bitcast_convert_type3A_1021 : vector<16xf32>
          %add3A_1028 = arith.addf %add3A_1026, %mul3A_1027 : vector<16xf32>
          %swap3A_1029 = arith.constant 1 : i32
          %swap3A_1030 = arith.index_cast %swap3A_1029 : i32 to index
          %swap3A_1031 = arith.index_cast %add3A_977 : i32 to index
          %swap3A_1032 = arith.constant 0 : index
          %swap3A_1033 = tpu.vector_load %arg17[%swap3A_1030, %swap3A_1031, %swap3A_1032] {strides = array<i32>} : memref<2x40x128xf32, #tpu.memory_space<vmem>>, vector<1x1x16xf32>,
          %swap3A_1034 = vector.shape_cast %swap3A_1033 : vector<1x1x16xf32> to vector<16xf32>
          %swap3A_1035 = vector.shape_cast %add3A_1028 : vector<16xf32> to vector<1x1x16xf32>
          tpu.vector_store %arg17[%swap3A_1030, %swap3A_1031, %swap3A_1032], %swap3A_1035 {strides = array<i32>} : memref<2x40x128xf32, #tpu.memory_space<vmem>>, vector<1x1x16xf32>,
          %get3A_1036 = arith.constant 1 : i32
          %get3A_1037 = arith.index_cast %get3A_1036 : i32 to index
          %get3A_1038 = arith.index_cast %add3A_977 : i32 to index
          %get3A_1039 = arith.constant 16 : index
          %get3A_1040 = tpu.vector_load %arg16[%get3A_1037, %get3A_1038, %get3A_1039] {strides = array<i32>} : memref<2x80x128xi32, #tpu.memory_space<vmem>>, vector<1x1x16xi32>,
          %get3A_1041 = vector.shape_cast %get3A_1040 : vector<1x1x16xi32> to vector<16xi32>
          %add3A_1042 = arith.constant 40 : i32
          %add3A_1043 = arith.addi %add3A_1042, %add3A_977 : i32
          %get3A_1044 = arith.constant 1 : i32
          %get3A_1045 = arith.index_cast %get3A_1044 : i32 to index
          %get3A_1046 = arith.index_cast %add3A_1043 : i32 to index
          %get3A_1047 = arith.constant 16 : index
          %get3A_1048 = tpu.vector_load %arg16[%get3A_1045, %get3A_1046, %get3A_1047] {strides = array<i32>} : memref<2x80x128xi32, #tpu.memory_space<vmem>>, vector<1x1x16xi32>,
          %get3A_1049 = vector.shape_cast %get3A_1048 : vector<1x1x16xi32> to vector<16xi32>
          %shift_left3A_1050 = arith.constant 16 : i32
          %shift_left3A_1051 = vector.broadcast %shift_left3A_1050 : i32 to vector<16xi32>
          %shift_left3A_1052 = arith.shli %get3A_1041, %shift_left3A_1051 : vector<16xi32>
          %bitcast_convert_type3A_1053 = tpu.bitcast %shift_left3A_1052 : vector<16xi32> -> vector<16xf32>
          %and3A_1054 = arith.constant -65536 : i32
          %and3A_1055 = vector.broadcast %and3A_1054 : i32 to vector<16xi32>
          %and3A_1056 = arith.andi %get3A_1041, %and3A_1055 : vector<16xi32>
          %bitcast_convert_type3A_1057 = tpu.bitcast %and3A_1056 : vector<16xi32> -> vector<16xf32>
          %shift_left3A_1058 = arith.constant 16 : i32
          %shift_left3A_1059 = vector.broadcast %shift_left3A_1058 : i32 to vector<16xi32>
          %shift_left3A_1060 = arith.shli %get3A_1049, %shift_left3A_1059 : vector<16xi32>
          %bitcast_convert_type3A_1061 = tpu.bitcast %shift_left3A_1060 : vector<16xi32> -> vector<16xf32>
          %and3A_1062 = arith.constant -65536 : i32
          %and3A_1063 = vector.broadcast %and3A_1062 : i32 to vector<16xi32>
          %and3A_1064 = arith.andi %get3A_1049, %and3A_1063 : vector<16xi32>
          %bitcast_convert_type3A_1065 = tpu.bitcast %and3A_1064 : vector<16xi32> -> vector<16xf32>
          %mul3A_1066 = arith.mulf %gather3A_982, %bitcast_convert_type3A_1053 : vector<16xf32>
          %mul3A_1067 = arith.mulf %gather3A_985, %bitcast_convert_type3A_1057 : vector<16xf32>
          %add3A_1068 = arith.addf %mul3A_1066, %mul3A_1067 : vector<16xf32>
          %mul3A_1069 = arith.mulf %gather3A_988, %bitcast_convert_type3A_1061 : vector<16xf32>
          %add3A_1070 = arith.addf %add3A_1068, %mul3A_1069 : vector<16xf32>
          %mul3A_1071 = arith.mulf %gather3A_991, %bitcast_convert_type3A_1065 : vector<16xf32>
          %add3A_1072 = arith.addf %add3A_1070, %mul3A_1071 : vector<16xf32>
          %swap3A_1073 = arith.constant 1 : i32
          %swap3A_1074 = arith.index_cast %swap3A_1073 : i32 to index
          %swap3A_1075 = arith.index_cast %add3A_977 : i32 to index
          %swap3A_1076 = arith.constant 16 : index
          %swap3A_1077 = tpu.vector_load %arg17[%swap3A_1074, %swap3A_1075, %swap3A_1076] {strides = array<i32>} : memref<2x40x128xf32, #tpu.memory_space<vmem>>, vector<1x1x16xf32>,
          %swap3A_1078 = vector.shape_cast %swap3A_1077 : vector<1x1x16xf32> to vector<16xf32>
          %swap3A_1079 = vector.shape_cast %add3A_1072 : vector<16xf32> to vector<1x1x16xf32>
          tpu.vector_store %arg17[%swap3A_1074, %swap3A_1075, %swap3A_1076], %swap3A_1079 {strides = array<i32>} : memref<2x40x128xf32, #tpu.memory_space<vmem>>, vector<1x1x16xf32>,
          %get3A_1080 = arith.constant 1 : i32
          %get3A_1081 = arith.index_cast %get3A_1080 : i32 to index
          %get3A_1082 = arith.index_cast %add3A_977 : i32 to index
          %get3A_1083 = arith.constant 32 : index
          %get3A_1084 = tpu.vector_load %arg16[%get3A_1081, %get3A_1082, %get3A_1083] {strides = array<i32>} : memref<2x80x128xi32, #tpu.memory_space<vmem>>, vector<1x1x16xi32>,
          %get3A_1085 = vector.shape_cast %get3A_1084 : vector<1x1x16xi32> to vector<16xi32>
          %add3A_1086 = arith.constant 40 : i32
          %add3A_1087 = arith.addi %add3A_1086, %add3A_977 : i32
          %get3A_1088 = arith.constant 1 : i32
          %get3A_1089 = arith.index_cast %get3A_1088 : i32 to index
          %get3A_1090 = arith.index_cast %add3A_1087 : i32 to index
          %get3A_1091 = arith.constant 32 : index
          %get3A_1092 = tpu.vector_load %arg16[%get3A_1089, %get3A_1090, %get3A_1091] {strides = array<i32>} : memref<2x80x128xi32, #tpu.memory_space<vmem>>, vector<1x1x16xi32>,
          %get3A_1093 = vector.shape_cast %get3A_1092 : vector<1x1x16xi32> to vector<16xi32>
          %shift_left3A_1094 = arith.constant 16 : i32
          %shift_left3A_1095 = vector.broadcast %shift_left3A_1094 : i32 to vector<16xi32>
          %shift_left3A_1096 = arith.shli %get3A_1085, %shift_left3A_1095 : vector<16xi32>
          %bitcast_convert_type3A_1097 = tpu.bitcast %shift_left3A_1096 : vector<16xi32> -> vector<16xf32>
          %and3A_1098 = arith.constant -65536 : i32
          %and3A_1099 = vector.broadcast %and3A_1098 : i32 to vector<16xi32>
          %and3A_1100 = arith.andi %get3A_1085, %and3A_1099 : vector<16xi32>
          %bitcast_convert_type3A_1101 = tpu.bitcast %and3A_1100 : vector<16xi32> -> vector<16xf32>
          %shift_left3A_1102 = arith.constant 16 : i32
          %shift_left3A_1103 = vector.broadcast %shift_left3A_1102 : i32 to vector<16xi32>
          %shift_left3A_1104 = arith.shli %get3A_1093, %shift_left3A_1103 : vector<16xi32>
          %bitcast_convert_type3A_1105 = tpu.bitcast %shift_left3A_1104 : vector<16xi32> -> vector<16xf32>
          %and3A_1106 = arith.constant -65536 : i32
          %and3A_1107 = vector.broadcast %and3A_1106 : i32 to vector<16xi32>
          %and3A_1108 = arith.andi %get3A_1093, %and3A_1107 : vector<16xi32>
          %bitcast_convert_type3A_1109 = tpu.bitcast %and3A_1108 : vector<16xi32> -> vector<16xf32>
          %mul3A_1110 = arith.mulf %gather3A_982, %bitcast_convert_type3A_1097 : vector<16xf32>
          %mul3A_1111 = arith.mulf %gather3A_985, %bitcast_convert_type3A_1101 : vector<16xf32>
          %add3A_1112 = arith.addf %mul3A_1110, %mul3A_1111 : vector<16xf32>
          %mul3A_1113 = arith.mulf %gather3A_988, %bitcast_convert_type3A_1105 : vector<16xf32>
          %add3A_1114 = arith.addf %add3A_1112, %mul3A_1113 : vector<16xf32>
          %mul3A_1115 = arith.mulf %gather3A_991, %bitcast_convert_type3A_1109 : vector<16xf32>
          %add3A_1116 = arith.addf %add3A_1114, %mul3A_1115 : vector<16xf32>
          %swap3A_1117 = arith.constant 1 : i32
          %swap3A_1118 = arith.index_cast %swap3A_1117 : i32 to index
          %swap3A_1119 = arith.index_cast %add3A_977 : i32 to index
          %swap3A_1120 = arith.constant 32 : index
          %swap3A_1121 = tpu.vector_load %arg17[%swap3A_1118, %swap3A_1119, %swap3A_1120] {strides = array<i32>} : memref<2x40x128xf32, #tpu.memory_space<vmem>>, vector<1x1x16xf32>,
          %swap3A_1122 = vector.shape_cast %swap3A_1121 : vector<1x1x16xf32> to vector<16xf32>
          %swap3A_1123 = vector.shape_cast %add3A_1116 : vector<16xf32> to vector<1x1x16xf32>
          tpu.vector_store %arg17[%swap3A_1118, %swap3A_1119, %swap3A_1120], %swap3A_1123 {strides = array<i32>} : memref<2x40x128xf32, #tpu.memory_space<vmem>>, vector<1x1x16xf32>,
          %get3A_1124 = arith.constant 1 : i32
          %get3A_1125 = arith.index_cast %get3A_1124 : i32 to index
          %get3A_1126 = arith.index_cast %add3A_977 : i32 to index
          %get3A_1127 = arith.constant 48 : index
          %get3A_1128 = tpu.vector_load %arg16[%get3A_1125, %get3A_1126, %get3A_1127] {strides = array<i32>} : memref<2x80x128xi32, #tpu.memory_space<vmem>>, vector<1x1x16xi32>,
          %get3A_1129 = vector.shape_cast %get3A_1128 : vector<1x1x16xi32> to vector<16xi32>
          %add3A_1130 = arith.constant 40 : i32
          %add3A_1131 = arith.addi %add3A_1130, %add3A_977 : i32
          %get3A_1132 = arith.constant 1 : i32
          %get3A_1133 = arith.index_cast %get3A_1132 : i32 to index
          %get3A_1134 = arith.index_cast %add3A_1131 : i32 to index
          %get3A_1135 = arith.constant 48 : index
          %get3A_1136 = tpu.vector_load %arg16[%get3A_1133, %get3A_1134, %get3A_1135] {strides = array<i32>} : memref<2x80x128xi32, #tpu.memory_space<vmem>>, vector<1x1x16xi32>,
          %get3A_1137 = vector.shape_cast %get3A_1136 : vector<1x1x16xi32> to vector<16xi32>
          %shift_left3A_1138 = arith.constant 16 : i32
          %shift_left3A_1139 = vector.broadcast %shift_left3A_1138 : i32 to vector<16xi32>
          %shift_left3A_1140 = arith.shli %get3A_1129, %shift_left3A_1139 : vector<16xi32>
          %bitcast_convert_type3A_1141 = tpu.bitcast %shift_left3A_1140 : vector<16xi32> -> vector<16xf32>
          %and3A_1142 = arith.constant -65536 : i32
          %and3A_1143 = vector.broadcast %and3A_1142 : i32 to vector<16xi32>
          %and3A_1144 = arith.andi %get3A_1129, %and3A_1143 : vector<16xi32>
          %bitcast_convert_type3A_1145 = tpu.bitcast %and3A_1144 : vector<16xi32> -> vector<16xf32>
          %shift_left3A_1146 = arith.constant 16 : i32
          %shift_left3A_1147 = vector.broadcast %shift_left3A_1146 : i32 to vector<16xi32>
          %shift_left3A_1148 = arith.shli %get3A_1137, %shift_left3A_1147 : vector<16xi32>
          %bitcast_convert_type3A_1149 = tpu.bitcast %shift_left3A_1148 : vector<16xi32> -> vector<16xf32>
          %and3A_1150 = arith.constant -65536 : i32
          %and3A_1151 = vector.broadcast %and3A_1150 : i32 to vector<16xi32>
          %and3A_1152 = arith.andi %get3A_1137, %and3A_1151 : vector<16xi32>
          %bitcast_convert_type3A_1153 = tpu.bitcast %and3A_1152 : vector<16xi32> -> vector<16xf32>
          %mul3A_1154 = arith.mulf %gather3A_982, %bitcast_convert_type3A_1141 : vector<16xf32>
          %mul3A_1155 = arith.mulf %gather3A_985, %bitcast_convert_type3A_1145 : vector<16xf32>
          %add3A_1156 = arith.addf %mul3A_1154, %mul3A_1155 : vector<16xf32>
          %mul3A_1157 = arith.mulf %gather3A_988, %bitcast_convert_type3A_1149 : vector<16xf32>
          %add3A_1158 = arith.addf %add3A_1156, %mul3A_1157 : vector<16xf32>
          %mul3A_1159 = arith.mulf %gather3A_991, %bitcast_convert_type3A_1153 : vector<16xf32>
          %add3A_1160 = arith.addf %add3A_1158, %mul3A_1159 : vector<16xf32>
          %swap3A_1161 = arith.constant 1 : i32
          %swap3A_1162 = arith.index_cast %swap3A_1161 : i32 to index
          %swap3A_1163 = arith.index_cast %add3A_977 : i32 to index
          %swap3A_1164 = arith.constant 48 : index
          %swap3A_1165 = tpu.vector_load %arg17[%swap3A_1162, %swap3A_1163, %swap3A_1164] {strides = array<i32>} : memref<2x40x128xf32, #tpu.memory_space<vmem>>, vector<1x1x16xf32>,
          %swap3A_1166 = vector.shape_cast %swap3A_1165 : vector<1x1x16xf32> to vector<16xf32>
          %swap3A_1167 = vector.shape_cast %add3A_1160 : vector<16xf32> to vector<1x1x16xf32>
          tpu.vector_store %arg17[%swap3A_1162, %swap3A_1163, %swap3A_1164], %swap3A_1167 {strides = array<i32>} : memref<2x40x128xf32, #tpu.memory_space<vmem>>, vector<1x1x16xf32>,
          %get3A_1168 = arith.constant 1 : i32
          %get3A_1169 = arith.index_cast %get3A_1168 : i32 to index
          %get3A_1170 = arith.index_cast %add3A_977 : i32 to index
          %get3A_1171 = arith.constant 64 : index
          %get3A_1172 = tpu.vector_load %arg16[%get3A_1169, %get3A_1170, %get3A_1171] {strides = array<i32>} : memref<2x80x128xi32, #tpu.memory_space<vmem>>, vector<1x1x16xi32>,
          %get3A_1173 = vector.shape_cast %get3A_1172 : vector<1x1x16xi32> to vector<16xi32>
          %add3A_1174 = arith.constant 40 : i32
          %add3A_1175 = arith.addi %add3A_1174, %add3A_977 : i32
          %get3A_1176 = arith.constant 1 : i32
          %get3A_1177 = arith.index_cast %get3A_1176 : i32 to index
          %get3A_1178 = arith.index_cast %add3A_1175 : i32 to index
          %get3A_1179 = arith.constant 64 : index
          %get3A_1180 = tpu.vector_load %arg16[%get3A_1177, %get3A_1178, %get3A_1179] {strides = array<i32>} : memref<2x80x128xi32, #tpu.memory_space<vmem>>, vector<1x1x16xi32>,
          %get3A_1181 = vector.shape_cast %get3A_1180 : vector<1x1x16xi32> to vector<16xi32>
          %shift_left3A_1182 = arith.constant 16 : i32
          %shift_left3A_1183 = vector.broadcast %shift_left3A_1182 : i32 to vector<16xi32>
          %shift_left3A_1184 = arith.shli %get3A_1173, %shift_left3A_1183 : vector<16xi32>
          %bitcast_convert_type3A_1185 = tpu.bitcast %shift_left3A_1184 : vector<16xi32> -> vector<16xf32>
          %and3A_1186 = arith.constant -65536 : i32
          %and3A_1187 = vector.broadcast %and3A_1186 : i32 to vector<16xi32>
          %and3A_1188 = arith.andi %get3A_1173, %and3A_1187 : vector<16xi32>
          %bitcast_convert_type3A_1189 = tpu.bitcast %and3A_1188 : vector<16xi32> -> vector<16xf32>
          %shift_left3A_1190 = arith.constant 16 : i32
          %shift_left3A_1191 = vector.broadcast %shift_left3A_1190 : i32 to vector<16xi32>
          %shift_left3A_1192 = arith.shli %get3A_1181, %shift_left3A_1191 : vector<16xi32>
          %bitcast_convert_type3A_1193 = tpu.bitcast %shift_left3A_1192 : vector<16xi32> -> vector<16xf32>
          %and3A_1194 = arith.constant -65536 : i32
          %and3A_1195 = vector.broadcast %and3A_1194 : i32 to vector<16xi32>
          %and3A_1196 = arith.andi %get3A_1181, %and3A_1195 : vector<16xi32>
          %bitcast_convert_type3A_1197 = tpu.bitcast %and3A_1196 : vector<16xi32> -> vector<16xf32>
          %mul3A_1198 = arith.mulf %gather3A_982, %bitcast_convert_type3A_1185 : vector<16xf32>
          %mul3A_1199 = arith.mulf %gather3A_985, %bitcast_convert_type3A_1189 : vector<16xf32>
          %add3A_1200 = arith.addf %mul3A_1198, %mul3A_1199 : vector<16xf32>
          %mul3A_1201 = arith.mulf %gather3A_988, %bitcast_convert_type3A_1193 : vector<16xf32>
          %add3A_1202 = arith.addf %add3A_1200, %mul3A_1201 : vector<16xf32>
          %mul3A_1203 = arith.mulf %gather3A_991, %bitcast_convert_type3A_1197 : vector<16xf32>
          %add3A_1204 = arith.addf %add3A_1202, %mul3A_1203 : vector<16xf32>
          %swap3A_1205 = arith.constant 1 : i32
          %swap3A_1206 = arith.index_cast %swap3A_1205 : i32 to index
          %swap3A_1207 = arith.index_cast %add3A_977 : i32 to index
          %swap3A_1208 = arith.constant 64 : index
          %swap3A_1209 = tpu.vector_load %arg17[%swap3A_1206, %swap3A_1207, %swap3A_1208] {strides = array<i32>} : memref<2x40x128xf32, #tpu.memory_space<vmem>>, vector<1x1x16xf32>,
          %swap3A_1210 = vector.shape_cast %swap3A_1209 : vector<1x1x16xf32> to vector<16xf32>
          %swap3A_1211 = vector.shape_cast %add3A_1204 : vector<16xf32> to vector<1x1x16xf32>
          tpu.vector_store %arg17[%swap3A_1206, %swap3A_1207, %swap3A_1208], %swap3A_1211 {strides = array<i32>} : memref<2x40x128xf32, #tpu.memory_space<vmem>>, vector<1x1x16xf32>,
          %get3A_1212 = arith.constant 1 : i32
          %get3A_1213 = arith.index_cast %get3A_1212 : i32 to index
          %get3A_1214 = arith.index_cast %add3A_977 : i32 to index
          %get3A_1215 = arith.constant 80 : index
          %get3A_1216 = tpu.vector_load %arg16[%get3A_1213, %get3A_1214, %get3A_1215] {strides = array<i32>} : memref<2x80x128xi32, #tpu.memory_space<vmem>>, vector<1x1x16xi32>,
          %get3A_1217 = vector.shape_cast %get3A_1216 : vector<1x1x16xi32> to vector<16xi32>
          %add3A_1218 = arith.constant 40 : i32
          %add3A_1219 = arith.addi %add3A_1218, %add3A_977 : i32
          %get3A_1220 = arith.constant 1 : i32
          %get3A_1221 = arith.index_cast %get3A_1220 : i32 to index
          %get3A_1222 = arith.index_cast %add3A_1219 : i32 to index
          %get3A_1223 = arith.constant 80 : index
          %get3A_1224 = tpu.vector_load %arg16[%get3A_1221, %get3A_1222, %get3A_1223] {strides = array<i32>} : memref<2x80x128xi32, #tpu.memory_space<vmem>>, vector<1x1x16xi32>,
          %get3A_1225 = vector.shape_cast %get3A_1224 : vector<1x1x16xi32> to vector<16xi32>
          %shift_left3A_1226 = arith.constant 16 : i32
          %shift_left3A_1227 = vector.broadcast %shift_left3A_1226 : i32 to vector<16xi32>
          %shift_left3A_1228 = arith.shli %get3A_1217, %shift_left3A_1227 : vector<16xi32>
          %bitcast_convert_type3A_1229 = tpu.bitcast %shift_left3A_1228 : vector<16xi32> -> vector<16xf32>
          %and3A_1230 = arith.constant -65536 : i32
          %and3A_1231 = vector.broadcast %and3A_1230 : i32 to vector<16xi32>
          %and3A_1232 = arith.andi %get3A_1217, %and3A_1231 : vector<16xi32>
          %bitcast_convert_type3A_1233 = tpu.bitcast %and3A_1232 : vector<16xi32> -> vector<16xf32>
          %shift_left3A_1234 = arith.constant 16 : i32
          %shift_left3A_1235 = vector.broadcast %shift_left3A_1234 : i32 to vector<16xi32>
          %shift_left3A_1236 = arith.shli %get3A_1225, %shift_left3A_1235 : vector<16xi32>
          %bitcast_convert_type3A_1237 = tpu.bitcast %shift_left3A_1236 : vector<16xi32> -> vector<16xf32>
          %and3A_1238 = arith.constant -65536 : i32
          %and3A_1239 = vector.broadcast %and3A_1238 : i32 to vector<16xi32>
          %and3A_1240 = arith.andi %get3A_1225, %and3A_1239 : vector<16xi32>
          %bitcast_convert_type3A_1241 = tpu.bitcast %and3A_1240 : vector<16xi32> -> vector<16xf32>
          %mul3A_1242 = arith.mulf %gather3A_982, %bitcast_convert_type3A_1229 : vector<16xf32>
          %mul3A_1243 = arith.mulf %gather3A_985, %bitcast_convert_type3A_1233 : vector<16xf32>
          %add3A_1244 = arith.addf %mul3A_1242, %mul3A_1243 : vector<16xf32>
          %mul3A_1245 = arith.mulf %gather3A_988, %bitcast_convert_type3A_1237 : vector<16xf32>
          %add3A_1246 = arith.addf %add3A_1244, %mul3A_1245 : vector<16xf32>
          %mul3A_1247 = arith.mulf %gather3A_991, %bitcast_convert_type3A_1241 : vector<16xf32>
          %add3A_1248 = arith.addf %add3A_1246, %mul3A_1247 : vector<16xf32>
          %swap3A_1249 = arith.constant 1 : i32
          %swap3A_1250 = arith.index_cast %swap3A_1249 : i32 to index
          %swap3A_1251 = arith.index_cast %add3A_977 : i32 to index
          %swap3A_1252 = arith.constant 80 : index
          %swap3A_1253 = tpu.vector_load %arg17[%swap3A_1250, %swap3A_1251, %swap3A_1252] {strides = array<i32>} : memref<2x40x128xf32, #tpu.memory_space<vmem>>, vector<1x1x16xf32>,
          %swap3A_1254 = vector.shape_cast %swap3A_1253 : vector<1x1x16xf32> to vector<16xf32>
          %swap3A_1255 = vector.shape_cast %add3A_1248 : vector<16xf32> to vector<1x1x16xf32>
          tpu.vector_store %arg17[%swap3A_1250, %swap3A_1251, %swap3A_1252], %swap3A_1255 {strides = array<i32>} : memref<2x40x128xf32, #tpu.memory_space<vmem>>, vector<1x1x16xf32>,
          %get3A_1256 = arith.constant 1 : i32
          %get3A_1257 = arith.index_cast %get3A_1256 : i32 to index
          %get3A_1258 = arith.index_cast %add3A_977 : i32 to index
          %get3A_1259 = arith.constant 96 : index
          %get3A_1260 = tpu.vector_load %arg16[%get3A_1257, %get3A_1258, %get3A_1259] {strides = array<i32>} : memref<2x80x128xi32, #tpu.memory_space<vmem>>, vector<1x1x16xi32>,
          %get3A_1261 = vector.shape_cast %get3A_1260 : vector<1x1x16xi32> to vector<16xi32>
          %add3A_1262 = arith.constant 40 : i32
          %add3A_1263 = arith.addi %add3A_1262, %add3A_977 : i32
          %get3A_1264 = arith.constant 1 : i32
          %get3A_1265 = arith.index_cast %get3A_1264 : i32 to index
          %get3A_1266 = arith.index_cast %add3A_1263 : i32 to index
          %get3A_1267 = arith.constant 96 : index
          %get3A_1268 = tpu.vector_load %arg16[%get3A_1265, %get3A_1266, %get3A_1267] {strides = array<i32>} : memref<2x80x128xi32, #tpu.memory_space<vmem>>, vector<1x1x16xi32>,
          %get3A_1269 = vector.shape_cast %get3A_1268 : vector<1x1x16xi32> to vector<16xi32>
          %shift_left3A_1270 = arith.constant 16 : i32
          %shift_left3A_1271 = vector.broadcast %shift_left3A_1270 : i32 to vector<16xi32>
          %shift_left3A_1272 = arith.shli %get3A_1261, %shift_left3A_1271 : vector<16xi32>
          %bitcast_convert_type3A_1273 = tpu.bitcast %shift_left3A_1272 : vector<16xi32> -> vector<16xf32>
          %and3A_1274 = arith.constant -65536 : i32
          %and3A_1275 = vector.broadcast %and3A_1274 : i32 to vector<16xi32>
          %and3A_1276 = arith.andi %get3A_1261, %and3A_1275 : vector<16xi32>
          %bitcast_convert_type3A_1277 = tpu.bitcast %and3A_1276 : vector<16xi32> -> vector<16xf32>
          %shift_left3A_1278 = arith.constant 16 : i32
          %shift_left3A_1279 = vector.broadcast %shift_left3A_1278 : i32 to vector<16xi32>
          %shift_left3A_1280 = arith.shli %get3A_1269, %shift_left3A_1279 : vector<16xi32>
          %bitcast_convert_type3A_1281 = tpu.bitcast %shift_left3A_1280 : vector<16xi32> -> vector<16xf32>
          %and3A_1282 = arith.constant -65536 : i32
          %and3A_1283 = vector.broadcast %and3A_1282 : i32 to vector<16xi32>
          %and3A_1284 = arith.andi %get3A_1269, %and3A_1283 : vector<16xi32>
          %bitcast_convert_type3A_1285 = tpu.bitcast %and3A_1284 : vector<16xi32> -> vector<16xf32>
          %mul3A_1286 = arith.mulf %gather3A_982, %bitcast_convert_type3A_1273 : vector<16xf32>
          %mul3A_1287 = arith.mulf %gather3A_985, %bitcast_convert_type3A_1277 : vector<16xf32>
          %add3A_1288 = arith.addf %mul3A_1286, %mul3A_1287 : vector<16xf32>
          %mul3A_1289 = arith.mulf %gather3A_988, %bitcast_convert_type3A_1281 : vector<16xf32>
          %add3A_1290 = arith.addf %add3A_1288, %mul3A_1289 : vector<16xf32>
          %mul3A_1291 = arith.mulf %gather3A_991, %bitcast_convert_type3A_1285 : vector<16xf32>
          %add3A_1292 = arith.addf %add3A_1290, %mul3A_1291 : vector<16xf32>
          %swap3A_1293 = arith.constant 1 : i32
          %swap3A_1294 = arith.index_cast %swap3A_1293 : i32 to index
          %swap3A_1295 = arith.index_cast %add3A_977 : i32 to index
          %swap3A_1296 = arith.constant 96 : index
          %swap3A_1297 = tpu.vector_load %arg17[%swap3A_1294, %swap3A_1295, %swap3A_1296] {strides = array<i32>} : memref<2x40x128xf32, #tpu.memory_space<vmem>>, vector<1x1x16xf32>,
          %swap3A_1298 = vector.shape_cast %swap3A_1297 : vector<1x1x16xf32> to vector<16xf32>
          %swap3A_1299 = vector.shape_cast %add3A_1292 : vector<16xf32> to vector<1x1x16xf32>
          tpu.vector_store %arg17[%swap3A_1294, %swap3A_1295, %swap3A_1296], %swap3A_1299 {strides = array<i32>} : memref<2x40x128xf32, #tpu.memory_space<vmem>>, vector<1x1x16xf32>,
          %get3A_1300 = arith.constant 1 : i32
          %get3A_1301 = arith.index_cast %get3A_1300 : i32 to index
          %get3A_1302 = arith.index_cast %add3A_977 : i32 to index
          %get3A_1303 = arith.constant 112 : index
          %get3A_1304 = tpu.vector_load %arg16[%get3A_1301, %get3A_1302, %get3A_1303] {strides = array<i32>} : memref<2x80x128xi32, #tpu.memory_space<vmem>>, vector<1x1x16xi32>,
          %get3A_1305 = vector.shape_cast %get3A_1304 : vector<1x1x16xi32> to vector<16xi32>
          %add3A_1306 = arith.constant 40 : i32
          %add3A_1307 = arith.addi %add3A_1306, %add3A_977 : i32
          %get3A_1308 = arith.constant 1 : i32
          %get3A_1309 = arith.index_cast %get3A_1308 : i32 to index
          %get3A_1310 = arith.index_cast %add3A_1307 : i32 to index
          %get3A_1311 = arith.constant 112 : index
          %get3A_1312 = tpu.vector_load %arg16[%get3A_1309, %get3A_1310, %get3A_1311] {strides = array<i32>} : memref<2x80x128xi32, #tpu.memory_space<vmem>>, vector<1x1x16xi32>,
          %get3A_1313 = vector.shape_cast %get3A_1312 : vector<1x1x16xi32> to vector<16xi32>
          %shift_left3A_1314 = arith.constant 16 : i32
          %shift_left3A_1315 = vector.broadcast %shift_left3A_1314 : i32 to vector<16xi32>
          %shift_left3A_1316 = arith.shli %get3A_1305, %shift_left3A_1315 : vector<16xi32>
          %bitcast_convert_type3A_1317 = tpu.bitcast %shift_left3A_1316 : vector<16xi32> -> vector<16xf32>
          %and3A_1318 = arith.constant -65536 : i32
          %and3A_1319 = vector.broadcast %and3A_1318 : i32 to vector<16xi32>
          %and3A_1320 = arith.andi %get3A_1305, %and3A_1319 : vector<16xi32>
          %bitcast_convert_type3A_1321 = tpu.bitcast %and3A_1320 : vector<16xi32> -> vector<16xf32>
          %shift_left3A_1322 = arith.constant 16 : i32
          %shift_left3A_1323 = vector.broadcast %shift_left3A_1322 : i32 to vector<16xi32>
          %shift_left3A_1324 = arith.shli %get3A_1313, %shift_left3A_1323 : vector<16xi32>
          %bitcast_convert_type3A_1325 = tpu.bitcast %shift_left3A_1324 : vector<16xi32> -> vector<16xf32>
          %and3A_1326 = arith.constant -65536 : i32
          %and3A_1327 = vector.broadcast %and3A_1326 : i32 to vector<16xi32>
          %and3A_1328 = arith.andi %get3A_1313, %and3A_1327 : vector<16xi32>
          %bitcast_convert_type3A_1329 = tpu.bitcast %and3A_1328 : vector<16xi32> -> vector<16xf32>
          %mul3A_1330 = arith.mulf %gather3A_982, %bitcast_convert_type3A_1317 : vector<16xf32>
          %mul3A_1331 = arith.mulf %gather3A_985, %bitcast_convert_type3A_1321 : vector<16xf32>
          %add3A_1332 = arith.addf %mul3A_1330, %mul3A_1331 : vector<16xf32>
          %mul3A_1333 = arith.mulf %gather3A_988, %bitcast_convert_type3A_1325 : vector<16xf32>
          %add3A_1334 = arith.addf %add3A_1332, %mul3A_1333 : vector<16xf32>
          %mul3A_1335 = arith.mulf %gather3A_991, %bitcast_convert_type3A_1329 : vector<16xf32>
          %add3A_1336 = arith.addf %add3A_1334, %mul3A_1335 : vector<16xf32>
          %swap3A_1337 = arith.constant 1 : i32
          %swap3A_1338 = arith.index_cast %swap3A_1337 : i32 to index
          %swap3A_1339 = arith.index_cast %add3A_977 : i32 to index
          %swap3A_1340 = arith.constant 112 : index
          %swap3A_1341 = tpu.vector_load %arg17[%swap3A_1338, %swap3A_1339, %swap3A_1340] {strides = array<i32>} : memref<2x40x128xf32, #tpu.memory_space<vmem>>, vector<1x1x16xf32>,
          %swap3A_1342 = vector.shape_cast %swap3A_1341 : vector<1x1x16xf32> to vector<16xf32>
          %swap3A_1343 = vector.shape_cast %add3A_1336 : vector<16xf32> to vector<1x1x16xf32>
          tpu.vector_store %arg17[%swap3A_1338, %swap3A_1339, %swap3A_1340], %swap3A_1343 {strides = array<i32>} : memref<2x40x128xf32, #tpu.memory_space<vmem>>, vector<1x1x16xf32>,
          %add3A_1344 = arith.constant 2 : i32
          %add3A_1345 = arith.addi %mul3A_538, %add3A_1344 : i32
          %add3A_1346 = arith.constant 2 : i32
          %add3A_1347 = arith.addi %mul3A_590, %add3A_1346 : i32
          %broadcast_in_dim3A_1348 = vector.broadcast %add3A_1347 : i32 to vector<16x1xi32>
          %gather3A_1349 = vector.shape_cast %broadcast_in_dim3A_1348 : vector<16x1xi32> to vector<16xi32>
          %gather3A_1350 = tpu.dynamic_gather %get3A_596[%gather3A_1349] in [0] : vector<16xf32>, vector<16xi32> -> vector<16xf32>
          %broadcast_in_dim3A_1351 = vector.broadcast %add3A_1347 : i32 to vector<16x1xi32>
          %gather3A_1352 = vector.shape_cast %broadcast_in_dim3A_1351 : vector<16x1xi32> to vector<16xi32>
          %gather3A_1353 = tpu.dynamic_gather %get3A_601[%gather3A_1352] in [0] : vector<16xf32>, vector<16xi32> -> vector<16xf32>
          %broadcast_in_dim3A_1354 = vector.broadcast %add3A_1347 : i32 to vector<16x1xi32>
          %gather3A_1355 = vector.shape_cast %broadcast_in_dim3A_1354 : vector<16x1xi32> to vector<16xi32>
          %gather3A_1356 = tpu.dynamic_gather %get3A_606[%gather3A_1355] in [0] : vector<16xf32>, vector<16xi32> -> vector<16xf32>
          %broadcast_in_dim3A_1357 = vector.broadcast %add3A_1347 : i32 to vector<16x1xi32>
          %gather3A_1358 = vector.shape_cast %broadcast_in_dim3A_1357 : vector<16x1xi32> to vector<16xi32>
          %gather3A_1359 = tpu.dynamic_gather %get3A_611[%gather3A_1358] in [0] : vector<16xf32>, vector<16xi32> -> vector<16xf32>
          %get3A_1360 = arith.constant 1 : i32
          %get3A_1361 = arith.index_cast %get3A_1360 : i32 to index
          %get3A_1362 = arith.index_cast %add3A_1345 : i32 to index
          %get3A_1363 = arith.constant 0 : index
          %get3A_1364 = tpu.vector_load %arg16[%get3A_1361, %get3A_1362, %get3A_1363] {strides = array<i32>} : memref<2x80x128xi32, #tpu.memory_space<vmem>>, vector<1x1x16xi32>,
          %get3A_1365 = vector.shape_cast %get3A_1364 : vector<1x1x16xi32> to vector<16xi32>
          %add3A_1366 = arith.constant 40 : i32
          %add3A_1367 = arith.addi %add3A_1366, %add3A_1345 : i32
          %get3A_1368 = arith.constant 1 : i32
          %get3A_1369 = arith.index_cast %get3A_1368 : i32 to index
          %get3A_1370 = arith.index_cast %add3A_1367 : i32 to index
          %get3A_1371 = arith.constant 0 : index
          %get3A_1372 = tpu.vector_load %arg16[%get3A_1369, %get3A_1370, %get3A_1371] {strides = array<i32>} : memref<2x80x128xi32, #tpu.memory_space<vmem>>, vector<1x1x16xi32>,
          %get3A_1373 = vector.shape_cast %get3A_1372 : vector<1x1x16xi32> to vector<16xi32>
          %shift_left3A_1374 = arith.constant 16 : i32
          %shift_left3A_1375 = vector.broadcast %shift_left3A_1374 : i32 to vector<16xi32>
          %shift_left3A_1376 = arith.shli %get3A_1365, %shift_left3A_1375 : vector<16xi32>
          %bitcast_convert_type3A_1377 = tpu.bitcast %shift_left3A_1376 : vector<16xi32> -> vector<16xf32>
          %and3A_1378 = arith.constant -65536 : i32
          %and3A_1379 = vector.broadcast %and3A_1378 : i32 to vector<16xi32>
          %and3A_1380 = arith.andi %get3A_1365, %and3A_1379 : vector<16xi32>
          %bitcast_convert_type3A_1381 = tpu.bitcast %and3A_1380 : vector<16xi32> -> vector<16xf32>
          %shift_left3A_1382 = arith.constant 16 : i32
          %shift_left3A_1383 = vector.broadcast %shift_left3A_1382 : i32 to vector<16xi32>
          %shift_left3A_1384 = arith.shli %get3A_1373, %shift_left3A_1383 : vector<16xi32>
          %bitcast_convert_type3A_1385 = tpu.bitcast %shift_left3A_1384 : vector<16xi32> -> vector<16xf32>
          %and3A_1386 = arith.constant -65536 : i32
          %and3A_1387 = vector.broadcast %and3A_1386 : i32 to vector<16xi32>
          %and3A_1388 = arith.andi %get3A_1373, %and3A_1387 : vector<16xi32>
          %bitcast_convert_type3A_1389 = tpu.bitcast %and3A_1388 : vector<16xi32> -> vector<16xf32>
          %mul3A_1390 = arith.mulf %gather3A_1350, %bitcast_convert_type3A_1377 : vector<16xf32>
          %mul3A_1391 = arith.mulf %gather3A_1353, %bitcast_convert_type3A_1381 : vector<16xf32>
          %add3A_1392 = arith.addf %mul3A_1390, %mul3A_1391 : vector<16xf32>
          %mul3A_1393 = arith.mulf %gather3A_1356, %bitcast_convert_type3A_1385 : vector<16xf32>
          %add3A_1394 = arith.addf %add3A_1392, %mul3A_1393 : vector<16xf32>
          %mul3A_1395 = arith.mulf %gather3A_1359, %bitcast_convert_type3A_1389 : vector<16xf32>
          %add3A_1396 = arith.addf %add3A_1394, %mul3A_1395 : vector<16xf32>
          %swap3A_1397 = arith.constant 1 : i32
          %swap3A_1398 = arith.index_cast %swap3A_1397 : i32 to index
          %swap3A_1399 = arith.index_cast %add3A_1345 : i32 to index
          %swap3A_1400 = arith.constant 0 : index
          %swap3A_1401 = tpu.vector_load %arg17[%swap3A_1398, %swap3A_1399, %swap3A_1400] {strides = array<i32>} : memref<2x40x128xf32, #tpu.memory_space<vmem>>, vector<1x1x16xf32>,
          %swap3A_1402 = vector.shape_cast %swap3A_1401 : vector<1x1x16xf32> to vector<16xf32>
          %swap3A_1403 = vector.shape_cast %add3A_1396 : vector<16xf32> to vector<1x1x16xf32>
          tpu.vector_store %arg17[%swap3A_1398, %swap3A_1399, %swap3A_1400], %swap3A_1403 {strides = array<i32>} : memref<2x40x128xf32, #tpu.memory_space<vmem>>, vector<1x1x16xf32>,
          %get3A_1404 = arith.constant 1 : i32
          %get3A_1405 = arith.index_cast %get3A_1404 : i32 to index
          %get3A_1406 = arith.index_cast %add3A_1345 : i32 to index
          %get3A_1407 = arith.constant 16 : index
          %get3A_1408 = tpu.vector_load %arg16[%get3A_1405, %get3A_1406, %get3A_1407] {strides = array<i32>} : memref<2x80x128xi32, #tpu.memory_space<vmem>>, vector<1x1x16xi32>,
          %get3A_1409 = vector.shape_cast %get3A_1408 : vector<1x1x16xi32> to vector<16xi32>
          %add3A_1410 = arith.constant 40 : i32
          %add3A_1411 = arith.addi %add3A_1410, %add3A_1345 : i32
          %get3A_1412 = arith.constant 1 : i32
          %get3A_1413 = arith.index_cast %get3A_1412 : i32 to index
          %get3A_1414 = arith.index_cast %add3A_1411 : i32 to index
          %get3A_1415 = arith.constant 16 : index
          %get3A_1416 = tpu.vector_load %arg16[%get3A_1413, %get3A_1414, %get3A_1415] {strides = array<i32>} : memref<2x80x128xi32, #tpu.memory_space<vmem>>, vector<1x1x16xi32>,
          %get3A_1417 = vector.shape_cast %get3A_1416 : vector<1x1x16xi32> to vector<16xi32>
          %shift_left3A_1418 = arith.constant 16 : i32
          %shift_left3A_1419 = vector.broadcast %shift_left3A_1418 : i32 to vector<16xi32>
          %shift_left3A_1420 = arith.shli %get3A_1409, %shift_left3A_1419 : vector<16xi32>
          %bitcast_convert_type3A_1421 = tpu.bitcast %shift_left3A_1420 : vector<16xi32> -> vector<16xf32>
          %and3A_1422 = arith.constant -65536 : i32
          %and3A_1423 = vector.broadcast %and3A_1422 : i32 to vector<16xi32>
          %and3A_1424 = arith.andi %get3A_1409, %and3A_1423 : vector<16xi32>
          %bitcast_convert_type3A_1425 = tpu.bitcast %and3A_1424 : vector<16xi32> -> vector<16xf32>
          %shift_left3A_1426 = arith.constant 16 : i32
          %shift_left3A_1427 = vector.broadcast %shift_left3A_1426 : i32 to vector<16xi32>
          %shift_left3A_1428 = arith.shli %get3A_1417, %shift_left3A_1427 : vector<16xi32>
          %bitcast_convert_type3A_1429 = tpu.bitcast %shift_left3A_1428 : vector<16xi32> -> vector<16xf32>
          %and3A_1430 = arith.constant -65536 : i32
          %and3A_1431 = vector.broadcast %and3A_1430 : i32 to vector<16xi32>
          %and3A_1432 = arith.andi %get3A_1417, %and3A_1431 : vector<16xi32>
          %bitcast_convert_type3A_1433 = tpu.bitcast %and3A_1432 : vector<16xi32> -> vector<16xf32>
          %mul3A_1434 = arith.mulf %gather3A_1350, %bitcast_convert_type3A_1421 : vector<16xf32>
          %mul3A_1435 = arith.mulf %gather3A_1353, %bitcast_convert_type3A_1425 : vector<16xf32>
          %add3A_1436 = arith.addf %mul3A_1434, %mul3A_1435 : vector<16xf32>
          %mul3A_1437 = arith.mulf %gather3A_1356, %bitcast_convert_type3A_1429 : vector<16xf32>
          %add3A_1438 = arith.addf %add3A_1436, %mul3A_1437 : vector<16xf32>
          %mul3A_1439 = arith.mulf %gather3A_1359, %bitcast_convert_type3A_1433 : vector<16xf32>
          %add3A_1440 = arith.addf %add3A_1438, %mul3A_1439 : vector<16xf32>
          %swap3A_1441 = arith.constant 1 : i32
          %swap3A_1442 = arith.index_cast %swap3A_1441 : i32 to index
          %swap3A_1443 = arith.index_cast %add3A_1345 : i32 to index
          %swap3A_1444 = arith.constant 16 : index
          %swap3A_1445 = tpu.vector_load %arg17[%swap3A_1442, %swap3A_1443, %swap3A_1444] {strides = array<i32>} : memref<2x40x128xf32, #tpu.memory_space<vmem>>, vector<1x1x16xf32>,
          %swap3A_1446 = vector.shape_cast %swap3A_1445 : vector<1x1x16xf32> to vector<16xf32>
          %swap3A_1447 = vector.shape_cast %add3A_1440 : vector<16xf32> to vector<1x1x16xf32>
          tpu.vector_store %arg17[%swap3A_1442, %swap3A_1443, %swap3A_1444], %swap3A_1447 {strides = array<i32>} : memref<2x40x128xf32, #tpu.memory_space<vmem>>, vector<1x1x16xf32>,
          %get3A_1448 = arith.constant 1 : i32
          %get3A_1449 = arith.index_cast %get3A_1448 : i32 to index
          %get3A_1450 = arith.index_cast %add3A_1345 : i32 to index
          %get3A_1451 = arith.constant 32 : index
          %get3A_1452 = tpu.vector_load %arg16[%get3A_1449, %get3A_1450, %get3A_1451] {strides = array<i32>} : memref<2x80x128xi32, #tpu.memory_space<vmem>>, vector<1x1x16xi32>,
          %get3A_1453 = vector.shape_cast %get3A_1452 : vector<1x1x16xi32> to vector<16xi32>
          %add3A_1454 = arith.constant 40 : i32
          %add3A_1455 = arith.addi %add3A_1454, %add3A_1345 : i32
          %get3A_1456 = arith.constant 1 : i32
          %get3A_1457 = arith.index_cast %get3A_1456 : i32 to index
          %get3A_1458 = arith.index_cast %add3A_1455 : i32 to index
          %get3A_1459 = arith.constant 32 : index
          %get3A_1460 = tpu.vector_load %arg16[%get3A_1457, %get3A_1458, %get3A_1459] {strides = array<i32>} : memref<2x80x128xi32, #tpu.memory_space<vmem>>, vector<1x1x16xi32>,
          %get3A_1461 = vector.shape_cast %get3A_1460 : vector<1x1x16xi32> to vector<16xi32>
          %shift_left3A_1462 = arith.constant 16 : i32
          %shift_left3A_1463 = vector.broadcast %shift_left3A_1462 : i32 to vector<16xi32>
          %shift_left3A_1464 = arith.shli %get3A_1453, %shift_left3A_1463 : vector<16xi32>
          %bitcast_convert_type3A_1465 = tpu.bitcast %shift_left3A_1464 : vector<16xi32> -> vector<16xf32>
          %and3A_1466 = arith.constant -65536 : i32
          %and3A_1467 = vector.broadcast %and3A_1466 : i32 to vector<16xi32>
          %and3A_1468 = arith.andi %get3A_1453, %and3A_1467 : vector<16xi32>
          %bitcast_convert_type3A_1469 = tpu.bitcast %and3A_1468 : vector<16xi32> -> vector<16xf32>
          %shift_left3A_1470 = arith.constant 16 : i32
          %shift_left3A_1471 = vector.broadcast %shift_left3A_1470 : i32 to vector<16xi32>
          %shift_left3A_1472 = arith.shli %get3A_1461, %shift_left3A_1471 : vector<16xi32>
          %bitcast_convert_type3A_1473 = tpu.bitcast %shift_left3A_1472 : vector<16xi32> -> vector<16xf32>
          %and3A_1474 = arith.constant -65536 : i32
          %and3A_1475 = vector.broadcast %and3A_1474 : i32 to vector<16xi32>
          %and3A_1476 = arith.andi %get3A_1461, %and3A_1475 : vector<16xi32>
          %bitcast_convert_type3A_1477 = tpu.bitcast %and3A_1476 : vector<16xi32> -> vector<16xf32>
          %mul3A_1478 = arith.mulf %gather3A_1350, %bitcast_convert_type3A_1465 : vector<16xf32>
          %mul3A_1479 = arith.mulf %gather3A_1353, %bitcast_convert_type3A_1469 : vector<16xf32>
          %add3A_1480 = arith.addf %mul3A_1478, %mul3A_1479 : vector<16xf32>
          %mul3A_1481 = arith.mulf %gather3A_1356, %bitcast_convert_type3A_1473 : vector<16xf32>
          %add3A_1482 = arith.addf %add3A_1480, %mul3A_1481 : vector<16xf32>
          %mul3A_1483 = arith.mulf %gather3A_1359, %bitcast_convert_type3A_1477 : vector<16xf32>
          %add3A_1484 = arith.addf %add3A_1482, %mul3A_1483 : vector<16xf32>
          %swap3A_1485 = arith.constant 1 : i32
          %swap3A_1486 = arith.index_cast %swap3A_1485 : i32 to index
          %swap3A_1487 = arith.index_cast %add3A_1345 : i32 to index
          %swap3A_1488 = arith.constant 32 : index
          %swap3A_1489 = tpu.vector_load %arg17[%swap3A_1486, %swap3A_1487, %swap3A_1488] {strides = array<i32>} : memref<2x40x128xf32, #tpu.memory_space<vmem>>, vector<1x1x16xf32>,
          %swap3A_1490 = vector.shape_cast %swap3A_1489 : vector<1x1x16xf32> to vector<16xf32>
          %swap3A_1491 = vector.shape_cast %add3A_1484 : vector<16xf32> to vector<1x1x16xf32>
          tpu.vector_store %arg17[%swap3A_1486, %swap3A_1487, %swap3A_1488], %swap3A_1491 {strides = array<i32>} : memref<2x40x128xf32, #tpu.memory_space<vmem>>, vector<1x1x16xf32>,
          %get3A_1492 = arith.constant 1 : i32
          %get3A_1493 = arith.index_cast %get3A_1492 : i32 to index
          %get3A_1494 = arith.index_cast %add3A_1345 : i32 to index
          %get3A_1495 = arith.constant 48 : index
          %get3A_1496 = tpu.vector_load %arg16[%get3A_1493, %get3A_1494, %get3A_1495] {strides = array<i32>} : memref<2x80x128xi32, #tpu.memory_space<vmem>>, vector<1x1x16xi32>,
          %get3A_1497 = vector.shape_cast %get3A_1496 : vector<1x1x16xi32> to vector<16xi32>
          %add3A_1498 = arith.constant 40 : i32
          %add3A_1499 = arith.addi %add3A_1498, %add3A_1345 : i32
          %get3A_1500 = arith.constant 1 : i32
          %get3A_1501 = arith.index_cast %get3A_1500 : i32 to index
          %get3A_1502 = arith.index_cast %add3A_1499 : i32 to index
          %get3A_1503 = arith.constant 48 : index
          %get3A_1504 = tpu.vector_load %arg16[%get3A_1501, %get3A_1502, %get3A_1503] {strides = array<i32>} : memref<2x80x128xi32, #tpu.memory_space<vmem>>, vector<1x1x16xi32>,
          %get3A_1505 = vector.shape_cast %get3A_1504 : vector<1x1x16xi32> to vector<16xi32>
          %shift_left3A_1506 = arith.constant 16 : i32
          %shift_left3A_1507 = vector.broadcast %shift_left3A_1506 : i32 to vector<16xi32>
          %shift_left3A_1508 = arith.shli %get3A_1497, %shift_left3A_1507 : vector<16xi32>
          %bitcast_convert_type3A_1509 = tpu.bitcast %shift_left3A_1508 : vector<16xi32> -> vector<16xf32>
          %and3A_1510 = arith.constant -65536 : i32
          %and3A_1511 = vector.broadcast %and3A_1510 : i32 to vector<16xi32>
          %and3A_1512 = arith.andi %get3A_1497, %and3A_1511 : vector<16xi32>
          %bitcast_convert_type3A_1513 = tpu.bitcast %and3A_1512 : vector<16xi32> -> vector<16xf32>
          %shift_left3A_1514 = arith.constant 16 : i32
          %shift_left3A_1515 = vector.broadcast %shift_left3A_1514 : i32 to vector<16xi32>
          %shift_left3A_1516 = arith.shli %get3A_1505, %shift_left3A_1515 : vector<16xi32>
          %bitcast_convert_type3A_1517 = tpu.bitcast %shift_left3A_1516 : vector<16xi32> -> vector<16xf32>
          %and3A_1518 = arith.constant -65536 : i32
          %and3A_1519 = vector.broadcast %and3A_1518 : i32 to vector<16xi32>
          %and3A_1520 = arith.andi %get3A_1505, %and3A_1519 : vector<16xi32>
          %bitcast_convert_type3A_1521 = tpu.bitcast %and3A_1520 : vector<16xi32> -> vector<16xf32>
          %mul3A_1522 = arith.mulf %gather3A_1350, %bitcast_convert_type3A_1509 : vector<16xf32>
          %mul3A_1523 = arith.mulf %gather3A_1353, %bitcast_convert_type3A_1513 : vector<16xf32>
          %add3A_1524 = arith.addf %mul3A_1522, %mul3A_1523 : vector<16xf32>
          %mul3A_1525 = arith.mulf %gather3A_1356, %bitcast_convert_type3A_1517 : vector<16xf32>
          %add3A_1526 = arith.addf %add3A_1524, %mul3A_1525 : vector<16xf32>
          %mul3A_1527 = arith.mulf %gather3A_1359, %bitcast_convert_type3A_1521 : vector<16xf32>
          %add3A_1528 = arith.addf %add3A_1526, %mul3A_1527 : vector<16xf32>
          %swap3A_1529 = arith.constant 1 : i32
          %swap3A_1530 = arith.index_cast %swap3A_1529 : i32 to index
          %swap3A_1531 = arith.index_cast %add3A_1345 : i32 to index
          %swap3A_1532 = arith.constant 48 : index
          %swap3A_1533 = tpu.vector_load %arg17[%swap3A_1530, %swap3A_1531, %swap3A_1532] {strides = array<i32>} : memref<2x40x128xf32, #tpu.memory_space<vmem>>, vector<1x1x16xf32>,
          %swap3A_1534 = vector.shape_cast %swap3A_1533 : vector<1x1x16xf32> to vector<16xf32>
          %swap3A_1535 = vector.shape_cast %add3A_1528 : vector<16xf32> to vector<1x1x16xf32>
          tpu.vector_store %arg17[%swap3A_1530, %swap3A_1531, %swap3A_1532], %swap3A_1535 {strides = array<i32>} : memref<2x40x128xf32, #tpu.memory_space<vmem>>, vector<1x1x16xf32>,
          %get3A_1536 = arith.constant 1 : i32
          %get3A_1537 = arith.index_cast %get3A_1536 : i32 to index
          %get3A_1538 = arith.index_cast %add3A_1345 : i32 to index
          %get3A_1539 = arith.constant 64 : index
          %get3A_1540 = tpu.vector_load %arg16[%get3A_1537, %get3A_1538, %get3A_1539] {strides = array<i32>} : memref<2x80x128xi32, #tpu.memory_space<vmem>>, vector<1x1x16xi32>,
          %get3A_1541 = vector.shape_cast %get3A_1540 : vector<1x1x16xi32> to vector<16xi32>
          %add3A_1542 = arith.constant 40 : i32
          %add3A_1543 = arith.addi %add3A_1542, %add3A_1345 : i32
          %get3A_1544 = arith.constant 1 : i32
          %get3A_1545 = arith.index_cast %get3A_1544 : i32 to index
          %get3A_1546 = arith.index_cast %add3A_1543 : i32 to index
          %get3A_1547 = arith.constant 64 : index
          %get3A_1548 = tpu.vector_load %arg16[%get3A_1545, %get3A_1546, %get3A_1547] {strides = array<i32>} : memref<2x80x128xi32, #tpu.memory_space<vmem>>, vector<1x1x16xi32>,
          %get3A_1549 = vector.shape_cast %get3A_1548 : vector<1x1x16xi32> to vector<16xi32>
          %shift_left3A_1550 = arith.constant 16 : i32
          %shift_left3A_1551 = vector.broadcast %shift_left3A_1550 : i32 to vector<16xi32>
          %shift_left3A_1552 = arith.shli %get3A_1541, %shift_left3A_1551 : vector<16xi32>
          %bitcast_convert_type3A_1553 = tpu.bitcast %shift_left3A_1552 : vector<16xi32> -> vector<16xf32>
          %and3A_1554 = arith.constant -65536 : i32
          %and3A_1555 = vector.broadcast %and3A_1554 : i32 to vector<16xi32>
          %and3A_1556 = arith.andi %get3A_1541, %and3A_1555 : vector<16xi32>
          %bitcast_convert_type3A_1557 = tpu.bitcast %and3A_1556 : vector<16xi32> -> vector<16xf32>
          %shift_left3A_1558 = arith.constant 16 : i32
          %shift_left3A_1559 = vector.broadcast %shift_left3A_1558 : i32 to vector<16xi32>
          %shift_left3A_1560 = arith.shli %get3A_1549, %shift_left3A_1559 : vector<16xi32>
          %bitcast_convert_type3A_1561 = tpu.bitcast %shift_left3A_1560 : vector<16xi32> -> vector<16xf32>
          %and3A_1562 = arith.constant -65536 : i32
          %and3A_1563 = vector.broadcast %and3A_1562 : i32 to vector<16xi32>
          %and3A_1564 = arith.andi %get3A_1549, %and3A_1563 : vector<16xi32>
          %bitcast_convert_type3A_1565 = tpu.bitcast %and3A_1564 : vector<16xi32> -> vector<16xf32>
          %mul3A_1566 = arith.mulf %gather3A_1350, %bitcast_convert_type3A_1553 : vector<16xf32>
          %mul3A_1567 = arith.mulf %gather3A_1353, %bitcast_convert_type3A_1557 : vector<16xf32>
          %add3A_1568 = arith.addf %mul3A_1566, %mul3A_1567 : vector<16xf32>
          %mul3A_1569 = arith.mulf %gather3A_1356, %bitcast_convert_type3A_1561 : vector<16xf32>
          %add3A_1570 = arith.addf %add3A_1568, %mul3A_1569 : vector<16xf32>
          %mul3A_1571 = arith.mulf %gather3A_1359, %bitcast_convert_type3A_1565 : vector<16xf32>
          %add3A_1572 = arith.addf %add3A_1570, %mul3A_1571 : vector<16xf32>
          %swap3A_1573 = arith.constant 1 : i32
          %swap3A_1574 = arith.index_cast %swap3A_1573 : i32 to index
          %swap3A_1575 = arith.index_cast %add3A_1345 : i32 to index
          %swap3A_1576 = arith.constant 64 : index
          %swap3A_1577 = tpu.vector_load %arg17[%swap3A_1574, %swap3A_1575, %swap3A_1576] {strides = array<i32>} : memref<2x40x128xf32, #tpu.memory_space<vmem>>, vector<1x1x16xf32>,
          %swap3A_1578 = vector.shape_cast %swap3A_1577 : vector<1x1x16xf32> to vector<16xf32>
          %swap3A_1579 = vector.shape_cast %add3A_1572 : vector<16xf32> to vector<1x1x16xf32>
          tpu.vector_store %arg17[%swap3A_1574, %swap3A_1575, %swap3A_1576], %swap3A_1579 {strides = array<i32>} : memref<2x40x128xf32, #tpu.memory_space<vmem>>, vector<1x1x16xf32>,
          %get3A_1580 = arith.constant 1 : i32
          %get3A_1581 = arith.index_cast %get3A_1580 : i32 to index
          %get3A_1582 = arith.index_cast %add3A_1345 : i32 to index
          %get3A_1583 = arith.constant 80 : index
          %get3A_1584 = tpu.vector_load %arg16[%get3A_1581, %get3A_1582, %get3A_1583] {strides = array<i32>} : memref<2x80x128xi32, #tpu.memory_space<vmem>>, vector<1x1x16xi32>,
          %get3A_1585 = vector.shape_cast %get3A_1584 : vector<1x1x16xi32> to vector<16xi32>
          %add3A_1586 = arith.constant 40 : i32
          %add3A_1587 = arith.addi %add3A_1586, %add3A_1345 : i32
          %get3A_1588 = arith.constant 1 : i32
          %get3A_1589 = arith.index_cast %get3A_1588 : i32 to index
          %get3A_1590 = arith.index_cast %add3A_1587 : i32 to index
          %get3A_1591 = arith.constant 80 : index
          %get3A_1592 = tpu.vector_load %arg16[%get3A_1589, %get3A_1590, %get3A_1591] {strides = array<i32>} : memref<2x80x128xi32, #tpu.memory_space<vmem>>, vector<1x1x16xi32>,
          %get3A_1593 = vector.shape_cast %get3A_1592 : vector<1x1x16xi32> to vector<16xi32>
          %shift_left3A_1594 = arith.constant 16 : i32
          %shift_left3A_1595 = vector.broadcast %shift_left3A_1594 : i32 to vector<16xi32>
          %shift_left3A_1596 = arith.shli %get3A_1585, %shift_left3A_1595 : vector<16xi32>
          %bitcast_convert_type3A_1597 = tpu.bitcast %shift_left3A_1596 : vector<16xi32> -> vector<16xf32>
          %and3A_1598 = arith.constant -65536 : i32
          %and3A_1599 = vector.broadcast %and3A_1598 : i32 to vector<16xi32>
          %and3A_1600 = arith.andi %get3A_1585, %and3A_1599 : vector<16xi32>
          %bitcast_convert_type3A_1601 = tpu.bitcast %and3A_1600 : vector<16xi32> -> vector<16xf32>
          %shift_left3A_1602 = arith.constant 16 : i32
          %shift_left3A_1603 = vector.broadcast %shift_left3A_1602 : i32 to vector<16xi32>
          %shift_left3A_1604 = arith.shli %get3A_1593, %shift_left3A_1603 : vector<16xi32>
          %bitcast_convert_type3A_1605 = tpu.bitcast %shift_left3A_1604 : vector<16xi32> -> vector<16xf32>
          %and3A_1606 = arith.constant -65536 : i32
          %and3A_1607 = vector.broadcast %and3A_1606 : i32 to vector<16xi32>
          %and3A_1608 = arith.andi %get3A_1593, %and3A_1607 : vector<16xi32>
          %bitcast_convert_type3A_1609 = tpu.bitcast %and3A_1608 : vector<16xi32> -> vector<16xf32>
          %mul3A_1610 = arith.mulf %gather3A_1350, %bitcast_convert_type3A_1597 : vector<16xf32>
          %mul3A_1611 = arith.mulf %gather3A_1353, %bitcast_convert_type3A_1601 : vector<16xf32>
          %add3A_1612 = arith.addf %mul3A_1610, %mul3A_1611 : vector<16xf32>
          %mul3A_1613 = arith.mulf %gather3A_1356, %bitcast_convert_type3A_1605 : vector<16xf32>
          %add3A_1614 = arith.addf %add3A_1612, %mul3A_1613 : vector<16xf32>
          %mul3A_1615 = arith.mulf %gather3A_1359, %bitcast_convert_type3A_1609 : vector<16xf32>
          %add3A_1616 = arith.addf %add3A_1614, %mul3A_1615 : vector<16xf32>
          %swap3A_1617 = arith.constant 1 : i32
          %swap3A_1618 = arith.index_cast %swap3A_1617 : i32 to index
          %swap3A_1619 = arith.index_cast %add3A_1345 : i32 to index
          %swap3A_1620 = arith.constant 80 : index
          %swap3A_1621 = tpu.vector_load %arg17[%swap3A_1618, %swap3A_1619, %swap3A_1620] {strides = array<i32>} : memref<2x40x128xf32, #tpu.memory_space<vmem>>, vector<1x1x16xf32>,
          %swap3A_1622 = vector.shape_cast %swap3A_1621 : vector<1x1x16xf32> to vector<16xf32>
          %swap3A_1623 = vector.shape_cast %add3A_1616 : vector<16xf32> to vector<1x1x16xf32>
          tpu.vector_store %arg17[%swap3A_1618, %swap3A_1619, %swap3A_1620], %swap3A_1623 {strides = array<i32>} : memref<2x40x128xf32, #tpu.memory_space<vmem>>, vector<1x1x16xf32>,
          %get3A_1624 = arith.constant 1 : i32
          %get3A_1625 = arith.index_cast %get3A_1624 : i32 to index
          %get3A_1626 = arith.index_cast %add3A_1345 : i32 to index
          %get3A_1627 = arith.constant 96 : index
          %get3A_1628 = tpu.vector_load %arg16[%get3A_1625, %get3A_1626, %get3A_1627] {strides = array<i32>} : memref<2x80x128xi32, #tpu.memory_space<vmem>>, vector<1x1x16xi32>,
          %get3A_1629 = vector.shape_cast %get3A_1628 : vector<1x1x16xi32> to vector<16xi32>
          %add3A_1630 = arith.constant 40 : i32
          %add3A_1631 = arith.addi %add3A_1630, %add3A_1345 : i32
          %get3A_1632 = arith.constant 1 : i32
          %get3A_1633 = arith.index_cast %get3A_1632 : i32 to index
          %get3A_1634 = arith.index_cast %add3A_1631 : i32 to index
          %get3A_1635 = arith.constant 96 : index
          %get3A_1636 = tpu.vector_load %arg16[%get3A_1633, %get3A_1634, %get3A_1635] {strides = array<i32>} : memref<2x80x128xi32, #tpu.memory_space<vmem>>, vector<1x1x16xi32>,
          %get3A_1637 = vector.shape_cast %get3A_1636 : vector<1x1x16xi32> to vector<16xi32>
          %shift_left3A_1638 = arith.constant 16 : i32
          %shift_left3A_1639 = vector.broadcast %shift_left3A_1638 : i32 to vector<16xi32>
          %shift_left3A_1640 = arith.shli %get3A_1629, %shift_left3A_1639 : vector<16xi32>
          %bitcast_convert_type3A_1641 = tpu.bitcast %shift_left3A_1640 : vector<16xi32> -> vector<16xf32>
          %and3A_1642 = arith.constant -65536 : i32
          %and3A_1643 = vector.broadcast %and3A_1642 : i32 to vector<16xi32>
          %and3A_1644 = arith.andi %get3A_1629, %and3A_1643 : vector<16xi32>
          %bitcast_convert_type3A_1645 = tpu.bitcast %and3A_1644 : vector<16xi32> -> vector<16xf32>
          %shift_left3A_1646 = arith.constant 16 : i32
          %shift_left3A_1647 = vector.broadcast %shift_left3A_1646 : i32 to vector<16xi32>
          %shift_left3A_1648 = arith.shli %get3A_1637, %shift_left3A_1647 : vector<16xi32>
          %bitcast_convert_type3A_1649 = tpu.bitcast %shift_left3A_1648 : vector<16xi32> -> vector<16xf32>
          %and3A_1650 = arith.constant -65536 : i32
          %and3A_1651 = vector.broadcast %and3A_1650 : i32 to vector<16xi32>
          %and3A_1652 = arith.andi %get3A_1637, %and3A_1651 : vector<16xi32>
          %bitcast_convert_type3A_1653 = tpu.bitcast %and3A_1652 : vector<16xi32> -> vector<16xf32>
          %mul3A_1654 = arith.mulf %gather3A_1350, %bitcast_convert_type3A_1641 : vector<16xf32>
          %mul3A_1655 = arith.mulf %gather3A_1353, %bitcast_convert_type3A_1645 : vector<16xf32>
          %add3A_1656 = arith.addf %mul3A_1654, %mul3A_1655 : vector<16xf32>
          %mul3A_1657 = arith.mulf %gather3A_1356, %bitcast_convert_type3A_1649 : vector<16xf32>
          %add3A_1658 = arith.addf %add3A_1656, %mul3A_1657 : vector<16xf32>
          %mul3A_1659 = arith.mulf %gather3A_1359, %bitcast_convert_type3A_1653 : vector<16xf32>
          %add3A_1660 = arith.addf %add3A_1658, %mul3A_1659 : vector<16xf32>
          %swap3A_1661 = arith.constant 1 : i32
          %swap3A_1662 = arith.index_cast %swap3A_1661 : i32 to index
          %swap3A_1663 = arith.index_cast %add3A_1345 : i32 to index
          %swap3A_1664 = arith.constant 96 : index
          %swap3A_1665 = tpu.vector_load %arg17[%swap3A_1662, %swap3A_1663, %swap3A_1664] {strides = array<i32>} : memref<2x40x128xf32, #tpu.memory_space<vmem>>, vector<1x1x16xf32>,
          %swap3A_1666 = vector.shape_cast %swap3A_1665 : vector<1x1x16xf32> to vector<16xf32>
          %swap3A_1667 = vector.shape_cast %add3A_1660 : vector<16xf32> to vector<1x1x16xf32>
          tpu.vector_store %arg17[%swap3A_1662, %swap3A_1663, %swap3A_1664], %swap3A_1667 {strides = array<i32>} : memref<2x40x128xf32, #tpu.memory_space<vmem>>, vector<1x1x16xf32>,
          %get3A_1668 = arith.constant 1 : i32
          %get3A_1669 = arith.index_cast %get3A_1668 : i32 to index
          %get3A_1670 = arith.index_cast %add3A_1345 : i32 to index
          %get3A_1671 = arith.constant 112 : index
          %get3A_1672 = tpu.vector_load %arg16[%get3A_1669, %get3A_1670, %get3A_1671] {strides = array<i32>} : memref<2x80x128xi32, #tpu.memory_space<vmem>>, vector<1x1x16xi32>,
          %get3A_1673 = vector.shape_cast %get3A_1672 : vector<1x1x16xi32> to vector<16xi32>
          %add3A_1674 = arith.constant 40 : i32
          %add3A_1675 = arith.addi %add3A_1674, %add3A_1345 : i32
          %get3A_1676 = arith.constant 1 : i32
          %get3A_1677 = arith.index_cast %get3A_1676 : i32 to index
          %get3A_1678 = arith.index_cast %add3A_1675 : i32 to index
          %get3A_1679 = arith.constant 112 : index
          %get3A_1680 = tpu.vector_load %arg16[%get3A_1677, %get3A_1678, %get3A_1679] {strides = array<i32>} : memref<2x80x128xi32, #tpu.memory_space<vmem>>, vector<1x1x16xi32>,
          %get3A_1681 = vector.shape_cast %get3A_1680 : vector<1x1x16xi32> to vector<16xi32>
          %shift_left3A_1682 = arith.constant 16 : i32
          %shift_left3A_1683 = vector.broadcast %shift_left3A_1682 : i32 to vector<16xi32>
          %shift_left3A_1684 = arith.shli %get3A_1673, %shift_left3A_1683 : vector<16xi32>
          %bitcast_convert_type3A_1685 = tpu.bitcast %shift_left3A_1684 : vector<16xi32> -> vector<16xf32>
          %and3A_1686 = arith.constant -65536 : i32
          %and3A_1687 = vector.broadcast %and3A_1686 : i32 to vector<16xi32>
          %and3A_1688 = arith.andi %get3A_1673, %and3A_1687 : vector<16xi32>
          %bitcast_convert_type3A_1689 = tpu.bitcast %and3A_1688 : vector<16xi32> -> vector<16xf32>
          %shift_left3A_1690 = arith.constant 16 : i32
          %shift_left3A_1691 = vector.broadcast %shift_left3A_1690 : i32 to vector<16xi32>
          %shift_left3A_1692 = arith.shli %get3A_1681, %shift_left3A_1691 : vector<16xi32>
          %bitcast_convert_type3A_1693 = tpu.bitcast %shift_left3A_1692 : vector<16xi32> -> vector<16xf32>
          %and3A_1694 = arith.constant -65536 : i32
          %and3A_1695 = vector.broadcast %and3A_1694 : i32 to vector<16xi32>
          %and3A_1696 = arith.andi %get3A_1681, %and3A_1695 : vector<16xi32>
          %bitcast_convert_type3A_1697 = tpu.bitcast %and3A_1696 : vector<16xi32> -> vector<16xf32>
          %mul3A_1698 = arith.mulf %gather3A_1350, %bitcast_convert_type3A_1685 : vector<16xf32>
          %mul3A_1699 = arith.mulf %gather3A_1353, %bitcast_convert_type3A_1689 : vector<16xf32>
          %add3A_1700 = arith.addf %mul3A_1698, %mul3A_1699 : vector<16xf32>
          %mul3A_1701 = arith.mulf %gather3A_1356, %bitcast_convert_type3A_1693 : vector<16xf32>
          %add3A_1702 = arith.addf %add3A_1700, %mul3A_1701 : vector<16xf32>
          %mul3A_1703 = arith.mulf %gather3A_1359, %bitcast_convert_type3A_1697 : vector<16xf32>
          %add3A_1704 = arith.addf %add3A_1702, %mul3A_1703 : vector<16xf32>
          %swap3A_1705 = arith.constant 1 : i32
          %swap3A_1706 = arith.index_cast %swap3A_1705 : i32 to index
          %swap3A_1707 = arith.index_cast %add3A_1345 : i32 to index
          %swap3A_1708 = arith.constant 112 : index
          %swap3A_1709 = tpu.vector_load %arg17[%swap3A_1706, %swap3A_1707, %swap3A_1708] {strides = array<i32>} : memref<2x40x128xf32, #tpu.memory_space<vmem>>, vector<1x1x16xf32>,
          %swap3A_1710 = vector.shape_cast %swap3A_1709 : vector<1x1x16xf32> to vector<16xf32>
          %swap3A_1711 = vector.shape_cast %add3A_1704 : vector<16xf32> to vector<1x1x16xf32>
          tpu.vector_store %arg17[%swap3A_1706, %swap3A_1707, %swap3A_1708], %swap3A_1711 {strides = array<i32>} : memref<2x40x128xf32, #tpu.memory_space<vmem>>, vector<1x1x16xf32>,
          %add3A_1712 = arith.constant 3 : i32
          %add3A_1713 = arith.addi %mul3A_538, %add3A_1712 : i32
          %add3A_1714 = arith.constant 3 : i32
          %add3A_1715 = arith.addi %mul3A_590, %add3A_1714 : i32
          %broadcast_in_dim3A_1716 = vector.broadcast %add3A_1715 : i32 to vector<16x1xi32>
          %gather3A_1717 = vector.shape_cast %broadcast_in_dim3A_1716 : vector<16x1xi32> to vector<16xi32>
          %gather3A_1718 = tpu.dynamic_gather %get3A_596[%gather3A_1717] in [0] : vector<16xf32>, vector<16xi32> -> vector<16xf32>
          %broadcast_in_dim3A_1719 = vector.broadcast %add3A_1715 : i32 to vector<16x1xi32>
          %gather3A_1720 = vector.shape_cast %broadcast_in_dim3A_1719 : vector<16x1xi32> to vector<16xi32>
          %gather3A_1721 = tpu.dynamic_gather %get3A_601[%gather3A_1720] in [0] : vector<16xf32>, vector<16xi32> -> vector<16xf32>
          %broadcast_in_dim3A_1722 = vector.broadcast %add3A_1715 : i32 to vector<16x1xi32>
          %gather3A_1723 = vector.shape_cast %broadcast_in_dim3A_1722 : vector<16x1xi32> to vector<16xi32>
          %gather3A_1724 = tpu.dynamic_gather %get3A_606[%gather3A_1723] in [0] : vector<16xf32>, vector<16xi32> -> vector<16xf32>
          %broadcast_in_dim3A_1725 = vector.broadcast %add3A_1715 : i32 to vector<16x1xi32>
          %gather3A_1726 = vector.shape_cast %broadcast_in_dim3A_1725 : vector<16x1xi32> to vector<16xi32>
          %gather3A_1727 = tpu.dynamic_gather %get3A_611[%gather3A_1726] in [0] : vector<16xf32>, vector<16xi32> -> vector<16xf32>
          %get3A_1728 = arith.constant 1 : i32
          %get3A_1729 = arith.index_cast %get3A_1728 : i32 to index
          %get3A_1730 = arith.index_cast %add3A_1713 : i32 to index
          %get3A_1731 = arith.constant 0 : index
          %get3A_1732 = tpu.vector_load %arg16[%get3A_1729, %get3A_1730, %get3A_1731] {strides = array<i32>} : memref<2x80x128xi32, #tpu.memory_space<vmem>>, vector<1x1x16xi32>,
          %get3A_1733 = vector.shape_cast %get3A_1732 : vector<1x1x16xi32> to vector<16xi32>
          %add3A_1734 = arith.constant 40 : i32
          %add3A_1735 = arith.addi %add3A_1734, %add3A_1713 : i32
          %get3A_1736 = arith.constant 1 : i32
          %get3A_1737 = arith.index_cast %get3A_1736 : i32 to index
          %get3A_1738 = arith.index_cast %add3A_1735 : i32 to index
          %get3A_1739 = arith.constant 0 : index
          %get3A_1740 = tpu.vector_load %arg16[%get3A_1737, %get3A_1738, %get3A_1739] {strides = array<i32>} : memref<2x80x128xi32, #tpu.memory_space<vmem>>, vector<1x1x16xi32>,
          %get3A_1741 = vector.shape_cast %get3A_1740 : vector<1x1x16xi32> to vector<16xi32>
          %shift_left3A_1742 = arith.constant 16 : i32
          %shift_left3A_1743 = vector.broadcast %shift_left3A_1742 : i32 to vector<16xi32>
          %shift_left3A_1744 = arith.shli %get3A_1733, %shift_left3A_1743 : vector<16xi32>
          %bitcast_convert_type3A_1745 = tpu.bitcast %shift_left3A_1744 : vector<16xi32> -> vector<16xf32>
          %and3A_1746 = arith.constant -65536 : i32
          %and3A_1747 = vector.broadcast %and3A_1746 : i32 to vector<16xi32>
          %and3A_1748 = arith.andi %get3A_1733, %and3A_1747 : vector<16xi32>
          %bitcast_convert_type3A_1749 = tpu.bitcast %and3A_1748 : vector<16xi32> -> vector<16xf32>
          %shift_left3A_1750 = arith.constant 16 : i32
          %shift_left3A_1751 = vector.broadcast %shift_left3A_1750 : i32 to vector<16xi32>
          %shift_left3A_1752 = arith.shli %get3A_1741, %shift_left3A_1751 : vector<16xi32>
          %bitcast_convert_type3A_1753 = tpu.bitcast %shift_left3A_1752 : vector<16xi32> -> vector<16xf32>
          %and3A_1754 = arith.constant -65536 : i32
          %and3A_1755 = vector.broadcast %and3A_1754 : i32 to vector<16xi32>
          %and3A_1756 = arith.andi %get3A_1741, %and3A_1755 : vector<16xi32>
          %bitcast_convert_type3A_1757 = tpu.bitcast %and3A_1756 : vector<16xi32> -> vector<16xf32>
          %mul3A_1758 = arith.mulf %gather3A_1718, %bitcast_convert_type3A_1745 : vector<16xf32>
          %mul3A_1759 = arith.mulf %gather3A_1721, %bitcast_convert_type3A_1749 : vector<16xf32>
          %add3A_1760 = arith.addf %mul3A_1758, %mul3A_1759 : vector<16xf32>
          %mul3A_1761 = arith.mulf %gather3A_1724, %bitcast_convert_type3A_1753 : vector<16xf32>
          %add3A_1762 = arith.addf %add3A_1760, %mul3A_1761 : vector<16xf32>
          %mul3A_1763 = arith.mulf %gather3A_1727, %bitcast_convert_type3A_1757 : vector<16xf32>
          %add3A_1764 = arith.addf %add3A_1762, %mul3A_1763 : vector<16xf32>
          %swap3A_1765 = arith.constant 1 : i32
          %swap3A_1766 = arith.index_cast %swap3A_1765 : i32 to index
          %swap3A_1767 = arith.index_cast %add3A_1713 : i32 to index
          %swap3A_1768 = arith.constant 0 : index
          %swap3A_1769 = tpu.vector_load %arg17[%swap3A_1766, %swap3A_1767, %swap3A_1768] {strides = array<i32>} : memref<2x40x128xf32, #tpu.memory_space<vmem>>, vector<1x1x16xf32>,
          %swap3A_1770 = vector.shape_cast %swap3A_1769 : vector<1x1x16xf32> to vector<16xf32>
          %swap3A_1771 = vector.shape_cast %add3A_1764 : vector<16xf32> to vector<1x1x16xf32>
          tpu.vector_store %arg17[%swap3A_1766, %swap3A_1767, %swap3A_1768], %swap3A_1771 {strides = array<i32>} : memref<2x40x128xf32, #tpu.memory_space<vmem>>, vector<1x1x16xf32>,
          %get3A_1772 = arith.constant 1 : i32
          %get3A_1773 = arith.index_cast %get3A_1772 : i32 to index
          %get3A_1774 = arith.index_cast %add3A_1713 : i32 to index
          %get3A_1775 = arith.constant 16 : index
          %get3A_1776 = tpu.vector_load %arg16[%get3A_1773, %get3A_1774, %get3A_1775] {strides = array<i32>} : memref<2x80x128xi32, #tpu.memory_space<vmem>>, vector<1x1x16xi32>,
          %get3A_1777 = vector.shape_cast %get3A_1776 : vector<1x1x16xi32> to vector<16xi32>
          %add3A_1778 = arith.constant 40 : i32
          %add3A_1779 = arith.addi %add3A_1778, %add3A_1713 : i32
          %get3A_1780 = arith.constant 1 : i32
          %get3A_1781 = arith.index_cast %get3A_1780 : i32 to index
          %get3A_1782 = arith.index_cast %add3A_1779 : i32 to index
          %get3A_1783 = arith.constant 16 : index
          %get3A_1784 = tpu.vector_load %arg16[%get3A_1781, %get3A_1782, %get3A_1783] {strides = array<i32>} : memref<2x80x128xi32, #tpu.memory_space<vmem>>, vector<1x1x16xi32>,
          %get3A_1785 = vector.shape_cast %get3A_1784 : vector<1x1x16xi32> to vector<16xi32>
          %shift_left3A_1786 = arith.constant 16 : i32
          %shift_left3A_1787 = vector.broadcast %shift_left3A_1786 : i32 to vector<16xi32>
          %shift_left3A_1788 = arith.shli %get3A_1777, %shift_left3A_1787 : vector<16xi32>
          %bitcast_convert_type3A_1789 = tpu.bitcast %shift_left3A_1788 : vector<16xi32> -> vector<16xf32>
          %and3A_1790 = arith.constant -65536 : i32
          %and3A_1791 = vector.broadcast %and3A_1790 : i32 to vector<16xi32>
          %and3A_1792 = arith.andi %get3A_1777, %and3A_1791 : vector<16xi32>
          %bitcast_convert_type3A_1793 = tpu.bitcast %and3A_1792 : vector<16xi32> -> vector<16xf32>
          %shift_left3A_1794 = arith.constant 16 : i32
          %shift_left3A_1795 = vector.broadcast %shift_left3A_1794 : i32 to vector<16xi32>
          %shift_left3A_1796 = arith.shli %get3A_1785, %shift_left3A_1795 : vector<16xi32>
          %bitcast_convert_type3A_1797 = tpu.bitcast %shift_left3A_1796 : vector<16xi32> -> vector<16xf32>
          %and3A_1798 = arith.constant -65536 : i32
          %and3A_1799 = vector.broadcast %and3A_1798 : i32 to vector<16xi32>
          %and3A_1800 = arith.andi %get3A_1785, %and3A_1799 : vector<16xi32>
          %bitcast_convert_type3A_1801 = tpu.bitcast %and3A_1800 : vector<16xi32> -> vector<16xf32>
          %mul3A_1802 = arith.mulf %gather3A_1718, %bitcast_convert_type3A_1789 : vector<16xf32>
          %mul3A_1803 = arith.mulf %gather3A_1721, %bitcast_convert_type3A_1793 : vector<16xf32>
          %add3A_1804 = arith.addf %mul3A_1802, %mul3A_1803 : vector<16xf32>
          %mul3A_1805 = arith.mulf %gather3A_1724, %bitcast_convert_type3A_1797 : vector<16xf32>
          %add3A_1806 = arith.addf %add3A_1804, %mul3A_1805 : vector<16xf32>
          %mul3A_1807 = arith.mulf %gather3A_1727, %bitcast_convert_type3A_1801 : vector<16xf32>
          %add3A_1808 = arith.addf %add3A_1806, %mul3A_1807 : vector<16xf32>
          %swap3A_1809 = arith.constant 1 : i32
          %swap3A_1810 = arith.index_cast %swap3A_1809 : i32 to index
          %swap3A_1811 = arith.index_cast %add3A_1713 : i32 to index
          %swap3A_1812 = arith.constant 16 : index
          %swap3A_1813 = tpu.vector_load %arg17[%swap3A_1810, %swap3A_1811, %swap3A_1812] {strides = array<i32>} : memref<2x40x128xf32, #tpu.memory_space<vmem>>, vector<1x1x16xf32>,
          %swap3A_1814 = vector.shape_cast %swap3A_1813 : vector<1x1x16xf32> to vector<16xf32>
          %swap3A_1815 = vector.shape_cast %add3A_1808 : vector<16xf32> to vector<1x1x16xf32>
          tpu.vector_store %arg17[%swap3A_1810, %swap3A_1811, %swap3A_1812], %swap3A_1815 {strides = array<i32>} : memref<2x40x128xf32, #tpu.memory_space<vmem>>, vector<1x1x16xf32>,
          %get3A_1816 = arith.constant 1 : i32
          %get3A_1817 = arith.index_cast %get3A_1816 : i32 to index
          %get3A_1818 = arith.index_cast %add3A_1713 : i32 to index
          %get3A_1819 = arith.constant 32 : index
          %get3A_1820 = tpu.vector_load %arg16[%get3A_1817, %get3A_1818, %get3A_1819] {strides = array<i32>} : memref<2x80x128xi32, #tpu.memory_space<vmem>>, vector<1x1x16xi32>,
          %get3A_1821 = vector.shape_cast %get3A_1820 : vector<1x1x16xi32> to vector<16xi32>
          %add3A_1822 = arith.constant 40 : i32
          %add3A_1823 = arith.addi %add3A_1822, %add3A_1713 : i32
          %get3A_1824 = arith.constant 1 : i32
          %get3A_1825 = arith.index_cast %get3A_1824 : i32 to index
          %get3A_1826 = arith.index_cast %add3A_1823 : i32 to index
          %get3A_1827 = arith.constant 32 : index
          %get3A_1828 = tpu.vector_load %arg16[%get3A_1825, %get3A_1826, %get3A_1827] {strides = array<i32>} : memref<2x80x128xi32, #tpu.memory_space<vmem>>, vector<1x1x16xi32>,
          %get3A_1829 = vector.shape_cast %get3A_1828 : vector<1x1x16xi32> to vector<16xi32>
          %shift_left3A_1830 = arith.constant 16 : i32
          %shift_left3A_1831 = vector.broadcast %shift_left3A_1830 : i32 to vector<16xi32>
          %shift_left3A_1832 = arith.shli %get3A_1821, %shift_left3A_1831 : vector<16xi32>
          %bitcast_convert_type3A_1833 = tpu.bitcast %shift_left3A_1832 : vector<16xi32> -> vector<16xf32>
          %and3A_1834 = arith.constant -65536 : i32
          %and3A_1835 = vector.broadcast %and3A_1834 : i32 to vector<16xi32>
          %and3A_1836 = arith.andi %get3A_1821, %and3A_1835 : vector<16xi32>
          %bitcast_convert_type3A_1837 = tpu.bitcast %and3A_1836 : vector<16xi32> -> vector<16xf32>
          %shift_left3A_1838 = arith.constant 16 : i32
          %shift_left3A_1839 = vector.broadcast %shift_left3A_1838 : i32 to vector<16xi32>
          %shift_left3A_1840 = arith.shli %get3A_1829, %shift_left3A_1839 : vector<16xi32>
          %bitcast_convert_type3A_1841 = tpu.bitcast %shift_left3A_1840 : vector<16xi32> -> vector<16xf32>
          %and3A_1842 = arith.constant -65536 : i32
          %and3A_1843 = vector.broadcast %and3A_1842 : i32 to vector<16xi32>
          %and3A_1844 = arith.andi %get3A_1829, %and3A_1843 : vector<16xi32>
          %bitcast_convert_type3A_1845 = tpu.bitcast %and3A_1844 : vector<16xi32> -> vector<16xf32>
          %mul3A_1846 = arith.mulf %gather3A_1718, %bitcast_convert_type3A_1833 : vector<16xf32>
          %mul3A_1847 = arith.mulf %gather3A_1721, %bitcast_convert_type3A_1837 : vector<16xf32>
          %add3A_1848 = arith.addf %mul3A_1846, %mul3A_1847 : vector<16xf32>
          %mul3A_1849 = arith.mulf %gather3A_1724, %bitcast_convert_type3A_1841 : vector<16xf32>
          %add3A_1850 = arith.addf %add3A_1848, %mul3A_1849 : vector<16xf32>
          %mul3A_1851 = arith.mulf %gather3A_1727, %bitcast_convert_type3A_1845 : vector<16xf32>
          %add3A_1852 = arith.addf %add3A_1850, %mul3A_1851 : vector<16xf32>
          %swap3A_1853 = arith.constant 1 : i32
          %swap3A_1854 = arith.index_cast %swap3A_1853 : i32 to index
          %swap3A_1855 = arith.index_cast %add3A_1713 : i32 to index
          %swap3A_1856 = arith.constant 32 : index
          %swap3A_1857 = tpu.vector_load %arg17[%swap3A_1854, %swap3A_1855, %swap3A_1856] {strides = array<i32>} : memref<2x40x128xf32, #tpu.memory_space<vmem>>, vector<1x1x16xf32>,
          %swap3A_1858 = vector.shape_cast %swap3A_1857 : vector<1x1x16xf32> to vector<16xf32>
          %swap3A_1859 = vector.shape_cast %add3A_1852 : vector<16xf32> to vector<1x1x16xf32>
          tpu.vector_store %arg17[%swap3A_1854, %swap3A_1855, %swap3A_1856], %swap3A_1859 {strides = array<i32>} : memref<2x40x128xf32, #tpu.memory_space<vmem>>, vector<1x1x16xf32>,
          %get3A_1860 = arith.constant 1 : i32
          %get3A_1861 = arith.index_cast %get3A_1860 : i32 to index
          %get3A_1862 = arith.index_cast %add3A_1713 : i32 to index
          %get3A_1863 = arith.constant 48 : index
          %get3A_1864 = tpu.vector_load %arg16[%get3A_1861, %get3A_1862, %get3A_1863] {strides = array<i32>} : memref<2x80x128xi32, #tpu.memory_space<vmem>>, vector<1x1x16xi32>,
          %get3A_1865 = vector.shape_cast %get3A_1864 : vector<1x1x16xi32> to vector<16xi32>
          %add3A_1866 = arith.constant 40 : i32
          %add3A_1867 = arith.addi %add3A_1866, %add3A_1713 : i32
          %get3A_1868 = arith.constant 1 : i32
          %get3A_1869 = arith.index_cast %get3A_1868 : i32 to index
          %get3A_1870 = arith.index_cast %add3A_1867 : i32 to index
          %get3A_1871 = arith.constant 48 : index
          %get3A_1872 = tpu.vector_load %arg16[%get3A_1869, %get3A_1870, %get3A_1871] {strides = array<i32>} : memref<2x80x128xi32, #tpu.memory_space<vmem>>, vector<1x1x16xi32>,
          %get3A_1873 = vector.shape_cast %get3A_1872 : vector<1x1x16xi32> to vector<16xi32>
          %shift_left3A_1874 = arith.constant 16 : i32
          %shift_left3A_1875 = vector.broadcast %shift_left3A_1874 : i32 to vector<16xi32>
          %shift_left3A_1876 = arith.shli %get3A_1865, %shift_left3A_1875 : vector<16xi32>
          %bitcast_convert_type3A_1877 = tpu.bitcast %shift_left3A_1876 : vector<16xi32> -> vector<16xf32>
          %and3A_1878 = arith.constant -65536 : i32
          %and3A_1879 = vector.broadcast %and3A_1878 : i32 to vector<16xi32>
          %and3A_1880 = arith.andi %get3A_1865, %and3A_1879 : vector<16xi32>
          %bitcast_convert_type3A_1881 = tpu.bitcast %and3A_1880 : vector<16xi32> -> vector<16xf32>
          %shift_left3A_1882 = arith.constant 16 : i32
          %shift_left3A_1883 = vector.broadcast %shift_left3A_1882 : i32 to vector<16xi32>
          %shift_left3A_1884 = arith.shli %get3A_1873, %shift_left3A_1883 : vector<16xi32>
          %bitcast_convert_type3A_1885 = tpu.bitcast %shift_left3A_1884 : vector<16xi32> -> vector<16xf32>
          %and3A_1886 = arith.constant -65536 : i32
          %and3A_1887 = vector.broadcast %and3A_1886 : i32 to vector<16xi32>
          %and3A_1888 = arith.andi %get3A_1873, %and3A_1887 : vector<16xi32>
          %bitcast_convert_type3A_1889 = tpu.bitcast %and3A_1888 : vector<16xi32> -> vector<16xf32>
          %mul3A_1890 = arith.mulf %gather3A_1718, %bitcast_convert_type3A_1877 : vector<16xf32>
          %mul3A_1891 = arith.mulf %gather3A_1721, %bitcast_convert_type3A_1881 : vector<16xf32>
          %add3A_1892 = arith.addf %mul3A_1890, %mul3A_1891 : vector<16xf32>
          %mul3A_1893 = arith.mulf %gather3A_1724, %bitcast_convert_type3A_1885 : vector<16xf32>
          %add3A_1894 = arith.addf %add3A_1892, %mul3A_1893 : vector<16xf32>
          %mul3A_1895 = arith.mulf %gather3A_1727, %bitcast_convert_type3A_1889 : vector<16xf32>
          %add3A_1896 = arith.addf %add3A_1894, %mul3A_1895 : vector<16xf32>
          %swap3A_1897 = arith.constant 1 : i32
          %swap3A_1898 = arith.index_cast %swap3A_1897 : i32 to index
          %swap3A_1899 = arith.index_cast %add3A_1713 : i32 to index
          %swap3A_1900 = arith.constant 48 : index
          %swap3A_1901 = tpu.vector_load %arg17[%swap3A_1898, %swap3A_1899, %swap3A_1900] {strides = array<i32>} : memref<2x40x128xf32, #tpu.memory_space<vmem>>, vector<1x1x16xf32>,
          %swap3A_1902 = vector.shape_cast %swap3A_1901 : vector<1x1x16xf32> to vector<16xf32>
          %swap3A_1903 = vector.shape_cast %add3A_1896 : vector<16xf32> to vector<1x1x16xf32>
          tpu.vector_store %arg17[%swap3A_1898, %swap3A_1899, %swap3A_1900], %swap3A_1903 {strides = array<i32>} : memref<2x40x128xf32, #tpu.memory_space<vmem>>, vector<1x1x16xf32>,
          %get3A_1904 = arith.constant 1 : i32
          %get3A_1905 = arith.index_cast %get3A_1904 : i32 to index
          %get3A_1906 = arith.index_cast %add3A_1713 : i32 to index
          %get3A_1907 = arith.constant 64 : index
          %get3A_1908 = tpu.vector_load %arg16[%get3A_1905, %get3A_1906, %get3A_1907] {strides = array<i32>} : memref<2x80x128xi32, #tpu.memory_space<vmem>>, vector<1x1x16xi32>,
          %get3A_1909 = vector.shape_cast %get3A_1908 : vector<1x1x16xi32> to vector<16xi32>
          %add3A_1910 = arith.constant 40 : i32
          %add3A_1911 = arith.addi %add3A_1910, %add3A_1713 : i32
          %get3A_1912 = arith.constant 1 : i32
          %get3A_1913 = arith.index_cast %get3A_1912 : i32 to index
          %get3A_1914 = arith.index_cast %add3A_1911 : i32 to index
          %get3A_1915 = arith.constant 64 : index
          %get3A_1916 = tpu.vector_load %arg16[%get3A_1913, %get3A_1914, %get3A_1915] {strides = array<i32>} : memref<2x80x128xi32, #tpu.memory_space<vmem>>, vector<1x1x16xi32>,
          %get3A_1917 = vector.shape_cast %get3A_1916 : vector<1x1x16xi32> to vector<16xi32>
          %shift_left3A_1918 = arith.constant 16 : i32
          %shift_left3A_1919 = vector.broadcast %shift_left3A_1918 : i32 to vector<16xi32>
          %shift_left3A_1920 = arith.shli %get3A_1909, %shift_left3A_1919 : vector<16xi32>
          %bitcast_convert_type3A_1921 = tpu.bitcast %shift_left3A_1920 : vector<16xi32> -> vector<16xf32>
          %and3A_1922 = arith.constant -65536 : i32
          %and3A_1923 = vector.broadcast %and3A_1922 : i32 to vector<16xi32>
          %and3A_1924 = arith.andi %get3A_1909, %and3A_1923 : vector<16xi32>
          %bitcast_convert_type3A_1925 = tpu.bitcast %and3A_1924 : vector<16xi32> -> vector<16xf32>
          %shift_left3A_1926 = arith.constant 16 : i32
          %shift_left3A_1927 = vector.broadcast %shift_left3A_1926 : i32 to vector<16xi32>
          %shift_left3A_1928 = arith.shli %get3A_1917, %shift_left3A_1927 : vector<16xi32>
          %bitcast_convert_type3A_1929 = tpu.bitcast %shift_left3A_1928 : vector<16xi32> -> vector<16xf32>
          %and3A_1930 = arith.constant -65536 : i32
          %and3A_1931 = vector.broadcast %and3A_1930 : i32 to vector<16xi32>
          %and3A_1932 = arith.andi %get3A_1917, %and3A_1931 : vector<16xi32>
          %bitcast_convert_type3A_1933 = tpu.bitcast %and3A_1932 : vector<16xi32> -> vector<16xf32>
          %mul3A_1934 = arith.mulf %gather3A_1718, %bitcast_convert_type3A_1921 : vector<16xf32>
          %mul3A_1935 = arith.mulf %gather3A_1721, %bitcast_convert_type3A_1925 : vector<16xf32>
          %add3A_1936 = arith.addf %mul3A_1934, %mul3A_1935 : vector<16xf32>
          %mul3A_1937 = arith.mulf %gather3A_1724, %bitcast_convert_type3A_1929 : vector<16xf32>
          %add3A_1938 = arith.addf %add3A_1936, %mul3A_1937 : vector<16xf32>
          %mul3A_1939 = arith.mulf %gather3A_1727, %bitcast_convert_type3A_1933 : vector<16xf32>
          %add3A_1940 = arith.addf %add3A_1938, %mul3A_1939 : vector<16xf32>
          %swap3A_1941 = arith.constant 1 : i32
          %swap3A_1942 = arith.index_cast %swap3A_1941 : i32 to index
          %swap3A_1943 = arith.index_cast %add3A_1713 : i32 to index
          %swap3A_1944 = arith.constant 64 : index
          %swap3A_1945 = tpu.vector_load %arg17[%swap3A_1942, %swap3A_1943, %swap3A_1944] {strides = array<i32>} : memref<2x40x128xf32, #tpu.memory_space<vmem>>, vector<1x1x16xf32>,
          %swap3A_1946 = vector.shape_cast %swap3A_1945 : vector<1x1x16xf32> to vector<16xf32>
          %swap3A_1947 = vector.shape_cast %add3A_1940 : vector<16xf32> to vector<1x1x16xf32>
          tpu.vector_store %arg17[%swap3A_1942, %swap3A_1943, %swap3A_1944], %swap3A_1947 {strides = array<i32>} : memref<2x40x128xf32, #tpu.memory_space<vmem>>, vector<1x1x16xf32>,
          %get3A_1948 = arith.constant 1 : i32
          %get3A_1949 = arith.index_cast %get3A_1948 : i32 to index
          %get3A_1950 = arith.index_cast %add3A_1713 : i32 to index
          %get3A_1951 = arith.constant 80 : index
          %get3A_1952 = tpu.vector_load %arg16[%get3A_1949, %get3A_1950, %get3A_1951] {strides = array<i32>} : memref<2x80x128xi32, #tpu.memory_space<vmem>>, vector<1x1x16xi32>,
          %get3A_1953 = vector.shape_cast %get3A_1952 : vector<1x1x16xi32> to vector<16xi32>
          %add3A_1954 = arith.constant 40 : i32
          %add3A_1955 = arith.addi %add3A_1954, %add3A_1713 : i32
          %get3A_1956 = arith.constant 1 : i32
          %get3A_1957 = arith.index_cast %get3A_1956 : i32 to index
          %get3A_1958 = arith.index_cast %add3A_1955 : i32 to index
          %get3A_1959 = arith.constant 80 : index
          %get3A_1960 = tpu.vector_load %arg16[%get3A_1957, %get3A_1958, %get3A_1959] {strides = array<i32>} : memref<2x80x128xi32, #tpu.memory_space<vmem>>, vector<1x1x16xi32>,
          %get3A_1961 = vector.shape_cast %get3A_1960 : vector<1x1x16xi32> to vector<16xi32>
          %shift_left3A_1962 = arith.constant 16 : i32
          %shift_left3A_1963 = vector.broadcast %shift_left3A_1962 : i32 to vector<16xi32>
          %shift_left3A_1964 = arith.shli %get3A_1953, %shift_left3A_1963 : vector<16xi32>
          %bitcast_convert_type3A_1965 = tpu.bitcast %shift_left3A_1964 : vector<16xi32> -> vector<16xf32>
          %and3A_1966 = arith.constant -65536 : i32
          %and3A_1967 = vector.broadcast %and3A_1966 : i32 to vector<16xi32>
          %and3A_1968 = arith.andi %get3A_1953, %and3A_1967 : vector<16xi32>
          %bitcast_convert_type3A_1969 = tpu.bitcast %and3A_1968 : vector<16xi32> -> vector<16xf32>
          %shift_left3A_1970 = arith.constant 16 : i32
          %shift_left3A_1971 = vector.broadcast %shift_left3A_1970 : i32 to vector<16xi32>
          %shift_left3A_1972 = arith.shli %get3A_1961, %shift_left3A_1971 : vector<16xi32>
          %bitcast_convert_type3A_1973 = tpu.bitcast %shift_left3A_1972 : vector<16xi32> -> vector<16xf32>
          %and3A_1974 = arith.constant -65536 : i32
          %and3A_1975 = vector.broadcast %and3A_1974 : i32 to vector<16xi32>
          %and3A_1976 = arith.andi %get3A_1961, %and3A_1975 : vector<16xi32>
          %bitcast_convert_type3A_1977 = tpu.bitcast %and3A_1976 : vector<16xi32> -> vector<16xf32>
          %mul3A_1978 = arith.mulf %gather3A_1718, %bitcast_convert_type3A_1965 : vector<16xf32>
          %mul3A_1979 = arith.mulf %gather3A_1721, %bitcast_convert_type3A_1969 : vector<16xf32>
          %add3A_1980 = arith.addf %mul3A_1978, %mul3A_1979 : vector<16xf32>
          %mul3A_1981 = arith.mulf %gather3A_1724, %bitcast_convert_type3A_1973 : vector<16xf32>
          %add3A_1982 = arith.addf %add3A_1980, %mul3A_1981 : vector<16xf32>
          %mul3A_1983 = arith.mulf %gather3A_1727, %bitcast_convert_type3A_1977 : vector<16xf32>
          %add3A_1984 = arith.addf %add3A_1982, %mul3A_1983 : vector<16xf32>
          %swap3A_1985 = arith.constant 1 : i32
          %swap3A_1986 = arith.index_cast %swap3A_1985 : i32 to index
          %swap3A_1987 = arith.index_cast %add3A_1713 : i32 to index
          %swap3A_1988 = arith.constant 80 : index
          %swap3A_1989 = tpu.vector_load %arg17[%swap3A_1986, %swap3A_1987, %swap3A_1988] {strides = array<i32>} : memref<2x40x128xf32, #tpu.memory_space<vmem>>, vector<1x1x16xf32>,
          %swap3A_1990 = vector.shape_cast %swap3A_1989 : vector<1x1x16xf32> to vector<16xf32>
          %swap3A_1991 = vector.shape_cast %add3A_1984 : vector<16xf32> to vector<1x1x16xf32>
          tpu.vector_store %arg17[%swap3A_1986, %swap3A_1987, %swap3A_1988], %swap3A_1991 {strides = array<i32>} : memref<2x40x128xf32, #tpu.memory_space<vmem>>, vector<1x1x16xf32>,
          %get3A_1992 = arith.constant 1 : i32
          %get3A_1993 = arith.index_cast %get3A_1992 : i32 to index
          %get3A_1994 = arith.index_cast %add3A_1713 : i32 to index
          %get3A_1995 = arith.constant 96 : index
          %get3A_1996 = tpu.vector_load %arg16[%get3A_1993, %get3A_1994, %get3A_1995] {strides = array<i32>} : memref<2x80x128xi32, #tpu.memory_space<vmem>>, vector<1x1x16xi32>,
          %get3A_1997 = vector.shape_cast %get3A_1996 : vector<1x1x16xi32> to vector<16xi32>
          %add3A_1998 = arith.constant 40 : i32
          %add3A_1999 = arith.addi %add3A_1998, %add3A_1713 : i32
          %get3A_2000 = arith.constant 1 : i32
          %get3A_2001 = arith.index_cast %get3A_2000 : i32 to index
          %get3A_2002 = arith.index_cast %add3A_1999 : i32 to index
          %get3A_2003 = arith.constant 96 : index
          %get3A_2004 = tpu.vector_load %arg16[%get3A_2001, %get3A_2002, %get3A_2003] {strides = array<i32>} : memref<2x80x128xi32, #tpu.memory_space<vmem>>, vector<1x1x16xi32>,
          %get3A_2005 = vector.shape_cast %get3A_2004 : vector<1x1x16xi32> to vector<16xi32>
          %shift_left3A_2006 = arith.constant 16 : i32
          %shift_left3A_2007 = vector.broadcast %shift_left3A_2006 : i32 to vector<16xi32>
          %shift_left3A_2008 = arith.shli %get3A_1997, %shift_left3A_2007 : vector<16xi32>
          %bitcast_convert_type3A_2009 = tpu.bitcast %shift_left3A_2008 : vector<16xi32> -> vector<16xf32>
          %and3A_2010 = arith.constant -65536 : i32
          %and3A_2011 = vector.broadcast %and3A_2010 : i32 to vector<16xi32>
          %and3A_2012 = arith.andi %get3A_1997, %and3A_2011 : vector<16xi32>
          %bitcast_convert_type3A_2013 = tpu.bitcast %and3A_2012 : vector<16xi32> -> vector<16xf32>
          %shift_left3A_2014 = arith.constant 16 : i32
          %shift_left3A_2015 = vector.broadcast %shift_left3A_2014 : i32 to vector<16xi32>
          %shift_left3A_2016 = arith.shli %get3A_2005, %shift_left3A_2015 : vector<16xi32>
          %bitcast_convert_type3A_2017 = tpu.bitcast %shift_left3A_2016 : vector<16xi32> -> vector<16xf32>
          %and3A_2018 = arith.constant -65536 : i32
          %and3A_2019 = vector.broadcast %and3A_2018 : i32 to vector<16xi32>
          %and3A_2020 = arith.andi %get3A_2005, %and3A_2019 : vector<16xi32>
          %bitcast_convert_type3A_2021 = tpu.bitcast %and3A_2020 : vector<16xi32> -> vector<16xf32>
          %mul3A_2022 = arith.mulf %gather3A_1718, %bitcast_convert_type3A_2009 : vector<16xf32>
          %mul3A_2023 = arith.mulf %gather3A_1721, %bitcast_convert_type3A_2013 : vector<16xf32>
          %add3A_2024 = arith.addf %mul3A_2022, %mul3A_2023 : vector<16xf32>
          %mul3A_2025 = arith.mulf %gather3A_1724, %bitcast_convert_type3A_2017 : vector<16xf32>
          %add3A_2026 = arith.addf %add3A_2024, %mul3A_2025 : vector<16xf32>
          %mul3A_2027 = arith.mulf %gather3A_1727, %bitcast_convert_type3A_2021 : vector<16xf32>
          %add3A_2028 = arith.addf %add3A_2026, %mul3A_2027 : vector<16xf32>
          %swap3A_2029 = arith.constant 1 : i32
          %swap3A_2030 = arith.index_cast %swap3A_2029 : i32 to index
          %swap3A_2031 = arith.index_cast %add3A_1713 : i32 to index
          %swap3A_2032 = arith.constant 96 : index
          %swap3A_2033 = tpu.vector_load %arg17[%swap3A_2030, %swap3A_2031, %swap3A_2032] {strides = array<i32>} : memref<2x40x128xf32, #tpu.memory_space<vmem>>, vector<1x1x16xf32>,
          %swap3A_2034 = vector.shape_cast %swap3A_2033 : vector<1x1x16xf32> to vector<16xf32>
          %swap3A_2035 = vector.shape_cast %add3A_2028 : vector<16xf32> to vector<1x1x16xf32>
          tpu.vector_store %arg17[%swap3A_2030, %swap3A_2031, %swap3A_2032], %swap3A_2035 {strides = array<i32>} : memref<2x40x128xf32, #tpu.memory_space<vmem>>, vector<1x1x16xf32>,
          %get3A_2036 = arith.constant 1 : i32
          %get3A_2037 = arith.index_cast %get3A_2036 : i32 to index
          %get3A_2038 = arith.index_cast %add3A_1713 : i32 to index
          %get3A_2039 = arith.constant 112 : index
          %get3A_2040 = tpu.vector_load %arg16[%get3A_2037, %get3A_2038, %get3A_2039] {strides = array<i32>} : memref<2x80x128xi32, #tpu.memory_space<vmem>>, vector<1x1x16xi32>,
          %get3A_2041 = vector.shape_cast %get3A_2040 : vector<1x1x16xi32> to vector<16xi32>
          %add3A_2042 = arith.constant 40 : i32
          %add3A_2043 = arith.addi %add3A_2042, %add3A_1713 : i32
          %get3A_2044 = arith.constant 1 : i32
          %get3A_2045 = arith.index_cast %get3A_2044 : i32 to index
          %get3A_2046 = arith.index_cast %add3A_2043 : i32 to index
          %get3A_2047 = arith.constant 112 : index
          %get3A_2048 = tpu.vector_load %arg16[%get3A_2045, %get3A_2046, %get3A_2047] {strides = array<i32>} : memref<2x80x128xi32, #tpu.memory_space<vmem>>, vector<1x1x16xi32>,
          %get3A_2049 = vector.shape_cast %get3A_2048 : vector<1x1x16xi32> to vector<16xi32>
          %shift_left3A_2050 = arith.constant 16 : i32
          %shift_left3A_2051 = vector.broadcast %shift_left3A_2050 : i32 to vector<16xi32>
          %shift_left3A_2052 = arith.shli %get3A_2041, %shift_left3A_2051 : vector<16xi32>
          %bitcast_convert_type3A_2053 = tpu.bitcast %shift_left3A_2052 : vector<16xi32> -> vector<16xf32>
          %and3A_2054 = arith.constant -65536 : i32
          %and3A_2055 = vector.broadcast %and3A_2054 : i32 to vector<16xi32>
          %and3A_2056 = arith.andi %get3A_2041, %and3A_2055 : vector<16xi32>
          %bitcast_convert_type3A_2057 = tpu.bitcast %and3A_2056 : vector<16xi32> -> vector<16xf32>
          %shift_left3A_2058 = arith.constant 16 : i32
          %shift_left3A_2059 = vector.broadcast %shift_left3A_2058 : i32 to vector<16xi32>
          %shift_left3A_2060 = arith.shli %get3A_2049, %shift_left3A_2059 : vector<16xi32>
          %bitcast_convert_type3A_2061 = tpu.bitcast %shift_left3A_2060 : vector<16xi32> -> vector<16xf32>
          %and3A_2062 = arith.constant -65536 : i32
          %and3A_2063 = vector.broadcast %and3A_2062 : i32 to vector<16xi32>
          %and3A_2064 = arith.andi %get3A_2049, %and3A_2063 : vector<16xi32>
          %bitcast_convert_type3A_2065 = tpu.bitcast %and3A_2064 : vector<16xi32> -> vector<16xf32>
          %mul3A_2066 = arith.mulf %gather3A_1718, %bitcast_convert_type3A_2053 : vector<16xf32>
          %mul3A_2067 = arith.mulf %gather3A_1721, %bitcast_convert_type3A_2057 : vector<16xf32>
          %add3A_2068 = arith.addf %mul3A_2066, %mul3A_2067 : vector<16xf32>
          %mul3A_2069 = arith.mulf %gather3A_1724, %bitcast_convert_type3A_2061 : vector<16xf32>
          %add3A_2070 = arith.addf %add3A_2068, %mul3A_2069 : vector<16xf32>
          %mul3A_2071 = arith.mulf %gather3A_1727, %bitcast_convert_type3A_2065 : vector<16xf32>
          %add3A_2072 = arith.addf %add3A_2070, %mul3A_2071 : vector<16xf32>
          %swap3A_2073 = arith.constant 1 : i32
          %swap3A_2074 = arith.index_cast %swap3A_2073 : i32 to index
          %swap3A_2075 = arith.index_cast %add3A_1713 : i32 to index
          %swap3A_2076 = arith.constant 112 : index
          %swap3A_2077 = tpu.vector_load %arg17[%swap3A_2074, %swap3A_2075, %swap3A_2076] {strides = array<i32>} : memref<2x40x128xf32, #tpu.memory_space<vmem>>, vector<1x1x16xf32>,
          %swap3A_2078 = vector.shape_cast %swap3A_2077 : vector<1x1x16xf32> to vector<16xf32>
          %swap3A_2079 = vector.shape_cast %add3A_2072 : vector<16xf32> to vector<1x1x16xf32>
          tpu.vector_store %arg17[%swap3A_2074, %swap3A_2075, %swap3A_2076], %swap3A_2079 {strides = array<i32>} : memref<2x40x128xf32, #tpu.memory_space<vmem>>, vector<1x1x16xf32>,
        }
        %scan3A_466 = arith.constant 10 : i32
        %add3A_467 = arith.constant 1 : i32
        %add3A_468 = arith.addi %mul3A_227, %add3A_467 : i32
        %mul3A_469 = arith.constant 400 : i32
        %mul3A_470 = arith.muli %rem3A_203, %mul3A_469 : i32
        %mul3A_471 = arith.constant 40 : i32
        %mul3A_472 = arith.muli %add3A_468, %mul3A_471 : i32
        %add3A_473 = arith.addi %mul3A_470, %mul3A_472 : i32
        %add3A_474 = arith.constant 0 : i32
        %add3A_475 = arith.addi %add3A_473, %add3A_474 : i32
        %get3A_476 = arith.index_cast %add3A_475 : i32 to index
        %get3A_477 = tpu.vector_load %arg12[%get3A_476] {strides = array<i32>} : memref<800xi32, #tpu.memory_space<vmem>>, vector<16xi32>,
        %get3A_478 = vector.shape_cast %get3A_477 : vector<16xi32> to vector<16xi32>
        %swap3A_479 = arith.constant 1 : i32
        %swap3A_480 = arith.constant 0 : i32
        %swap3A_481 = arith.index_cast %swap3A_479 : i32 to index
        %swap3A_482 = arith.index_cast %swap3A_480 : i32 to index
        %swap3A_483 = arith.constant 0 : index
        %swap3A_484 = tpu.vector_load %arg15[%swap3A_481, %swap3A_482, %swap3A_483] {strides = array<i32>} : memref<2x1x40xi32, #tpu.memory_space<vmem>>, vector<1x1x16xi32>,
        %swap3A_485 = vector.shape_cast %swap3A_484 : vector<1x1x16xi32> to vector<16xi32>
        %swap3A_486 = vector.shape_cast %get3A_478 : vector<16xi32> to vector<1x1x16xi32>
        tpu.vector_store %arg15[%swap3A_481, %swap3A_482, %swap3A_483], %swap3A_486 {strides = array<i32>} : memref<2x1x40xi32, #tpu.memory_space<vmem>>, vector<1x1x16xi32>,
        %mul3A_487 = arith.constant 400 : i32
        %mul3A_488 = arith.muli %rem3A_203, %mul3A_487 : i32
        %mul3A_489 = arith.constant 40 : i32
        %mul3A_490 = arith.muli %add3A_468, %mul3A_489 : i32
        %add3A_491 = arith.addi %mul3A_488, %mul3A_490 : i32
        %add3A_492 = arith.constant 16 : i32
        %add3A_493 = arith.addi %add3A_491, %add3A_492 : i32
        %get3A_494 = arith.index_cast %add3A_493 : i32 to index
        %get3A_495 = tpu.vector_load %arg12[%get3A_494] {strides = array<i32>} : memref<800xi32, #tpu.memory_space<vmem>>, vector<16xi32>,
        %get3A_496 = vector.shape_cast %get3A_495 : vector<16xi32> to vector<16xi32>
        %swap3A_497 = arith.constant 1 : i32
        %swap3A_498 = arith.constant 0 : i32
        %swap3A_499 = arith.index_cast %swap3A_497 : i32 to index
        %swap3A_500 = arith.index_cast %swap3A_498 : i32 to index
        %swap3A_501 = arith.constant 16 : index
        %swap3A_502 = tpu.vector_load %arg15[%swap3A_499, %swap3A_500, %swap3A_501] {strides = array<i32>} : memref<2x1x40xi32, #tpu.memory_space<vmem>>, vector<1x1x16xi32>,
        %swap3A_503 = vector.shape_cast %swap3A_502 : vector<1x1x16xi32> to vector<16xi32>
        %swap3A_504 = vector.shape_cast %get3A_496 : vector<16xi32> to vector<1x1x16xi32>
        tpu.vector_store %arg15[%swap3A_499, %swap3A_500, %swap3A_501], %swap3A_504 {strides = array<i32>} : memref<2x1x40xi32, #tpu.memory_space<vmem>>, vector<1x1x16xi32>,
        %mul3A_505 = arith.constant 400 : i32
        %mul3A_506 = arith.muli %rem3A_203, %mul3A_505 : i32
        %mul3A_507 = arith.constant 40 : i32
        %mul3A_508 = arith.muli %add3A_468, %mul3A_507 : i32
        %add3A_509 = arith.addi %mul3A_506, %mul3A_508 : i32
        %add3A_510 = arith.constant 24 : i32
        %add3A_511 = arith.addi %add3A_509, %add3A_510 : i32
        %get3A_512 = arith.index_cast %add3A_511 : i32 to index
        %get3A_513 = tpu.vector_load %arg12[%get3A_512] {strides = array<i32>} : memref<800xi32, #tpu.memory_space<vmem>>, vector<16xi32>,
        %get3A_514 = vector.shape_cast %get3A_513 : vector<16xi32> to vector<16xi32>
        %swap3A_515 = arith.constant 1 : i32
        %swap3A_516 = arith.constant 0 : i32
        %swap3A_517 = arith.index_cast %swap3A_515 : i32 to index
        %swap3A_518 = arith.index_cast %swap3A_516 : i32 to index
        %swap3A_519 = arith.constant 24 : index
        %swap3A_520 = tpu.vector_load %arg15[%swap3A_517, %swap3A_518, %swap3A_519] {strides = array<i32>} : memref<2x1x40xi32, #tpu.memory_space<vmem>>, vector<1x1x16xi32>,
        %swap3A_521 = vector.shape_cast %swap3A_520 : vector<1x1x16xi32> to vector<16xi32>
        %swap3A_522 = vector.shape_cast %get3A_514 : vector<16xi32> to vector<1x1x16xi32>
        tpu.vector_store %arg15[%swap3A_517, %swap3A_518, %swap3A_519], %swap3A_522 {strides = array<i32>} : memref<2x1x40xi32, #tpu.memory_space<vmem>>, vector<1x1x16xi32>,
        %dma_start3A_523 = arith.constant 1 : i32
        %dma_start3A_524 = arith.constant 1 : i32
        %dma_start3A_525 = arith.constant 0 : i32
        %dma_start3A_526 = arith.constant 0 : i32
        %dma_start3A_527 = arith.constant 0 : i32
        %dma_start3A_528 = tpu.memref_slice %arg17[%dma_start3A_523, %dma_start3A_526, %dma_start3A_527] : memref<2x40x128xf32, #tpu.memory_space<vmem>> -> memref<1x40x128xf32, #tpu.memory_space<vmem>>
        %dma_start3A_529 = tpu.memref_squeeze %dma_start3A_528 : memref<1x40x128xf32, #tpu.memory_space<vmem>> -> memref<40x128xf32, #tpu.memory_space<vmem>>
        %dma_start3A_530 = arith.constant 0 : i32
        %dma_start3A_531 = tpu.memref_slice %arg15[%dma_start3A_524, %dma_start3A_525, %dma_start3A_530] : memref<2x1x40xi32, #tpu.memory_space<vmem>> -> memref<1x1x40xi32, #tpu.memory_space<vmem>>
        %dma_start3A_532 = tpu.memref_squeeze %dma_start3A_531 : memref<1x1x40xi32, #tpu.memory_space<vmem>> -> memref<40xi32, #tpu.memory_space<vmem>>
        %dma_start3A_533 = arith.constant 0 : i32
        %dma_start3A_534 = arith.constant 0 : i32
        %dma_start3A_535 = tpu.memref_slice %arg18[%dma_start3A_533, %dma_start3A_534] : memref<10000x128xf32, #tpu.memory_space<vmem_shared>> -> memref<10000x128xf32, #tpu.memory_space<vmem_shared>>
        tpu.enqueue_indirect_dma source(%dma_start3A_529 : memref<40x128xf32, #tpu.memory_space<vmem>>) target(%dma_start3A_535 : memref<10000x128xf32, #tpu.memory_space<vmem_shared>>) offsets(%dma_start3A_532 : memref<40xi32, #tpu.memory_space<vmem>>) semaphore(%arg22 : memref<!tpu.dma_semaphore, #tpu.memory_space<semaphore_mem>>) {add = true}
      }
      %scan3A_224 = arith.constant 5 : i32
    }
    %scan3A_164 = arith.constant 25 : i32
    %dma_wait3A_165 = arith.constant 0 : i32
    %dma_wait3A_166 = arith.constant 0 : i32
    %dma_wait3A_167 = arith.constant 0 : i32
    %dma_wait3A_168 = arith.constant 0 : i32
    %dma_wait3A_169 = arith.constant 0 : i32
    %dma_wait3A_170 = tpu.memref_slice %arg17[%dma_wait3A_165, %dma_wait3A_168, %dma_wait3A_169] : memref<2x40x128xf32, #tpu.memory_space<vmem>> -> memref<1x40x128xf32, #tpu.memory_space<vmem>>
    %dma_wait3A_171 = tpu.memref_squeeze %dma_wait3A_170 : memref<1x40x128xf32, #tpu.memory_space<vmem>> -> memref<40x128xf32, #tpu.memory_space<vmem>>
    %dma_wait3A_172 = arith.constant 0 : i32
    %dma_wait3A_173 = tpu.memref_slice %arg15[%dma_wait3A_166, %dma_wait3A_167, %dma_wait3A_172] : memref<2x1x40xi32, #tpu.memory_space<vmem>> -> memref<1x1x40xi32, #tpu.memory_space<vmem>>
    %dma_wait3A_174 = tpu.memref_squeeze %dma_wait3A_173 : memref<1x1x40xi32, #tpu.memory_space<vmem>> -> memref<40xi32, #tpu.memory_space<vmem>>
    %dma_wait3A_175 = arith.constant 0 : i32
    %dma_wait3A_176 = arith.constant 0 : i32
    %dma_wait3A_177 = tpu.memref_slice %arg18[%dma_wait3A_175, %dma_wait3A_176] : memref<10000x128xf32, #tpu.memory_space<vmem_shared>> -> memref<10000x128xf32, #tpu.memory_space<vmem_shared>>
    tpu.wait_indirect_dma semaphore(%arg21 : memref<!tpu.dma_semaphore, #tpu.memory_space<semaphore_mem>>) src(%dma_wait3A_171 : memref<40x128xf32, #tpu.memory_space<vmem>>) dst(%dma_wait3A_177 : memref<10000x128xf32, #tpu.memory_space<vmem_shared>>)
    %dma_wait3A_178 = arith.constant 1 : i32
    %dma_wait3A_179 = arith.constant 1 : i32
    %dma_wait3A_180 = arith.constant 0 : i32
    %dma_wait3A_181 = arith.constant 0 : i32
    %dma_wait3A_182 = arith.constant 0 : i32
    %dma_wait3A_183 = tpu.memref_slice %arg17[%dma_wait3A_178, %dma_wait3A_181, %dma_wait3A_182] : memref<2x40x128xf32, #tpu.memory_space<vmem>> -> memref<1x40x128xf32, #tpu.memory_space<vmem>>
    %dma_wait3A_184 = tpu.memref_squeeze %dma_wait3A_183 : memref<1x40x128xf32, #tpu.memory_space<vmem>> -> memref<40x128xf32, #tpu.memory_space<vmem>>
    %dma_wait3A_185 = arith.constant 0 : i32
    %dma_wait3A_186 = tpu.memref_slice %arg15[%dma_wait3A_179, %dma_wait3A_180, %dma_wait3A_185] : memref<2x1x40xi32, #tpu.memory_space<vmem>> -> memref<1x1x40xi32, #tpu.memory_space<vmem>>
    %dma_wait3A_187 = tpu.memref_squeeze %dma_wait3A_186 : memref<1x1x40xi32, #tpu.memory_space<vmem>> -> memref<40xi32, #tpu.memory_space<vmem>>
    %dma_wait3A_188 = arith.constant 0 : i32
    %dma_wait3A_189 = arith.constant 0 : i32
    %dma_wait3A_190 = tpu.memref_slice %arg18[%dma_wait3A_188, %dma_wait3A_189] : memref<10000x128xf32, #tpu.memory_space<vmem_shared>> -> memref<10000x128xf32, #tpu.memory_space<vmem_shared>>
    tpu.wait_indirect_dma semaphore(%arg22 : memref<!tpu.dma_semaphore, #tpu.memory_space<semaphore_mem>>) src(%dma_wait3A_184 : memref<40x128xf32, #tpu.memory_space<vmem>>) dst(%dma_wait3A_190 : memref<10000x128xf32, #tpu.memory_space<vmem_shared>>)
    %barrier3A_191 = arith.constant 0 : index
    tpu.barrier barrier_id(%barrier3A_191)
    %lt3A_192 = arith.constant 15 : i32
    %lt3A_193 = arith.cmpi slt, %arg1, %lt3A_192 : i32
    %convert_element_type3A_194 = arith.extui %lt3A_193 : i1 to i32
    %cond3A_195 = arith.constant 0 : i32
    %cond3A_196 = arith.cmpi ne, %convert_element_type3A_194, %cond3A_195 : i32
    scf.if %cond3A_196 {
      %mul3A_202 = arith.constant 624 : i32
      %mul3A_203 = arith.muli %arg1, %mul3A_202 : i32
      "tpu.region"() ({
        %run_scoped3A = tpu.sem_alloc : memref<!tpu.dma_semaphore, #tpu.memory_space<semaphore_mem>>
        %dma_start3A_204 = arith.constant 0 : i32
        %dma_start3A_205 = tpu.memref_slice %arg10[%arg0, %mul3A_203, %dma_start3A_204] : memref<2x10000x128xf32, #tpu.memory_space<hbm>> -> memref<1x624x128xf32, #tpu.memory_space<hbm>>
        %dma_start3A_206 = tpu.memref_squeeze %dma_start3A_205 : memref<1x624x128xf32, #tpu.memory_space<hbm>> -> memref<624x128xf32, #tpu.memory_space<hbm>>
        %dma_start3A_207 = arith.constant 0 : i32
        %dma_start3A_208 = tpu.memref_slice %arg18[%mul3A_203, %dma_start3A_207] : memref<10000x128xf32, #tpu.memory_space<vmem_shared>> -> memref<624x128xf32, #tpu.memory_space<vmem_shared>>
        tpu.enqueue_dma source(%dma_start3A_208 : memref<624x128xf32, #tpu.memory_space<vmem_shared>>) target(%dma_start3A_206 : memref<624x128xf32, #tpu.memory_space<hbm>>) target_semaphore(%run_scoped3A : memref<!tpu.dma_semaphore, #tpu.memory_space<semaphore_mem>>)
        %dma_wait3A_209 = arith.constant 0 : i32
        %dma_wait3A_210 = tpu.memref_slice %arg10[%arg0, %mul3A_203, %dma_wait3A_209] : memref<2x10000x128xf32, #tpu.memory_space<hbm>> -> memref<1x624x128xf32, #tpu.memory_space<hbm>>
        %dma_wait3A_211 = tpu.memref_squeeze %dma_wait3A_210 : memref<1x624x128xf32, #tpu.memory_space<hbm>> -> memref<624x128xf32, #tpu.memory_space<hbm>>
        %dma_wait3A_212 = arith.constant 0 : i32
        %dma_wait3A_213 = tpu.memref_slice %arg18[%mul3A_203, %dma_wait3A_212] : memref<10000x128xf32, #tpu.memory_space<vmem_shared>> -> memref<624x128xf32, #tpu.memory_space<vmem_shared>>
        tpu.wait_dma2 semaphore(%run_scoped3A : memref<!tpu.dma_semaphore, #tpu.memory_space<semaphore_mem>>) src(%dma_wait3A_213 : memref<624x128xf32, #tpu.memory_space<vmem_shared>>) dst(%dma_wait3A_211 : memref<624x128xf32, #tpu.memory_space<hbm>>)
        tpu.yield
      }) : () -> ()
    } else {
    }
    %eq3A_197 = arith.constant 15 : i32
    %eq3A_198 = arith.cmpi eq, %arg1, %eq3A_197 : i32
    %convert_element_type3A_199 = arith.extui %eq3A_198 : i1 to i32
    %cond3A_200 = arith.constant 0 : i32
    %cond3A_201 = arith.cmpi ne, %convert_element_type3A_199, %cond3A_200 : i32
    scf.if %cond3A_201 {
      "tpu.region"() ({
        %run_scoped3A = tpu.sem_alloc : memref<!tpu.dma_semaphore, #tpu.memory_space<semaphore_mem>>
        %dma_start3A_202 = arith.constant 9360 : i32
        %dma_start3A_203 = arith.constant 0 : i32
        %dma_start3A_204 = tpu.memref_slice %arg10[%arg0, %dma_start3A_202, %dma_start3A_203] : memref<2x10000x128xf32, #tpu.memory_space<hbm>> -> memref<1x640x128xf32, #tpu.memory_space<hbm>>
        %dma_start3A_205 = tpu.memref_squeeze %dma_start3A_204 : memref<1x640x128xf32, #tpu.memory_space<hbm>> -> memref<640x128xf32, #tpu.memory_space<hbm>>
        %dma_start3A_206 = arith.constant 9360 : i32
        %dma_start3A_207 = arith.constant 0 : i32
        %dma_start3A_208 = tpu.memref_slice %arg18[%dma_start3A_206, %dma_start3A_207] : memref<10000x128xf32, #tpu.memory_space<vmem_shared>> -> memref<640x128xf32, #tpu.memory_space<vmem_shared>>
        tpu.enqueue_dma source(%dma_start3A_208 : memref<640x128xf32, #tpu.memory_space<vmem_shared>>) target(%dma_start3A_205 : memref<640x128xf32, #tpu.memory_space<hbm>>) target_semaphore(%run_scoped3A : memref<!tpu.dma_semaphore, #tpu.memory_space<semaphore_mem>>)
        %dma_wait3A_209 = arith.constant 9360 : i32
        %dma_wait3A_210 = arith.constant 0 : i32
        %dma_wait3A_211 = tpu.memref_slice %arg10[%arg0, %dma_wait3A_209, %dma_wait3A_210] : memref<2x10000x128xf32, #tpu.memory_space<hbm>> -> memref<1x640x128xf32, #tpu.memory_space<hbm>>
        %dma_wait3A_212 = tpu.memref_squeeze %dma_wait3A_211 : memref<1x640x128xf32, #tpu.memory_space<hbm>> -> memref<640x128xf32, #tpu.memory_space<hbm>>
        %dma_wait3A_213 = arith.constant 9360 : i32
        %dma_wait3A_214 = arith.constant 0 : i32
        %dma_wait3A_215 = tpu.memref_slice %arg18[%dma_wait3A_213, %dma_wait3A_214] : memref<10000x128xf32, #tpu.memory_space<vmem_shared>> -> memref<640x128xf32, #tpu.memory_space<vmem_shared>>
        tpu.wait_dma2 semaphore(%run_scoped3A : memref<!tpu.dma_semaphore, #tpu.memory_space<semaphore_mem>>) src(%dma_wait3A_215 : memref<640x128xf32, #tpu.memory_space<vmem_shared>>) dst(%dma_wait3A_212 : memref<640x128xf32, #tpu.memory_space<hbm>>)
        tpu.yield
      }) : () -> ()
    } else {
    }
    return
  }
}

module attributes {stable_mosaic.version = 14 : i64} {
  func.func @_ypack_body(%arg0: i32, %arg1: i32, %arg2: memref<2000x128xf32, #tpu.memory_space<vmem>>, %arg3: memref<2x128x128xf32, #tpu.memory_space<vmem>>, %arg4: memref<2000x128xi32, #tpu.memory_space<vmem>>) attributes {dimension_semantics = [#tpu.dimension_semantics<arbitrary>, #tpu.dimension_semantics<arbitrary>], iteration_bounds = array<i64: 2, 5>, scalar_prefetch = 0 : i64, scratch_operands = 0 : i64, tpu.core_type = #tpu.core_type<tc>, window_params = [{transform_indices = @transform_0, window_bounds = array<i64: 2000, 128>}, {transform_indices = @transform_1, window_bounds = array<i64: 2, 128, 128>}, {transform_indices = @transform_2, window_bounds = array<i64: 2000, 128>}]} {
    %get3A = arith.constant 0 : index
    %get3A_0 = arith.constant 0 : index
    %get3A_1 = vector.load %arg2[%get3A, %get3A_0] : memref<2000x128xf32, #tpu.memory_space<vmem>>, vector<2000x128xf32>
    %get3A_2 = arith.constant 0 : index
    %get3A_3 = arith.constant 0 : index
    %get3A_4 = arith.constant 0 : index
    %get3A_5 = vector.load %arg3[%get3A_2, %get3A_3, %get3A_4] : memref<2x128x128xf32, #tpu.memory_space<vmem>>, vector<1x128x128xf32>
    %get3A_6 = vector.shape_cast %get3A_5 : vector<1x128x128xf32> to vector<128x128xf32>
    %dot_general3A = arith.constant dense<0.000000e+00> : vector<2000x128xf32>
    %dot_general3A_7 = tpu.matmul %get3A_1, %get3A_6, %dot_general3A {dimension_numbers = #tpu.dot_dimension_numbers<[1], [0], [0], [1], [0, 0, 1, 1], [], []>, transpose_lhs_hint = false} : vector<2000x128xf32>, vector<128x128xf32>, vector<2000x128xf32> -> vector<2000x128xf32>
    %get3A_8 = arith.constant 1 : index
    %get3A_9 = arith.constant 0 : index
    %get3A_10 = arith.constant 0 : index
    %get3A_11 = vector.load %arg3[%get3A_8, %get3A_9, %get3A_10] : memref<2x128x128xf32, #tpu.memory_space<vmem>>, vector<1x128x128xf32>
    %get3A_12 = vector.shape_cast %get3A_11 : vector<1x128x128xf32> to vector<128x128xf32>
    %dot_general3A_13 = arith.constant dense<0.000000e+00> : vector<2000x128xf32>
    %dot_general3A_14 = tpu.matmul %get3A_1, %get3A_12, %dot_general3A_13 {dimension_numbers = #tpu.dot_dimension_numbers<[1], [0], [0], [1], [0, 0, 1, 1], [], []>, transpose_lhs_hint = false} : vector<2000x128xf32>, vector<128x128xf32>, vector<2000x128xf32> -> vector<2000x128xf32>
    %convert_element_type3A = arith.truncf %dot_general3A_7 : vector<2000x128xf32> to vector<2000x128xbf16>
    %bitcast_convert_type3A = tpu.bitcast %convert_element_type3A : vector<2000x128xbf16> -> vector<2000x128xi16>
    %convert_element_type3A_15 = arith.extui %bitcast_convert_type3A : vector<2000x128xi16> to vector<2000x128xi32>
    %convert_element_type3A_16 = arith.truncf %dot_general3A_14 : vector<2000x128xf32> to vector<2000x128xbf16>
    %bitcast_convert_type3A_17 = tpu.bitcast %convert_element_type3A_16 : vector<2000x128xbf16> -> vector<2000x128xi16>
    %convert_element_type3A_18 = arith.extui %bitcast_convert_type3A_17 : vector<2000x128xi16> to vector<2000x128xi32>
    %shift_left3A = arith.constant 16 : i32
    %shift_left3A_19 = vector.broadcast %shift_left3A : i32 to vector<2000x128xi32>
    %shift_left3A_20 = arith.shli %convert_element_type3A_18, %shift_left3A_19 : vector<2000x128xi32>
    %or3A = arith.ori %convert_element_type3A_15, %shift_left3A_20 : vector<2000x128xi32>
    %swap3A = arith.constant 0 : index
    %swap3A_21 = arith.constant 0 : index
    %swap3A_22 = vector.load %arg4[%swap3A, %swap3A_21] : memref<2000x128xi32, #tpu.memory_space<vmem>>, vector<2000x128xi32>
    tpu.vector_store %arg4[%swap3A, %swap3A_21], %or3A {strides = array<i32>} : memref<2000x128xi32, #tpu.memory_space<vmem>>, vector<2000x128xi32>,
    return
  }
  func.func @transform_0(%arg0: i32, %arg1: i32) -> (i32, i32) {
    %c0_i32 = arith.constant 0 : i32
    %c0_i32_0 = arith.constant 0 : i32
    return %arg1, %c0_i32 : i32, i32
  }
  func.func @transform_1(%arg0: i32, %arg1: i32) -> (i32, i32, i32) {
    %c0_i32 = arith.constant 0 : i32
    %c0_i32_0 = arith.constant 0 : i32
    %c0_i32_1 = arith.constant 0 : i32
    return %arg0, %c0_i32, %c0_i32_0 : i32, i32, i32
  }
  func.func @transform_2(%arg0: i32, %arg1: i32) -> (i32, i32) {
    %mul3A = arith.constant 5 : i32
    %mul3A_0 = arith.muli %arg0, %mul3A : i32
    %add3A = arith.addi %mul3A_0, %arg1 : i32
    %c0_i32 = arith.constant 0 : i32
    %c0_i32_1 = arith.constant 0 : i32
    return %add3A, %c0_i32 : i32, i32
  }
}

module attributes {stable_mosaic.version = 14 : i64} {
  func.func @_edge_mlp_body(%arg0: i32, %arg1: memref<16x16000xf32, #tpu.memory_space<vmem>>, %arg2: memref<32x16xf32, #tpu.memory_space<vmem>>, %arg3: memref<32x16xf32, #tpu.memory_space<vmem>>, %arg4: memref<32x16xf32, #tpu.memory_space<vmem>>, %arg5: memref<4x64xf32, #tpu.memory_space<vmem>>, %arg6: memref<320000xf32, #tpu.memory_space<vmem>>, %arg7: memref<320000xf32, #tpu.memory_space<vmem>>, %arg8: memref<320000xf32, #tpu.memory_space<vmem>>, %arg9: memref<320000xf32, #tpu.memory_space<vmem>>) attributes {dimension_semantics = [#tpu.dimension_semantics<arbitrary>], iteration_bounds = array<i64: 20>, scalar_prefetch = 0 : i64, scratch_operands = 0 : i64, tpu.core_type = #tpu.core_type<tc>, window_params = [{transform_indices = @transform_0, window_bounds = array<i64: 16, 16000>}, {pipeline_mode = #tpu.pipeline_mode<synchronous>, transform_indices = @transform_1, window_bounds = array<i64: 32, 16>}, {pipeline_mode = #tpu.pipeline_mode<synchronous>, transform_indices = @transform_2, window_bounds = array<i64: 32, 16>}, {pipeline_mode = #tpu.pipeline_mode<synchronous>, transform_indices = @transform_3, window_bounds = array<i64: 32, 16>}, {pipeline_mode = #tpu.pipeline_mode<synchronous>, transform_indices = @transform_4, window_bounds = array<i64: 4, 64>}, {pipeline_mode = #tpu.pipeline_mode<synchronous>, transform_indices = @transform_5, window_bounds = array<i64: 320000>}, {pipeline_mode = #tpu.pipeline_mode<synchronous>, transform_indices = @transform_6, window_bounds = array<i64: 320000>}, {pipeline_mode = #tpu.pipeline_mode<synchronous>, transform_indices = @transform_7, window_bounds = array<i64: 320000>}, {pipeline_mode = #tpu.pipeline_mode<synchronous>, transform_indices = @transform_8, window_bounds = array<i64: 320000>}]} {
    %get3A = arith.constant 0 : index
    %get3A_0 = arith.constant 0 : index
    %get3A_1 = vector.load %arg1[%get3A, %get3A_0] : memref<16x16000xf32, #tpu.memory_space<vmem>>, vector<16x16000xf32>
    %get3A_2 = arith.constant 0 : index
    %get3A_3 = arith.constant 0 : index
    %get3A_4 = vector.load %arg2[%get3A_2, %get3A_3] : memref<32x16xf32, #tpu.memory_space<vmem>>, vector<32x16xf32>
    %dot_general3A = arith.constant dense<0.000000e+00> : vector<32x16000xf32>
    %dot_general3A_5 = tpu.matmul %get3A_4, %get3A_1, %dot_general3A {dimension_numbers = #tpu.dot_dimension_numbers<[1], [0], [0], [1], [0, 0, 1, 1], [], []>, transpose_lhs_hint = false} : vector<32x16xf32>, vector<16x16000xf32>, vector<32x16000xf32> -> vector<32x16000xf32>
    %max3A = arith.constant 0.000000e+00 : f32
    %max3A_6 = vector.broadcast %max3A : f32 to vector<32x16000xf32>
    %max3A_7 = arith.maximumf %dot_general3A_5, %max3A_6 : vector<32x16000xf32>
    %get3A_8 = arith.constant 0 : index
    %get3A_9 = arith.constant 0 : index
    %get3A_10 = vector.load %arg3[%get3A_8, %get3A_9] : memref<32x16xf32, #tpu.memory_space<vmem>>, vector<32x16xf32>
    %dot_general3A_11 = arith.constant dense<0.000000e+00> : vector<32x16000xf32>
    %dot_general3A_12 = tpu.matmul %get3A_10, %get3A_1, %dot_general3A_11 {dimension_numbers = #tpu.dot_dimension_numbers<[1], [0], [0], [1], [0, 0, 1, 1], [], []>, transpose_lhs_hint = false} : vector<32x16xf32>, vector<16x16000xf32>, vector<32x16000xf32> -> vector<32x16000xf32>
    %tanh3A = math.tanh %dot_general3A_12 : vector<32x16000xf32>
    %get3A_13 = arith.constant 0 : index
    %get3A_14 = arith.constant 0 : index
    %get3A_15 = vector.load %arg4[%get3A_13, %get3A_14] : memref<32x16xf32, #tpu.memory_space<vmem>>, vector<32x16xf32>
    %dot_general3A_16 = arith.constant dense<0.000000e+00> : vector<32x16000xf32>
    %dot_general3A_17 = tpu.matmul %get3A_15, %get3A_1, %dot_general3A_16 {dimension_numbers = #tpu.dot_dimension_numbers<[1], [0], [0], [1], [0, 0, 1, 1], [], []>, transpose_lhs_hint = false} : vector<32x16xf32>, vector<16x16000xf32>, vector<32x16000xf32> -> vector<32x16000xf32>
    %tanh3A_18 = math.tanh %dot_general3A_17 : vector<32x16000xf32>
    %mul3A = arith.mulf %tanh3A, %tanh3A_18 : vector<32x16000xf32>
    %concatenate3A = tpu.concatenate %max3A_7, %mul3A in 0 : vector<32x16000xf32>, vector<32x16000xf32> -> vector<64x16000xf32>
    %get3A_19 = arith.constant 0 : index
    %get3A_20 = arith.constant 0 : index
    %get3A_21 = vector.load %arg5[%get3A_19, %get3A_20] : memref<4x64xf32, #tpu.memory_space<vmem>>, vector<4x64xf32>
    %dot_general3A_22 = arith.constant dense<0.000000e+00> : vector<4x16000xf32>
    %dot_general3A_23 = tpu.matmul %get3A_21, %concatenate3A, %dot_general3A_22 {dimension_numbers = #tpu.dot_dimension_numbers<[1], [0], [0], [1], [0, 0, 1, 1], [], []>, transpose_lhs_hint = false} : vector<4x64xf32>, vector<64x16000xf32>, vector<4x16000xf32> -> vector<4x16000xf32>
    %max3A_24 = arith.constant 0.000000e+00 : f32
    %max3A_25 = vector.broadcast %max3A_24 : f32 to vector<4x16000xf32>
    %max3A_26 = arith.maximumf %dot_general3A_23, %max3A_25 : vector<4x16000xf32>
    %slice3A = vector.extract_strided_slice %max3A_26 {offsets = [0, 0], sizes = [1, 16000], strides = [1, 1]} : vector<4x16000xf32> to vector<1x16000xf32>
    %squeeze3A = vector.shape_cast %slice3A : vector<1x16000xf32> to vector<16000xf32>
    %mul3A_27 = arith.constant 16000 : i32
    %mul3A_28 = arith.muli %arg0, %mul3A_27 : i32
    %swap3A = arith.index_cast %mul3A_28 : i32 to index
    %swap3A_29 = vector.load %arg6[%swap3A] : memref<320000xf32, #tpu.memory_space<vmem>>, vector<16000xf32>
    tpu.vector_store %arg6[%swap3A], %squeeze3A {strides = array<i32>} : memref<320000xf32, #tpu.memory_space<vmem>>, vector<16000xf32>,
    %slice3A_30 = vector.extract_strided_slice %max3A_26 {offsets = [1, 0], sizes = [1, 16000], strides = [1, 1]} : vector<4x16000xf32> to vector<1x16000xf32>
    %squeeze3A_31 = vector.shape_cast %slice3A_30 : vector<1x16000xf32> to vector<16000xf32>
    %mul3A_32 = arith.constant 16000 : i32
    %mul3A_33 = arith.muli %arg0, %mul3A_32 : i32
    %swap3A_34 = arith.index_cast %mul3A_33 : i32 to index
    %swap3A_35 = vector.load %arg7[%swap3A_34] : memref<320000xf32, #tpu.memory_space<vmem>>, vector<16000xf32>
    tpu.vector_store %arg7[%swap3A_34], %squeeze3A_31 {strides = array<i32>} : memref<320000xf32, #tpu.memory_space<vmem>>, vector<16000xf32>,
    %slice3A_36 = vector.extract_strided_slice %max3A_26 {offsets = [2, 0], sizes = [1, 16000], strides = [1, 1]} : vector<4x16000xf32> to vector<1x16000xf32>
    %squeeze3A_37 = vector.shape_cast %slice3A_36 : vector<1x16000xf32> to vector<16000xf32>
    %mul3A_38 = arith.constant 16000 : i32
    %mul3A_39 = arith.muli %arg0, %mul3A_38 : i32
    %swap3A_40 = arith.index_cast %mul3A_39 : i32 to index
    %swap3A_41 = vector.load %arg8[%swap3A_40] : memref<320000xf32, #tpu.memory_space<vmem>>, vector<16000xf32>
    tpu.vector_store %arg8[%swap3A_40], %squeeze3A_37 {strides = array<i32>} : memref<320000xf32, #tpu.memory_space<vmem>>, vector<16000xf32>,
    %slice3A_42 = vector.extract_strided_slice %max3A_26 {offsets = [3, 0], sizes = [1, 16000], strides = [1, 1]} : vector<4x16000xf32> to vector<1x16000xf32>
    %squeeze3A_43 = vector.shape_cast %slice3A_42 : vector<1x16000xf32> to vector<16000xf32>
    %mul3A_44 = arith.constant 16000 : i32
    %mul3A_45 = arith.muli %arg0, %mul3A_44 : i32
    %swap3A_46 = arith.index_cast %mul3A_45 : i32 to index
    %swap3A_47 = vector.load %arg9[%swap3A_46] : memref<320000xf32, #tpu.memory_space<vmem>>, vector<16000xf32>
    tpu.vector_store %arg9[%swap3A_46], %squeeze3A_43 {strides = array<i32>} : memref<320000xf32, #tpu.memory_space<vmem>>, vector<16000xf32>,
    return
  }
  func.func @transform_0(%arg0: i32) -> (i32, i32) {
    %c0_i32 = arith.constant 0 : i32
    %c0_i32_0 = arith.constant 0 : i32
    return %c0_i32, %arg0 : i32, i32
  }
  func.func @transform_1(%arg0: i32) -> (i32, i32) {
    %c0_i32 = arith.constant 0 : i32
    %c0_i32_0 = arith.constant 0 : i32
    %c0_i32_1 = arith.constant 0 : i32
    return %c0_i32, %c0_i32_0 : i32, i32
  }
  func.func @transform_2(%arg0: i32) -> (i32, i32) {
    %c0_i32 = arith.constant 0 : i32
    %c0_i32_0 = arith.constant 0 : i32
    %c0_i32_1 = arith.constant 0 : i32
    return %c0_i32, %c0_i32_0 : i32, i32
  }
  func.func @transform_3(%arg0: i32) -> (i32, i32) {
    %c0_i32 = arith.constant 0 : i32
    %c0_i32_0 = arith.constant 0 : i32
    %c0_i32_1 = arith.constant 0 : i32
    return %c0_i32, %c0_i32_0 : i32, i32
  }
  func.func @transform_4(%arg0: i32) -> (i32, i32) {
    %c0_i32 = arith.constant 0 : i32
    %c0_i32_0 = arith.constant 0 : i32
    %c0_i32_1 = arith.constant 0 : i32
    return %c0_i32, %c0_i32_0 : i32, i32
  }
  func.func @transform_5(%arg0: i32) -> i32 {
    %c0_i32 = arith.constant 0 : i32
    %c0_i32_0 = arith.constant 0 : i32
    return %c0_i32 : i32
  }
  func.func @transform_6(%arg0: i32) -> i32 {
    %c0_i32 = arith.constant 0 : i32
    %c0_i32_0 = arith.constant 0 : i32
    return %c0_i32 : i32
  }
  func.func @transform_7(%arg0: i32) -> i32 {
    %c0_i32 = arith.constant 0 : i32
    %c0_i32_0 = arith.constant 0 : i32
    return %c0_i32 : i32
  }
  func.func @transform_8(%arg0: i32) -> i32 {
    %c0_i32 = arith.constant 0 : i32
    %c0_i32_0 = arith.constant 0 : i32
    return %c0_i32 : i32
  }
}

</mosaic_0001>

<sc_bundles>
// kernel: kernel.6.cloned.1.call-start
scs
__scs_entry_jumppad:
0x0: {  	(pc) =	sbr.rel $0x88, $3  }
0x1: {  	(tag) =	ssettag $0x0;
	lr =	simm.s32 $0x1  }
0x2: {  	[smem:$0x3F98] =	sst lr;
	_ =	strace $0xD0000000  }
0x3: {  	_ = 	snop  }
0x4: {  	_ = 	snop  }
0x5: {  	_ = 	snop  }
0x6: {  	_ = 	snop  }
0x7: {  	_ = 	snop  }
__scs_overlays_trampoline_lowered:
0x8: {  	[smem:$0x3FA7] =	sst s0  }
0x9: {  	[smem:$0x3FA8] =	sst s1  }
0xa: {  	[smem:$0x3FA9] =	sst s2  }
0xb: {  	[smem:$0x3FAA] =	sst s3  }
0xc: {  	[smem:$0x3FAB] =	sst s4  }
0xd: {  	[smem:$0x3FAC] =	sst s5  }
0xe: {  	[smem:$0x3FAD] =	sst s6  }
0xf: {  	[smem:$0x3FAE] =	sst s7  }
0x10: {  	[smem:$0x3FAF] =	sst s8  }
0x11: {  	[smem:$0x3FB0] =	sst s9;
	s0 =	simm.s32 @!p0 $0x0  }
0x12: {  	s1 =	sld [smem:$0x3F96];
	s0 =	simm.s32 @p0 $0x1  }
0x13: {  	[smem:$0x3FB1] =	sst s0;
	s0 =	simm.s32 @!p1 $0x0  }
0x14: {  	s2 =	sld [smem:$0x3F95];
	s0 =	simm.s32 @p1 $0x1  }
0x15: {  	[smem:$0x3FB2] =	sst s0;
	s0 =	simm.s32 @!p2 $0x0  }
0x16: {  	s3 =	sld [smem:$0x3FDB];
	s0 =	simm.s32 @p2 $0x1  }
0x17: {  	s4 =	simm.s32 $0x1BF5;
	[smem:$0x3FB4] =	sst s0  }
0x18: {  	s0 =	sld [smem:$0x3F97];
	_ =	swait.ge [sflag:s4], $0x0  }
0x19: {  	s7 =	sld [smem:$0x3F98]  }
0x1a: {  	s8 =	sadd.s32 $0xFFFFE003, lr  }
0x1b: {  	s9 =	sadd.s32 $0xFFFFFEF7, lr;
	s5 =	simm.s32 $0xFFFFFFFF;
	p2 =	slt.u32 s8, $0xFFFFF086  }
0x1c: {  	p1 =	slt.u32 s9, $0xF7A;
	s5 =	simm.s32 @!p2 $0x0  }
0x1d: {  	s5 =	simm.s32 @p1 $0x1;
	p0 =	seq.s32 s7, s2  }
0x1e: {  	s7 =	smul.u32 @!p0 $0xF7A, s2;
	p2 =	seq.s32 @!p0 s5, $0x0  }
0x1f: {  	s9 =	smul.u32 $0xF7A, s1;
	s8 =	simm.s32 @!p0 $0x1BF5;
	p2 =	por !p2, p0  }
0x20: {  	[sflag:s8] =	ssyncset.s32 @!p0 $0xFFFFF086;
	s6 =	sadd.s32 @!p0 s3, s7;
	s7 =	simm.s32 @!p0 $0x108  }
0x21: {  	s3 =	sadd.s32 s3, s9;
	s6 =	sadd.s32 @!p0 $0x88, s6;
	s7 =	simm.s32 @p2 $0x1082  }
0x22: {  	[simem:s7], [sflag:s8] =	dma.local @!p0 [hbm:s6], $0xF7A  }
0x23: {  	s9 =	sor.u32 $0xD0000000, s2;
	s6 =	simm.s32 $0x108;
	_ =	swait.ge @!p0 [sflag:s8], $0x0  }
0x24: {  	s3 =	sadd.s32 $0x88, s3;
	s6 =	simm.s32 @!p1 $0x1082;
	[sflag:s4] =	ssyncset.s32 $0xFFFFF086  }
0x25: {  	[simem:s6], [sflag:s4] =	dma.local [hbm:s3], $0xF7A  }
0x26: {  	[smem:$0x3F98] =	sst s1;
	(tag) =	ssettag s2;
	_ =	strace s9  }
0x27: {  	s1 =	sld [smem:$0x3FA8]  }
0x28: {  	s2 =	sld [smem:$0x3FA9]  }
0x29: {  	s4 =	sld [smem:$0x3FAB]  }
0x2a: {  	p0 =	seq.s32 s5, $0x0;
	s5 =	sld [smem:$0x3FAC]  }
0x2b: {  	s6 =	sld [smem:$0x3FAD]  }
0x2c: {  	s7 =	sld [smem:$0x3FAE]  }
0x2d: {  	s3 =	simm.s32 $0x108;
	s8 =	sld [smem:$0x3FAF]  }
0x2e: {  	s3 =	simm.s32 @!p0 $0x1082;
	s9 =	sld [smem:$0x3FB0]  }
0x2f: {  	lr =	sadd.s32 s0, s3;
	s0 =	sld [smem:$0x3FA7]  }
0x30: {  	s3 =	sld [smem:$0x3FAA]  }
0x31: {  	[smem:$0x3FB3] =	sst s10  }
0x32: {  	s10 =	sld [smem:$0x3FB1];
	_ =	sdelay $0x3  }
0x33: {  	p0 =	seq.s32 s10, $0x1;
	s10 =	sld [smem:$0x3FB3];
	_ =	sdelay $0x3  }
0x34: {  	[smem:$0x3FB3] =	sst s10  }
0x35: {  	s10 =	sld [smem:$0x3FB2];
	_ =	sdelay $0x3  }
0x36: {  	p1 =	seq.s32 s10, $0x1;
	s10 =	sld [smem:$0x3FB3];
	_ =	sdelay $0x3  }
0x37: {  	[smem:$0x3FB3] =	sst s10  }
0x38: {  	s10 =	sld [smem:$0x3FB4]  }
0x39: {  	_ = 	snop;
	(pc) =	sbr.ind lr, $3  }
0x3a: {  	_ = 	snop  }
0x3b: {  	_ = 	snop  }
0x3c: {  	p2 =	seq.s32 s10, $0x1;
	s10 =	sld [smem:$0x3FB3]  }
0x3d: {  	_ =	shalt  }
0x3e: {  	_ =	shalt  }
0x3f: {  	_ =	shalt  }
0x40: {  	_ =	shalt  }
0x41: {  	_ =	shalt  }
0x42: {  	_ =	shalt  }
0x43: {  	_ =	shalt  }
0x44: {  	_ =	shalt  }
0x45: {  	_ =	shalt  }
0x46: {  	_ =	shalt  }
0x47: {  	_ =	shalt  }
0x48: {  	_ =	shalt  }
0x49: {  	_ =	shalt  }
0x4a: {  	_ =	shalt  }
0x4b: {  	_ =	shalt  }
0x4c: {  	_ =	shalt  }
0x4d: {  	_ =	shalt  }
0x4e: {  	_ =	shalt  }
0x4f: {  	_ =	shalt  }
0x50: {  	_ =	shalt  }
0x51: {  	_ =	shalt  }
0x52: {  	_ =	shalt  }
0x53: {  	_ =	shalt  }
0x54: {  	_ =	shalt  }
0x55: {  	_ =	shalt  }
0x56: {  	_ =	shalt  }
0x57: {  	_ =	shalt  }
0x58: {  	_ =	shalt  }
0x59: {  	_ =	shalt  }
0x5a: {  	_ =	shalt  }
0x5b: {  	_ =	shalt  }
0x5c: {  	_ =	shalt  }
0x5d: {  	_ =	shalt  }
0x5e: {  	_ =	shalt  }
0x5f: {  	_ =	shalt  }
0x60: {  	_ =	shalt  }
0x61: {  	_ =	shalt  }
0x62: {  	_ =	shalt  }
0x63: {  	_ =	shalt  }
0x64: {  	_ =	shalt  }
0x65: {  	_ =	shalt  }
0x66: {  	_ =	shalt  }
0x67: {  	_ =	shalt  }
0x68: {  	_ =	shalt  }
0x69: {  	_ =	shalt  }
0x6a: {  	_ =	shalt  }
0x6b: {  	_ =	shalt  }
0x6c: {  	_ =	shalt  }
0x6d: {  	_ =	shalt  }
0x6e: {  	_ =	shalt  }
0x6f: {  	_ =	shalt  }
0x70: {  	_ =	shalt  }
0x71: {  	_ =	shalt  }
0x72: {  	_ =	shalt  }
0x73: {  	_ =	shalt  }
0x74: {  	_ =	shalt  }
0x75: {  	_ =	shalt  }
0x76: {  	_ =	shalt  }
0x77: {  	_ =	shalt  }
0x78: {  	_ =	shalt  }
0x79: {  	_ =	shalt  }
0x7a: {  	_ =	shalt  }
0x7b: {  	_ =	shalt  }
0x7c: {  	_ =	shalt  }
0x7d: {  	_ =	shalt  }
0x7e: {  	_ =	shalt  }
0x7f: {  	_ =	shalt  }
0x80: {  	_ =	shalt  }
0x81: {  	_ =	shalt  }
0x82: {  	_ =	shalt  }
0x83: {  	_ =	shalt  }
0x84: {  	_ =	shalt  }
0x85: {  	_ =	shalt  }
0x86: {  	_ =	shalt  }
0x87: {  	_ =	shalt  }
.Lfunc_end0:
.L_simem_size_0:
called_computation_lowered:
.L_overlay_start_0:
0x88: {  	s2 =	sld [smem:$0x3FD9]  }
0x89: {  	s3 =	sld [smem:$0x3FFE];
	_ =	sdelay $0x1  }
0x8a: {  	s1 =	srdreg.scid  }
0x8b: {  	s0 =	sand.u32 $0x1, s1  }
0x8c: {  	s17 =	sshll.u32 s0, $0xA;
	s2 =	sadd.s32 s3, s2  }
0x8d: {  	s2 =	sadd.s32 s2, s17  }
0x8e: {  	[smem:$0x3FBF] =	sst s2  }
0x8f: {  	_ = 	snop  }
0x90: {  	s2 =	sld [smem:$0x3FD0];
	(tm) =	ssettm $0x1  }
0x91: {  	s18 =	sld [smem:$0x3FFB];
	_ =	sdelay $0x3  }
0x92: {  	_ =	strace s18  }
0x93: {  	s3 =	sld [smem:$0x3FFC];
	_ =	sdelay $0x3  }
0x94: {  	_ =	strace s3  }
0x95: {  	s3 =	sld [smem:$0x3FFD];
	_ =	sdelay $0x3  }
0x96: {  	_ =	strace s3  }
0x97: {  	_ =	strace $0x8FFFFFFF  }
0x98: {  	s19 =	sld [smem:$0x3FDB];
	_ =	sdelay $0x1  }
0x99: {  	s4 =	simm.s32 $_scs_section_size  }
0x9a: {  	s5 =	simm.s32 $_size__tile_overlayer_lowered;
	s6 =	simm.s32 $_tile_overlayer_lowered  }
0x9b: {  	s22 =	simm.s32 $0x1BFF;
	s21 =	sshll.u32 s6, $0x1;
	s3 =	sadd.s32 s4, s19  }
0x9c: {  	s7 =	simm.s32 $0x0;
	s20 =	sshll.u32 s5, $0x1;
	s5 =	sadd.s32 s21, s3  }
0x9d: {  	[timem:s7], [sflag:s22] =	dma.local [hbm:s5], s20  }
0x9e: {  	_ =	swait.ge [sflag:s22], s20  }
0x9f: {  	s4 =	ssub.s32 $0x0, s20;
	[sflag:s22] =	ssyncset.done $0x0  }
0xa0: {  	[sflag:s22] =	ssyncadd.s32 s4;
	_ =	sdelay $0x1  }
0xa1: {  	s23 =	simm.s32 $0x1B8B  }
0xa2: {  	_ =	swait.ge [sflag:s23], $0x1  }
0xa3: {  	[sflag:s23] =	ssyncset.done $0x0  }
0xa4: {  	s25 =	simm.s32 $0x1B8E;
	s24 =	sld [smem:$0x3FFE];
	[sflag:s23] =	ssyncadd.s32 $0xFFFFFFFF  }
0xa5: {  	s26 =	simm.s32 $execute0_lowered;
	[smem:$0x3FD2] =	sst s25  }
0xa6: {  	s5 =	sshll.u32 s26, $0x1;
	_ =	strace $0x80000046;
	[dreg:$0x1] =	wrdreg $0xFFFFFFFF  }
0xa7: {  	s28 =	simm.s32 $_size_execute0_lowered;
	s3 =	sadd.s32 s3, s5;
	[dreg:$0x0] =	wrdreg $0x0  }
0xa8: {  	s5 =	sshll.u32 s28, $0x1;
	[dreg:$0x2] =	wrdreg s3  }
0xa9: {  	[dreg:$0x3] =	wrdreg s5  }
0xaa: {  	[dreg:$0x4] =	wrdreg $0xC0  }
0xab: {  	_ =	task [dreg:s7], $0x5FFFF  }
0xac: {  	[dreg:$0x1] =	wrdreg $0xFFFFFFFF  }
0xad: {  	[dreg:$0x0] =	wrdreg $0x60  }
0xae: {  	[dreg:$0x2] =	wrdreg s24  }
0xaf: {  	[dreg:$0x3] =	wrdreg s2  }
0xb0: {  	[dreg:$0x4] =	wrdreg $0x8D800  }
0xb1: {  	[dreg:$0x5] =	wrdreg $0x9  }
0xb2: {  	_ =	task.clear_ibuf [dreg:s7], $0x6FFFF;
	_ =	strace $0x90000046  }
0xb3: {  	s29 =	simm.s32 $0x9;
	_ =	strace $0x80000048  }
0xb4: {  	_ =	swait.ge [sflag:s29], $0x1  }
0xb5: {  	[sflag:s29] =	ssyncadd.s32 $0xFFFFFFFF  }
0xb6: {  	_ =	strace $0x90000048  }
0xb7: {  	_ =	sfence  }
0xb8: {  	s30 =	sld [smem:$0x0];
	_ =	sdelay $0x2  }
0xb9: {  	s31 =	sshll.u32 s1, $0xD;
	s1 =	sshrl.u32 s1, $0x2  }
0xba: {  	s3 =	sand.u32 $0x4000, s31;
	s1 =	sadd.s32 s1, s30  }
0xbb: {  	s0 =	sor.u32 s3, s0;
	s1 =	sshll.u32 s1, $0x11  }
0xbc: {  	s0 =	sor.u32 s1, s0  }
0xbd: {  	s0 =	sadd.s32 $0x8F2B, s0  }
0xbe: {  	[sflag:s0] =	ssyncadd.remote.s32 $0x1  }
0xbf: {  	_ =	sfence.sel $0xFFFF  }
0xc0: {  	[dreg:$0x0] =	wrdreg $0xFFFFFFFF;
	(pc) =	sbr.abs _section_cstart, $3  }
0xc1: {  	[dreg:$0x1] =	wrdreg $0xFFFFFFFF  }
0xc2: {  	_ =	task.clear_ibuf [dreg:s7], $0x2FFFF;
	_ =	strace $0x9FFFFFFF  }
0xc3: {  	(tm) =	ssettm $0x7FFFFFFF  }
tec
execute0_lowered:
.L_overlay_start_1:
0x0: {  	(tag) =	ssettag $0x1  }
0x1: {  	s0 =	rddreg [dreg:$0x0]  }
0x2: {  	s3 =	rddreg [dreg:$0x1]  }
0x3: {  	s2 =	rddreg [dreg:$0x2]  }
0x4: {  	s1 =	simm.s32 $0x0;
	s8 =	srdreg.scid;
	s11 =	stileid.u32  }
0x5: {  	s30 =	simm.s32 $0x5;
	s31 =	simm.s32 $0x50;
	s28 =	simm.s32 $0x3D80  }
0x6: {  	s29 =	simm.s32 $0x28;
	[smem:$0x7FF] =	sst s1;
	s4 =	sadd.s32 $0xB000, s0  }
0x7: {  	s9 =	sadd.s32 $0x1200, s0;
	s10 =	sadd.s32 $0x59200, s0;
	s5 =	sadd.s32 $0x80A00, s0  }
0x8: {  	s12 =	sadd.s32 $0x63000, s0;
	_ =	strace $0x80000047;
	[dreg:$0x9] =	wrdreg s5  }
0x9: {  	s13 =	sadd.s32 $0x6CE00, s0;
	s14 =	sadd.s32 $0x76C00, s0;
	[dreg:$0x4] =	wrdreg s9  }
0xa: {  	s1 =	sand.u32 $0x1, s8;
	s6 =	smul.u32 $0x4E000, s11;
	[dreg:$0x5] =	wrdreg s10  }
0xb: {  	s0 =	sadd.s32 $0x83200, s0;
	s19 =	smul.u32 $0x13800, s11;
	[dreg:$0x6] =	wrdreg s12  }
0xc: {  	p0 =	seq.s32 s11, $0xF;
	s15 =	sshll.u32 s1, $0x4;
	[dreg:$0x7] =	wrdreg s13  }
0xd: {  	s7 =	ssub.s32 $0x2, s1;
	s1 =	smul.u32 $0x138800, s1;
	[dreg:$0x8] =	wrdreg s14  }
0xe: {  	s5 =	sor.u32 s11, s15;
	s8 =	sshrl.u32 s7, $0x1;
	s16 =	sshrl.u32 s6, $0x2  }
0xf: {  	s6 =	simm.s32 $0x0;
	s15 =	smul.u32 $0x2710, s5;
	s17 =	ssub.s32 s7, s8  }
0x10: {  	s5 =	sadd.s32 s16, s2;
	s8 =	sadd.s32 s19, s1;
	s1 =	sshrl.u32 s1, $0x3  }
0x11: {  	s7 =	simm.s32 $0x1480;
	s16 =	simm.s32 $0x1500;
	[dreg:$0xb] =	wrdreg s5  }
0x12: {  	s24 =	sshrl.u32 s8, $0x3;
	s26 =	smax.u32 s17, $0x1;
	[dreg:$0xa] =	wrdreg s15  }
0x13: {  	s5 =	sadd.s32 $0x124800, s2;
	s25 =	sadd.s32 s0, s24;
	[dreg:$0x14] =	wrdreg s26  }
0x14: {  	s18 =	sshrl.u32 s15, $0x3;
	s5 =	sshrl.u32 @p0 s5, $0x3;
	[dreg:$0x12] =	wrdreg s25  }
0x15: {  	s17 =	simm.s32 $0x7980;
	s9 =	sadd.s32 s9, s18;
	[dreg:$0x15] =	wrdreg s5  }
0x16: {  	s0 =	sadd.s32 s0, s1;
	s3 =	sadd.s32 s3, s18;
	[dreg:$0xc] =	wrdreg s9  }
0x17: {  	s24 =	simm.s32 $0x1580;
	s20 =	sadd.s32 s10, s18;
	[dreg:$0xd] =	wrdreg s3  }
0x18: {  	s26 =	simm.s32 $0x1400;
	s21 =	sadd.s32 s12, s18;
	[dreg:$0xe] =	wrdreg s20  }
0x19: {  	s15 =	simm.s32 $0x4;
	s22 =	sadd.s32 s13, s18;
	[dreg:$0xf] =	wrdreg s21  }
0x1a: {  	s23 =	sadd.s32 s14, s18;
	s0 =	sadd.s32 $0x24900, s0;
	[dreg:$0x10] =	wrdreg s22  }
0x1b: {  	s25 =	simm.s32 $0x1;
	s13 =	simm.s32 $0x6580;
	[dreg:$0x11] =	wrdreg s23  }
0x1c: {  	s14 =	simm.s32 $0x2;
	[dreg:$0x13] =	wrdreg s0;
	s0 =	simm.s32 $0x1380  }
.LBB2_1:
0x1d: {  	[dreg:$0x16] =	wrdreg s6  }
0x1e: {  	s1 =	simm.s32 @p0 $0x1FC6;
	s6 =	rddreg [dreg:$0x9]  }
0x1f: {  	[spmem:s5], [sflag:s1] =	dma.local @p0 [hbm:s6], $0x2800  }
0x20: {  	s1 =	simm.s32 @p0 $0x6  }
0x21: {  	s3 =	stileid.u32;
	_ =	swait.ge @p0 [sflag:s1], $0x2800  }
0x22: {  	s5 =	sshll.u32 @!p0 s3, $0x6;
	[sflag:s1] =	ssyncset.done @p0 $0x0  }
0x23: {  	s3 =	sor.u32 @!p0 $0x1C06, s5;
	[sflag:s1] =	ssyncadd.s32 @p0 $0xFFFFD800;
	s1 =	rddreg [dreg:$0xb]  }
0x24: {  	[dreg:$0x17] =	wrdreg s3;
	s1 =	sshrl.u32 @!p0 s1, $0x3  }
0x25: {  	[dreg:$0x18] =	wrdreg s1  }
0x26: {  	[spmem:s1], [sflag:s3] =	dma.local @!p0 [hbm:s6], $0x2700  }
0x27: {  	s1 =	simm.s32 @!p0 $0x6  }
0x28: {  	_ =	swait.ge @!p0 [sflag:s1], $0x2700  }
0x29: {  	[sflag:s1] =	ssyncset.done @!p0 $0x0  }
0x2a: {  	[sflag:s1] =	ssyncadd.s32 @!p0 $0xFFFFD900  }
0x2b: {  	[bflag:$0x0] =	sbarrier.arrive $0xFFFF  }
0x2c: {  	s6 =	simm.s32 $0x0;
	s8 =	rddreg [dreg:$0xc]  }
0x2d: {  	[tilespmem:s6], [sflag:$0x5] =	stream.linear.gather [hbm4b:s8+s6], $0x190, $0x38;
	[tilespmem:$0x1C600] =	vst v63  }
0x2e: {  	s10 =	simm.s32 $0x380;
	s9 =	rddreg [dreg:$0xd]  }
0x2f: {  	[tilespmem:s10], [sflag:$0x5] =	stream.linear.gather [hbm4b:s9+s6], $0x190, $0x38;
	[tilespmem:$0x1C600] =	vst v63  }
0x30: {  	s12 =	simm.s32 $0x700;
	s11 =	rddreg [dreg:$0xe]  }
0x31: {  	[tilespmem:s12], [sflag:$0x5] =	stream.linear.gather [hbm4b:s11+s6], $0x190, $0x38;
	[tilespmem:$0x1C600] =	vst v63  }
0x32: {  	s19 =	simm.s32 $0x890;
	s18 =	rddreg [dreg:$0xf]  }
0x33: {  	[tilespmem:s19], [sflag:$0x5] =	stream.linear.gather [hbm4b:s18+s6], $0x190, $0x38;
	[tilespmem:$0x1C600] =	vst v63  }
0x34: {  	s21 =	simm.s32 $0xA20;
	s20 =	rddreg [dreg:$0x10]  }
0x35: {  	[tilespmem:s21], [sflag:$0x5] =	stream.linear.gather [hbm4b:s20+s6], $0x190, $0x38;
	[tilespmem:$0x1C600] =	vst v63  }
0x36: {  	s23 =	simm.s32 $0xBB0;
	s22 =	rddreg [dreg:$0x11]  }
0x37: {  	[tilespmem:s23], [sflag:$0x5] =	stream.linear.gather [hbm4b:s22+s6], $0x190, $0x38;
	[tilespmem:$0x1C600] =	vst v63  }
0x38: {  	_ =	swait.ge [sflag:s30], $0x190  }
0x39: {  	[sflag:s30] =	ssyncset.done $0x0  }
0x3a: {  	[sflag:s30] =	ssyncadd.s32 $0xFFFFFE70  }
0x3b: {  	_ =	swait.ge [sflag:s30], $0x190  }
0x3c: {  	[sflag:s30] =	ssyncset.done $0x0  }
0x3d: {  	[sflag:s30] =	ssyncadd.s32 $0xFFFFFE70  }
0x3e: {  	_ =	swait.ge [sflag:s30], $0x190  }
0x3f: {  	[sflag:s30] =	ssyncset.done $0x0  }
0x40: {  	[sflag:s30] =	ssyncadd.s32 $0xFFFFFE70  }
0x41: {  	_ =	swait.ge [sflag:s30], $0x190  }
0x42: {  	[sflag:s30] =	ssyncset.done $0x0  }
0x43: {  	[sflag:s30] =	ssyncadd.s32 $0xFFFFFE70  }
0x44: {  	_ =	swait.ge [sflag:s30], $0x190  }
0x45: {  	[sflag:s30] =	ssyncset.done $0x0  }
0x46: {  	[sflag:s30] =	ssyncadd.s32 $0xFFFFFE70  }
0x47: {  	_ =	swait.ge [sflag:s30], $0x190  }
0x48: {  	[sflag:s30] =	ssyncset.done $0x0  }
0x49: {  	[sflag:s30] =	ssyncadd.s32 $0xFFFFFE70  }
0x4a: {  	v0 =	vld [tilespmem:$0x0]  }
0x4b: {  	v1 =	vld [tilespmem:$0x10];
	_ =	sdelay $0x2  }
0x4c: {  	v2 =	vld [tilespmem:$0x18]  }
0x4d: {  	[tilespmem:$0x1380] =	vst v0  }
0x4e: {  	v0 =	vadd.s32 $0x2710, v0;
	[tilespmem:$0x1390] =	vst v1  }
0x4f: {  	v62 =	vadd.s32 $0x2710, v1;
	[tilespmem:$0x13A8] =	vst v0  }
0x50: {  	[tilespmem:$0x13B8] =	vst v62  }
0x51: {  	v63 =	vadd.s32 $0x2710, v2;
	[tilespmem:$0x1398] =	vst v2  }
0x52: {  	s1 =	simm.s32 $0x0;
	[tilespmem:$0x13C0] =	vst v63  }
0x53: {  	[tilespmem:s24], [sflag:$0x1] =	stream.indirect.gather [hbm4b:s4+s31], $0x80, s0, s31, $0xb8;
	[tilespmem:$0x1C600] =	vst v63  }
.LBB2_3:
0x54: {  	p1 =	seq.s32 s1, $0x0  }
0x55: {  	s5 =	simm.s32 @!p1 $0x3  }
0x56: {  	_ =	swait.ge @!p1 [sflag:s5], $0x1400  }
0x57: {  	s22 =	sadd.s32 $0x1, s1;
	[sflag:s5] =	ssyncset.done @!p1 $0x0  }
0x58: {  	s18 =	sand.u32 $0x1, s1;
	s6 =	simm.s32 @!p1 $0x4;
	[sflag:s5] =	ssyncadd.s32 @!p1 $0xFFFFEC00  }
0x59: {  	p2 =	seq.s32 @!p1 s1, $0x18;
	s19 =	smul.u32 $0x1900, s18;
	_ =	swait.ge @!p1 [sflag:s6], $0x1400  }
0x5a: {  	s18 =	smul.u32 $0x190, s18;
	p2 =	por p1, !p2;
	[sflag:s6] =	ssyncset.done @!p1 $0x0  }
0x5b: {  	s11 =	simm.s32 @p2 $0x0;
	[sflag:s6] =	ssyncadd.s32 @!p1 $0xFFFFEC00;
	s6 =	smul.u32 @p2 $0x190, s22  }
0x5c: {  	s20 =	sshrl.u32 s19, $0x2;
	s5 =	sand.u32 $0x1, s22;
	s3 =	rddreg @p2 [dreg:$0xa]  }
0x5d: {  	s21 =	sadd.s32 $0x380, s18;
	s8 =	smul.u32 @p2 $0x190, s5;
	s6 =	sadd.s32 @p2 s3, s6  }
0x5e: {  	s10 =	smul.u32 @p2 $0x1900, s5;
	s3 =	rddreg @p2 [dreg:$0x4];
	s6 =	sshrl.u32 @p2 s6, $0x3  }
0x5f: {  	s5 =	smul.u32 $0x640, s5;
	s9 =	sadd.s32 @p2 s3, s6;
	s3 =	rddreg @p2 [dreg:$0x1]  }
0x60: {  	[tilespmem:s8], [sflag:$0x5] =	stream.linear.gather @p2 [hbm4b:s9+s11], $0x190, $0x38;
	[tilespmem:$0x1C600] =	vst v63  }
0x61: {  	p1 =	por @!p1 $0x0, $0x0;
	s8 =	sadd.s32 @p2 $0x380, s8;
	s9 =	sadd.s32 @p2 s3, s6  }
0x62: {  	[tilespmem:s8], [sflag:$0x5] =	stream.linear.gather @p2 [hbm4b:s9+s11], $0x190, $0x38;
	[tilespmem:$0x1C600] =	vst v63  }
0x63: {  	s23 =	sshrl.u32 s5, $0x2;
	s3 =	rddreg @p2 [dreg:$0x5];
	s8 =	sshrl.u32 @p2 s10, $0x2  }
0x64: {  	s10 =	sadd.s32 @p2 s3, s6;
	s3 =	rddreg @p2 [dreg:$0x6];
	s9 =	sadd.s32 @p2 $0x700, s8  }
0x65: {  	[tilespmem:s9], [sflag:$0x5] =	stream.linear.gather @p2 [hbm4b:s10+s11], $0x190, $0x38;
	[tilespmem:$0x1C600] =	vst v63  }
0x66: {  	s9 =	sadd.s32 @p2 $0x890, s8;
	s10 =	sadd.s32 @p2 s3, s6;
	s3 =	rddreg @p2 [dreg:$0x7]  }
0x67: {  	[tilespmem:s9], [sflag:$0x5] =	stream.linear.gather @p2 [hbm4b:s10+s11], $0x190, $0x38;
	[tilespmem:$0x1C600] =	vst v63  }
0x68: {  	s9 =	sadd.s32 @p2 $0xA20, s8;
	s10 =	sadd.s32 @p2 s3, s6;
	s3 =	rddreg @p2 [dreg:$0x8]  }
0x69: {  	[tilespmem:s9], [sflag:$0x5] =	stream.linear.gather @p2 [hbm4b:s10+s11], $0x190, $0x38;
	[tilespmem:$0x1C600] =	vst v63  }
0x6a: {  	p1 =	por @p2 $0x1, $0x1;
	s8 =	sadd.s32 @p2 $0xBB0, s8;
	s6 =	sadd.s32 @p2 s3, s6  }
0x6b: {  	[tilespmem:s8], [sflag:$0x5] =	stream.linear.gather @p2 [hbm4b:s6+s11], $0x190, $0x38;
	[tilespmem:$0x1C600] =	vst v63  }
0x6c: {  	v0 =	vmov s18;
	v1 =	vmov s21;
	s5 =	simm.s32 $0x0;
	p1 =	por !p1, !p1;
	s11 =	sadd.s32 $0x700, s20  }
.LBB2_4:
0x6d: {  	_ = 	snop  }
0x6e: {  	_ =	swait.ge [sflag:s25], $0x2800;
	s6 =	smul.u32 $0x50, s5  }
0x6f: {  	[sflag:s25] =	ssyncset.done $0x0  }
0x70: {  	[sflag:s25] =	ssyncadd.s32 $0xFFFFD800;
	s1 =	sadd.s32 $0x28, s6  }
0x71: {  	v2 =	vld.idx.msk [tilespmem:v0+s1+$0x0 ss:$0x1], $0xffff;
	_ =	sdelay $0x4  }
0x72: {  	[tilespmem:$0x1400] =	vst v2;
	v2 =	vadd.s32 $0x2710, v2  }
0x73: {  	[tilespmem:$0x1428] =	vst v2  }
0x74: {  	v2 =	vld.idx.msk [tilespmem:v0+s1+$0x10 ss:$0x1], $0xffff;
	_ =	sdelay $0x4  }
0x75: {  	[tilespmem:$0x1410] =	vst v2;
	v2 =	vadd.s32 $0x2710, v2  }
0x76: {  	[tilespmem:$0x1438] =	vst v2  }
0x77: {  	v2 =	vld.idx.msk [tilespmem:v0+s1+$0x18 ss:$0x1], $0xffff;
	_ =	sdelay $0x4  }
0x78: {  	p2 =	seq.s32 s5, $0x0;
	[tilespmem:$0x1418] =	vst v2;
	v2 =	vadd.s32 $0x2710, v2  }
0x79: {  	s8 =	simm.s32 @!p2 $0x3;
	s10 =	sadd.s32 s6, s11;
	[tilespmem:$0x1440] =	vst v2  }
0x7a: {  	v2 =	vmov s10;
	[tilespmem:s28], [sflag:$0x2] =	stream.indirect.gather [hbm4b:s4+s31], $0x80, s26, s31, $0xb8;
	[tilespmem:$0x1C600] =	vst v63  }
0x7b: {  	s9 =	simm.s32 $0x6680;
	s20 =	sadd.s32 s18, s1;
	_ =	swait.ge @!p2 [sflag:s8], $0x1400  }
0x7c: {  	s21 =	sadd.s32 $0x10, s20;
	s19 =	sadd.s32 $0x18, s20;
	[sflag:s8] =	ssyncset.done @!p2 $0x0  }
0x7d: {  	s10 =	simm.s32 $0x0;
	[sflag:s8] =	ssyncadd.s32 @!p2 $0xFFFFEC00;
	s8 =	simm.s32 $0x2B70  }
.LBB2_5:
0x7e: {  	s3 =	sand.u32 $0x30, s10;
	v7 =	vld [tilespmem:s8+$0xFFFFEA10]  }
0x7f: {  	v3 =	vld.idx.msk [tilespmem:v2+s3+$0x0 ss:$0x1], $0xffff  }
0x80: {  	s12 =	sand.u32 $0x7FFFFFCC, s10;
	v4 =	vld.idx.msk [tilespmem:v2+s3+$0x190 ss:$0x1], $0xffff  }
0x81: {  	v5 =	vld.idx.msk [tilespmem:v2+s3+$0x320 ss:$0x1], $0xffff;
	v6 =	vmov s12  }
0x82: {  	v6 =	vand.u32 $0xF, v6  }
0x83: {  	v9 =	vld [tilespmem:s8+$0xFFFFFE10];
	v8 =	vbroadcast v6, $0x0  }
0x84: {  	v6 =	vld.idx.msk [tilespmem:v2+s3+$0x4B0 ss:$0x1], $0xffff  }
0x85: {  	v10 =	vperm.xlane v3, v8;
	v11 =	vperm.xlane v4, v8  }
0x86: {  	v13 =	vshll.u32 v7, $0x10;
	v7 =	vand.u32 $0xFFFF0000, v7;
	v12 =	vperm.xlane v5, v8  }
0x87: {  	v13 =	vmul.f32 v13, v10;
	v7 =	vmul.f32 v7, v11  }
0x88: {  	v14 =	vshll.u32 v9, $0x10  }
0x89: {  	v8 =	vperm.xlane v6, v8;
	v19 =	vmul.f32 v14, v12;
	v7 =	vadd.f32 v7, v13  }
0x8a: {  	v9 =	vand.u32 $0xFFFF0000, v9  }
0x8b: {  	v9 =	vmul.f32 v9, v8;
	v7 =	vadd.f32 v19, v7;
	_ =	sdelay $0x1  }
0x8c: {  	v7 =	vadd.f32 v7, v9;
	_ =	sdelay $0x1  }
0x8d: {  	[tilespmem:s9+$0xFFFFFF00] =	vst v7  }
0x8e: {  	v7 =	vld [tilespmem:s8+$0xFFFFEA20];
	_ =	sdelay $0x1  }
0x8f: {  	v20 =	vld [tilespmem:s8+$0xFFFFFE20];
	_ =	sdelay $0x2  }
0x90: {  	v21 =	vshll.u32 v7, $0x10;
	v7 =	vand.u32 $0xFFFF0000, v7  }
0x91: {  	v13 =	vmul.f32 v21, v10;
	v7 =	vmul.f32 v7, v11  }
0x92: {  	v22 =	vshll.u32 v20, $0x10  }
0x93: {  	v23 =	vmul.f32 v22, v12;
	v7 =	vadd.f32 v7, v13  }
0x94: {  	v9 =	vand.u32 $0xFFFF0000, v20  }
0x95: {  	v9 =	vmul.f32 v9, v8;
	v7 =	vadd.f32 v23, v7;
	_ =	sdelay $0x1  }
0x96: {  	v7 =	vadd.f32 v7, v9;
	_ =	sdelay $0x1  }
0x97: {  	[tilespmem:s9+$0xFFFFFF10] =	vst v7  }
0x98: {  	v7 =	vld [tilespmem:s8+$0xFFFFEA30];
	_ =	sdelay $0x1  }
0x99: {  	v24 =	vld [tilespmem:s8+$0xFFFFFE30];
	_ =	sdelay $0x2  }
0x9a: {  	v25 =	vshll.u32 v7, $0x10;
	v7 =	vand.u32 $0xFFFF0000, v7  }
0x9b: {  	v13 =	vmul.f32 v25, v10;
	v7 =	vmul.f32 v7, v11  }
0x9c: {  	v26 =	vshll.u32 v24, $0x10  }
0x9d: {  	v27 =	vmul.f32 v26, v12;
	v7 =	vadd.f32 v7, v13  }
0x9e: {  	v9 =	vand.u32 $0xFFFF0000, v24  }
0x9f: {  	v9 =	vmul.f32 v9, v8;
	v7 =	vadd.f32 v27, v7;
	_ =	sdelay $0x1  }
0xa0: {  	v7 =	vadd.f32 v7, v9;
	_ =	sdelay $0x1  }
0xa1: {  	[tilespmem:s9+$0xFFFFFF20] =	vst v7  }
0xa2: {  	v7 =	vld [tilespmem:s8+$0xFFFFEA40];
	_ =	sdelay $0x1  }
0xa3: {  	v28 =	vld [tilespmem:s8+$0xFFFFFE40];
	_ =	sdelay $0x2  }
0xa4: {  	v29 =	vshll.u32 v7, $0x10;
	v7 =	vand.u32 $0xFFFF0000, v7  }
0xa5: {  	v13 =	vmul.f32 v29, v10;
	v7 =	vmul.f32 v7, v11  }
0xa6: {  	v30 =	vshll.u32 v28, $0x10  }
0xa7: {  	v31 =	vmul.f32 v30, v12;
	v7 =	vadd.f32 v7, v13  }
0xa8: {  	v9 =	vand.u32 $0xFFFF0000, v28  }
0xa9: {  	v9 =	vmul.f32 v9, v8;
	v7 =	vadd.f32 v31, v7;
	_ =	sdelay $0x1  }
0xaa: {  	v7 =	vadd.f32 v7, v9;
	_ =	sdelay $0x1  }
0xab: {  	[tilespmem:s9+$0xFFFFFF30] =	vst v7  }
0xac: {  	v7 =	vld [tilespmem:s8+$0xFFFFEA50];
	_ =	sdelay $0x1  }
0xad: {  	v32 =	vld [tilespmem:s8+$0xFFFFFE50];
	_ =	sdelay $0x2  }
0xae: {  	v33 =	vshll.u32 v7, $0x10;
	v7 =	vand.u32 $0xFFFF0000, v7  }
0xaf: {  	v13 =	vmul.f32 v33, v10;
	v7 =	vmul.f32 v7, v11  }
0xb0: {  	v34 =	vshll.u32 v32, $0x10  }
0xb1: {  	v35 =	vmul.f32 v34, v12;
	v7 =	vadd.f32 v7, v13  }
0xb2: {  	v9 =	vand.u32 $0xFFFF0000, v32  }
0xb3: {  	v9 =	vmul.f32 v9, v8;
	v7 =	vadd.f32 v35, v7;
	_ =	sdelay $0x1  }
0xb4: {  	v7 =	vadd.f32 v7, v9;
	_ =	sdelay $0x1  }
0xb5: {  	[tilespmem:s9+$0xFFFFFF40] =	vst v7  }
0xb6: {  	v7 =	vld [tilespmem:s8+$0xFFFFEA60];
	_ =	sdelay $0x1  }
0xb7: {  	v36 =	vld [tilespmem:s8+$0xFFFFFE60];
	_ =	sdelay $0x2  }
0xb8: {  	v37 =	vshll.u32 v7, $0x10;
	v7 =	vand.u32 $0xFFFF0000, v7  }
0xb9: {  	v13 =	vmul.f32 v37, v10;
	v7 =	vmul.f32 v7, v11  }
0xba: {  	v38 =	vshll.u32 v36, $0x10  }
0xbb: {  	v39 =	vmul.f32 v38, v12;
	v7 =	vadd.f32 v7, v13  }
0xbc: {  	v9 =	vand.u32 $0xFFFF0000, v36  }
0xbd: {  	v9 =	vmul.f32 v9, v8;
	v7 =	vadd.f32 v39, v7;
	_ =	sdelay $0x1  }
0xbe: {  	v7 =	vadd.f32 v7, v9;
	_ =	sdelay $0x1  }
0xbf: {  	[tilespmem:s9+$0xFFFFFF50] =	vst v7  }
0xc0: {  	v7 =	vld [tilespmem:s8+$0xFFFFEA70];
	_ =	sdelay $0x1  }
0xc1: {  	v40 =	vld [tilespmem:s8+$0xFFFFFE70];
	_ =	sdelay $0x2  }
0xc2: {  	v41 =	vshll.u32 v7, $0x10;
	v7 =	vand.u32 $0xFFFF0000, v7  }
0xc3: {  	v13 =	vmul.f32 v41, v10;
	v7 =	vmul.f32 v7, v11  }
0xc4: {  	v42 =	vshll.u32 v40, $0x10  }
0xc5: {  	v43 =	vmul.f32 v42, v12;
	v7 =	vadd.f32 v7, v13  }
0xc6: {  	v9 =	vand.u32 $0xFFFF0000, v40  }
0xc7: {  	v9 =	vmul.f32 v9, v8;
	v7 =	vadd.f32 v43, v7;
	_ =	sdelay $0x1  }
0xc8: {  	v7 =	vadd.f32 v7, v9;
	_ =	sdelay $0x1  }
0xc9: {  	[tilespmem:s9+$0xFFFFFF60] =	vst v7  }
0xca: {  	v7 =	vld [tilespmem:s8+$0xFFFFEA80];
	_ =	sdelay $0x1  }
0xcb: {  	v44 =	vld [tilespmem:s8+$0xFFFFFE80];
	_ =	sdelay $0x2  }
0xcc: {  	v45 =	vshll.u32 v7, $0x10;
	v7 =	vand.u32 $0xFFFF0000, v7  }
0xcd: {  	v10 =	vmul.f32 v45, v10;
	v7 =	vmul.f32 v7, v11  }
0xce: {  	v46 =	vshll.u32 v44, $0x10  }
0xcf: {  	v47 =	vmul.f32 v46, v12;
	v7 =	vadd.f32 v7, v10  }
0xd0: {  	v9 =	vand.u32 $0xFFFF0000, v44  }
0xd1: {  	v8 =	vmul.f32 v9, v8;
	v7 =	vadd.f32 v47, v7;
	_ =	sdelay $0x1  }
0xd2: {  	v7 =	vadd.f32 v7, v8;
	_ =	sdelay $0x1  }
0xd3: {  	s3 =	sor.u32 $0x1, s12;
	[tilespmem:s9+$0xFFFFFF70] =	vst v7  }
0xd4: {  	v48 =	vmov s3;
	v49 =	vld [tilespmem:s8+$0xFFFFEA90]  }
0xd5: {  	v7 =	vand.u32 $0xF, v48  }
0xd6: {  	v7 =	vbroadcast v7, $0x0;
	v50 =	vld [tilespmem:s8+$0xFFFFFE90];
	_ =	sdelay $0x1  }
0xd7: {  	v51 =	vperm.xlane v3, v7;
	v52 =	vperm.xlane v4, v7  }
0xd8: {  	v53 =	vperm.xlane v5, v7;
	v54 =	vshll.u32 v49, $0x10;
	v8 =	vand.u32 $0xFFFF0000, v49  }
0xd9: {  	v13 =	vmul.f32 v54, v51;
	v8 =	vmul.f32 v8, v52  }
0xda: {  	v55 =	vshll.u32 v50, $0x10  }
0xdb: {  	v7 =	vperm.xlane v6, v7;
	v56 =	vmul.f32 v55, v53;
	v8 =	vadd.f32 v8, v13  }
0xdc: {  	v9 =	vand.u32 $0xFFFF0000, v50  }
0xdd: {  	v9 =	vmul.f32 v9, v7;
	v8 =	vadd.f32 v56, v8;
	_ =	sdelay $0x1  }
0xde: {  	v8 =	vadd.f32 v8, v9;
	_ =	sdelay $0x1  }
0xdf: {  	[tilespmem:s9+$0xFFFFFF80] =	vst v8  }
0xe0: {  	v8 =	vld [tilespmem:s8+$0xFFFFEAA0];
	_ =	sdelay $0x1  }
0xe1: {  	v57 =	vld [tilespmem:s8+$0xFFFFFEA0];
	_ =	sdelay $0x2  }
0xe2: {  	v58 =	vshll.u32 v8, $0x10;
	v8 =	vand.u32 $0xFFFF0000, v8  }
0xe3: {  	v13 =	vmul.f32 v58, v51;
	v8 =	vmul.f32 v8, v52  }
0xe4: {  	v59 =	vshll.u32 v57, $0x10  }
0xe5: {  	v60 =	vmul.f32 v59, v53;
	v8 =	vadd.f32 v8, v13  }
0xe6: {  	v9 =	vand.u32 $0xFFFF0000, v57  }
0xe7: {  	v9 =	vmul.f32 v9, v7;
	v8 =	vadd.f32 v60, v8;
	_ =	sdelay $0x1  }
0xe8: {  	v8 =	vadd.f32 v8, v9;
	_ =	sdelay $0x1  }
0xe9: {  	[tilespmem:s9+$0xFFFFFF90] =	vst v8  }
0xea: {  	v8 =	vld [tilespmem:s8+$0xFFFFEAB0];
	_ =	sdelay $0x1  }
0xeb: {  	v61 =	vld [tilespmem:s8+$0xFFFFFEB0];
	_ =	sdelay $0x2  }
0xec: {  	v62 =	vshll.u32 v8, $0x10;
	v8 =	vand.u32 $0xFFFF0000, v8  }
0xed: {  	v13 =	vmul.f32 v62, v51;
	v8 =	vmul.f32 v8, v52  }
0xee: {  	v63 =	vshll.u32 v61, $0x10  }
0xef: {  	v16 =	vmul.f32 v63, v53;
	v8 =	vadd.f32 v8, v13  }
0xf0: {  	v9 =	vand.u32 $0xFFFF0000, v61  }
0xf1: {  	v9 =	vmul.f32 v9, v7;
	v8 =	vadd.f32 v16, v8;
	_ =	sdelay $0x1  }
0xf2: {  	v8 =	vadd.f32 v8, v9;
	_ =	sdelay $0x1  }
0xf3: {  	[tilespmem:s9+$0xFFFFFFA0] =	vst v8  }
0xf4: {  	v8 =	vld [tilespmem:s8+$0xFFFFEAC0];
	_ =	sdelay $0x1  }
0xf5: {  	v17 =	vld [tilespmem:s8+$0xFFFFFEC0];
	_ =	sdelay $0x2  }
0xf6: {  	v18 =	vshll.u32 v8, $0x10;
	v8 =	vand.u32 $0xFFFF0000, v8  }
0xf7: {  	v13 =	vmul.f32 v18, v51;
	v8 =	vmul.f32 v8, v52  }
0xf8: {  	v19 =	vshll.u32 v17, $0x10  }
0xf9: {  	v20 =	vmul.f32 v19, v53;
	v8 =	vadd.f32 v8, v13  }
0xfa: {  	v9 =	vand.u32 $0xFFFF0000, v17  }
0xfb: {  	v9 =	vmul.f32 v9, v7;
	v8 =	vadd.f32 v20, v8;
	_ =	sdelay $0x1  }
0xfc: {  	v8 =	vadd.f32 v8, v9;
	_ =	sdelay $0x1  }
0xfd: {  	[tilespmem:s9+$0xFFFFFFB0] =	vst v8  }
0xfe: {  	v8 =	vld [tilespmem:s8+$0xFFFFEAD0];
	_ =	sdelay $0x1  }
0xff: {  	v21 =	vld [tilespmem:s8+$0xFFFFFED0];
	_ =	sdelay $0x2  }
0x100: {  	v22 =	vshll.u32 v8, $0x10;
	v8 =	vand.u32 $0xFFFF0000, v8  }
0x101: {  	v13 =	vmul.f32 v22, v51;
	v8 =	vmul.f32 v8, v52  }
0x102: {  	v23 =	vshll.u32 v21, $0x10  }
0x103: {  	v24 =	vmul.f32 v23, v53;
	v8 =	vadd.f32 v8, v13  }
0x104: {  	v9 =	vand.u32 $0xFFFF0000, v21  }
0x105: {  	v9 =	vmul.f32 v9, v7;
	v8 =	vadd.f32 v24, v8;
	_ =	sdelay $0x1  }
0x106: {  	v8 =	vadd.f32 v8, v9;
	_ =	sdelay $0x1  }
0x107: {  	[tilespmem:s9+$0xFFFFFFC0] =	vst v8  }
0x108: {  	v8 =	vld [tilespmem:s8+$0xFFFFEAE0];
	_ =	sdelay $0x1  }
0x109: {  	v25 =	vld [tilespmem:s8+$0xFFFFFEE0];
	_ =	sdelay $0x2  }
0x10a: {  	v26 =	vshll.u32 v8, $0x10;
	v8 =	vand.u32 $0xFFFF0000, v8  }
0x10b: {  	v13 =	vmul.f32 v26, v51;
	v8 =	vmul.f32 v8, v52  }
0x10c: {  	v27 =	vshll.u32 v25, $0x10  }
0x10d: {  	v28 =	vmul.f32 v27, v53;
	v8 =	vadd.f32 v8, v13  }
0x10e: {  	v9 =	vand.u32 $0xFFFF0000, v25  }
0x10f: {  	v9 =	vmul.f32 v9, v7;
	v8 =	vadd.f32 v28, v8;
	_ =	sdelay $0x1  }
0x110: {  	v8 =	vadd.f32 v8, v9;
	_ =	sdelay $0x1  }
0x111: {  	[tilespmem:s9+$0xFFFFFFD0] =	vst v8  }
0x112: {  	v8 =	vld [tilespmem:s8+$0xFFFFEAF0];
	_ =	sdelay $0x1  }
0x113: {  	v29 =	vld [tilespmem:s8+$0xFFFFFEF0];
	_ =	sdelay $0x2  }
0x114: {  	v30 =	vshll.u32 v8, $0x10;
	v8 =	vand.u32 $0xFFFF0000, v8  }
0x115: {  	v13 =	vmul.f32 v30, v51;
	v8 =	vmul.f32 v8, v52  }
0x116: {  	v31 =	vshll.u32 v29, $0x10  }
0x117: {  	v32 =	vmul.f32 v31, v53;
	v8 =	vadd.f32 v8, v13  }
0x118: {  	v9 =	vand.u32 $0xFFFF0000, v29  }
0x119: {  	v9 =	vmul.f32 v9, v7;
	v8 =	vadd.f32 v32, v8;
	_ =	sdelay $0x1  }
0x11a: {  	v8 =	vadd.f32 v8, v9;
	_ =	sdelay $0x1  }
0x11b: {  	[tilespmem:s9+$0xFFFFFFE0] =	vst v8  }
0x11c: {  	v8 =	vld [tilespmem:s8+$0xFFFFEB00];
	_ =	sdelay $0x1  }
0x11d: {  	v33 =	vld [tilespmem:s8+$0xFFFFFF00];
	_ =	sdelay $0x2  }
0x11e: {  	v34 =	vshll.u32 v8, $0x10;
	v8 =	vand.u32 $0xFFFF0000, v8  }
0x11f: {  	v10 =	vmul.f32 v34, v51;
	v8 =	vmul.f32 v8, v52  }
0x120: {  	v35 =	vshll.u32 v33, $0x10  }
0x121: {  	v36 =	vmul.f32 v35, v53;
	v8 =	vadd.f32 v8, v10  }
0x122: {  	v9 =	vand.u32 $0xFFFF0000, v33  }
0x123: {  	v7 =	vmul.f32 v9, v7;
	v8 =	vadd.f32 v36, v8;
	_ =	sdelay $0x1  }
0x124: {  	v7 =	vadd.f32 v8, v7;
	_ =	sdelay $0x1  }
0x125: {  	s3 =	sor.u32 $0x2, s12;
	[tilespmem:s9+$0xFFFFFFF0] =	vst v7  }
0x126: {  	v37 =	vmov s3;
	v38 =	vld [tilespmem:s8+$0xFFFFEB10]  }
0x127: {  	v7 =	vand.u32 $0xF, v37  }
0x128: {  	v7 =	vbroadcast v7, $0x0;
	v39 =	vld [tilespmem:s8+$0xFFFFFF10];
	_ =	sdelay $0x1  }
0x129: {  	v40 =	vperm.xlane v3, v7;
	v41 =	vperm.xlane v4, v7  }
0x12a: {  	v42 =	vperm.xlane v5, v7;
	v43 =	vshll.u32 v38, $0x10;
	v8 =	vand.u32 $0xFFFF0000, v38  }
0x12b: {  	v13 =	vmul.f32 v43, v40;
	v8 =	vmul.f32 v8, v41  }
0x12c: {  	v44 =	vshll.u32 v39, $0x10  }
0x12d: {  	v7 =	vperm.xlane v6, v7;
	v45 =	vmul.f32 v44, v42;
	v8 =	vadd.f32 v8, v13  }
0x12e: {  	v9 =	vand.u32 $0xFFFF0000, v39  }
0x12f: {  	v9 =	vmul.f32 v9, v7;
	v8 =	vadd.f32 v45, v8;
	_ =	sdelay $0x1  }
0x130: {  	v8 =	vadd.f32 v8, v9;
	_ =	sdelay $0x1  }
0x131: {  	[tilespmem:s9+$0x0] =	vst v8  }
0x132: {  	v8 =	vld [tilespmem:s8+$0xFFFFEB20];
	_ =	sdelay $0x1  }
0x133: {  	v46 =	vld [tilespmem:s8+$0xFFFFFF20];
	_ =	sdelay $0x2  }
0x134: {  	v47 =	vshll.u32 v8, $0x10;
	v8 =	vand.u32 $0xFFFF0000, v8  }
0x135: {  	v13 =	vmul.f32 v47, v40;
	v8 =	vmul.f32 v8, v41  }
0x136: {  	v48 =	vshll.u32 v46, $0x10  }
0x137: {  	v49 =	vmul.f32 v48, v42;
	v8 =	vadd.f32 v8, v13  }
0x138: {  	v9 =	vand.u32 $0xFFFF0000, v46  }
0x139: {  	v9 =	vmul.f32 v9, v7;
	v8 =	vadd.f32 v49, v8;
	_ =	sdelay $0x1  }
0x13a: {  	v8 =	vadd.f32 v8, v9;
	_ =	sdelay $0x1  }
0x13b: {  	[tilespmem:s9+$0x10] =	vst v8  }
0x13c: {  	v8 =	vld [tilespmem:s8+$0xFFFFEB30];
	_ =	sdelay $0x1  }
0x13d: {  	v50 =	vld [tilespmem:s8+$0xFFFFFF30];
	_ =	sdelay $0x2  }
0x13e: {  	v51 =	vshll.u32 v8, $0x10;
	v8 =	vand.u32 $0xFFFF0000, v8  }
0x13f: {  	v13 =	vmul.f32 v51, v40;
	v8 =	vmul.f32 v8, v41  }
0x140: {  	v52 =	vshll.u32 v50, $0x10  }
0x141: {  	v53 =	vmul.f32 v52, v42;
	v8 =	vadd.f32 v8, v13  }
0x142: {  	v9 =	vand.u32 $0xFFFF0000, v50  }
0x143: {  	v9 =	vmul.f32 v9, v7;
	v8 =	vadd.f32 v53, v8;
	_ =	sdelay $0x1  }
0x144: {  	v8 =	vadd.f32 v8, v9;
	_ =	sdelay $0x1  }
0x145: {  	[tilespmem:s9+$0x20] =	vst v8  }
0x146: {  	v8 =	vld [tilespmem:s8+$0xFFFFEB40];
	_ =	sdelay $0x1  }
0x147: {  	v54 =	vld [tilespmem:s8+$0xFFFFFF40];
	_ =	sdelay $0x2  }
0x148: {  	v55 =	vshll.u32 v8, $0x10;
	v8 =	vand.u32 $0xFFFF0000, v8  }
0x149: {  	v13 =	vmul.f32 v55, v40;
	v8 =	vmul.f32 v8, v41  }
0x14a: {  	v56 =	vshll.u32 v54, $0x10  }
0x14b: {  	v57 =	vmul.f32 v56, v42;
	v8 =	vadd.f32 v8, v13  }
0x14c: {  	v9 =	vand.u32 $0xFFFF0000, v54  }
0x14d: {  	v9 =	vmul.f32 v9, v7;
	v8 =	vadd.f32 v57, v8;
	_ =	sdelay $0x1  }
0x14e: {  	v8 =	vadd.f32 v8, v9;
	_ =	sdelay $0x1  }
0x14f: {  	[tilespmem:s9+$0x30] =	vst v8  }
0x150: {  	v8 =	vld [tilespmem:s8+$0xFFFFEB50];
	_ =	sdelay $0x1  }
0x151: {  	v58 =	vld [tilespmem:s8+$0xFFFFFF50];
	_ =	sdelay $0x2  }
0x152: {  	v59 =	vshll.u32 v8, $0x10;
	v8 =	vand.u32 $0xFFFF0000, v8  }
0x153: {  	v13 =	vmul.f32 v59, v40;
	v8 =	vmul.f32 v8, v41  }
0x154: {  	v60 =	vshll.u32 v58, $0x10  }
0x155: {  	v61 =	vmul.f32 v60, v42;
	v8 =	vadd.f32 v8, v13  }
0x156: {  	v9 =	vand.u32 $0xFFFF0000, v58  }
0x157: {  	v9 =	vmul.f32 v9, v7;
	v8 =	vadd.f32 v61, v8;
	_ =	sdelay $0x1  }
0x158: {  	v8 =	vadd.f32 v8, v9;
	_ =	sdelay $0x1  }
0x159: {  	[tilespmem:s9+$0x40] =	vst v8  }
0x15a: {  	v8 =	vld [tilespmem:s8+$0xFFFFEB60];
	_ =	sdelay $0x1  }
0x15b: {  	v62 =	vld [tilespmem:s8+$0xFFFFFF60];
	_ =	sdelay $0x2  }
0x15c: {  	v63 =	vshll.u32 v8, $0x10;
	v8 =	vand.u32 $0xFFFF0000, v8  }
0x15d: {  	v13 =	vmul.f32 v63, v40;
	v8 =	vmul.f32 v8, v41  }
0x15e: {  	v16 =	vshll.u32 v62, $0x10  }
0x15f: {  	v17 =	vmul.f32 v16, v42;
	v8 =	vadd.f32 v8, v13  }
0x160: {  	v9 =	vand.u32 $0xFFFF0000, v62  }
0x161: {  	v9 =	vmul.f32 v9, v7;
	v8 =	vadd.f32 v17, v8;
	_ =	sdelay $0x1  }
0x162: {  	v8 =	vadd.f32 v8, v9;
	_ =	sdelay $0x1  }
0x163: {  	[tilespmem:s9+$0x50] =	vst v8  }
0x164: {  	v8 =	vld [tilespmem:s8+$0xFFFFEB70];
	_ =	sdelay $0x1  }
0x165: {  	v18 =	vld [tilespmem:s8+$0xFFFFFF70];
	_ =	sdelay $0x2  }
0x166: {  	v19 =	vshll.u32 v8, $0x10;
	v8 =	vand.u32 $0xFFFF0000, v8  }
0x167: {  	v13 =	vmul.f32 v19, v40;
	v8 =	vmul.f32 v8, v41  }
0x168: {  	v20 =	vshll.u32 v18, $0x10  }
0x169: {  	v21 =	vmul.f32 v20, v42;
	v8 =	vadd.f32 v8, v13  }
0x16a: {  	v9 =	vand.u32 $0xFFFF0000, v18  }
0x16b: {  	v9 =	vmul.f32 v9, v7;
	v8 =	vadd.f32 v21, v8;
	_ =	sdelay $0x1  }
0x16c: {  	v8 =	vadd.f32 v8, v9;
	_ =	sdelay $0x1  }
0x16d: {  	[tilespmem:s9+$0x60] =	vst v8  }
0x16e: {  	v8 =	vld [tilespmem:s8+$0xFFFFEB80];
	_ =	sdelay $0x1  }
0x16f: {  	v22 =	vld [tilespmem:s8+$0xFFFFFF80];
	_ =	sdelay $0x2  }
0x170: {  	v23 =	vshll.u32 v8, $0x10;
	v8 =	vand.u32 $0xFFFF0000, v8  }
0x171: {  	v10 =	vmul.f32 v23, v40;
	v8 =	vmul.f32 v8, v41  }
0x172: {  	v24 =	vshll.u32 v22, $0x10  }
0x173: {  	v25 =	vmul.f32 v24, v42;
	v8 =	vadd.f32 v8, v10  }
0x174: {  	v9 =	vand.u32 $0xFFFF0000, v22  }
0x175: {  	v7 =	vmul.f32 v9, v7;
	v8 =	vadd.f32 v25, v8;
	_ =	sdelay $0x1  }
0x176: {  	v7 =	vadd.f32 v8, v7;
	_ =	sdelay $0x1  }
0x177: {  	s12 =	sor.u32 $0x3, s12;
	[tilespmem:s9+$0x70] =	vst v7  }
0x178: {  	v26 =	vmov s12;
	v27 =	vld [tilespmem:s8+$0xFFFFEB90]  }
0x179: {  	v7 =	vand.u32 $0xF, v26  }
0x17a: {  	v7 =	vbroadcast v7, $0x0;
	v28 =	vld [tilespmem:s8+$0xFFFFFF90];
	_ =	sdelay $0x1  }
0x17b: {  	v3 =	vperm.xlane v3, v7;
	v4 =	vperm.xlane v4, v7  }
0x17c: {  	v5 =	vperm.xlane v5, v7;
	v29 =	vshll.u32 v27, $0x10;
	v8 =	vand.u32 $0xFFFF0000, v27  }
0x17d: {  	v10 =	vmul.f32 v29, v3;
	v8 =	vmul.f32 v8, v4  }
0x17e: {  	v30 =	vshll.u32 v28, $0x10  }
0x17f: {  	v6 =	vperm.xlane v6, v7;
	v32 =	vmul.f32 v30, v5;
	v31 =	vadd.f32 v8, v10  }
0x180: {  	v9 =	vand.u32 $0xFFFF0000, v28  }
0x181: {  	v33 =	vmul.f32 v9, v6;
	v7 =	vadd.f32 v32, v31;
	_ =	sdelay $0x1  }
0x182: {  	v7 =	vadd.f32 v7, v33;
	_ =	sdelay $0x1  }
0x183: {  	[tilespmem:s9+$0x80] =	vst v7  }
0x184: {  	v7 =	vld [tilespmem:s8+$0xFFFFEBA0];
	_ =	sdelay $0x1  }
0x185: {  	v34 =	vld [tilespmem:s8+$0xFFFFFFA0];
	_ =	sdelay $0x2  }
0x186: {  	v35 =	vshll.u32 v7, $0x10;
	v7 =	vand.u32 $0xFFFF0000, v7  }
0x187: {  	v9 =	vmul.f32 v35, v3;
	v7 =	vmul.f32 v7, v4  }
0x188: {  	v36 =	vshll.u32 v34, $0x10  }
0x189: {  	v37 =	vmul.f32 v36, v5;
	v7 =	vadd.f32 v7, v9  }
0x18a: {  	v8 =	vand.u32 $0xFFFF0000, v34  }
0x18b: {  	v8 =	vmul.f32 v8, v6;
	v7 =	vadd.f32 v37, v7;
	_ =	sdelay $0x1  }
0x18c: {  	v7 =	vadd.f32 v7, v8;
	_ =	sdelay $0x1  }
0x18d: {  	[tilespmem:s9+$0x90] =	vst v7  }
0x18e: {  	v7 =	vld [tilespmem:s8+$0xFFFFEBB0];
	_ =	sdelay $0x1  }
0x18f: {  	v38 =	vld [tilespmem:s8+$0xFFFFFFB0];
	_ =	sdelay $0x2  }
0x190: {  	v39 =	vshll.u32 v7, $0x10;
	v7 =	vand.u32 $0xFFFF0000, v7  }
0x191: {  	v9 =	vmul.f32 v39, v3;
	v7 =	vmul.f32 v7, v4  }
0x192: {  	v40 =	vshll.u32 v38, $0x10  }
0x193: {  	v41 =	vmul.f32 v40, v5;
	v7 =	vadd.f32 v7, v9  }
0x194: {  	v8 =	vand.u32 $0xFFFF0000, v38  }
0x195: {  	v8 =	vmul.f32 v8, v6;
	v7 =	vadd.f32 v41, v7;
	_ =	sdelay $0x1  }
0x196: {  	v7 =	vadd.f32 v7, v8;
	_ =	sdelay $0x1  }
0x197: {  	[tilespmem:s9+$0xA0] =	vst v7  }
0x198: {  	v7 =	vld [tilespmem:s8+$0xFFFFEBC0];
	_ =	sdelay $0x1  }
0x199: {  	v42 =	vld [tilespmem:s8+$0xFFFFFFC0];
	_ =	sdelay $0x2  }
0x19a: {  	v43 =	vshll.u32 v7, $0x10;
	v7 =	vand.u32 $0xFFFF0000, v7  }
0x19b: {  	v9 =	vmul.f32 v43, v3;
	v7 =	vmul.f32 v7, v4  }
0x19c: {  	v44 =	vshll.u32 v42, $0x10  }
0x19d: {  	v45 =	vmul.f32 v44, v5;
	v7 =	vadd.f32 v7, v9  }
0x19e: {  	v8 =	vand.u32 $0xFFFF0000, v42  }
0x19f: {  	v8 =	vmul.f32 v8, v6;
	v7 =	vadd.f32 v45, v7;
	_ =	sdelay $0x1  }
0x1a0: {  	v7 =	vadd.f32 v7, v8;
	_ =	sdelay $0x1  }
0x1a1: {  	[tilespmem:s9+$0xB0] =	vst v7  }
0x1a2: {  	v7 =	vld [tilespmem:s8+$0xFFFFEBD0];
	_ =	sdelay $0x1  }
0x1a3: {  	v46 =	vld [tilespmem:s8+$0xFFFFFFD0];
	_ =	sdelay $0x2  }
0x1a4: {  	v47 =	vshll.u32 v7, $0x10;
	v7 =	vand.u32 $0xFFFF0000, v7  }
0x1a5: {  	v9 =	vmul.f32 v47, v3;
	v7 =	vmul.f32 v7, v4  }
0x1a6: {  	v48 =	vshll.u32 v46, $0x10  }
0x1a7: {  	v49 =	vmul.f32 v48, v5;
	v7 =	vadd.f32 v7, v9  }
0x1a8: {  	v8 =	vand.u32 $0xFFFF0000, v46  }
0x1a9: {  	v8 =	vmul.f32 v8, v6;
	v7 =	vadd.f32 v49, v7;
	_ =	sdelay $0x1  }
0x1aa: {  	v7 =	vadd.f32 v7, v8;
	_ =	sdelay $0x1  }
0x1ab: {  	[tilespmem:s9+$0xC0] =	vst v7  }
0x1ac: {  	v7 =	vld [tilespmem:s8+$0xFFFFEBE0];
	_ =	sdelay $0x1  }
0x1ad: {  	v50 =	vld [tilespmem:s8+$0xFFFFFFE0];
	_ =	sdelay $0x2  }
0x1ae: {  	v51 =	vshll.u32 v7, $0x10;
	v7 =	vand.u32 $0xFFFF0000, v7  }
0x1af: {  	v9 =	vmul.f32 v51, v3;
	v7 =	vmul.f32 v7, v4  }
0x1b0: {  	v52 =	vshll.u32 v50, $0x10  }
0x1b1: {  	v53 =	vmul.f32 v52, v5;
	v7 =	vadd.f32 v7, v9  }
0x1b2: {  	v8 =	vand.u32 $0xFFFF0000, v50  }
0x1b3: {  	v8 =	vmul.f32 v8, v6;
	v7 =	vadd.f32 v53, v7;
	_ =	sdelay $0x1  }
0x1b4: {  	v7 =	vadd.f32 v7, v8;
	_ =	sdelay $0x1  }
0x1b5: {  	[tilespmem:s9+$0xD0] =	vst v7  }
0x1b6: {  	v7 =	vld [tilespmem:s8+$0xFFFFEBF0];
	_ =	sdelay $0x1  }
0x1b7: {  	v54 =	vld [tilespmem:s8+$0xFFFFFFF0];
	_ =	sdelay $0x2  }
0x1b8: {  	v55 =	vshll.u32 v7, $0x10;
	v7 =	vand.u32 $0xFFFF0000, v7  }
0x1b9: {  	v9 =	vmul.f32 v55, v3;
	v7 =	vmul.f32 v7, v4  }
0x1ba: {  	v56 =	vshll.u32 v54, $0x10  }
0x1bb: {  	v57 =	vmul.f32 v56, v5;
	v7 =	vadd.f32 v7, v9  }
0x1bc: {  	v8 =	vand.u32 $0xFFFF0000, v54  }
0x1bd: {  	v8 =	vmul.f32 v8, v6;
	v7 =	vadd.f32 v57, v7;
	_ =	sdelay $0x1  }
0x1be: {  	v7 =	vadd.f32 v7, v8;
	_ =	sdelay $0x1  }
0x1bf: {  	[tilespmem:s9+$0xE0] =	vst v7  }
0x1c0: {  	v7 =	vld [tilespmem:s8+$0xFFFFEC00];
	_ =	sdelay $0x1  }
0x1c1: {  	v58 =	vld [tilespmem:s8+$0x0];
	_ =	sdelay $0x2  }
0x1c2: {  	v59 =	vshll.u32 v7, $0x10;
	v7 =	vand.u32 $0xFFFF0000, v7  }
0x1c3: {  	v3 =	vmul.f32 v59, v3;
	v4 =	vmul.f32 v7, v4  }
0x1c4: {  	v60 =	vshll.u32 v58, $0x10  }
0x1c5: {  	v61 =	vmul.f32 v60, v5;
	v3 =	vadd.f32 v4, v3  }
0x1c6: {  	p3 =	sne.s32 s10, $0x24;
	v62 =	vand.u32 $0xFFFF0000, v58  }
.Ltmp0:
0x1c7: {  	v63 =	vmul.f32 v62, v6;
	v3 =	vadd.f32 v61, v3;
	(pc) =	sbr.rel @p3 .LBB2_5-.Ltmp0, $3  }
0x1c8: {  	_ = 	snop  }
0x1c9: {  	v3 =	vadd.f32 v3, v63;
	_ =	sdelay $0x1  }
0x1ca: {  	s10 =	sadd.s32 $0x4, s10;
	s8 =	sadd.s32 $0x200, s8;
	[tilespmem:s9+$0xF0] =	vst v3;
	s9 =	sadd.s32 $0x200, s9  }
0x1cb: {  	_ =	sdelay $0x3  }
0x1cc: {  	v2 =	vld.idx.msk [tilespmem:v1+s6+$0x0 ss:$0x1], $0xffff;
	_ =	sdelay $0x4  }
0x1cd: {  	[tilespmem:$0x1480] =	vst v2  }
0x1ce: {  	v2 =	vld.idx.msk [tilespmem:v1+s6+$0x10 ss:$0x1], $0xffff;
	_ =	sdelay $0x4  }
0x1cf: {  	[tilespmem:$0x1490] =	vst v2  }
0x1d0: {  	v2 =	vld.idx.msk [tilespmem:v1+s6+$0x18 ss:$0x1], $0xffff;
	_ =	sdelay $0x4  }
0x1d1: {  	[tilespmem:$0x1498] =	vst v2  }
0x1d2: {  	[spmem:s2] =	stream.indirect.scatter.add.f32 [tilespmem:s13], [sflag:$0x3], $0x80, s7, s29, $0xb8;
	[tilespmem:$0x1C600] =	vst v63  }
0x1d3: {  	_ =	swait.ge [sflag:s14], $0x2800  }
0x1d4: {  	[sflag:s14] =	ssyncset.done $0x0  }
0x1d5: {  	p3 =	seq.s32 s5, $0x4;
	[sflag:s14] =	ssyncadd.s32 $0xFFFFD800  }
0x1d6: {  	v2 =	vld.idx.msk @!p3 [tilespmem:v0+s6+$0x50 ss:$0x1], $0xffff;
	_ =	sdelay $0x4  }
0x1d7: {  	[tilespmem:$0x1380] =	vst @!p3 v2;
	v2 =	vadd.s32 @!p3 $0x2710, v2  }
0x1d8: {  	[tilespmem:$0x13A8] =	vst @!p3 v2  }
0x1d9: {  	v2 =	vld.idx.msk @!p3 [tilespmem:v0+s6+$0x60 ss:$0x1], $0xffff;
	_ =	sdelay $0x4  }
0x1da: {  	[tilespmem:$0x1390] =	vst @!p3 v2;
	v2 =	vadd.s32 @!p3 $0x2710, v2  }
0x1db: {  	[tilespmem:$0x13B8] =	vst @!p3 v2  }
0x1dc: {  	v2 =	vld.idx.msk @!p3 [tilespmem:v0+s6+$0x68 ss:$0x1], $0xffff;
	_ =	sdelay $0x4  }
0x1dd: {  	s5 =	sadd.s32 $0x1, s5;
	s3 =	simm.s32 @!p3 $0x50;
	[tilespmem:$0x1398] =	vst @!p3 v2;
	v2 =	vadd.s32 @!p3 $0x2710, v2  }
0x1de: {  	s8 =	simm.s32 @!p3 $0x1580;
	p6 =	sne.s32 s5, $0x5;
	s6 =	simm.s32 @!p3 $0x1380;
	[tilespmem:$0x13C0] =	vst @!p3 v2  }
0x1df: {  	[tilespmem:s8], [sflag:$0x1] =	stream.indirect.gather @!p3 [hbm4b:s4+s3], $0x80, s6, s3, $0xb8;
	[tilespmem:$0x1C600] =	vst v63  }
0x1e0: {  	p3 =	por p1, p6  }
.Ltmp1:
0x1e1: {  	_ = 	snop;
	(pc) =	sbr.rel @p3 .LBB2_8-.Ltmp1, $1  }
0x1e2: {  	_ =	sdelay $0x3  }
0x1e3: {  	_ =	swait.ge [sflag:s30], $0x190  }
0x1e4: {  	[sflag:s30] =	ssyncset.done $0x0  }
0x1e5: {  	[sflag:s30] =	ssyncadd.s32 $0xFFFFFE70  }
0x1e6: {  	_ =	swait.ge [sflag:s30], $0x190  }
0x1e7: {  	[sflag:s30] =	ssyncset.done $0x0  }
0x1e8: {  	[sflag:s30] =	ssyncadd.s32 $0xFFFFFE70  }
0x1e9: {  	_ =	swait.ge [sflag:s30], $0x190  }
0x1ea: {  	[sflag:s30] =	ssyncset.done $0x0  }
0x1eb: {  	[sflag:s30] =	ssyncadd.s32 $0xFFFFFE70  }
0x1ec: {  	_ =	swait.ge [sflag:s30], $0x190  }
0x1ed: {  	[sflag:s30] =	ssyncset.done $0x0  }
0x1ee: {  	[sflag:s30] =	ssyncadd.s32 $0xFFFFFE70  }
0x1ef: {  	_ =	swait.ge [sflag:s30], $0x190  }
0x1f0: {  	[sflag:s30] =	ssyncset.done $0x0  }
0x1f1: {  	[sflag:s30] =	ssyncadd.s32 $0xFFFFFE70  }
0x1f2: {  	_ =	swait.ge [sflag:s30], $0x190  }
0x1f3: {  	[sflag:s30] =	ssyncset.done $0x0  }
0x1f4: {  	[sflag:s30] =	ssyncadd.s32 $0xFFFFFE70  }
0x1f5: {  	v2 =	vld [tilespmem:s23+$0x0];
	_ =	sdelay $0x4  }
0x1f6: {  	[tilespmem:$0x1380] =	vst v2;
	v2 =	vadd.s32 $0x2710, v2  }
0x1f7: {  	[tilespmem:$0x13A8] =	vst v2  }
0x1f8: {  	v2 =	vld [tilespmem:s23+$0x10];
	_ =	sdelay $0x4  }
0x1f9: {  	[tilespmem:$0x1390] =	vst v2;
	v2 =	vadd.s32 $0x2710, v2  }
0x1fa: {  	[tilespmem:$0x13B8] =	vst v2  }
0x1fb: {  	v2 =	vld [tilespmem:s23+$0x18];
	_ =	sdelay $0x2  }
.Ltmp2:
0x1fc: {  	_ = 	snop;
	(pc) =	sbr.rel .LBB2_9-.Ltmp2, $4  }
0x1fd: {  	_ = 	snop  }
0x1fe: {  	[tilespmem:$0x1398] =	vst v2;
	v2 =	vadd.s32 $0x2710, v2  }
0x1ff: {  	[tilespmem:$0x13C0] =	vst v2  }
0x200: {  	[tilespmem:s24], [sflag:$0x1] =	stream.indirect.gather [hbm4b:s4+s31], $0x80, s0, s31, $0xb8;
	[tilespmem:$0x1C600] =	vst v63  }
.LBB2_8:
.Ltmp3:
0x201: {  	(pc) =	sbr.rel @p2 .LBB2_10-.Ltmp3, $1  }
0x202: {  	_ =	sdelay $0x3  }
.LBB2_9:
0x203: {  	_ =	swait.ge [sflag:s15], $0x1400  }
0x204: {  	[sflag:s15] =	ssyncset.done $0x0  }
0x205: {  	[sflag:s15] =	ssyncadd.s32 $0xFFFFEC00  }
.LBB2_10:
0x206: {  	s3 =	sadd.s32 s1, s11  }
0x207: {  	v2 =	vmov s3;
	_ =	sdelay $0x2  }
0x208: {  	s1 =	simm.s32 $0x0;
	s6 =	simm.s32 $0x7B70;
	s8 =	simm.s32 $0x5370  }
.LBB2_11:
0x209: {  	s3 =	sand.u32 $0x30, s1;
	v7 =	vld [tilespmem:s8+$0xFFFFEA10]  }
0x20a: {  	v3 =	vld.idx.msk [tilespmem:v2+s3+$0x0 ss:$0x1], $0xffff  }
0x20b: {  	s9 =	sand.u32 $0x7FFFFFCC, s1;
	v4 =	vld.idx.msk [tilespmem:v2+s3+$0x190 ss:$0x1], $0xffff  }
0x20c: {  	v5 =	vld.idx.msk [tilespmem:v2+s3+$0x320 ss:$0x1], $0xffff;
	v6 =	vmov s9  }
0x20d: {  	v6 =	vand.u32 $0xF, v6  }
0x20e: {  	v9 =	vld [tilespmem:s8+$0xFFFFFE10];
	v8 =	vbroadcast v6, $0x0  }
0x20f: {  	v6 =	vld.idx.msk [tilespmem:v2+s3+$0x4B0 ss:$0x1], $0xffff  }
0x210: {  	v10 =	vperm.xlane v3, v8;
	v11 =	vperm.xlane v4, v8  }
0x211: {  	v13 =	vshll.u32 v7, $0x10;
	v7 =	vand.u32 $0xFFFF0000, v7;
	v12 =	vperm.xlane v5, v8  }
0x212: {  	v13 =	vmul.f32 v13, v10;
	v7 =	vmul.f32 v7, v11  }
0x213: {  	v14 =	vshll.u32 v9, $0x10  }
0x214: {  	v8 =	vperm.xlane v6, v8;
	v19 =	vmul.f32 v14, v12;
	v7 =	vadd.f32 v7, v13  }
0x215: {  	v9 =	vand.u32 $0xFFFF0000, v9  }
0x216: {  	v9 =	vmul.f32 v9, v8;
	v7 =	vadd.f32 v19, v7;
	_ =	sdelay $0x1  }
0x217: {  	v7 =	vadd.f32 v7, v9;
	_ =	sdelay $0x1  }
0x218: {  	[tilespmem:s6+$0xFFFFFE10] =	vst v7  }
0x219: {  	v7 =	vld [tilespmem:s8+$0xFFFFEA20];
	_ =	sdelay $0x1  }
0x21a: {  	v20 =	vld [tilespmem:s8+$0xFFFFFE20];
	_ =	sdelay $0x2  }
0x21b: {  	v21 =	vshll.u32 v7, $0x10;
	v7 =	vand.u32 $0xFFFF0000, v7  }
0x21c: {  	v13 =	vmul.f32 v21, v10;
	v7 =	vmul.f32 v7, v11  }
0x21d: {  	v22 =	vshll.u32 v20, $0x10  }
0x21e: {  	v23 =	vmul.f32 v22, v12;
	v7 =	vadd.f32 v7, v13  }
0x21f: {  	v9 =	vand.u32 $0xFFFF0000, v20  }
0x220: {  	v9 =	vmul.f32 v9, v8;
	v7 =	vadd.f32 v23, v7;
	_ =	sdelay $0x1  }
0x221: {  	v7 =	vadd.f32 v7, v9;
	_ =	sdelay $0x1  }
0x222: {  	[tilespmem:s6+$0xFFFFFE20] =	vst v7  }
0x223: {  	v7 =	vld [tilespmem:s8+$0xFFFFEA30];
	_ =	sdelay $0x1  }
0x224: {  	v24 =	vld [tilespmem:s8+$0xFFFFFE30];
	_ =	sdelay $0x2  }
0x225: {  	v25 =	vshll.u32 v7, $0x10;
	v7 =	vand.u32 $0xFFFF0000, v7  }
0x226: {  	v13 =	vmul.f32 v25, v10;
	v7 =	vmul.f32 v7, v11  }
0x227: {  	v26 =	vshll.u32 v24, $0x10  }
0x228: {  	v27 =	vmul.f32 v26, v12;
	v7 =	vadd.f32 v7, v13  }
0x229: {  	v9 =	vand.u32 $0xFFFF0000, v24  }
0x22a: {  	v9 =	vmul.f32 v9, v8;
	v7 =	vadd.f32 v27, v7;
	_ =	sdelay $0x1  }
0x22b: {  	v7 =	vadd.f32 v7, v9;
	_ =	sdelay $0x1  }
0x22c: {  	[tilespmem:s6+$0xFFFFFE30] =	vst v7  }
0x22d: {  	v7 =	vld [tilespmem:s8+$0xFFFFEA40];
	_ =	sdelay $0x1  }
0x22e: {  	v28 =	vld [tilespmem:s8+$0xFFFFFE40];
	_ =	sdelay $0x2  }
0x22f: {  	v29 =	vshll.u32 v7, $0x10;
	v7 =	vand.u32 $0xFFFF0000, v7  }
0x230: {  	v13 =	vmul.f32 v29, v10;
	v7 =	vmul.f32 v7, v11  }
0x231: {  	v30 =	vshll.u32 v28, $0x10  }
0x232: {  	v31 =	vmul.f32 v30, v12;
	v7 =	vadd.f32 v7, v13  }
0x233: {  	v9 =	vand.u32 $0xFFFF0000, v28  }
0x234: {  	v9 =	vmul.f32 v9, v8;
	v7 =	vadd.f32 v31, v7;
	_ =	sdelay $0x1  }
0x235: {  	v7 =	vadd.f32 v7, v9;
	_ =	sdelay $0x1  }
0x236: {  	[tilespmem:s6+$0xFFFFFE40] =	vst v7  }
0x237: {  	v7 =	vld [tilespmem:s8+$0xFFFFEA50];
	_ =	sdelay $0x1  }
0x238: {  	v32 =	vld [tilespmem:s8+$0xFFFFFE50];
	_ =	sdelay $0x2  }
0x239: {  	v33 =	vshll.u32 v7, $0x10;
	v7 =	vand.u32 $0xFFFF0000, v7  }
0x23a: {  	v13 =	vmul.f32 v33, v10;
	v7 =	vmul.f32 v7, v11  }
0x23b: {  	v34 =	vshll.u32 v32, $0x10  }
0x23c: {  	v35 =	vmul.f32 v34, v12;
	v7 =	vadd.f32 v7, v13  }
0x23d: {  	v9 =	vand.u32 $0xFFFF0000, v32  }
0x23e: {  	v9 =	vmul.f32 v9, v8;
	v7 =	vadd.f32 v35, v7;
	_ =	sdelay $0x1  }
0x23f: {  	v7 =	vadd.f32 v7, v9;
	_ =	sdelay $0x1  }
0x240: {  	[tilespmem:s6+$0xFFFFFE50] =	vst v7  }
0x241: {  	v7 =	vld [tilespmem:s8+$0xFFFFEA60];
	_ =	sdelay $0x1  }
0x242: {  	v36 =	vld [tilespmem:s8+$0xFFFFFE60];
	_ =	sdelay $0x2  }
0x243: {  	v37 =	vshll.u32 v7, $0x10;
	v7 =	vand.u32 $0xFFFF0000, v7  }
0x244: {  	v13 =	vmul.f32 v37, v10;
	v7 =	vmul.f32 v7, v11  }
0x245: {  	v38 =	vshll.u32 v36, $0x10  }
0x246: {  	v39 =	vmul.f32 v38, v12;
	v7 =	vadd.f32 v7, v13  }
0x247: {  	v9 =	vand.u32 $0xFFFF0000, v36  }
0x248: {  	v9 =	vmul.f32 v9, v8;
	v7 =	vadd.f32 v39, v7;
	_ =	sdelay $0x1  }
0x249: {  	v7 =	vadd.f32 v7, v9;
	_ =	sdelay $0x1  }
0x24a: {  	[tilespmem:s6+$0xFFFFFE60] =	vst v7  }
0x24b: {  	v7 =	vld [tilespmem:s8+$0xFFFFEA70];
	_ =	sdelay $0x1  }
0x24c: {  	v40 =	vld [tilespmem:s8+$0xFFFFFE70];
	_ =	sdelay $0x2  }
0x24d: {  	v41 =	vshll.u32 v7, $0x10;
	v7 =	vand.u32 $0xFFFF0000, v7  }
0x24e: {  	v13 =	vmul.f32 v41, v10;
	v7 =	vmul.f32 v7, v11  }
0x24f: {  	v42 =	vshll.u32 v40, $0x10  }
0x250: {  	v43 =	vmul.f32 v42, v12;
	v7 =	vadd.f32 v7, v13  }
0x251: {  	v9 =	vand.u32 $0xFFFF0000, v40  }
0x252: {  	v9 =	vmul.f32 v9, v8;
	v7 =	vadd.f32 v43, v7;
	_ =	sdelay $0x1  }
0x253: {  	v7 =	vadd.f32 v7, v9;
	_ =	sdelay $0x1  }
0x254: {  	[tilespmem:s6+$0xFFFFFE70] =	vst v7  }
0x255: {  	v7 =	vld [tilespmem:s8+$0xFFFFEA80];
	_ =	sdelay $0x1  }
0x256: {  	v44 =	vld [tilespmem:s8+$0xFFFFFE80];
	_ =	sdelay $0x2  }
0x257: {  	v45 =	vshll.u32 v7, $0x10;
	v7 =	vand.u32 $0xFFFF0000, v7  }
0x258: {  	v10 =	vmul.f32 v45, v10;
	v7 =	vmul.f32 v7, v11  }
0x259: {  	v46 =	vshll.u32 v44, $0x10  }
0x25a: {  	v47 =	vmul.f32 v46, v12;
	v7 =	vadd.f32 v7, v10  }
0x25b: {  	v9 =	vand.u32 $0xFFFF0000, v44  }
0x25c: {  	v8 =	vmul.f32 v9, v8;
	v7 =	vadd.f32 v47, v7;
	_ =	sdelay $0x1  }
0x25d: {  	v7 =	vadd.f32 v7, v8;
	_ =	sdelay $0x1  }
0x25e: {  	s12 =	sor.u32 $0x1, s9;
	[tilespmem:s6+$0xFFFFFE80] =	vst v7  }
0x25f: {  	v48 =	vmov s12;
	v49 =	vld [tilespmem:s8+$0xFFFFEA90]  }
0x260: {  	v7 =	vand.u32 $0xF, v48  }
0x261: {  	v7 =	vbroadcast v7, $0x0;
	v50 =	vld [tilespmem:s8+$0xFFFFFE90];
	_ =	sdelay $0x1  }
0x262: {  	v51 =	vperm.xlane v3, v7;
	v52 =	vperm.xlane v4, v7  }
0x263: {  	v53 =	vperm.xlane v5, v7;
	v54 =	vshll.u32 v49, $0x10;
	v8 =	vand.u32 $0xFFFF0000, v49  }
0x264: {  	v13 =	vmul.f32 v54, v51;
	v8 =	vmul.f32 v8, v52  }
0x265: {  	v55 =	vshll.u32 v50, $0x10  }
0x266: {  	v7 =	vperm.xlane v6, v7;
	v56 =	vmul.f32 v55, v53;
	v8 =	vadd.f32 v8, v13  }
0x267: {  	v9 =	vand.u32 $0xFFFF0000, v50  }
0x268: {  	v9 =	vmul.f32 v9, v7;
	v8 =	vadd.f32 v56, v8;
	_ =	sdelay $0x1  }
0x269: {  	v8 =	vadd.f32 v8, v9;
	_ =	sdelay $0x1  }
0x26a: {  	[tilespmem:s6+$0xFFFFFE90] =	vst v8  }
0x26b: {  	v8 =	vld [tilespmem:s8+$0xFFFFEAA0];
	_ =	sdelay $0x1  }
0x26c: {  	v57 =	vld [tilespmem:s8+$0xFFFFFEA0];
	_ =	sdelay $0x2  }
0x26d: {  	v58 =	vshll.u32 v8, $0x10;
	v8 =	vand.u32 $0xFFFF0000, v8  }
0x26e: {  	v13 =	vmul.f32 v58, v51;
	v8 =	vmul.f32 v8, v52  }
0x26f: {  	v59 =	vshll.u32 v57, $0x10  }
0x270: {  	v60 =	vmul.f32 v59, v53;
	v8 =	vadd.f32 v8, v13  }
0x271: {  	v9 =	vand.u32 $0xFFFF0000, v57  }
0x272: {  	v9 =	vmul.f32 v9, v7;
	v8 =	vadd.f32 v60, v8;
	_ =	sdelay $0x1  }
0x273: {  	v8 =	vadd.f32 v8, v9;
	_ =	sdelay $0x1  }
0x274: {  	[tilespmem:s6+$0xFFFFFEA0] =	vst v8  }
0x275: {  	v8 =	vld [tilespmem:s8+$0xFFFFEAB0];
	_ =	sdelay $0x1  }
0x276: {  	v61 =	vld [tilespmem:s8+$0xFFFFFEB0];
	_ =	sdelay $0x2  }
0x277: {  	v62 =	vshll.u32 v8, $0x10;
	v8 =	vand.u32 $0xFFFF0000, v8  }
0x278: {  	v13 =	vmul.f32 v62, v51;
	v8 =	vmul.f32 v8, v52  }
0x279: {  	v63 =	vshll.u32 v61, $0x10  }
0x27a: {  	v16 =	vmul.f32 v63, v53;
	v8 =	vadd.f32 v8, v13  }
0x27b: {  	v9 =	vand.u32 $0xFFFF0000, v61  }
0x27c: {  	v9 =	vmul.f32 v9, v7;
	v8 =	vadd.f32 v16, v8;
	_ =	sdelay $0x1  }
0x27d: {  	v8 =	vadd.f32 v8, v9;
	_ =	sdelay $0x1  }
0x27e: {  	[tilespmem:s6+$0xFFFFFEB0] =	vst v8  }
0x27f: {  	v8 =	vld [tilespmem:s8+$0xFFFFEAC0];
	_ =	sdelay $0x1  }
0x280: {  	v17 =	vld [tilespmem:s8+$0xFFFFFEC0];
	_ =	sdelay $0x2  }
0x281: {  	v18 =	vshll.u32 v8, $0x10;
	v8 =	vand.u32 $0xFFFF0000, v8  }
0x282: {  	v13 =	vmul.f32 v18, v51;
	v8 =	vmul.f32 v8, v52  }
0x283: {  	v19 =	vshll.u32 v17, $0x10  }
0x284: {  	v20 =	vmul.f32 v19, v53;
	v8 =	vadd.f32 v8, v13  }
0x285: {  	v9 =	vand.u32 $0xFFFF0000, v17  }
0x286: {  	v9 =	vmul.f32 v9, v7;
	v8 =	vadd.f32 v20, v8;
	_ =	sdelay $0x1  }
0x287: {  	v8 =	vadd.f32 v8, v9;
	_ =	sdelay $0x1  }
0x288: {  	[tilespmem:s6+$0xFFFFFEC0] =	vst v8  }
0x289: {  	v8 =	vld [tilespmem:s8+$0xFFFFEAD0];
	_ =	sdelay $0x1  }
0x28a: {  	v21 =	vld [tilespmem:s8+$0xFFFFFED0];
	_ =	sdelay $0x2  }
0x28b: {  	v22 =	vshll.u32 v8, $0x10;
	v8 =	vand.u32 $0xFFFF0000, v8  }
0x28c: {  	v13 =	vmul.f32 v22, v51;
	v8 =	vmul.f32 v8, v52  }
0x28d: {  	v23 =	vshll.u32 v21, $0x10  }
0x28e: {  	v24 =	vmul.f32 v23, v53;
	v8 =	vadd.f32 v8, v13  }
0x28f: {  	v9 =	vand.u32 $0xFFFF0000, v21  }
0x290: {  	v9 =	vmul.f32 v9, v7;
	v8 =	vadd.f32 v24, v8;
	_ =	sdelay $0x1  }
0x291: {  	v8 =	vadd.f32 v8, v9;
	_ =	sdelay $0x1  }
0x292: {  	[tilespmem:s6+$0xFFFFFED0] =	vst v8  }
0x293: {  	v8 =	vld [tilespmem:s8+$0xFFFFEAE0];
	_ =	sdelay $0x1  }
0x294: {  	v25 =	vld [tilespmem:s8+$0xFFFFFEE0];
	_ =	sdelay $0x2  }
0x295: {  	v26 =	vshll.u32 v8, $0x10;
	v8 =	vand.u32 $0xFFFF0000, v8  }
0x296: {  	v13 =	vmul.f32 v26, v51;
	v8 =	vmul.f32 v8, v52  }
0x297: {  	v27 =	vshll.u32 v25, $0x10  }
0x298: {  	v28 =	vmul.f32 v27, v53;
	v8 =	vadd.f32 v8, v13  }
0x299: {  	v9 =	vand.u32 $0xFFFF0000, v25  }
0x29a: {  	v9 =	vmul.f32 v9, v7;
	v8 =	vadd.f32 v28, v8;
	_ =	sdelay $0x1  }
0x29b: {  	v8 =	vadd.f32 v8, v9;
	_ =	sdelay $0x1  }
0x29c: {  	[tilespmem:s6+$0xFFFFFEE0] =	vst v8  }
0x29d: {  	v8 =	vld [tilespmem:s8+$0xFFFFEAF0];
	_ =	sdelay $0x1  }
0x29e: {  	v29 =	vld [tilespmem:s8+$0xFFFFFEF0];
	_ =	sdelay $0x2  }
0x29f: {  	v30 =	vshll.u32 v8, $0x10;
	v8 =	vand.u32 $0xFFFF0000, v8  }
0x2a0: {  	v13 =	vmul.f32 v30, v51;
	v8 =	vmul.f32 v8, v52  }
0x2a1: {  	v31 =	vshll.u32 v29, $0x10  }
0x2a2: {  	v32 =	vmul.f32 v31, v53;
	v8 =	vadd.f32 v8, v13  }
0x2a3: {  	v9 =	vand.u32 $0xFFFF0000, v29  }
0x2a4: {  	v9 =	vmul.f32 v9, v7;
	v8 =	vadd.f32 v32, v8;
	_ =	sdelay $0x1  }
0x2a5: {  	v8 =	vadd.f32 v8, v9;
	_ =	sdelay $0x1  }
0x2a6: {  	[tilespmem:s6+$0xFFFFFEF0] =	vst v8  }
0x2a7: {  	v8 =	vld [tilespmem:s8+$0xFFFFEB00];
	_ =	sdelay $0x1  }
0x2a8: {  	v33 =	vld [tilespmem:s8+$0xFFFFFF00];
	_ =	sdelay $0x2  }
0x2a9: {  	v34 =	vshll.u32 v8, $0x10;
	v8 =	vand.u32 $0xFFFF0000, v8  }
0x2aa: {  	v10 =	vmul.f32 v34, v51;
	v8 =	vmul.f32 v8, v52  }
0x2ab: {  	v35 =	vshll.u32 v33, $0x10  }
0x2ac: {  	v36 =	vmul.f32 v35, v53;
	v8 =	vadd.f32 v8, v10  }
0x2ad: {  	v9 =	vand.u32 $0xFFFF0000, v33  }
0x2ae: {  	v7 =	vmul.f32 v9, v7;
	v8 =	vadd.f32 v36, v8;
	_ =	sdelay $0x1  }
0x2af: {  	v7 =	vadd.f32 v8, v7;
	_ =	sdelay $0x1  }
0x2b0: {  	s10 =	sor.u32 $0x2, s9;
	[tilespmem:s6+$0xFFFFFF00] =	vst v7  }
0x2b1: {  	v37 =	vmov s10;
	v38 =	vld [tilespmem:s8+$0xFFFFEB10]  }
0x2b2: {  	v7 =	vand.u32 $0xF, v37  }
0x2b3: {  	v7 =	vbroadcast v7, $0x0;
	v39 =	vld [tilespmem:s8+$0xFFFFFF10];
	_ =	sdelay $0x1  }
0x2b4: {  	v40 =	vperm.xlane v3, v7;
	v41 =	vperm.xlane v4, v7  }
0x2b5: {  	v42 =	vperm.xlane v5, v7;
	v43 =	vshll.u32 v38, $0x10;
	v8 =	vand.u32 $0xFFFF0000, v38  }
0x2b6: {  	v13 =	vmul.f32 v43, v40;
	v8 =	vmul.f32 v8, v41  }
0x2b7: {  	v44 =	vshll.u32 v39, $0x10  }
0x2b8: {  	v7 =	vperm.xlane v6, v7;
	v45 =	vmul.f32 v44, v42;
	v8 =	vadd.f32 v8, v13  }
0x2b9: {  	v9 =	vand.u32 $0xFFFF0000, v39  }
0x2ba: {  	v9 =	vmul.f32 v9, v7;
	v8 =	vadd.f32 v45, v8;
	_ =	sdelay $0x1  }
0x2bb: {  	v8 =	vadd.f32 v8, v9;
	_ =	sdelay $0x1  }
0x2bc: {  	[tilespmem:s6+$0xFFFFFF10] =	vst v8  }
0x2bd: {  	v8 =	vld [tilespmem:s8+$0xFFFFEB20];
	_ =	sdelay $0x1  }
0x2be: {  	v46 =	vld [tilespmem:s8+$0xFFFFFF20];
	_ =	sdelay $0x2  }
0x2bf: {  	v47 =	vshll.u32 v8, $0x10;
	v8 =	vand.u32 $0xFFFF0000, v8  }
0x2c0: {  	v13 =	vmul.f32 v47, v40;
	v8 =	vmul.f32 v8, v41  }
0x2c1: {  	v48 =	vshll.u32 v46, $0x10  }
0x2c2: {  	v49 =	vmul.f32 v48, v42;
	v8 =	vadd.f32 v8, v13  }
0x2c3: {  	v9 =	vand.u32 $0xFFFF0000, v46  }
0x2c4: {  	v9 =	vmul.f32 v9, v7;
	v8 =	vadd.f32 v49, v8;
	_ =	sdelay $0x1  }
0x2c5: {  	v8 =	vadd.f32 v8, v9;
	_ =	sdelay $0x1  }
0x2c6: {  	[tilespmem:s6+$0xFFFFFF20] =	vst v8  }
0x2c7: {  	v8 =	vld [tilespmem:s8+$0xFFFFEB30];
	_ =	sdelay $0x1  }
0x2c8: {  	v50 =	vld [tilespmem:s8+$0xFFFFFF30];
	_ =	sdelay $0x2  }
0x2c9: {  	v51 =	vshll.u32 v8, $0x10;
	v8 =	vand.u32 $0xFFFF0000, v8  }
0x2ca: {  	v13 =	vmul.f32 v51, v40;
	v8 =	vmul.f32 v8, v41  }
0x2cb: {  	v52 =	vshll.u32 v50, $0x10  }
0x2cc: {  	v53 =	vmul.f32 v52, v42;
	v8 =	vadd.f32 v8, v13  }
0x2cd: {  	v9 =	vand.u32 $0xFFFF0000, v50  }
0x2ce: {  	v9 =	vmul.f32 v9, v7;
	v8 =	vadd.f32 v53, v8;
	_ =	sdelay $0x1  }
0x2cf: {  	v8 =	vadd.f32 v8, v9;
	_ =	sdelay $0x1  }
0x2d0: {  	[tilespmem:s6+$0xFFFFFF30] =	vst v8  }
0x2d1: {  	v8 =	vld [tilespmem:s8+$0xFFFFEB40];
	_ =	sdelay $0x1  }
0x2d2: {  	v54 =	vld [tilespmem:s8+$0xFFFFFF40];
	_ =	sdelay $0x2  }
0x2d3: {  	v55 =	vshll.u32 v8, $0x10;
	v8 =	vand.u32 $0xFFFF0000, v8  }
0x2d4: {  	v13 =	vmul.f32 v55, v40;
	v8 =	vmul.f32 v8, v41  }
0x2d5: {  	v56 =	vshll.u32 v54, $0x10  }
0x2d6: {  	v57 =	vmul.f32 v56, v42;
	v8 =	vadd.f32 v8, v13  }
0x2d7: {  	v9 =	vand.u32 $0xFFFF0000, v54  }
0x2d8: {  	v9 =	vmul.f32 v9, v7;
	v8 =	vadd.f32 v57, v8;
	_ =	sdelay $0x1  }
0x2d9: {  	v8 =	vadd.f32 v8, v9;
	_ =	sdelay $0x1  }
0x2da: {  	[tilespmem:s6+$0xFFFFFF40] =	vst v8  }
0x2db: {  	v8 =	vld [tilespmem:s8+$0xFFFFEB50];
	_ =	sdelay $0x1  }
0x2dc: {  	v58 =	vld [tilespmem:s8+$0xFFFFFF50];
	_ =	sdelay $0x2  }
0x2dd: {  	v59 =	vshll.u32 v8, $0x10;
	v8 =	vand.u32 $0xFFFF0000, v8  }
0x2de: {  	v13 =	vmul.f32 v59, v40;
	v8 =	vmul.f32 v8, v41  }
0x2df: {  	v60 =	vshll.u32 v58, $0x10  }
0x2e0: {  	v61 =	vmul.f32 v60, v42;
	v8 =	vadd.f32 v8, v13  }
0x2e1: {  	v9 =	vand.u32 $0xFFFF0000, v58  }
0x2e2: {  	v9 =	vmul.f32 v9, v7;
	v8 =	vadd.f32 v61, v8;
	_ =	sdelay $0x1  }
0x2e3: {  	v8 =	vadd.f32 v8, v9;
	_ =	sdelay $0x1  }
0x2e4: {  	[tilespmem:s6+$0xFFFFFF50] =	vst v8  }
0x2e5: {  	v8 =	vld [tilespmem:s8+$0xFFFFEB60];
	_ =	sdelay $0x1  }
0x2e6: {  	v62 =	vld [tilespmem:s8+$0xFFFFFF60];
	_ =	sdelay $0x2  }
0x2e7: {  	v63 =	vshll.u32 v8, $0x10;
	v8 =	vand.u32 $0xFFFF0000, v8  }
0x2e8: {  	v13 =	vmul.f32 v63, v40;
	v8 =	vmul.f32 v8, v41  }
0x2e9: {  	v16 =	vshll.u32 v62, $0x10  }
0x2ea: {  	v17 =	vmul.f32 v16, v42;
	v8 =	vadd.f32 v8, v13  }
0x2eb: {  	v9 =	vand.u32 $0xFFFF0000, v62  }
0x2ec: {  	v9 =	vmul.f32 v9, v7;
	v8 =	vadd.f32 v17, v8;
	_ =	sdelay $0x1  }
0x2ed: {  	v8 =	vadd.f32 v8, v9;
	_ =	sdelay $0x1  }
0x2ee: {  	[tilespmem:s6+$0xFFFFFF60] =	vst v8  }
0x2ef: {  	v8 =	vld [tilespmem:s8+$0xFFFFEB70];
	_ =	sdelay $0x1  }
0x2f0: {  	v18 =	vld [tilespmem:s8+$0xFFFFFF70];
	_ =	sdelay $0x2  }
0x2f1: {  	v19 =	vshll.u32 v8, $0x10;
	v8 =	vand.u32 $0xFFFF0000, v8  }
0x2f2: {  	v13 =	vmul.f32 v19, v40;
	v8 =	vmul.f32 v8, v41  }
0x2f3: {  	v20 =	vshll.u32 v18, $0x10  }
0x2f4: {  	v21 =	vmul.f32 v20, v42;
	v8 =	vadd.f32 v8, v13  }
0x2f5: {  	v9 =	vand.u32 $0xFFFF0000, v18  }
0x2f6: {  	v9 =	vmul.f32 v9, v7;
	v8 =	vadd.f32 v21, v8;
	_ =	sdelay $0x1  }
0x2f7: {  	v8 =	vadd.f32 v8, v9;
	_ =	sdelay $0x1  }
0x2f8: {  	[tilespmem:s6+$0xFFFFFF70] =	vst v8  }
0x2f9: {  	v8 =	vld [tilespmem:s8+$0xFFFFEB80];
	_ =	sdelay $0x1  }
0x2fa: {  	v22 =	vld [tilespmem:s8+$0xFFFFFF80];
	_ =	sdelay $0x2  }
0x2fb: {  	v23 =	vshll.u32 v8, $0x10;
	v8 =	vand.u32 $0xFFFF0000, v8  }
0x2fc: {  	v10 =	vmul.f32 v23, v40;
	v8 =	vmul.f32 v8, v41  }
0x2fd: {  	v24 =	vshll.u32 v22, $0x10  }
0x2fe: {  	v25 =	vmul.f32 v24, v42;
	v8 =	vadd.f32 v8, v10  }
0x2ff: {  	v9 =	vand.u32 $0xFFFF0000, v22  }
0x300: {  	v7 =	vmul.f32 v9, v7;
	v8 =	vadd.f32 v25, v8;
	_ =	sdelay $0x1  }
0x301: {  	v7 =	vadd.f32 v8, v7;
	_ =	sdelay $0x1  }
0x302: {  	s12 =	sor.u32 $0x3, s9;
	[tilespmem:s6+$0xFFFFFF80] =	vst v7  }
0x303: {  	v26 =	vmov s12;
	v27 =	vld [tilespmem:s8+$0xFFFFEB90]  }
0x304: {  	v7 =	vand.u32 $0xF, v26  }
0x305: {  	v7 =	vbroadcast v7, $0x0;
	v28 =	vld [tilespmem:s8+$0xFFFFFF90];
	_ =	sdelay $0x1  }
0x306: {  	v3 =	vperm.xlane v3, v7;
	v4 =	vperm.xlane v4, v7  }
0x307: {  	v5 =	vperm.xlane v5, v7;
	v29 =	vshll.u32 v27, $0x10;
	v8 =	vand.u32 $0xFFFF0000, v27  }
0x308: {  	v10 =	vmul.f32 v29, v3;
	v8 =	vmul.f32 v8, v4  }
0x309: {  	v30 =	vshll.u32 v28, $0x10  }
0x30a: {  	v6 =	vperm.xlane v6, v7;
	v32 =	vmul.f32 v30, v5;
	v31 =	vadd.f32 v8, v10  }
0x30b: {  	v9 =	vand.u32 $0xFFFF0000, v28  }
0x30c: {  	v33 =	vmul.f32 v9, v6;
	v7 =	vadd.f32 v32, v31;
	_ =	sdelay $0x1  }
0x30d: {  	v7 =	vadd.f32 v7, v33;
	_ =	sdelay $0x1  }
0x30e: {  	[tilespmem:s6+$0xFFFFFF90] =	vst v7  }
0x30f: {  	v7 =	vld [tilespmem:s8+$0xFFFFEBA0];
	_ =	sdelay $0x1  }
0x310: {  	v34 =	vld [tilespmem:s8+$0xFFFFFFA0];
	_ =	sdelay $0x2  }
0x311: {  	v35 =	vshll.u32 v7, $0x10;
	v7 =	vand.u32 $0xFFFF0000, v7  }
0x312: {  	v9 =	vmul.f32 v35, v3;
	v7 =	vmul.f32 v7, v4  }
0x313: {  	v36 =	vshll.u32 v34, $0x10  }
0x314: {  	v37 =	vmul.f32 v36, v5;
	v7 =	vadd.f32 v7, v9  }
0x315: {  	v8 =	vand.u32 $0xFFFF0000, v34  }
0x316: {  	v8 =	vmul.f32 v8, v6;
	v7 =	vadd.f32 v37, v7;
	_ =	sdelay $0x1  }
0x317: {  	v7 =	vadd.f32 v7, v8;
	_ =	sdelay $0x1  }
0x318: {  	[tilespmem:s6+$0xFFFFFFA0] =	vst v7  }
0x319: {  	v7 =	vld [tilespmem:s8+$0xFFFFEBB0];
	_ =	sdelay $0x1  }
0x31a: {  	v38 =	vld [tilespmem:s8+$0xFFFFFFB0];
	_ =	sdelay $0x2  }
0x31b: {  	v39 =	vshll.u32 v7, $0x10;
	v7 =	vand.u32 $0xFFFF0000, v7  }
0x31c: {  	v9 =	vmul.f32 v39, v3;
	v7 =	vmul.f32 v7, v4  }
0x31d: {  	v40 =	vshll.u32 v38, $0x10  }
0x31e: {  	v41 =	vmul.f32 v40, v5;
	v7 =	vadd.f32 v7, v9  }
0x31f: {  	v8 =	vand.u32 $0xFFFF0000, v38  }
0x320: {  	v8 =	vmul.f32 v8, v6;
	v7 =	vadd.f32 v41, v7;
	_ =	sdelay $0x1  }
0x321: {  	v7 =	vadd.f32 v7, v8;
	_ =	sdelay $0x1  }
0x322: {  	[tilespmem:s6+$0xFFFFFFB0] =	vst v7  }
0x323: {  	v7 =	vld [tilespmem:s8+$0xFFFFEBC0];
	_ =	sdelay $0x1  }
0x324: {  	v42 =	vld [tilespmem:s8+$0xFFFFFFC0];
	_ =	sdelay $0x2  }
0x325: {  	v43 =	vshll.u32 v7, $0x10;
	v7 =	vand.u32 $0xFFFF0000, v7  }
0x326: {  	v9 =	vmul.f32 v43, v3;
	v7 =	vmul.f32 v7, v4  }
0x327: {  	v44 =	vshll.u32 v42, $0x10  }
0x328: {  	v45 =	vmul.f32 v44, v5;
	v7 =	vadd.f32 v7, v9  }
0x329: {  	v8 =	vand.u32 $0xFFFF0000, v42  }
0x32a: {  	v8 =	vmul.f32 v8, v6;
	v7 =	vadd.f32 v45, v7;
	_ =	sdelay $0x1  }
0x32b: {  	v7 =	vadd.f32 v7, v8;
	_ =	sdelay $0x1  }
0x32c: {  	[tilespmem:s6+$0xFFFFFFC0] =	vst v7  }
0x32d: {  	v7 =	vld [tilespmem:s8+$0xFFFFEBD0];
	_ =	sdelay $0x1  }
0x32e: {  	v46 =	vld [tilespmem:s8+$0xFFFFFFD0];
	_ =	sdelay $0x2  }
0x32f: {  	v47 =	vshll.u32 v7, $0x10;
	v7 =	vand.u32 $0xFFFF0000, v7  }
0x330: {  	v9 =	vmul.f32 v47, v3;
	v7 =	vmul.f32 v7, v4  }
0x331: {  	v48 =	vshll.u32 v46, $0x10  }
0x332: {  	v49 =	vmul.f32 v48, v5;
	v7 =	vadd.f32 v7, v9  }
0x333: {  	v8 =	vand.u32 $0xFFFF0000, v46  }
0x334: {  	v8 =	vmul.f32 v8, v6;
	v7 =	vadd.f32 v49, v7;
	_ =	sdelay $0x1  }
0x335: {  	v7 =	vadd.f32 v7, v8;
	_ =	sdelay $0x1  }
0x336: {  	[tilespmem:s6+$0xFFFFFFD0] =	vst v7  }
0x337: {  	v7 =	vld [tilespmem:s8+$0xFFFFEBE0];
	_ =	sdelay $0x1  }
0x338: {  	v50 =	vld [tilespmem:s8+$0xFFFFFFE0];
	_ =	sdelay $0x2  }
0x339: {  	v51 =	vshll.u32 v7, $0x10;
	v7 =	vand.u32 $0xFFFF0000, v7  }
0x33a: {  	v9 =	vmul.f32 v51, v3;
	v7 =	vmul.f32 v7, v4  }
0x33b: {  	v52 =	vshll.u32 v50, $0x10  }
0x33c: {  	v53 =	vmul.f32 v52, v5;
	v7 =	vadd.f32 v7, v9  }
0x33d: {  	v8 =	vand.u32 $0xFFFF0000, v50  }
0x33e: {  	v8 =	vmul.f32 v8, v6;
	v7 =	vadd.f32 v53, v7;
	_ =	sdelay $0x1  }
0x33f: {  	v7 =	vadd.f32 v7, v8;
	_ =	sdelay $0x1  }
0x340: {  	[tilespmem:s6+$0xFFFFFFE0] =	vst v7  }
0x341: {  	v7 =	vld [tilespmem:s8+$0xFFFFEBF0];
	_ =	sdelay $0x1  }
0x342: {  	v54 =	vld [tilespmem:s8+$0xFFFFFFF0];
	_ =	sdelay $0x2  }
0x343: {  	v55 =	vshll.u32 v7, $0x10;
	v7 =	vand.u32 $0xFFFF0000, v7  }
0x344: {  	v9 =	vmul.f32 v55, v3;
	v7 =	vmul.f32 v7, v4  }
0x345: {  	v56 =	vshll.u32 v54, $0x10  }
0x346: {  	v57 =	vmul.f32 v56, v5;
	v7 =	vadd.f32 v7, v9  }
0x347: {  	v8 =	vand.u32 $0xFFFF0000, v54  }
0x348: {  	v8 =	vmul.f32 v8, v6;
	v7 =	vadd.f32 v57, v7;
	_ =	sdelay $0x1  }
0x349: {  	v7 =	vadd.f32 v7, v8;
	_ =	sdelay $0x1  }
0x34a: {  	[tilespmem:s6+$0xFFFFFFF0] =	vst v7  }
0x34b: {  	v7 =	vld [tilespmem:s8+$0xFFFFEC00];
	_ =	sdelay $0x1  }
0x34c: {  	v58 =	vld [tilespmem:s8+$0x0];
	_ =	sdelay $0x2  }
0x34d: {  	v59 =	vshll.u32 v7, $0x10;
	v7 =	vand.u32 $0xFFFF0000, v7  }
0x34e: {  	v3 =	vmul.f32 v59, v3;
	v4 =	vmul.f32 v7, v4  }
0x34f: {  	v60 =	vshll.u32 v58, $0x10  }
0x350: {  	v61 =	vmul.f32 v60, v5;
	v3 =	vadd.f32 v4, v3  }
0x351: {  	p2 =	sne.s32 s1, $0x24;
	v62 =	vand.u32 $0xFFFF0000, v58  }
.Ltmp4:
0x352: {  	v63 =	vmul.f32 v62, v6;
	v3 =	vadd.f32 v61, v3;
	(pc) =	sbr.rel @p2 .LBB2_11-.Ltmp4, $3  }
0x353: {  	_ = 	snop  }
0x354: {  	v3 =	vadd.f32 v3, v63;
	_ =	sdelay $0x1  }
0x355: {  	s1 =	sadd.s32 $0x4, s1;
	s8 =	sadd.s32 $0x200, s8;
	[tilespmem:s6+$0x0] =	vst v3;
	s6 =	sadd.s32 $0x200, s6  }
0x356: {  	v2 =	vld [tilespmem:s20+$0x380];
	_ =	sdelay $0x4  }
0x357: {  	[tilespmem:$0x1500] =	vst v2  }
0x358: {  	v2 =	vld [tilespmem:s21+$0x380];
	_ =	sdelay $0x4  }
0x359: {  	[tilespmem:$0x1510] =	vst v2  }
0x35a: {  	v2 =	vld [tilespmem:s19+$0x380]  }
0x35b: {  	p2 =	seq.s32 s5, $0x5  }
.Ltmp5:
0x35c: {  	_ = 	snop;
	(pc) =	sbr.rel @!p2 .LBB2_4-.Ltmp5, $3  }
0x35d: {  	_ =	sdelay $0x1  }
0x35e: {  	[tilespmem:$0x1518] =	vst v2  }
0x35f: {  	[spmem:s2] =	stream.indirect.scatter.add.f32 [tilespmem:s17], [sflag:$0x4], $0x80, s16, s29, $0xb8;
	[tilespmem:$0x1C600] =	vst v63  }
0x360: {  	p1 =	seq.s32 s22, $0x19  }
.Ltmp6:
0x361: {  	_ = 	snop;
	(pc) =	sbr.rel @!p1 .LBB2_3-.Ltmp6, $2  }
0x362: {  	_ =	sdelay $0x2  }
0x363: {  	s1 =	smov.u32 s22  }
0x364: {  	s1 =	simm.s32 $0x3  }
0x365: {  	_ =	swait.ge [sflag:s1], $0x1400  }
0x366: {  	[sflag:s1] =	ssyncset.done $0x0  }
0x367: {  	[sflag:s1] =	ssyncadd.s32 $0xFFFFEC00  }
0x368: {  	_ =	swait.ge [sflag:s15], $0x1400  }
0x369: {  	[sflag:s15] =	ssyncset.done $0x0  }
0x36a: {  	[sflag:s15] =	ssyncadd.s32 $0xFFFFEC00  }
0x36b: {  	[bflag:$0x0] =	sbarrier.arrive $0xFFFF  }
0x36c: {  	s3 =	rddreg [dreg:$0x13]  }
0x36d: {  	s1 =	simm.s32 @p0 $0x1FC6;
	s5 =	rddreg [dreg:$0x15]  }
0x36e: {  	[hbm:s3], [sflag:s1] =	dma.local @p0 [spmem:s5], $0x2800  }
0x36f: {  	s1 =	simm.s32 @p0 $0x6  }
0x370: {  	_ =	swait.ge @p0 [sflag:s1], $0x2800  }
0x371: {  	s3 =	rddreg [dreg:$0x17]  }
0x372: {  	[sflag:s1] =	ssyncset.done @p0 $0x0;
	s6 =	rddreg [dreg:$0x18]  }
0x373: {  	[sflag:s1] =	ssyncadd.s32 @p0 $0xFFFFD800;
	s1 =	rddreg [dreg:$0x12]  }
0x374: {  	[hbm:s1], [sflag:s3] =	dma.local @!p0 [spmem:s6], $0x2700  }
0x375: {  	s1 =	simm.s32 @!p0 $0x6  }
0x376: {  	_ =	swait.ge @!p0 [sflag:s1], $0x2700  }
0x377: {  	s22 =	rddreg [dreg:$0x16]  }
0x378: {  	s23 =	rddreg [dreg:$0x14];
	s6 =	sadd.s32 $0x1, s22  }
0x379: {  	p1 =	sne.s32 s6, s23  }
.Ltmp7:
0x37a: {  	_ = 	snop;
	(pc) =	sbr.rel @p1 .LBB2_1-.Ltmp7, $3  }
0x37b: {  	_ =	sdelay $0x1  }
0x37c: {  	[sflag:s1] =	ssyncset.done @!p0 $0x0  }
0x37d: {  	[sflag:s1] =	ssyncadd.s32 @!p0 $0xFFFFD900  }
0x37e: {  	_ =	sfence.sel $0x180000  }
0x37f: {  	[bflag:$0x0] =	sbarrier.arrive $0xFFFF  }
0x380: {  	_ =	strace $0x90000047  }
0x381: {  	s0 =	stileid.u32;
	[bflag:$0x2] =	sbarrier.arrive $0xFFFF  }
0x382: {  	p0 =	sne.s32 s0, $0x0;
	s0 =	rddreg [dreg:$0x3]  }
0x383: {  	s0 =	sadd.s32 @!p0 $0x100000, s0  }
0x384: {  	[sflag:s0] =	ssyncadd.tile.s32 @!p0 $0x1;
	_ =	shalt  }
.Lfunc_end2:
_tile_overlayer_lowered:
.L_overlay_start_2:
0x385: {  	(tag) =	ssettag $0x2  }
0x386: {  	s0 =	rddreg [dreg:$0x0];
	s2 =	stileid.u32  }
0x387: {  	s1 =	rddreg [dreg:$0x1];
	p0 =	sne.s32 s2, $0x0  }
0x388: {  	s3 =	rddreg [dreg:$0x2];
	[bflag:$0x3] =	sbarrier.arrive $0xFFFF;
	s2 =	simm.s32 @!p0 $0x1C06  }
0x389: {  	[timem:s3], [sflag:s2] =	dma.local @!p0 [hbm:s0], s1  }
0x38a: {  	s0 =	simm.s32 @!p0 $0x6  }
0x38b: {  	_ =	swait.ge @!p0 [sflag:s0], s1  }
0x38c: {  	s1 =	ssub.s32 @!p0 $0x0, s1;
	[sflag:s0] =	ssyncset.done @!p0 $0x0  }
0x38d: {  	[sflag:s0] =	ssyncadd.s32 @!p0 s1  }
0x38e: {  	[bflag:$0x3] =	sbarrier.arrive $0xFFFF  }
0x38f: {  	_ =	shalt  }

// kernel: kernel.9.cloned.1.call-start
scs
__scs_entry_jumppad:
0x0: {  	(pc) =	sbr.rel $0x88, $3  }
0x1: {  	(tag) =	ssettag $0x0;
	lr =	simm.s32 $0x1  }
0x2: {  	[smem:$0x3F98] =	sst lr;
	_ =	strace $0xD0000000  }
0x3: {  	_ = 	snop  }
0x4: {  	_ = 	snop  }
0x5: {  	_ = 	snop  }
0x6: {  	_ = 	snop  }
0x7: {  	_ = 	snop  }
__scs_overlays_trampoline_lowered:
0x8: {  	[smem:$0x3FA7] =	sst s0  }
0x9: {  	[smem:$0x3FA8] =	sst s1  }
0xa: {  	[smem:$0x3FA9] =	sst s2  }
0xb: {  	[smem:$0x3FAA] =	sst s3  }
0xc: {  	[smem:$0x3FAB] =	sst s4  }
0xd: {  	[smem:$0x3FAC] =	sst s5  }
0xe: {  	[smem:$0x3FAD] =	sst s6  }
0xf: {  	[smem:$0x3FAE] =	sst s7  }
0x10: {  	[smem:$0x3FAF] =	sst s8  }
0x11: {  	[smem:$0x3FB0] =	sst s9;
	s0 =	simm.s32 @!p0 $0x0  }
0x12: {  	s1 =	sld [smem:$0x3F96];
	s0 =	simm.s32 @p0 $0x1  }
0x13: {  	[smem:$0x3FB1] =	sst s0;
	s0 =	simm.s32 @!p1 $0x0  }
0x14: {  	s2 =	sld [smem:$0x3F95];
	s0 =	simm.s32 @p1 $0x1  }
0x15: {  	[smem:$0x3FB2] =	sst s0;
	s0 =	simm.s32 @!p2 $0x0  }
0x16: {  	s3 =	sld [smem:$0x3FDB];
	s0 =	simm.s32 @p2 $0x1  }
0x17: {  	s4 =	simm.s32 $0x1BF5;
	[smem:$0x3FB4] =	sst s0  }
0x18: {  	s0 =	sld [smem:$0x3F97];
	_ =	swait.ge [sflag:s4], $0x0  }
0x19: {  	s7 =	sld [smem:$0x3F98]  }
0x1a: {  	s8 =	sadd.s32 $0xFFFFE003, lr  }
0x1b: {  	s9 =	sadd.s32 $0xFFFFFEF7, lr;
	s5 =	simm.s32 $0xFFFFFFFF;
	p2 =	slt.u32 s8, $0xFFFFF086  }
0x1c: {  	p1 =	slt.u32 s9, $0xF7A;
	s5 =	simm.s32 @!p2 $0x0  }
0x1d: {  	s5 =	simm.s32 @p1 $0x1;
	p0 =	seq.s32 s7, s2  }
0x1e: {  	s7 =	smul.u32 @!p0 $0xF7A, s2;
	p2 =	seq.s32 @!p0 s5, $0x0  }
0x1f: {  	s9 =	smul.u32 $0xF7A, s1;
	s8 =	simm.s32 @!p0 $0x1BF5;
	p2 =	por !p2, p0  }
0x20: {  	[sflag:s8] =	ssyncset.s32 @!p0 $0xFFFFF086;
	s6 =	sadd.s32 @!p0 s3, s7;
	s7 =	simm.s32 @!p0 $0x108  }
0x21: {  	s3 =	sadd.s32 s3, s9;
	s6 =	sadd.s32 @!p0 $0x88, s6;
	s7 =	simm.s32 @p2 $0x1082  }
0x22: {  	[simem:s7], [sflag:s8] =	dma.local @!p0 [hbm:s6], $0xF7A  }
0x23: {  	s9 =	sor.u32 $0xD0000000, s2;
	s6 =	simm.s32 $0x108;
	_ =	swait.ge @!p0 [sflag:s8], $0x0  }
0x24: {  	s3 =	sadd.s32 $0x88, s3;
	s6 =	simm.s32 @!p1 $0x1082;
	[sflag:s4] =	ssyncset.s32 $0xFFFFF086  }
0x25: {  	[simem:s6], [sflag:s4] =	dma.local [hbm:s3], $0xF7A  }
0x26: {  	[smem:$0x3F98] =	sst s1;
	(tag) =	ssettag s2;
	_ =	strace s9  }
0x27: {  	s1 =	sld [smem:$0x3FA8]  }
0x28: {  	s2 =	sld [smem:$0x3FA9]  }
0x29: {  	s4 =	sld [smem:$0x3FAB]  }
0x2a: {  	p0 =	seq.s32 s5, $0x0;
	s5 =	sld [smem:$0x3FAC]  }
0x2b: {  	s6 =	sld [smem:$0x3FAD]  }
0x2c: {  	s7 =	sld [smem:$0x3FAE]  }
0x2d: {  	s3 =	simm.s32 $0x108;
	s8 =	sld [smem:$0x3FAF]  }
0x2e: {  	s3 =	simm.s32 @!p0 $0x1082;
	s9 =	sld [smem:$0x3FB0]  }
0x2f: {  	lr =	sadd.s32 s0, s3;
	s0 =	sld [smem:$0x3FA7]  }
0x30: {  	s3 =	sld [smem:$0x3FAA]  }
0x31: {  	[smem:$0x3FB3] =	sst s10  }
0x32: {  	s10 =	sld [smem:$0x3FB1];
	_ =	sdelay $0x3  }
0x33: {  	p0 =	seq.s32 s10, $0x1;
	s10 =	sld [smem:$0x3FB3];
	_ =	sdelay $0x3  }
0x34: {  	[smem:$0x3FB3] =	sst s10  }
0x35: {  	s10 =	sld [smem:$0x3FB2];
	_ =	sdelay $0x3  }
0x36: {  	p1 =	seq.s32 s10, $0x1;
	s10 =	sld [smem:$0x3FB3];
	_ =	sdelay $0x3  }
0x37: {  	[smem:$0x3FB3] =	sst s10  }
0x38: {  	s10 =	sld [smem:$0x3FB4]  }
0x39: {  	_ = 	snop;
	(pc) =	sbr.ind lr, $3  }
0x3a: {  	_ = 	snop  }
0x3b: {  	_ = 	snop  }
0x3c: {  	p2 =	seq.s32 s10, $0x1;
	s10 =	sld [smem:$0x3FB3]  }
0x3d: {  	_ =	shalt  }
0x3e: {  	_ =	shalt  }
0x3f: {  	_ =	shalt  }
0x40: {  	_ =	shalt  }
0x41: {  	_ =	shalt  }
0x42: {  	_ =	shalt  }
0x43: {  	_ =	shalt  }
0x44: {  	_ =	shalt  }
0x45: {  	_ =	shalt  }
0x46: {  	_ =	shalt  }
0x47: {  	_ =	shalt  }
0x48: {  	_ =	shalt  }
0x49: {  	_ =	shalt  }
0x4a: {  	_ =	shalt  }
0x4b: {  	_ =	shalt  }
0x4c: {  	_ =	shalt  }
0x4d: {  	_ =	shalt  }
0x4e: {  	_ =	shalt  }
0x4f: {  	_ =	shalt  }
0x50: {  	_ =	shalt  }
0x51: {  	_ =	shalt  }
0x52: {  	_ =	shalt  }
0x53: {  	_ =	shalt  }
0x54: {  	_ =	shalt  }
0x55: {  	_ =	shalt  }
0x56: {  	_ =	shalt  }
0x57: {  	_ =	shalt  }
0x58: {  	_ =	shalt  }
0x59: {  	_ =	shalt  }
0x5a: {  	_ =	shalt  }
0x5b: {  	_ =	shalt  }
0x5c: {  	_ =	shalt  }
0x5d: {  	_ =	shalt  }
0x5e: {  	_ =	shalt  }
0x5f: {  	_ =	shalt  }
0x60: {  	_ =	shalt  }
0x61: {  	_ =	shalt  }
0x62: {  	_ =	shalt  }
0x63: {  	_ =	shalt  }
0x64: {  	_ =	shalt  }
0x65: {  	_ =	shalt  }
0x66: {  	_ =	shalt  }
0x67: {  	_ =	shalt  }
0x68: {  	_ =	shalt  }
0x69: {  	_ =	shalt  }
0x6a: {  	_ =	shalt  }
0x6b: {  	_ =	shalt  }
0x6c: {  	_ =	shalt  }
0x6d: {  	_ =	shalt  }
0x6e: {  	_ =	shalt  }
0x6f: {  	_ =	shalt  }
0x70: {  	_ =	shalt  }
0x71: {  	_ =	shalt  }
0x72: {  	_ =	shalt  }
0x73: {  	_ =	shalt  }
0x74: {  	_ =	shalt  }
0x75: {  	_ =	shalt  }
0x76: {  	_ =	shalt  }
0x77: {  	_ =	shalt  }
0x78: {  	_ =	shalt  }
0x79: {  	_ =	shalt  }
0x7a: {  	_ =	shalt  }
0x7b: {  	_ =	shalt  }
0x7c: {  	_ =	shalt  }
0x7d: {  	_ =	shalt  }
0x7e: {  	_ =	shalt  }
0x7f: {  	_ =	shalt  }
0x80: {  	_ =	shalt  }
0x81: {  	_ =	shalt  }
0x82: {  	_ =	shalt  }
0x83: {  	_ =	shalt  }
0x84: {  	_ =	shalt  }
0x85: {  	_ =	shalt  }
0x86: {  	_ =	shalt  }
0x87: {  	_ =	shalt  }
.Lfunc_end0:
.L_simem_size_0:
called_computation.1_lowered:
.L_overlay_start_0:
0x88: {  	s2 =	sld [smem:$0x3FD9]  }
0x89: {  	s3 =	sld [smem:$0x3FFE];
	_ =	sdelay $0x1  }
0x8a: {  	s1 =	srdreg.scid  }
0x8b: {  	s0 =	sand.u32 $0x1, s1  }
0x8c: {  	s17 =	sshll.u32 s0, $0xA;
	s2 =	sadd.s32 s3, s2  }
0x8d: {  	s2 =	sadd.s32 s2, s17  }
0x8e: {  	[smem:$0x3FBF] =	sst s2  }
0x8f: {  	_ = 	snop  }
0x90: {  	s2 =	sld [smem:$0x3FC1]  }
0x91: {  	s18 =	sld [smem:$0x3FD0];
	(tm) =	ssettm $0x1  }
0x92: {  	s4 =	sld [smem:$0x3FFB];
	_ =	sdelay $0x3  }
0x93: {  	_ =	strace s4  }
0x94: {  	s4 =	sld [smem:$0x3FFC];
	_ =	sdelay $0x3  }
0x95: {  	_ =	strace s4  }
0x96: {  	s4 =	sld [smem:$0x3FFD];
	_ =	sdelay $0x3  }
0x97: {  	_ =	strace s4  }
0x98: {  	_ =	strace $0x8FFFFFFF  }
0x99: {  	s19 =	sld [smem:$0x3FDB];
	_ =	sdelay $0x1  }
0x9a: {  	s5 =	simm.s32 $_scs_section_size  }
0x9b: {  	s6 =	simm.s32 $_size__tile_overlayer_lowered;
	s7 =	simm.s32 $_tile_overlayer_lowered  }
0x9c: {  	s22 =	simm.s32 $0x1BFF;
	s21 =	sshll.u32 s7, $0x1;
	s4 =	sadd.s32 s5, s19  }
0x9d: {  	s8 =	simm.s32 $0x0;
	s20 =	sshll.u32 s6, $0x1;
	s6 =	sadd.s32 s21, s4  }
0x9e: {  	[timem:s8], [sflag:s22] =	dma.local [hbm:s6], s20  }
0x9f: {  	_ =	swait.ge [sflag:s22], s20  }
0xa0: {  	s5 =	ssub.s32 $0x0, s20;
	[sflag:s22] =	ssyncset.done $0x0  }
0xa1: {  	[sflag:s22] =	ssyncadd.s32 s5;
	_ =	sdelay $0x1  }
0xa2: {  	s23 =	simm.s32 $0x1B8B  }
0xa3: {  	_ =	swait.ge [sflag:s23], $0x1  }
0xa4: {  	[sflag:s23] =	ssyncset.done $0x0  }
0xa5: {  	s25 =	simm.s32 $0x1B8E;
	s24 =	sld [smem:$0x3FFE];
	[sflag:s23] =	ssyncadd.s32 $0xFFFFFFFF  }
0xa6: {  	s26 =	simm.s32 $execute0_lowered;
	[smem:$0x3FD2] =	sst s25  }
0xa7: {  	s6 =	sshll.u32 s26, $0x1;
	_ =	strace $0x80000049;
	[dreg:$0x1] =	wrdreg $0xFFFFFFFF  }
0xa8: {  	s28 =	simm.s32 $_size_execute0_lowered;
	s4 =	sadd.s32 s4, s6;
	[dreg:$0x0] =	wrdreg $0x0  }
0xa9: {  	s6 =	sshll.u32 s28, $0x1;
	[dreg:$0x2] =	wrdreg s4  }
0xaa: {  	[dreg:$0x3] =	wrdreg s6  }
0xab: {  	[dreg:$0x4] =	wrdreg $0xC0  }
0xac: {  	_ =	task [dreg:s8], $0x5FFFF  }
0xad: {  	[dreg:$0x1] =	wrdreg $0xFFFFFFFF  }
0xae: {  	[dreg:$0x0] =	wrdreg $0x60  }
0xaf: {  	[dreg:$0x2] =	wrdreg s24  }
0xb0: {  	[dreg:$0x3] =	wrdreg s2  }
0xb1: {  	[dreg:$0x4] =	wrdreg s18  }
0xb2: {  	[dreg:$0x5] =	wrdreg $0x9  }
0xb3: {  	_ =	task.clear_ibuf [dreg:s8], $0x6FFFF;
	_ =	strace $0x90000049  }
0xb4: {  	s29 =	simm.s32 $0x9;
	_ =	strace $0x8000004B  }
0xb5: {  	_ =	swait.ge [sflag:s29], $0x1  }
0xb6: {  	[sflag:s29] =	ssyncadd.s32 $0xFFFFFFFF  }
0xb7: {  	_ =	strace $0x9000004B  }
0xb8: {  	_ =	sfence  }
0xb9: {  	s30 =	sld [smem:$0x0];
	_ =	sdelay $0x2  }
0xba: {  	s31 =	sshll.u32 s1, $0xD;
	s1 =	sshrl.u32 s1, $0x2  }
0xbb: {  	s3 =	sand.u32 $0x4000, s31;
	s1 =	sadd.s32 s1, s30  }
0xbc: {  	s0 =	sor.u32 s3, s0;
	s1 =	sshll.u32 s1, $0x11  }
0xbd: {  	s0 =	sor.u32 s1, s0  }
0xbe: {  	s0 =	sadd.s32 $0x8F2B, s0  }
0xbf: {  	[sflag:s0] =	ssyncadd.remote.s32 $0x1  }
0xc0: {  	_ =	sfence.sel $0xFFFF  }
0xc1: {  	[dreg:$0x0] =	wrdreg $0xFFFFFFFF;
	(pc) =	sbr.abs _section_cstart, $3  }
0xc2: {  	[dreg:$0x1] =	wrdreg $0xFFFFFFFF  }
0xc3: {  	_ =	task.clear_ibuf [dreg:s8], $0x2FFFF;
	_ =	strace $0x9FFFFFFF  }
0xc4: {  	(tm) =	ssettm $0x7FFFFFFF  }
0xc5: {  	_ =	shalt  }
tec
execute0_lowered:
.L_overlay_start_1:
0x0: {  	(tag) =	ssettag $0x1  }
0x1: {  	s8 =	rddreg [dreg:$0x0]  }
0x2: {  	s2 =	rddreg [dreg:$0x1]  }
0x3: {  	s0 =	srdreg.scid;
	s9 =	rddreg [dreg:$0x2]  }
0x4: {  	s3 =	simm.s32 $0x0;
	s12 =	simm.s32 $0x1;
	s4 =	sand.u32 $0x1, s0  }
0x5: {  	s13 =	simm.s32 $0xA400;
	s0 =	stileid.u32;
	s1 =	sshll.u32 s4, $0x4  }
0x6: {  	s14 =	simm.s32 $0x0;
	[smem:$0x7FF] =	sst s3;
	s11 =	sor.u32 s0, s1  }
0x7: {  	s4 =	ssub.s32 $0x2, s4;
	s1 =	rddreg [dreg:$0x3];
	s5 =	smul.u32 $0x9C00, s11  }
.Ltmp0:
0x8: {  	s31 =	sshrl.u32 s4, $0x1;
	_ =	strace $0x8000004A;
	(pc) =	sbr.rel .LBB2_1-.Ltmp0, $4  }
0x9: {  	s10 =	ssub.s32 s4, s31;
	p0 =	seq.s32 s11, $0x1F;
	s6 =	sshrl.u32 s5, $0x3  }
0xa: {  	s11 =	simm.s32 $0x14800;
	s10 =	smax.u32 s10, $0x1;
	s7 =	sadd.s32 s6, s8  }
0xb: {  	s6 =	sadd.s32 s9, s6;
	s9 =	sadd.s32 $0x25C80, s9;
	s4 =	sadd.s32 $0x83200, s7  }
0xc: {  	s5 =	sadd.s32 $0xAA300, s7;
	s7 =	sadd.s32 $0xA8E80, s8;
	s8 =	sadd.s32 $0xCFF80, s8  }
.LBB2_7:
0xd: {  	v2 =	vld [tilespmem:s17+$0x0];
	v1 =	vmax.f32 v1, $0.0e+00  }
0xe: {  	[tilespmem:s15+$0x70] =	vst v1  }
0xf: {  	v1 =	vld [tilespmem:$0x14800];
	_ =	sdelay $0x2  }
0x10: {  	v0 =	vadd.f32 v0, v2;
	_ =	sdelay $0x1  }
0x11: {  	v0 =	vadd.f32 v1, v0  }
0x12: {  	v50 =	vld [tilespmem:s17+$0xA410]  }
0x13: {  	v51 =	vld [tilespmem:s17+$0x10];
	v0 =	vmax.f32 v0, $0.0e+00  }
0x14: {  	[tilespmem:s17+$0x0] =	vst v0  }
0x15: {  	v0 =	vld [tilespmem:$0x14810];
	_ =	sdelay $0x2  }
0x16: {  	v1 =	vadd.f32 v50, v51;
	_ =	sdelay $0x1  }
0x17: {  	v0 =	vadd.f32 v0, v1  }
0x18: {  	v52 =	vld [tilespmem:s17+$0xA420]  }
0x19: {  	v53 =	vld [tilespmem:s17+$0x20];
	v0 =	vmax.f32 v0, $0.0e+00  }
0x1a: {  	[tilespmem:s17+$0x10] =	vst v0  }
0x1b: {  	v0 =	vld [tilespmem:$0x14820];
	_ =	sdelay $0x2  }
0x1c: {  	v1 =	vadd.f32 v52, v53;
	_ =	sdelay $0x1  }
0x1d: {  	v0 =	vadd.f32 v0, v1  }
0x1e: {  	v54 =	vld [tilespmem:s17+$0xA430]  }
0x1f: {  	v55 =	vld [tilespmem:s17+$0x30];
	v0 =	vmax.f32 v0, $0.0e+00  }
0x20: {  	[tilespmem:s17+$0x20] =	vst v0  }
0x21: {  	v0 =	vld [tilespmem:$0x14830];
	_ =	sdelay $0x2  }
0x22: {  	v1 =	vadd.f32 v54, v55;
	_ =	sdelay $0x1  }
0x23: {  	v0 =	vadd.f32 v0, v1  }
0x24: {  	v56 =	vld [tilespmem:s17+$0xA440]  }
0x25: {  	v57 =	vld [tilespmem:s17+$0x40];
	v0 =	vmax.f32 v0, $0.0e+00  }
0x26: {  	[tilespmem:s17+$0x30] =	vst v0  }
0x27: {  	v0 =	vld [tilespmem:$0x14840];
	_ =	sdelay $0x2  }
0x28: {  	v1 =	vadd.f32 v56, v57;
	_ =	sdelay $0x1  }
0x29: {  	v0 =	vadd.f32 v0, v1  }
0x2a: {  	v58 =	vld [tilespmem:s17+$0xA450]  }
0x2b: {  	v59 =	vld [tilespmem:s17+$0x50];
	v0 =	vmax.f32 v0, $0.0e+00  }
0x2c: {  	[tilespmem:s17+$0x40] =	vst v0  }
0x2d: {  	v0 =	vld [tilespmem:$0x14850];
	_ =	sdelay $0x2  }
0x2e: {  	v1 =	vadd.f32 v58, v59;
	_ =	sdelay $0x1  }
0x2f: {  	v0 =	vadd.f32 v0, v1  }
0x30: {  	v60 =	vld [tilespmem:s17+$0xA460]  }
0x31: {  	v61 =	vld [tilespmem:s17+$0x60];
	v0 =	vmax.f32 v0, $0.0e+00  }
0x32: {  	[tilespmem:s17+$0x50] =	vst v0  }
0x33: {  	v0 =	vld [tilespmem:$0x14860];
	_ =	sdelay $0x2  }
0x34: {  	v1 =	vadd.f32 v60, v61;
	_ =	sdelay $0x1  }
0x35: {  	v0 =	vadd.f32 v0, v1  }
0x36: {  	v62 =	vld [tilespmem:s17+$0xA470]  }
0x37: {  	v63 =	vld [tilespmem:s17+$0x70];
	v0 =	vmax.f32 v0, $0.0e+00  }
0x38: {  	[tilespmem:s17+$0x60] =	vst v0  }
0x39: {  	v0 =	vld [tilespmem:$0x14870];
	_ =	sdelay $0x2  }
0x3a: {  	v1 =	vadd.f32 v62, v63;
	_ =	sdelay $0x1  }
0x3b: {  	v0 =	vadd.f32 v0, v1;
	_ =	sdelay $0x1  }
0x3c: {  	v0 =	vmax.f32 v0, $0.0e+00  }
0x3d: {  	[tilespmem:s17+$0x70] =	vst v0  }
0x3e: {  	[hbm4b:s9+s3] =	stream.linear.scatter [tilespmem:s3], [sflag:$0x1], $0xA400, $0x38;
	[tilespmem:$0x14880] =	vst v63  }
0x3f: {  	_ =	swait.ge [sflag:s12], $0xA400  }
0x40: {  	[sflag:s12] =	ssyncset.done $0x0  }
0x41: {  	[sflag:s12] =	ssyncadd.s32 $0xFFFF5C00  }
.LBB2_8:
0x42: {  	s14 =	sadd.s32 $0x1, s14  }
0x43: {  	p1 =	sne.s32 s14, s10  }
.Ltmp1:
0x44: {  	_ = 	snop;
	(pc) =	sbr.rel @!p1 .LBB2_9-.Ltmp1, $1  }
0x45: {  	_ =	sdelay $0x3  }
.LBB2_1:
.Ltmp2:
0x46: {  	(pc) =	sbr.rel @!p0 .LBB2_2-.Ltmp2, $4  }
0x47: {  	[tilespmem:s11], [sflag:$0x1] =	stream.linear.gather [hbm4b:s2+s3], $0x80, $0x38;
	[tilespmem:$0x14880] =	vst v63  }
0x48: {  	_ =	swait.ge [sflag:s12], $0x80  }
0x49: {  	[sflag:s12] =	ssyncset.done $0x0  }
0x4a: {  	s15 =	simm.s32 $0x0;
	[sflag:s12] =	ssyncadd.s32 $0xFFFFFF80  }
0x4b: {  	[tilespmem:s15], [sflag:$0x1] =	stream.linear.gather [hbm4b:s7+s15], $0xA400, $0x38;
	[tilespmem:$0x14880] =	vst v63  }
0x4c: {  	_ =	swait.ge [sflag:s12], $0xA400  }
0x4d: {  	[sflag:s12] =	ssyncset.done $0x0  }
0x4e: {  	[sflag:s12] =	ssyncadd.s32 $0xFFFF5C00  }
0x4f: {  	[tilespmem:s13], [sflag:$0x1] =	stream.linear.gather [hbm4b:s8+s15], $0xA400, $0x38;
	[tilespmem:$0x14880] =	vst v63  }
0x50: {  	_ =	swait.ge [sflag:s12], $0xA400  }
0x51: {  	[sflag:s12] =	ssyncset.done $0x0  }
0x52: {  	s15 =	simm.s32 $0x0;
	[sflag:s12] =	ssyncadd.s32 $0xFFFF5C00  }
0x53: {  	v0 =	vld [tilespmem:s15+$0xA400]  }
0x54: {  	v1 =	vld [tilespmem:s15+$0x0];
	_ =	sdelay $0x1  }
0x55: {  	v2 =	vld [tilespmem:$0x14800];
	_ =	sdelay $0x2  }
0x56: {  	v0 =	vadd.f32 v0, v1;
	_ =	sdelay $0x1  }
0x57: {  	v0 =	vadd.f32 v2, v0  }
0x58: {  	v1 =	vld [tilespmem:s15+$0xA410]  }
0x59: {  	v2 =	vld [tilespmem:s15+$0x10];
	v0 =	vmax.f32 v0, $0.0e+00  }
0x5a: {  	[tilespmem:s15+$0x0] =	vst v0  }
0x5b: {  	v0 =	vld [tilespmem:$0x14810];
	_ =	sdelay $0x2  }
0x5c: {  	v1 =	vadd.f32 v1, v2;
	_ =	sdelay $0x1  }
0x5d: {  	v0 =	vadd.f32 v0, v1  }
0x5e: {  	v2 =	vld [tilespmem:s15+$0x20]  }
0x5f: {  	v1 =	vld [tilespmem:s15+$0xA420];
	v0 =	vmax.f32 v0, $0.0e+00  }
0x60: {  	[tilespmem:s15+$0x10] =	vst v0  }
0x61: {  	v0 =	vld [tilespmem:$0x14820];
	_ =	sdelay $0x2  }
0x62: {  	v1 =	vadd.f32 v1, v2;
	_ =	sdelay $0x1  }
0x63: {  	v0 =	vadd.f32 v0, v1  }
0x64: {  	v2 =	vld [tilespmem:s15+$0x30]  }
0x65: {  	v1 =	vld [tilespmem:s15+$0xA430];
	v0 =	vmax.f32 v0, $0.0e+00  }
0x66: {  	[tilespmem:s15+$0x20] =	vst v0  }
0x67: {  	v0 =	vld [tilespmem:$0x14830];
	_ =	sdelay $0x2  }
0x68: {  	v1 =	vadd.f32 v1, v2;
	_ =	sdelay $0x1  }
0x69: {  	v0 =	vadd.f32 v0, v1  }
0x6a: {  	v2 =	vld [tilespmem:s15+$0x40]  }
0x6b: {  	v1 =	vld [tilespmem:s15+$0xA440];
	v0 =	vmax.f32 v0, $0.0e+00  }
0x6c: {  	[tilespmem:s15+$0x30] =	vst v0  }
0x6d: {  	v0 =	vld [tilespmem:$0x14840];
	_ =	sdelay $0x2  }
0x6e: {  	v1 =	vadd.f32 v1, v2;
	_ =	sdelay $0x1  }
0x6f: {  	v0 =	vadd.f32 v0, v1  }
0x70: {  	v2 =	vld [tilespmem:s15+$0x50]  }
0x71: {  	v1 =	vld [tilespmem:s15+$0xA450];
	v0 =	vmax.f32 v0, $0.0e+00  }
0x72: {  	[tilespmem:s15+$0x40] =	vst v0  }
0x73: {  	v0 =	vld [tilespmem:$0x14850];
	_ =	sdelay $0x2  }
0x74: {  	v1 =	vadd.f32 v1, v2;
	_ =	sdelay $0x1  }
0x75: {  	v0 =	vadd.f32 v0, v1  }
0x76: {  	v2 =	vld [tilespmem:s15+$0x60]  }
0x77: {  	v1 =	vld [tilespmem:s15+$0xA460];
	v0 =	vmax.f32 v0, $0.0e+00  }
0x78: {  	[tilespmem:s15+$0x50] =	vst v0  }
0x79: {  	v0 =	vld [tilespmem:$0x14860];
	_ =	sdelay $0x2  }
0x7a: {  	v1 =	vadd.f32 v1, v2;
	_ =	sdelay $0x1  }
0x7b: {  	v0 =	vadd.f32 v0, v1  }
0x7c: {  	v2 =	vld [tilespmem:s15+$0x70]  }
0x7d: {  	v1 =	vld [tilespmem:s15+$0xA470];
	v0 =	vmax.f32 v0, $0.0e+00  }
0x7e: {  	[tilespmem:s15+$0x60] =	vst v0  }
0x7f: {  	v0 =	vld [tilespmem:$0x14870];
	_ =	sdelay $0x2  }
0x80: {  	v1 =	vadd.f32 v1, v2;
	_ =	sdelay $0x1  }
0x81: {  	s17 =	simm.s32 $0x80;
	v1 =	vadd.f32 v0, v1  }
0x82: {  	s16 =	simm.s32 $0x400;
	v0 =	vld [tilespmem:s17+$0xA400]  }
.LBB2_6:
0x83: {  	p1 =	sne.s32 s16, $0x28E00;
	v2 =	vld [tilespmem:s17+$0x0];
	v1 =	vmax.f32 v1, $0.0e+00  }
0x84: {  	[tilespmem:s15+$0x70] =	vst v1;
	s15 =	smov.u32 s17  }
0x85: {  	v1 =	vld [tilespmem:$0x14800];
	_ =	sdelay $0x2  }
0x86: {  	v0 =	vadd.f32 v0, v2;
	_ =	sdelay $0x1  }
0x87: {  	v0 =	vadd.f32 v1, v0  }
0x88: {  	v1 =	vld [tilespmem:s15+$0xA410]  }
0x89: {  	v0 =	vmax.f32 v0, $0.0e+00;
	v2 =	vld [tilespmem:s15+$0x10]  }
0x8a: {  	[tilespmem:s15+$0x0] =	vst v0  }
0x8b: {  	v0 =	vld [tilespmem:$0x14810];
	_ =	sdelay $0x2  }
0x8c: {  	v1 =	vadd.f32 v1, v2;
	_ =	sdelay $0x1  }
0x8d: {  	v0 =	vadd.f32 v0, v1  }
0x8e: {  	v1 =	vld [tilespmem:s15+$0xA420]  }
0x8f: {  	v0 =	vmax.f32 v0, $0.0e+00;
	v2 =	vld [tilespmem:s15+$0x20]  }
0x90: {  	[tilespmem:s15+$0x10] =	vst v0  }
0x91: {  	v0 =	vld [tilespmem:$0x14820];
	_ =	sdelay $0x2  }
0x92: {  	v1 =	vadd.f32 v1, v2;
	_ =	sdelay $0x1  }
0x93: {  	v0 =	vadd.f32 v0, v1  }
0x94: {  	v1 =	vld [tilespmem:s15+$0xA430]  }
0x95: {  	v0 =	vmax.f32 v0, $0.0e+00;
	v2 =	vld [tilespmem:s15+$0x30]  }
0x96: {  	[tilespmem:s15+$0x20] =	vst v0  }
0x97: {  	v0 =	vld [tilespmem:$0x14830];
	_ =	sdelay $0x2  }
0x98: {  	v1 =	vadd.f32 v1, v2;
	_ =	sdelay $0x1  }
0x99: {  	v0 =	vadd.f32 v0, v1  }
0x9a: {  	v1 =	vld [tilespmem:s15+$0xA440]  }
0x9b: {  	v0 =	vmax.f32 v0, $0.0e+00;
	v2 =	vld [tilespmem:s15+$0x40]  }
0x9c: {  	[tilespmem:s15+$0x30] =	vst v0  }
0x9d: {  	v0 =	vld [tilespmem:$0x14840];
	_ =	sdelay $0x2  }
0x9e: {  	v1 =	vadd.f32 v1, v2;
	_ =	sdelay $0x1  }
0x9f: {  	v0 =	vadd.f32 v0, v1  }
0xa0: {  	v1 =	vld [tilespmem:s15+$0xA450]  }
0xa1: {  	v0 =	vmax.f32 v0, $0.0e+00;
	v2 =	vld [tilespmem:s15+$0x50]  }
0xa2: {  	[tilespmem:s15+$0x40] =	vst v0  }
0xa3: {  	v0 =	vld [tilespmem:$0x14850];
	_ =	sdelay $0x2  }
0xa4: {  	v1 =	vadd.f32 v1, v2;
	_ =	sdelay $0x1  }
0xa5: {  	v0 =	vadd.f32 v0, v1  }
0xa6: {  	v1 =	vld [tilespmem:s15+$0xA460]  }
0xa7: {  	v0 =	vmax.f32 v0, $0.0e+00;
	v2 =	vld [tilespmem:s15+$0x60]  }
0xa8: {  	[tilespmem:s15+$0x50] =	vst v0  }
0xa9: {  	v0 =	vld [tilespmem:$0x14860];
	_ =	sdelay $0x2  }
0xaa: {  	v1 =	vadd.f32 v1, v2;
	_ =	sdelay $0x1  }
0xab: {  	v0 =	vadd.f32 v0, v1  }
0xac: {  	v1 =	vld [tilespmem:s15+$0xA470]  }
0xad: {  	v0 =	vmax.f32 v0, $0.0e+00;
	v2 =	vld [tilespmem:s15+$0x70]  }
0xae: {  	[tilespmem:s15+$0x60] =	vst v0  }
0xaf: {  	v0 =	vld [tilespmem:$0x14870];
	_ =	sdelay $0x1  }
.Ltmp3:
0xb0: {  	(pc) =	sbr.rel @p1 .LBB2_6-.Ltmp3, $3  }
0xb1: {  	v1 =	vadd.f32 v1, v2;
	_ =	sdelay $0x1  }
0xb2: {  	s17 =	sshra.s32 s16, $0x2;
	v1 =	vadd.f32 v0, v1  }
0xb3: {  	s16 =	sadd.s32 $0x200, s16;
	v0 =	vld [tilespmem:s17+$0xA400]  }
.Ltmp4:
0xb4: {  	_ = 	snop;
	(pc) =	sbr.rel .LBB2_7-.Ltmp4, $1  }
0xb5: {  	_ =	sdelay $0x3  }
.LBB2_2:
0xb6: {  	[tilespmem:s15], [sflag:$0x1] =	stream.linear.gather [hbm4b:s4+s15], $0x9C00, $0x38;
	[tilespmem:$0x14880] =	vst v63  }
0xb7: {  	_ =	swait.ge [sflag:s12], $0x9C00  }
0xb8: {  	[sflag:s12] =	ssyncset.done $0x0  }
0xb9: {  	[sflag:s12] =	ssyncadd.s32 $0xFFFF6400  }
0xba: {  	[tilespmem:s13], [sflag:$0x1] =	stream.linear.gather [hbm4b:s5+s15], $0x9C00, $0x38;
	[tilespmem:$0x14880] =	vst v63  }
0xbb: {  	_ =	swait.ge [sflag:s12], $0x9C00  }
0xbc: {  	[sflag:s12] =	ssyncset.done $0x0  }
0xbd: {  	s15 =	simm.s32 $0x0;
	[sflag:s12] =	ssyncadd.s32 $0xFFFF6400  }
0xbe: {  	v0 =	vld [tilespmem:s15+$0xA400]  }
0xbf: {  	v1 =	vld [tilespmem:s15+$0x0];
	_ =	sdelay $0x1  }
0xc0: {  	v2 =	vld [tilespmem:$0x14800];
	_ =	sdelay $0x2  }
0xc1: {  	v0 =	vadd.f32 v0, v1;
	_ =	sdelay $0x1  }
0xc2: {  	v0 =	vadd.f32 v2, v0  }
0xc3: {  	v1 =	vld [tilespmem:s15+$0xA410]  }
0xc4: {  	v2 =	vld [tilespmem:s15+$0x10];
	v0 =	vmax.f32 v0, $0.0e+00  }
0xc5: {  	[tilespmem:s15+$0x0] =	vst v0  }
0xc6: {  	v0 =	vld [tilespmem:$0x14810];
	_ =	sdelay $0x2  }
0xc7: {  	v1 =	vadd.f32 v1, v2;
	_ =	sdelay $0x1  }
0xc8: {  	v0 =	vadd.f32 v0, v1  }
0xc9: {  	v2 =	vld [tilespmem:s15+$0x20]  }
0xca: {  	v1 =	vld [tilespmem:s15+$0xA420];
	v0 =	vmax.f32 v0, $0.0e+00  }
0xcb: {  	[tilespmem:s15+$0x10] =	vst v0  }
0xcc: {  	v0 =	vld [tilespmem:$0x14820];
	_ =	sdelay $0x2  }
0xcd: {  	v1 =	vadd.f32 v1, v2;
	_ =	sdelay $0x1  }
0xce: {  	v0 =	vadd.f32 v0, v1  }
0xcf: {  	v2 =	vld [tilespmem:s15+$0x30]  }
0xd0: {  	v1 =	vld [tilespmem:s15+$0xA430];
	v0 =	vmax.f32 v0, $0.0e+00  }
0xd1: {  	[tilespmem:s15+$0x20] =	vst v0  }
0xd2: {  	v0 =	vld [tilespmem:$0x14830];
	_ =	sdelay $0x2  }
0xd3: {  	v1 =	vadd.f32 v1, v2;
	_ =	sdelay $0x1  }
0xd4: {  	v0 =	vadd.f32 v0, v1  }
0xd5: {  	v2 =	vld [tilespmem:s15+$0x40]  }
0xd6: {  	v1 =	vld [tilespmem:s15+$0xA440];
	v0 =	vmax.f32 v0, $0.0e+00  }
0xd7: {  	[tilespmem:s15+$0x30] =	vst v0  }
0xd8: {  	v0 =	vld [tilespmem:$0x14840];
	_ =	sdelay $0x2  }
0xd9: {  	v1 =	vadd.f32 v1, v2;
	_ =	sdelay $0x1  }
0xda: {  	v0 =	vadd.f32 v0, v1  }
0xdb: {  	v2 =	vld [tilespmem:s15+$0x50]  }
0xdc: {  	v1 =	vld [tilespmem:s15+$0xA450];
	v0 =	vmax.f32 v0, $0.0e+00  }
0xdd: {  	[tilespmem:s15+$0x40] =	vst v0  }
0xde: {  	v0 =	vld [tilespmem:$0x14850];
	_ =	sdelay $0x2  }
0xdf: {  	v1 =	vadd.f32 v1, v2;
	_ =	sdelay $0x1  }
0xe0: {  	v0 =	vadd.f32 v0, v1  }
0xe1: {  	v2 =	vld [tilespmem:s15+$0x60]  }
0xe2: {  	v1 =	vld [tilespmem:s15+$0xA460];
	v0 =	vmax.f32 v0, $0.0e+00  }
0xe3: {  	[tilespmem:s15+$0x50] =	vst v0  }
0xe4: {  	v0 =	vld [tilespmem:$0x14860];
	_ =	sdelay $0x2  }
0xe5: {  	v1 =	vadd.f32 v1, v2;
	_ =	sdelay $0x1  }
0xe6: {  	v0 =	vadd.f32 v0, v1  }
0xe7: {  	v2 =	vld [tilespmem:s15+$0x70]  }
0xe8: {  	v1 =	vld [tilespmem:s15+$0xA470];
	v0 =	vmax.f32 v0, $0.0e+00  }
0xe9: {  	[tilespmem:s15+$0x60] =	vst v0  }
0xea: {  	v0 =	vld [tilespmem:$0x14870];
	_ =	sdelay $0x2  }
0xeb: {  	v1 =	vadd.f32 v1, v2;
	_ =	sdelay $0x1  }
0xec: {  	s17 =	simm.s32 $0x80;
	v1 =	vadd.f32 v0, v1  }
0xed: {  	s16 =	simm.s32 $0x400;
	v0 =	vld [tilespmem:s17+$0xA400]  }
.LBB2_3:
0xee: {  	p1 =	sne.s32 s16, $0x26E00;
	v2 =	vld [tilespmem:s17+$0x0];
	v1 =	vmax.f32 v1, $0.0e+00  }
0xef: {  	[tilespmem:s15+$0x70] =	vst v1;
	s15 =	smov.u32 s17  }
0xf0: {  	v1 =	vld [tilespmem:$0x14800];
	_ =	sdelay $0x2  }
0xf1: {  	v0 =	vadd.f32 v0, v2;
	_ =	sdelay $0x1  }
0xf2: {  	v0 =	vadd.f32 v1, v0  }
0xf3: {  	v1 =	vld [tilespmem:s15+$0xA410]  }
0xf4: {  	v0 =	vmax.f32 v0, $0.0e+00;
	v2 =	vld [tilespmem:s15+$0x10]  }
0xf5: {  	[tilespmem:s15+$0x0] =	vst v0  }
0xf6: {  	v0 =	vld [tilespmem:$0x14810];
	_ =	sdelay $0x2  }
0xf7: {  	v1 =	vadd.f32 v1, v2;
	_ =	sdelay $0x1  }
0xf8: {  	v0 =	vadd.f32 v0, v1  }
0xf9: {  	v1 =	vld [tilespmem:s15+$0xA420]  }
0xfa: {  	v0 =	vmax.f32 v0, $0.0e+00;
	v2 =	vld [tilespmem:s15+$0x20]  }
0xfb: {  	[tilespmem:s15+$0x10] =	vst v0  }
0xfc: {  	v0 =	vld [tilespmem:$0x14820];
	_ =	sdelay $0x2  }
0xfd: {  	v1 =	vadd.f32 v1, v2;
	_ =	sdelay $0x1  }
0xfe: {  	v0 =	vadd.f32 v0, v1  }
0xff: {  	v1 =	vld [tilespmem:s15+$0xA430]  }
0x100: {  	v0 =	vmax.f32 v0, $0.0e+00;
	v2 =	vld [tilespmem:s15+$0x30]  }
0x101: {  	[tilespmem:s15+$0x20] =	vst v0  }
0x102: {  	v0 =	vld [tilespmem:$0x14830];
	_ =	sdelay $0x2  }
0x103: {  	v1 =	vadd.f32 v1, v2;
	_ =	sdelay $0x1  }
0x104: {  	v0 =	vadd.f32 v0, v1  }
0x105: {  	v1 =	vld [tilespmem:s15+$0xA440]  }
0x106: {  	v0 =	vmax.f32 v0, $0.0e+00;
	v2 =	vld [tilespmem:s15+$0x40]  }
0x107: {  	[tilespmem:s15+$0x30] =	vst v0  }
0x108: {  	v0 =	vld [tilespmem:$0x14840];
	_ =	sdelay $0x2  }
0x109: {  	v1 =	vadd.f32 v1, v2;
	_ =	sdelay $0x1  }
0x10a: {  	v0 =	vadd.f32 v0, v1  }
0x10b: {  	v1 =	vld [tilespmem:s15+$0xA450]  }
0x10c: {  	v0 =	vmax.f32 v0, $0.0e+00;
	v2 =	vld [tilespmem:s15+$0x50]  }
0x10d: {  	[tilespmem:s15+$0x40] =	vst v0  }
0x10e: {  	v0 =	vld [tilespmem:$0x14850];
	_ =	sdelay $0x2  }
0x10f: {  	v1 =	vadd.f32 v1, v2;
	_ =	sdelay $0x1  }
0x110: {  	v0 =	vadd.f32 v0, v1  }
0x111: {  	v1 =	vld [tilespmem:s15+$0xA460]  }
0x112: {  	v0 =	vmax.f32 v0, $0.0e+00;
	v2 =	vld [tilespmem:s15+$0x60]  }
0x113: {  	[tilespmem:s15+$0x50] =	vst v0  }
0x114: {  	v0 =	vld [tilespmem:$0x14860];
	_ =	sdelay $0x2  }
0x115: {  	v1 =	vadd.f32 v1, v2;
	_ =	sdelay $0x1  }
0x116: {  	v0 =	vadd.f32 v0, v1  }
0x117: {  	v1 =	vld [tilespmem:s15+$0xA470]  }
0x118: {  	v0 =	vmax.f32 v0, $0.0e+00;
	v2 =	vld [tilespmem:s15+$0x70]  }
0x119: {  	[tilespmem:s15+$0x60] =	vst v0  }
0x11a: {  	v0 =	vld [tilespmem:$0x14870];
	_ =	sdelay $0x1  }
.Ltmp5:
0x11b: {  	(pc) =	sbr.rel @p1 .LBB2_3-.Ltmp5, $3  }
0x11c: {  	v1 =	vadd.f32 v1, v2;
	_ =	sdelay $0x1  }
0x11d: {  	s17 =	sshra.s32 s16, $0x2;
	v1 =	vadd.f32 v0, v1  }
0x11e: {  	s16 =	sadd.s32 $0x200, s16;
	v0 =	vld [tilespmem:s17+$0xA400]  }
0x11f: {  	v2 =	vld [tilespmem:s17+$0x0];
	v1 =	vmax.f32 v1, $0.0e+00  }
0x120: {  	[tilespmem:s15+$0x70] =	vst v1  }
0x121: {  	v1 =	vld [tilespmem:$0x14800];
	_ =	sdelay $0x2  }
0x122: {  	v0 =	vadd.f32 v0, v2;
	_ =	sdelay $0x1  }
0x123: {  	v0 =	vadd.f32 v1, v0  }
0x124: {  	v50 =	vld [tilespmem:s17+$0xA410]  }
0x125: {  	v51 =	vld [tilespmem:s17+$0x10];
	v0 =	vmax.f32 v0, $0.0e+00  }
0x126: {  	[tilespmem:s17+$0x0] =	vst v0  }
0x127: {  	v0 =	vld [tilespmem:$0x14810];
	_ =	sdelay $0x2  }
0x128: {  	v1 =	vadd.f32 v50, v51;
	_ =	sdelay $0x1  }
0x129: {  	v0 =	vadd.f32 v0, v1  }
0x12a: {  	v52 =	vld [tilespmem:s17+$0xA420]  }
0x12b: {  	v53 =	vld [tilespmem:s17+$0x20];
	v0 =	vmax.f32 v0, $0.0e+00  }
0x12c: {  	[tilespmem:s17+$0x10] =	vst v0  }
0x12d: {  	v0 =	vld [tilespmem:$0x14820];
	_ =	sdelay $0x2  }
0x12e: {  	v1 =	vadd.f32 v52, v53;
	_ =	sdelay $0x1  }
0x12f: {  	v0 =	vadd.f32 v0, v1  }
0x130: {  	v54 =	vld [tilespmem:s17+$0xA430]  }
0x131: {  	v55 =	vld [tilespmem:s17+$0x30];
	v0 =	vmax.f32 v0, $0.0e+00  }
0x132: {  	[tilespmem:s17+$0x20] =	vst v0  }
0x133: {  	v0 =	vld [tilespmem:$0x14830];
	_ =	sdelay $0x2  }
0x134: {  	v1 =	vadd.f32 v54, v55;
	_ =	sdelay $0x1  }
0x135: {  	v0 =	vadd.f32 v0, v1  }
0x136: {  	v56 =	vld [tilespmem:s17+$0xA440]  }
0x137: {  	v57 =	vld [tilespmem:s17+$0x40];
	v0 =	vmax.f32 v0, $0.0e+00  }
0x138: {  	[tilespmem:s17+$0x30] =	vst v0  }
0x139: {  	v0 =	vld [tilespmem:$0x14840];
	_ =	sdelay $0x2  }
0x13a: {  	v1 =	vadd.f32 v56, v57;
	_ =	sdelay $0x1  }
0x13b: {  	v0 =	vadd.f32 v0, v1  }
0x13c: {  	v58 =	vld [tilespmem:s17+$0xA450]  }
0x13d: {  	v59 =	vld [tilespmem:s17+$0x50];
	v0 =	vmax.f32 v0, $0.0e+00  }
0x13e: {  	[tilespmem:s17+$0x40] =	vst v0  }
0x13f: {  	v0 =	vld [tilespmem:$0x14850];
	_ =	sdelay $0x2  }
0x140: {  	v1 =	vadd.f32 v58, v59;
	_ =	sdelay $0x1  }
0x141: {  	v0 =	vadd.f32 v0, v1  }
0x142: {  	v60 =	vld [tilespmem:s17+$0xA460]  }
0x143: {  	v61 =	vld [tilespmem:s17+$0x60];
	v0 =	vmax.f32 v0, $0.0e+00  }
0x144: {  	[tilespmem:s17+$0x50] =	vst v0  }
0x145: {  	v0 =	vld [tilespmem:$0x14860];
	_ =	sdelay $0x2  }
0x146: {  	v1 =	vadd.f32 v60, v61;
	_ =	sdelay $0x1  }
0x147: {  	v0 =	vadd.f32 v0, v1  }
0x148: {  	v62 =	vld [tilespmem:s17+$0xA470]  }
0x149: {  	v63 =	vld [tilespmem:s17+$0x70];
	v0 =	vmax.f32 v0, $0.0e+00  }
0x14a: {  	[tilespmem:s17+$0x60] =	vst v0  }
0x14b: {  	v0 =	vld [tilespmem:$0x14870];
	_ =	sdelay $0x2  }
0x14c: {  	v1 =	vadd.f32 v62, v63;
	_ =	sdelay $0x1  }
0x14d: {  	v0 =	vadd.f32 v0, v1;
	_ =	sdelay $0x1  }
0x14e: {  	v0 =	vmax.f32 v0, $0.0e+00  }
.Ltmp6:
0x14f: {  	[tilespmem:s17+$0x70] =	vst v0;
	(pc) =	sbr.rel .LBB2_8-.Ltmp6, $4  }
0x150: {  	[hbm4b:s6+s3] =	stream.linear.scatter [tilespmem:s3], [sflag:$0x1], $0x9C00, $0x38;
	[tilespmem:$0x14880] =	vst v63  }
0x151: {  	_ =	swait.ge [sflag:s12], $0x9C00  }
0x152: {  	[sflag:s12] =	ssyncset.done $0x0  }
0x153: {  	[sflag:s12] =	ssyncadd.s32 $0xFFFF6400  }
.LBB2_9:
0x154: {  	_ =	sfence.sel $0x180000  }
0x155: {  	[bflag:$0x0] =	sbarrier.arrive $0xFFFF  }
0x156: {  	p0 =	sne.s32 s0, $0x0;
	_ =	strace $0x9000004A  }
0x157: {  	s0 =	sadd.s32 @!p0 $0x100000, s1;
	[bflag:$0x2] =	sbarrier.arrive $0xFFFF  }
0x158: {  	[sflag:s0] =	ssyncadd.tile.s32 @!p0 $0x1;
	_ =	shalt  }
.Lfunc_end2:
_tile_overlayer_lowered:
.L_overlay_start_2:
0x159: {  	(tag) =	ssettag $0x2  }
0x15a: {  	s0 =	rddreg [dreg:$0x0];
	s2 =	stileid.u32  }
0x15b: {  	s1 =	rddreg [dreg:$0x1];
	p0 =	sne.s32 s2, $0x0  }
0x15c: {  	s3 =	rddreg [dreg:$0x2];
	[bflag:$0x3] =	sbarrier.arrive $0xFFFF;
	s2 =	simm.s32 @!p0 $0x1C01  }
0x15d: {  	[timem:s3], [sflag:s2] =	dma.local @!p0 [hbm:s0], s1  }
0x15e: {  	s0 =	simm.s32 @!p0 $0x1  }
0x15f: {  	_ =	swait.ge @!p0 [sflag:s0], s1  }
0x160: {  	s1 =	ssub.s32 @!p0 $0x0, s1;
	[sflag:s0] =	ssyncset.done @!p0 $0x0  }
0x161: {  	[sflag:s0] =	ssyncadd.s32 @!p0 s1  }
0x162: {  	[bflag:$0x3] =	sbarrier.arrive $0xFFFF  }
0x163: {  	_ =	shalt  }

</sc_bundles>
